<compile_context>
chip_gen: v7x
topology: tpu7x:2x2x1
jax: 0.10.2.dev20260603
libtpu: 0.0.44.dev20260713+nightly
codegen_flags: <defaults>
</compile_context>

<pallas_src>
import jax
import jax.numpy as jnp
from jax import lax
from jax.experimental import pallas as pl
from jax.experimental.pallas import tpu as pltpu
from jax.experimental.pallas import tpu_sc as plsc

_NC, _NS, _L = 2, 16, 16
_NW = _NC * _NS
_CH = 128
_NB = 3
_SLACK = 1


def _sc_body(cnt_hbm, bf_hbm, pos_hbm, out_hbm,
             cnt_v, pos_v, buf0, buf1, buf2,
             sin0, sin1, sin2, sout0, sout1, sout2):
    n, d = bf_hbm.shape
    nseg = cnt_hbm.shape[0]
    ncol = d // _L
    rows_w = n // _NW
    nch = rows_w // _CH
    bufs = (buf0, buf1, buf2)
    sins = (sin0, sin1, sin2)
    souts = (sout0, sout1, sout2)
    wid = lax.axis_index("s") * _NC + lax.axis_index("c")
    row0 = wid * rows_w

    in_cp = [None] * nch
    out_cp = [None] * nch
    for k in range(min(_NB - _SLACK, nch)):
        in_cp[k] = pltpu.async_copy(
            bf_hbm.at[pl.ds(row0 + k * _CH, _CH)], bufs[k], sins[k])

    pltpu.sync_copy(cnt_hbm, cnt_v)
    pltpu.sync_copy(pos_hbm, pos_v)

    cnts = cnt_v[...]
    ends_vec = plsc.cumsum(cnts)
    total = ends_vec[nseg - 1]
    big = jnp.full((nseg,), jnp.int32(n + 1))
    zero = jnp.zeros((nseg,), jnp.int32)

    def process_chunk(buf, base):
        hi = jnp.clip(total - base, 0, _CH)

        def run_body(r):
            rg = jnp.full((nseg,), base + r)
            above = ends_vec > rg
            seg = jnp.sum((~above).astype(jnp.int32))
            run_end = jnp.min(jnp.where(above, ends_vec, big))
            run_start = jnp.max(jnp.where(above, zero, ends_vec))
            cnt_run = jnp.full((nseg,), run_end - run_start).astype(jnp.float32)
            inv = 1.0 / jnp.maximum(cnt_run, 1.0)
            pos_vecs = [pos_v[seg, pl.ds(cb * _L, _L)] for cb in range(ncol)]

            stop = jnp.minimum(run_end - base, hi)

            @plsc.parallel_loop(r, stop, unroll=2)
            def row_body(rr):
                for cb in range(ncol):
                    x = buf[rr, pl.ds(cb * _L, _L)]
                    buf[rr, pl.ds(cb * _L, _L)] = x * inv + pos_vecs[cb]

            return stop

        lax.while_loop(lambda r: r < hi, run_body, jnp.int32(0))

    for ci in range(nch):
        b = ci % _NB
        base = row0 + ci * _CH
        in_cp[ci].wait()
        process_chunk(bufs[b], base)
        out_cp[ci] = pltpu.async_copy(
            bufs[b], out_hbm.at[pl.ds(base, _CH)], souts[b])
        nxt = ci + _NB - _SLACK
        if nxt < nch:
            if nxt - _NB >= 0:
                out_cp[nxt - _NB].wait()
            in_cp[nxt] = pltpu.async_copy(
                bf_hbm.at[pl.ds(row0 + nxt * _CH, _CH)], bufs[nxt % _NB],
                sins[nxt % _NB])

    for ci in range(max(0, nch - _NB), nch):
        out_cp[ci].wait()


def kernel(eachimg_selected_box_nums, box_features, positions):
    n, d = box_features.shape
    nseg = eachimg_selected_box_nums.shape[0]
    cnt = eachimg_selected_box_nums.astype(jnp.int32)
    run = pl.kernel(
        _sc_body,
        out_type=jax.ShapeDtypeStruct((n, d), jnp.float32),
        mesh=plsc.VectorSubcoreMesh(
            core_axis_name="c", subcore_axis_name="s",
            num_cores=_NC, num_subcores=_NS,
        ),
        compiler_params=pltpu.CompilerParams(needs_layout_passes=False),
        scratch_types=(
            [pltpu.VMEM((nseg,), jnp.int32),
             pltpu.VMEM((nseg, d), jnp.float32)]
            + [pltpu.VMEM((_CH, d), jnp.float32)] * _NB
            + [pltpu.SemaphoreType.DMA] * (2 * _NB)
        ),
    )
    return run(cnt, box_features, positions)

# --- scband reference (transcript-rebuilt; emitter-appended) ---
"""Pipeline reference for scband-pos-embedding-67362267070933 (READ-ONLY COPY).

The authoritative reference and input builder live on the scoring server;
editing this copy changes nothing except your own understanding.
"""

import jax, jax.numpy as jnp
import numpy as np


def setup_inputs(seed: int = 0) -> dict:
    key = jax.random.key(seed)
    k_counts, k_feat, k_pos = jax.random.split(key, 3)
    eachimg_selected_box_nums = jax.random.randint(k_counts, (16,), 0, 2048, dtype=jnp.int64 if jax.config.jax_enable_x64 else jnp.int32)
    box_features = jax.random.normal(k_feat, (32768, 256), dtype=jnp.float32)
    # learned parameter: positions ~ torch.rand(max_num, box_feat_dim)
    positions = jax.random.uniform(k_pos, (16, 256), dtype=jnp.float32)
    return {
        "eachimg_selected_box_nums": eachimg_selected_box_nums,
        "box_features": box_features,
        "positions": positions,
    }


def reference(eachimg_selected_box_nums, box_features, positions):
    # Faithful translation of the torch forward: per-image ragged segment
    # update box_features[inds:inds+i] = box_features[inds:inds+i] / i + positions[ind]
    counts = eachimg_selected_box_nums
    ends = jnp.cumsum(counts)
    n = box_features.shape[0]
    r = jnp.arange(n)
    seg = jnp.searchsorted(ends, r, side='right')
    seg = jnp.clip(seg, 0, counts.shape[0] - 1)
    valid = r < ends[-1]
    cnt = counts[seg]
    safe_cnt = jnp.maximum(cnt, 1)
    updated = box_features / safe_cnt[:, None] + positions[seg]
    return jnp.where(valid[:, None], updated, box_features)

if __name__ == "__main__":
    import jax
    _d = setup_inputs()
    print(jax.jit(kernel)(*tuple(_d.values())))

</pallas_src>

<mosaic_0001>
#map = affine_map<(d0, d1) -> (0)>
#map1 = affine_map<(d0, d1) -> (0, 0)>
module attributes {stable_mosaic.version = 14 : i64} {
  func.func @_sc_body(%arg0: i32, %arg1: i32, %arg2: memref<16xi32, #tpu.memory_space<hbm>>, %arg3: memref<32768x256xf32, #tpu.memory_space<hbm>>, %arg4: memref<16x256xf32, #tpu.memory_space<hbm>>, %arg5: memref<32768x256xf32, #tpu.memory_space<hbm>>, %arg6: memref<16xi32, #tpu.memory_space<vmem>>, %arg7: memref<16x256xf32, #tpu.memory_space<vmem>>, %arg8: memref<128x256xf32, #tpu.memory_space<vmem>>, %arg9: memref<128x256xf32, #tpu.memory_space<vmem>>, %arg10: memref<128x256xf32, #tpu.memory_space<vmem>>, %arg11: memref<!tpu.dma_semaphore, #tpu.memory_space<semaphore_mem>>, %arg12: memref<!tpu.dma_semaphore, #tpu.memory_space<semaphore_mem>>, %arg13: memref<!tpu.dma_semaphore, #tpu.memory_space<semaphore_mem>>, %arg14: memref<!tpu.dma_semaphore, #tpu.memory_space<semaphore_mem>>, %arg15: memref<!tpu.dma_semaphore, #tpu.memory_space<semaphore_mem>>, %arg16: memref<!tpu.dma_semaphore, #tpu.memory_space<semaphore_mem>>) attributes {dimension_semantics = [#tpu.dimension_semantics<core_parallel>, #tpu.dimension_semantics<subcore_parallel>], iteration_bounds = array<i64: 2, 16>, scalar_prefetch = 0 : i64, scratch_operands = 11 : i64, tpu.core_type = #tpu.core_type<sc_vector_subcore>, window_params = [{transform_indices = #map}, {transform_indices = #map1}, {transform_indices = #map1}, {transform_indices = #map1}]} {
    %mul3A = arith.constant 2 : i32
    %mul3A_0 = arith.muli %arg1, %mul3A : i32
    %add3A = arith.addi %mul3A_0, %arg0 : i32
    %mul3A_1 = arith.constant 1024 : i32
    %mul3A_2 = arith.muli %add3A, %mul3A_1 : i32
    %add3A_3 = arith.constant 0 : i32
    %add3A_4 = arith.addi %mul3A_2, %add3A_3 : i32
    %dma_start3A = arith.constant 0 : i32
    %dma_start3A_5 = tpu.memref_slice %arg3[%add3A_4, %dma_start3A] : memref<32768x256xf32, #tpu.memory_space<hbm>> -> memref<128x256xf32, #tpu.memory_space<hbm>>
    %dma_start3A_6 = arith.constant 0 : i32
    %dma_start3A_7 = tpu.memref_slice %arg3[%add3A_4, %dma_start3A_6] : memref<32768x256xf32, #tpu.memory_space<hbm>> -> memref<128x256xf32, #tpu.memory_space<hbm>>
    tpu.enqueue_dma source(%dma_start3A_7 : memref<128x256xf32, #tpu.memory_space<hbm>>) target(%arg8 : memref<128x256xf32, #tpu.memory_space<vmem>>) target_semaphore(%arg11 : memref<!tpu.dma_semaphore, #tpu.memory_space<semaphore_mem>>)
    %add3A_8 = arith.constant 128 : i32
    %add3A_9 = arith.addi %mul3A_2, %add3A_8 : i32
    %dma_start3A_10 = arith.constant 0 : i32
    %dma_start3A_11 = tpu.memref_slice %arg3[%add3A_9, %dma_start3A_10] : memref<32768x256xf32, #tpu.memory_space<hbm>> -> memref<128x256xf32, #tpu.memory_space<hbm>>
    %dma_start3A_12 = arith.constant 0 : i32
    %dma_start3A_13 = tpu.memref_slice %arg3[%add3A_9, %dma_start3A_12] : memref<32768x256xf32, #tpu.memory_space<hbm>> -> memref<128x256xf32, #tpu.memory_space<hbm>>
    tpu.enqueue_dma source(%dma_start3A_13 : memref<128x256xf32, #tpu.memory_space<hbm>>) target(%arg9 : memref<128x256xf32, #tpu.memory_space<vmem>>) target_semaphore(%arg12 : memref<!tpu.dma_semaphore, #tpu.memory_space<semaphore_mem>>)
    "tpu.region"() ({
      %run_scoped3A = tpu.sem_alloc : memref<!tpu.dma_semaphore, #tpu.memory_space<semaphore_mem>>
      tpu.enqueue_dma source(%arg2 : memref<16xi32, #tpu.memory_space<hbm>>) target(%arg6 : memref<16xi32, #tpu.memory_space<vmem>>) target_semaphore(%run_scoped3A : memref<!tpu.dma_semaphore, #tpu.memory_space<semaphore_mem>>)
      tpu.wait_dma2 semaphore(%run_scoped3A : memref<!tpu.dma_semaphore, #tpu.memory_space<semaphore_mem>>) src(%arg2 : memref<16xi32, #tpu.memory_space<hbm>>) dst(%arg6 : memref<16xi32, #tpu.memory_space<vmem>>)
      tpu.yield
    }) : () -> ()
    "tpu.region"() ({
      %run_scoped3A = tpu.sem_alloc : memref<!tpu.dma_semaphore, #tpu.memory_space<semaphore_mem>>
      tpu.enqueue_dma source(%arg4 : memref<16x256xf32, #tpu.memory_space<hbm>>) target(%arg7 : memref<16x256xf32, #tpu.memory_space<vmem>>) target_semaphore(%run_scoped3A : memref<!tpu.dma_semaphore, #tpu.memory_space<semaphore_mem>>)
      tpu.wait_dma2 semaphore(%run_scoped3A : memref<!tpu.dma_semaphore, #tpu.memory_space<semaphore_mem>>) src(%arg4 : memref<16x256xf32, #tpu.memory_space<hbm>>) dst(%arg7 : memref<16x256xf32, #tpu.memory_space<vmem>>)
      tpu.yield
    }) : () -> ()
    %get3A = arith.constant 0 : index
    %get3A_14 = tpu.vector_load %arg6[%get3A] {strides = array<i32>} : memref<16xi32, #tpu.memory_space<vmem>>, vector<16xi32>,
    %broadcast_in_dim3A = arith.constant true
    %broadcast_in_dim3A_15 = vector.broadcast %broadcast_in_dim3A : i1 to vector<16xi1>
    %masked_cumsum3A = tpu.scan <sum>, %get3A_14 masked %broadcast_in_dim3A_15 : vector<16xi32>, vector<16xi1> -> vector<16xi32>
    %slice3A = vector.extract_strided_slice %masked_cumsum3A {offsets = [15], sizes = [1], strides = [1]} : vector<16xi32> to vector<1xi32>
    %squeeze3A = vector.extract %slice3A[0] : i32 from vector<1xi32>
    %broadcast_in_dim3A_16 = arith.constant 32769 : i32
    %broadcast_in_dim3A_17 = vector.broadcast %broadcast_in_dim3A_16 : i32 to vector<16xi32>
    %broadcast_in_dim3A_18 = arith.constant 0 : i32
    %broadcast_in_dim3A_19 = vector.broadcast %broadcast_in_dim3A_18 : i32 to vector<16xi32>
    %add3A_20 = arith.constant 0 : i32
    %add3A_21 = arith.addi %mul3A_2, %add3A_20 : i32
    %dma_wait3A = arith.constant 0 : i32
    %dma_wait3A_22 = tpu.memref_slice %arg3[%add3A_4, %dma_wait3A] : memref<32768x256xf32, #tpu.memory_space<hbm>> -> memref<128x256xf32, #tpu.memory_space<hbm>>
    %dma_wait3A_23 = arith.constant 0 : i32
    %dma_wait3A_24 = tpu.memref_slice %arg3[%add3A_4, %dma_wait3A_23] : memref<32768x256xf32, #tpu.memory_space<hbm>> -> memref<128x256xf32, #tpu.memory_space<hbm>>
    tpu.wait_dma2 semaphore(%arg11 : memref<!tpu.dma_semaphore, #tpu.memory_space<semaphore_mem>>) src(%dma_wait3A_24 : memref<128x256xf32, #tpu.memory_space<hbm>>) dst(%arg8 : memref<128x256xf32, #tpu.memory_space<vmem>>)
    %sub3A = arith.subi %squeeze3A, %add3A_21 : i32
    %jit3A = arith.constant 0 : i32
    %jit3A_25 = arith.constant 128 : i32
    %max3A = arith.maxsi %jit3A, %sub3A : i32
    %min3A = arith.minsi %jit3A_25, %max3A : i32
    %while3A = arith.constant 0 : i32
    %while3A_26 = scf.while (%while3A_218 = %while3A) : (i32) -> i32 {
      %lt3A = arith.cmpi slt, %while3A_218, %min3A : i32
      scf.condition(%lt3A) %while3A_218 : i32
    } do {
    ^bb0(%while3A_218: i32):
      %add3A_219 = arith.addi %add3A_21, %while3A_218 : i32
      %broadcast_in_dim3A_220 = vector.broadcast %add3A_219 : i32 to vector<16xi32>
      %gt3A = arith.cmpi sgt, %masked_cumsum3A, %broadcast_in_dim3A_220 : vector<16xi32>
      %not3A = arith.constant dense<true> : vector<16xi1>
      %not3A_221 = arith.xori %gt3A, %not3A : vector<16xi1>
      %convert_element_type3A = arith.extui %not3A_221 : vector<16xi1> to vector<16xi32>
      %reduce_sum3A = arith.constant true
      %reduce_sum3A_222 = vector.broadcast %reduce_sum3A : i1 to vector<16xi1>
      %reduce_sum3A_223 = tpu.scan <sum>, %convert_element_type3A masked %reduce_sum3A_222 : vector<16xi32>, vector<16xi1> -> vector<16xi32>
      %reduce_sum3A_224 = vector.extract %reduce_sum3A_223[15] : i32 from vector<16xi32>
      %select_n3A = arith.select %gt3A, %masked_cumsum3A, %broadcast_in_dim3A_17 : vector<16xi1>, vector<16xi32>
      %reduce_min3A = arith.constant true
      %reduce_min3A_225 = vector.broadcast %reduce_min3A : i1 to vector<16xi1>
      %reduce_min3A_226 = arith.constant -2147483648 : i32
      %reduce_min3A_227 = vector.broadcast %reduce_min3A_226 : i32 to vector<16xi32>
      %reduce_min3A_228 = arith.xori %select_n3A, %reduce_min3A_227 : vector<16xi32>
      %reduce_min3A_229 = tpu.scan <min>, %reduce_min3A_228 masked %reduce_min3A_225 : vector<16xi32>, vector<16xi1> -> vector<16xi32>
      %reduce_min3A_230 = arith.xori %reduce_min3A_229, %reduce_min3A_227 : vector<16xi32>
      %reduce_min3A_231 = vector.extract %reduce_min3A_230[15] : i32 from vector<16xi32>
      %select_n3A_232 = arith.select %gt3A, %broadcast_in_dim3A_19, %masked_cumsum3A : vector<16xi1>, vector<16xi32>
      %reduce_max3A = arith.constant true
      %reduce_max3A_233 = vector.broadcast %reduce_max3A : i1 to vector<16xi1>
      %reduce_max3A_234 = arith.constant -2147483648 : i32
      %reduce_max3A_235 = vector.broadcast %reduce_max3A_234 : i32 to vector<16xi32>
      %reduce_max3A_236 = arith.xori %select_n3A_232, %reduce_max3A_235 : vector<16xi32>
      %reduce_max3A_237 = tpu.scan <max>, %reduce_max3A_236 masked %reduce_max3A_233 : vector<16xi32>, vector<16xi1> -> vector<16xi32>
      %reduce_max3A_238 = arith.xori %reduce_max3A_237, %reduce_max3A_235 : vector<16xi32>
      %reduce_max3A_239 = vector.extract %reduce_max3A_238[15] : i32 from vector<16xi32>
      %sub3A_240 = arith.subi %reduce_min3A_231, %reduce_max3A_239 : i32
      %broadcast_in_dim3A_241 = vector.broadcast %sub3A_240 : i32 to vector<16xi32>
      %convert_element_type3A_242 = arith.sitofp %broadcast_in_dim3A_241 : vector<16xi32> to vector<16xf32>
      %max3A_243 = arith.constant 1.000000e+00 : f32
      %max3A_244 = vector.broadcast %max3A_243 : f32 to vector<16xf32>
      %max3A_245 = arith.maximumf %convert_element_type3A_242, %max3A_244 : vector<16xf32>
      %div3A = arith.constant 1.000000e+00 : f32
      %div3A_246 = vector.broadcast %div3A : f32 to vector<16xf32>
      %div3A_247 = arith.divf %div3A_246, %max3A_245 : vector<16xf32>
      %get3A_248 = arith.index_cast %reduce_sum3A_224 : i32 to index
      %get3A_249 = arith.constant 0 : index
      %get3A_250 = tpu.vector_load %arg7[%get3A_248, %get3A_249] {strides = array<i32>} : memref<16x256xf32, #tpu.memory_space<vmem>>, vector<16xf32>,
      %get3A_251 = arith.index_cast %reduce_sum3A_224 : i32 to index
      %get3A_252 = arith.constant 16 : index
      %get3A_253 = tpu.vector_load %arg7[%get3A_251, %get3A_252] {strides = array<i32>} : memref<16x256xf32, #tpu.memory_space<vmem>>, vector<16xf32>,
      %get3A_254 = arith.index_cast %reduce_sum3A_224 : i32 to index
      %get3A_255 = arith.constant 32 : index
      %get3A_256 = tpu.vector_load %arg7[%get3A_254, %get3A_255] {strides = array<i32>} : memref<16x256xf32, #tpu.memory_space<vmem>>, vector<16xf32>,
      %get3A_257 = arith.index_cast %reduce_sum3A_224 : i32 to index
      %get3A_258 = arith.constant 48 : index
      %get3A_259 = tpu.vector_load %arg7[%get3A_257, %get3A_258] {strides = array<i32>} : memref<16x256xf32, #tpu.memory_space<vmem>>, vector<16xf32>,
      %get3A_260 = arith.index_cast %reduce_sum3A_224 : i32 to index
      %get3A_261 = arith.constant 64 : index
      %get3A_262 = tpu.vector_load %arg7[%get3A_260, %get3A_261] {strides = array<i32>} : memref<16x256xf32, #tpu.memory_space<vmem>>, vector<16xf32>,
      %get3A_263 = arith.index_cast %reduce_sum3A_224 : i32 to index
      %get3A_264 = arith.constant 80 : index
      %get3A_265 = tpu.vector_load %arg7[%get3A_263, %get3A_264] {strides = array<i32>} : memref<16x256xf32, #tpu.memory_space<vmem>>, vector<16xf32>,
      %get3A_266 = arith.index_cast %reduce_sum3A_224 : i32 to index
      %get3A_267 = arith.constant 96 : index
      %get3A_268 = tpu.vector_load %arg7[%get3A_266, %get3A_267] {strides = array<i32>} : memref<16x256xf32, #tpu.memory_space<vmem>>, vector<16xf32>,
      %get3A_269 = arith.index_cast %reduce_sum3A_224 : i32 to index
      %get3A_270 = arith.constant 112 : index
      %get3A_271 = tpu.vector_load %arg7[%get3A_269, %get3A_270] {strides = array<i32>} : memref<16x256xf32, #tpu.memory_space<vmem>>, vector<16xf32>,
      %get3A_272 = arith.index_cast %reduce_sum3A_224 : i32 to index
      %get3A_273 = arith.constant 128 : index
      %get3A_274 = tpu.vector_load %arg7[%get3A_272, %get3A_273] {strides = array<i32>} : memref<16x256xf32, #tpu.memory_space<vmem>>, vector<16xf32>,
      %get3A_275 = arith.index_cast %reduce_sum3A_224 : i32 to index
      %get3A_276 = arith.constant 144 : index
      %get3A_277 = tpu.vector_load %arg7[%get3A_275, %get3A_276] {strides = array<i32>} : memref<16x256xf32, #tpu.memory_space<vmem>>, vector<16xf32>,
      %get3A_278 = arith.index_cast %reduce_sum3A_224 : i32 to index
      %get3A_279 = arith.constant 160 : index
      %get3A_280 = tpu.vector_load %arg7[%get3A_278, %get3A_279] {strides = array<i32>} : memref<16x256xf32, #tpu.memory_space<vmem>>, vector<16xf32>,
      %get3A_281 = arith.index_cast %reduce_sum3A_224 : i32 to index
      %get3A_282 = arith.constant 176 : index
      %get3A_283 = tpu.vector_load %arg7[%get3A_281, %get3A_282] {strides = array<i32>} : memref<16x256xf32, #tpu.memory_space<vmem>>, vector<16xf32>,
      %get3A_284 = arith.index_cast %reduce_sum3A_224 : i32 to index
      %get3A_285 = arith.constant 192 : index
      %get3A_286 = tpu.vector_load %arg7[%get3A_284, %get3A_285] {strides = array<i32>} : memref<16x256xf32, #tpu.memory_space<vmem>>, vector<16xf32>,
      %get3A_287 = arith.index_cast %reduce_sum3A_224 : i32 to index
      %get3A_288 = arith.constant 208 : index
      %get3A_289 = tpu.vector_load %arg7[%get3A_287, %get3A_288] {strides = array<i32>} : memref<16x256xf32, #tpu.memory_space<vmem>>, vector<16xf32>,
      %get3A_290 = arith.index_cast %reduce_sum3A_224 : i32 to index
      %get3A_291 = arith.constant 224 : index
      %get3A_292 = tpu.vector_load %arg7[%get3A_290, %get3A_291] {strides = array<i32>} : memref<16x256xf32, #tpu.memory_space<vmem>>, vector<16xf32>,
      %get3A_293 = arith.index_cast %reduce_sum3A_224 : i32 to index
      %get3A_294 = arith.constant 240 : index
      %get3A_295 = tpu.vector_load %arg7[%get3A_293, %get3A_294] {strides = array<i32>} : memref<16x256xf32, #tpu.memory_space<vmem>>, vector<16xf32>,
      %sub3A_296 = arith.subi %reduce_min3A_231, %add3A_21 : i32
      %min3A_297 = arith.minsi %sub3A_296, %min3A : i32
      %parallel_loop3A = arith.constant 1 : i32
      scf.for %parallel_loop3A_298 = %while3A_218 to %min3A_297 step %parallel_loop3A  : i32 {
        %parallel_loop3A_299 = arith.index_cast %parallel_loop3A_298 : i32 to index
        %parallel_loop3A_300 = arith.constant 0 : index
        %parallel_loop3A_301 = tpu.vector_load %arg8[%parallel_loop3A_299, %parallel_loop3A_300] {strides = array<i32>} : memref<128x256xf32, #tpu.memory_space<vmem>>, vector<16xf32>,
        %parallel_loop3A_302 = arith.mulf %parallel_loop3A_301, %div3A_247 : vector<16xf32>
        %parallel_loop3A_303 = arith.addf %parallel_loop3A_302, %get3A_250 : vector<16xf32>
        %parallel_loop3A_304 = arith.index_cast %parallel_loop3A_298 : i32 to index
        %parallel_loop3A_305 = arith.constant 0 : index
        %parallel_loop3A_306 = tpu.vector_load %arg8[%parallel_loop3A_304, %parallel_loop3A_305] {strides = array<i32>} : memref<128x256xf32, #tpu.memory_space<vmem>>, vector<16xf32>,
        tpu.vector_store %arg8[%parallel_loop3A_304, %parallel_loop3A_305], %parallel_loop3A_303 {strides = array<i32>} : memref<128x256xf32, #tpu.memory_space<vmem>>, vector<16xf32>,
        %parallel_loop3A_307 = arith.index_cast %parallel_loop3A_298 : i32 to index
        %parallel_loop3A_308 = arith.constant 16 : index
        %parallel_loop3A_309 = tpu.vector_load %arg8[%parallel_loop3A_307, %parallel_loop3A_308] {strides = array<i32>} : memref<128x256xf32, #tpu.memory_space<vmem>>, vector<16xf32>,
        %parallel_loop3A_310 = arith.mulf %parallel_loop3A_309, %div3A_247 : vector<16xf32>
        %parallel_loop3A_311 = arith.addf %parallel_loop3A_310, %get3A_253 : vector<16xf32>
        %parallel_loop3A_312 = arith.index_cast %parallel_loop3A_298 : i32 to index
        %parallel_loop3A_313 = arith.constant 16 : index
        %parallel_loop3A_314 = tpu.vector_load %arg8[%parallel_loop3A_312, %parallel_loop3A_313] {strides = array<i32>} : memref<128x256xf32, #tpu.memory_space<vmem>>, vector<16xf32>,
        tpu.vector_store %arg8[%parallel_loop3A_312, %parallel_loop3A_313], %parallel_loop3A_311 {strides = array<i32>} : memref<128x256xf32, #tpu.memory_space<vmem>>, vector<16xf32>,
        %parallel_loop3A_315 = arith.index_cast %parallel_loop3A_298 : i32 to index
        %parallel_loop3A_316 = arith.constant 32 : index
        %parallel_loop3A_317 = tpu.vector_load %arg8[%parallel_loop3A_315, %parallel_loop3A_316] {strides = array<i32>} : memref<128x256xf32, #tpu.memory_space<vmem>>, vector<16xf32>,
        %parallel_loop3A_318 = arith.mulf %parallel_loop3A_317, %div3A_247 : vector<16xf32>
        %parallel_loop3A_319 = arith.addf %parallel_loop3A_318, %get3A_256 : vector<16xf32>
        %parallel_loop3A_320 = arith.index_cast %parallel_loop3A_298 : i32 to index
        %parallel_loop3A_321 = arith.constant 32 : index
        %parallel_loop3A_322 = tpu.vector_load %arg8[%parallel_loop3A_320, %parallel_loop3A_321] {strides = array<i32>} : memref<128x256xf32, #tpu.memory_space<vmem>>, vector<16xf32>,
        tpu.vector_store %arg8[%parallel_loop3A_320, %parallel_loop3A_321], %parallel_loop3A_319 {strides = array<i32>} : memref<128x256xf32, #tpu.memory_space<vmem>>, vector<16xf32>,
        %parallel_loop3A_323 = arith.index_cast %parallel_loop3A_298 : i32 to index
        %parallel_loop3A_324 = arith.constant 48 : index
        %parallel_loop3A_325 = tpu.vector_load %arg8[%parallel_loop3A_323, %parallel_loop3A_324] {strides = array<i32>} : memref<128x256xf32, #tpu.memory_space<vmem>>, vector<16xf32>,
        %parallel_loop3A_326 = arith.mulf %parallel_loop3A_325, %div3A_247 : vector<16xf32>
        %parallel_loop3A_327 = arith.addf %parallel_loop3A_326, %get3A_259 : vector<16xf32>
        %parallel_loop3A_328 = arith.index_cast %parallel_loop3A_298 : i32 to index
        %parallel_loop3A_329 = arith.constant 48 : index
        %parallel_loop3A_330 = tpu.vector_load %arg8[%parallel_loop3A_328, %parallel_loop3A_329] {strides = array<i32>} : memref<128x256xf32, #tpu.memory_space<vmem>>, vector<16xf32>,
        tpu.vector_store %arg8[%parallel_loop3A_328, %parallel_loop3A_329], %parallel_loop3A_327 {strides = array<i32>} : memref<128x256xf32, #tpu.memory_space<vmem>>, vector<16xf32>,
        %parallel_loop3A_331 = arith.index_cast %parallel_loop3A_298 : i32 to index
        %parallel_loop3A_332 = arith.constant 64 : index
        %parallel_loop3A_333 = tpu.vector_load %arg8[%parallel_loop3A_331, %parallel_loop3A_332] {strides = array<i32>} : memref<128x256xf32, #tpu.memory_space<vmem>>, vector<16xf32>,
        %parallel_loop3A_334 = arith.mulf %parallel_loop3A_333, %div3A_247 : vector<16xf32>
        %parallel_loop3A_335 = arith.addf %parallel_loop3A_334, %get3A_262 : vector<16xf32>
        %parallel_loop3A_336 = arith.index_cast %parallel_loop3A_298 : i32 to index
        %parallel_loop3A_337 = arith.constant 64 : index
        %parallel_loop3A_338 = tpu.vector_load %arg8[%parallel_loop3A_336, %parallel_loop3A_337] {strides = array<i32>} : memref<128x256xf32, #tpu.memory_space<vmem>>, vector<16xf32>,
        tpu.vector_store %arg8[%parallel_loop3A_336, %parallel_loop3A_337], %parallel_loop3A_335 {strides = array<i32>} : memref<128x256xf32, #tpu.memory_space<vmem>>, vector<16xf32>,
        %parallel_loop3A_339 = arith.index_cast %parallel_loop3A_298 : i32 to index
        %parallel_loop3A_340 = arith.constant 80 : index
        %parallel_loop3A_341 = tpu.vector_load %arg8[%parallel_loop3A_339, %parallel_loop3A_340] {strides = array<i32>} : memref<128x256xf32, #tpu.memory_space<vmem>>, vector<16xf32>,
        %parallel_loop3A_342 = arith.mulf %parallel_loop3A_341, %div3A_247 : vector<16xf32>
        %parallel_loop3A_343 = arith.addf %parallel_loop3A_342, %get3A_265 : vector<16xf32>
        %parallel_loop3A_344 = arith.index_cast %parallel_loop3A_298 : i32 to index
        %parallel_loop3A_345 = arith.constant 80 : index
        %parallel_loop3A_346 = tpu.vector_load %arg8[%parallel_loop3A_344, %parallel_loop3A_345] {strides = array<i32>} : memref<128x256xf32, #tpu.memory_space<vmem>>, vector<16xf32>,
        tpu.vector_store %arg8[%parallel_loop3A_344, %parallel_loop3A_345], %parallel_loop3A_343 {strides = array<i32>} : memref<128x256xf32, #tpu.memory_space<vmem>>, vector<16xf32>,
        %parallel_loop3A_347 = arith.index_cast %parallel_loop3A_298 : i32 to index
        %parallel_loop3A_348 = arith.constant 96 : index
        %parallel_loop3A_349 = tpu.vector_load %arg8[%parallel_loop3A_347, %parallel_loop3A_348] {strides = array<i32>} : memref<128x256xf32, #tpu.memory_space<vmem>>, vector<16xf32>,
        %parallel_loop3A_350 = arith.mulf %parallel_loop3A_349, %div3A_247 : vector<16xf32>
        %parallel_loop3A_351 = arith.addf %parallel_loop3A_350, %get3A_268 : vector<16xf32>
        %parallel_loop3A_352 = arith.index_cast %parallel_loop3A_298 : i32 to index
        %parallel_loop3A_353 = arith.constant 96 : index
        %parallel_loop3A_354 = tpu.vector_load %arg8[%parallel_loop3A_352, %parallel_loop3A_353] {strides = array<i32>} : memref<128x256xf32, #tpu.memory_space<vmem>>, vector<16xf32>,
        tpu.vector_store %arg8[%parallel_loop3A_352, %parallel_loop3A_353], %parallel_loop3A_351 {strides = array<i32>} : memref<128x256xf32, #tpu.memory_space<vmem>>, vector<16xf32>,
        %parallel_loop3A_355 = arith.index_cast %parallel_loop3A_298 : i32 to index
        %parallel_loop3A_356 = arith.constant 112 : index
        %parallel_loop3A_357 = tpu.vector_load %arg8[%parallel_loop3A_355, %parallel_loop3A_356] {strides = array<i32>} : memref<128x256xf32, #tpu.memory_space<vmem>>, vector<16xf32>,
        %parallel_loop3A_358 = arith.mulf %parallel_loop3A_357, %div3A_247 : vector<16xf32>
        %parallel_loop3A_359 = arith.addf %parallel_loop3A_358, %get3A_271 : vector<16xf32>
        %parallel_loop3A_360 = arith.index_cast %parallel_loop3A_298 : i32 to index
        %parallel_loop3A_361 = arith.constant 112 : index
        %parallel_loop3A_362 = tpu.vector_load %arg8[%parallel_loop3A_360, %parallel_loop3A_361] {strides = array<i32>} : memref<128x256xf32, #tpu.memory_space<vmem>>, vector<16xf32>,
        tpu.vector_store %arg8[%parallel_loop3A_360, %parallel_loop3A_361], %parallel_loop3A_359 {strides = array<i32>} : memref<128x256xf32, #tpu.memory_space<vmem>>, vector<16xf32>,
        %parallel_loop3A_363 = arith.index_cast %parallel_loop3A_298 : i32 to index
        %parallel_loop3A_364 = arith.constant 128 : index
        %parallel_loop3A_365 = tpu.vector_load %arg8[%parallel_loop3A_363, %parallel_loop3A_364] {strides = array<i32>} : memref<128x256xf32, #tpu.memory_space<vmem>>, vector<16xf32>,
        %parallel_loop3A_366 = arith.mulf %parallel_loop3A_365, %div3A_247 : vector<16xf32>
        %parallel_loop3A_367 = arith.addf %parallel_loop3A_366, %get3A_274 : vector<16xf32>
        %parallel_loop3A_368 = arith.index_cast %parallel_loop3A_298 : i32 to index
        %parallel_loop3A_369 = arith.constant 128 : index
        %parallel_loop3A_370 = tpu.vector_load %arg8[%parallel_loop3A_368, %parallel_loop3A_369] {strides = array<i32>} : memref<128x256xf32, #tpu.memory_space<vmem>>, vector<16xf32>,
        tpu.vector_store %arg8[%parallel_loop3A_368, %parallel_loop3A_369], %parallel_loop3A_367 {strides = array<i32>} : memref<128x256xf32, #tpu.memory_space<vmem>>, vector<16xf32>,
        %parallel_loop3A_371 = arith.index_cast %parallel_loop3A_298 : i32 to index
        %parallel_loop3A_372 = arith.constant 144 : index
        %parallel_loop3A_373 = tpu.vector_load %arg8[%parallel_loop3A_371, %parallel_loop3A_372] {strides = array<i32>} : memref<128x256xf32, #tpu.memory_space<vmem>>, vector<16xf32>,
        %parallel_loop3A_374 = arith.mulf %parallel_loop3A_373, %div3A_247 : vector<16xf32>
        %parallel_loop3A_375 = arith.addf %parallel_loop3A_374, %get3A_277 : vector<16xf32>
        %parallel_loop3A_376 = arith.index_cast %parallel_loop3A_298 : i32 to index
        %parallel_loop3A_377 = arith.constant 144 : index
        %parallel_loop3A_378 = tpu.vector_load %arg8[%parallel_loop3A_376, %parallel_loop3A_377] {strides = array<i32>} : memref<128x256xf32, #tpu.memory_space<vmem>>, vector<16xf32>,
        tpu.vector_store %arg8[%parallel_loop3A_376, %parallel_loop3A_377], %parallel_loop3A_375 {strides = array<i32>} : memref<128x256xf32, #tpu.memory_space<vmem>>, vector<16xf32>,
        %parallel_loop3A_379 = arith.index_cast %parallel_loop3A_298 : i32 to index
        %parallel_loop3A_380 = arith.constant 160 : index
        %parallel_loop3A_381 = tpu.vector_load %arg8[%parallel_loop3A_379, %parallel_loop3A_380] {strides = array<i32>} : memref<128x256xf32, #tpu.memory_space<vmem>>, vector<16xf32>,
        %parallel_loop3A_382 = arith.mulf %parallel_loop3A_381, %div3A_247 : vector<16xf32>
        %parallel_loop3A_383 = arith.addf %parallel_loop3A_382, %get3A_280 : vector<16xf32>
        %parallel_loop3A_384 = arith.index_cast %parallel_loop3A_298 : i32 to index
        %parallel_loop3A_385 = arith.constant 160 : index
        %parallel_loop3A_386 = tpu.vector_load %arg8[%parallel_loop3A_384, %parallel_loop3A_385] {strides = array<i32>} : memref<128x256xf32, #tpu.memory_space<vmem>>, vector<16xf32>,
        tpu.vector_store %arg8[%parallel_loop3A_384, %parallel_loop3A_385], %parallel_loop3A_383 {strides = array<i32>} : memref<128x256xf32, #tpu.memory_space<vmem>>, vector<16xf32>,
        %parallel_loop3A_387 = arith.index_cast %parallel_loop3A_298 : i32 to index
        %parallel_loop3A_388 = arith.constant 176 : index
        %parallel_loop3A_389 = tpu.vector_load %arg8[%parallel_loop3A_387, %parallel_loop3A_388] {strides = array<i32>} : memref<128x256xf32, #tpu.memory_space<vmem>>, vector<16xf32>,
        %parallel_loop3A_390 = arith.mulf %parallel_loop3A_389, %div3A_247 : vector<16xf32>
        %parallel_loop3A_391 = arith.addf %parallel_loop3A_390, %get3A_283 : vector<16xf32>
        %parallel_loop3A_392 = arith.index_cast %parallel_loop3A_298 : i32 to index
        %parallel_loop3A_393 = arith.constant 176 : index
        %parallel_loop3A_394 = tpu.vector_load %arg8[%parallel_loop3A_392, %parallel_loop3A_393] {strides = array<i32>} : memref<128x256xf32, #tpu.memory_space<vmem>>, vector<16xf32>,
        tpu.vector_store %arg8[%parallel_loop3A_392, %parallel_loop3A_393], %parallel_loop3A_391 {strides = array<i32>} : memref<128x256xf32, #tpu.memory_space<vmem>>, vector<16xf32>,
        %parallel_loop3A_395 = arith.index_cast %parallel_loop3A_298 : i32 to index
        %parallel_loop3A_396 = arith.constant 192 : index
        %parallel_loop3A_397 = tpu.vector_load %arg8[%parallel_loop3A_395, %parallel_loop3A_396] {strides = array<i32>} : memref<128x256xf32, #tpu.memory_space<vmem>>, vector<16xf32>,
        %parallel_loop3A_398 = arith.mulf %parallel_loop3A_397, %div3A_247 : vector<16xf32>
        %parallel_loop3A_399 = arith.addf %parallel_loop3A_398, %get3A_286 : vector<16xf32>
        %parallel_loop3A_400 = arith.index_cast %parallel_loop3A_298 : i32 to index
        %parallel_loop3A_401 = arith.constant 192 : index
        %parallel_loop3A_402 = tpu.vector_load %arg8[%parallel_loop3A_400, %parallel_loop3A_401] {strides = array<i32>} : memref<128x256xf32, #tpu.memory_space<vmem>>, vector<16xf32>,
        tpu.vector_store %arg8[%parallel_loop3A_400, %parallel_loop3A_401], %parallel_loop3A_399 {strides = array<i32>} : memref<128x256xf32, #tpu.memory_space<vmem>>, vector<16xf32>,
        %parallel_loop3A_403 = arith.index_cast %parallel_loop3A_298 : i32 to index
        %parallel_loop3A_404 = arith.constant 208 : index
        %parallel_loop3A_405 = tpu.vector_load %arg8[%parallel_loop3A_403, %parallel_loop3A_404] {strides = array<i32>} : memref<128x256xf32, #tpu.memory_space<vmem>>, vector<16xf32>,
        %parallel_loop3A_406 = arith.mulf %parallel_loop3A_405, %div3A_247 : vector<16xf32>
        %parallel_loop3A_407 = arith.addf %parallel_loop3A_406, %get3A_289 : vector<16xf32>
        %parallel_loop3A_408 = arith.index_cast %parallel_loop3A_298 : i32 to index
        %parallel_loop3A_409 = arith.constant 208 : index
        %parallel_loop3A_410 = tpu.vector_load %arg8[%parallel_loop3A_408, %parallel_loop3A_409] {strides = array<i32>} : memref<128x256xf32, #tpu.memory_space<vmem>>, vector<16xf32>,
        tpu.vector_store %arg8[%parallel_loop3A_408, %parallel_loop3A_409], %parallel_loop3A_407 {strides = array<i32>} : memref<128x256xf32, #tpu.memory_space<vmem>>, vector<16xf32>,
        %parallel_loop3A_411 = arith.index_cast %parallel_loop3A_298 : i32 to index
        %parallel_loop3A_412 = arith.constant 224 : index
        %parallel_loop3A_413 = tpu.vector_load %arg8[%parallel_loop3A_411, %parallel_loop3A_412] {strides = array<i32>} : memref<128x256xf32, #tpu.memory_space<vmem>>, vector<16xf32>,
        %parallel_loop3A_414 = arith.mulf %parallel_loop3A_413, %div3A_247 : vector<16xf32>
        %parallel_loop3A_415 = arith.addf %parallel_loop3A_414, %get3A_292 : vector<16xf32>
        %parallel_loop3A_416 = arith.index_cast %parallel_loop3A_298 : i32 to index
        %parallel_loop3A_417 = arith.constant 224 : index
        %parallel_loop3A_418 = tpu.vector_load %arg8[%parallel_loop3A_416, %parallel_loop3A_417] {strides = array<i32>} : memref<128x256xf32, #tpu.memory_space<vmem>>, vector<16xf32>,
        tpu.vector_store %arg8[%parallel_loop3A_416, %parallel_loop3A_417], %parallel_loop3A_415 {strides = array<i32>} : memref<128x256xf32, #tpu.memory_space<vmem>>, vector<16xf32>,
        %parallel_loop3A_419 = arith.index_cast %parallel_loop3A_298 : i32 to index
        %parallel_loop3A_420 = arith.constant 240 : index
        %parallel_loop3A_421 = tpu.vector_load %arg8[%parallel_loop3A_419, %parallel_loop3A_420] {strides = array<i32>} : memref<128x256xf32, #tpu.memory_space<vmem>>, vector<16xf32>,
        %parallel_loop3A_422 = arith.mulf %parallel_loop3A_421, %div3A_247 : vector<16xf32>
        %parallel_loop3A_423 = arith.addf %parallel_loop3A_422, %get3A_295 : vector<16xf32>
        %parallel_loop3A_424 = arith.index_cast %parallel_loop3A_298 : i32 to index
        %parallel_loop3A_425 = arith.constant 240 : index
        %parallel_loop3A_426 = tpu.vector_load %arg8[%parallel_loop3A_424, %parallel_loop3A_425] {strides = array<i32>} : memref<128x256xf32, #tpu.memory_space<vmem>>, vector<16xf32>,
        tpu.vector_store %arg8[%parallel_loop3A_424, %parallel_loop3A_425], %parallel_loop3A_423 {strides = array<i32>} : memref<128x256xf32, #tpu.memory_space<vmem>>, vector<16xf32>,
      } {sc.loop_unroll_factor = 2 : i64, sc.parallel_access}
      scf.yield %min3A_297 : i32
    }
    %dma_start3A_27 = arith.constant 0 : i32
    %dma_start3A_28 = tpu.memref_slice %arg5[%add3A_21, %dma_start3A_27] : memref<32768x256xf32, #tpu.memory_space<hbm>> -> memref<128x256xf32, #tpu.memory_space<hbm>>
    %dma_start3A_29 = arith.constant 0 : i32
    %dma_start3A_30 = tpu.memref_slice %arg5[%add3A_21, %dma_start3A_29] : memref<32768x256xf32, #tpu.memory_space<hbm>> -> memref<128x256xf32, #tpu.memory_space<hbm>>
    tpu.enqueue_dma source(%arg8 : memref<128x256xf32, #tpu.memory_space<vmem>>) target(%dma_start3A_30 : memref<128x256xf32, #tpu.memory_space<hbm>>) target_semaphore(%arg14 : memref<!tpu.dma_semaphore, #tpu.memory_space<semaphore_mem>>)
    %add3A_31 = arith.constant 256 : i32
    %add3A_32 = arith.addi %mul3A_2, %add3A_31 : i32
    %dma_start3A_33 = arith.constant 0 : i32
    %dma_start3A_34 = tpu.memref_slice %arg3[%add3A_32, %dma_start3A_33] : memref<32768x256xf32, #tpu.memory_space<hbm>> -> memref<128x256xf32, #tpu.memory_space<hbm>>
    %dma_start3A_35 = arith.constant 0 : i32
    %dma_start3A_36 = tpu.memref_slice %arg3[%add3A_32, %dma_start3A_35] : memref<32768x256xf32, #tpu.memory_space<hbm>> -> memref<128x256xf32, #tpu.memory_space<hbm>>
    tpu.enqueue_dma source(%dma_start3A_36 : memref<128x256xf32, #tpu.memory_space<hbm>>) target(%arg10 : memref<128x256xf32, #tpu.memory_space<vmem>>) target_semaphore(%arg13 : memref<!tpu.dma_semaphore, #tpu.memory_space<semaphore_mem>>)
    %add3A_37 = arith.constant 128 : i32
    %add3A_38 = arith.addi %mul3A_2, %add3A_37 : i32
    %dma_wait3A_39 = arith.constant 0 : i32
    %dma_wait3A_40 = tpu.memref_slice %arg3[%add3A_9, %dma_wait3A_39] : memref<32768x256xf32, #tpu.memory_space<hbm>> -> memref<128x256xf32, #tpu.memory_space<hbm>>
    %dma_wait3A_41 = arith.constant 0 : i32
    %dma_wait3A_42 = tpu.memref_slice %arg3[%add3A_9, %dma_wait3A_41] : memref<32768x256xf32, #tpu.memory_space<hbm>> -> memref<128x256xf32, #tpu.memory_space<hbm>>
    tpu.wait_dma2 semaphore(%arg12 : memref<!tpu.dma_semaphore, #tpu.memory_space<semaphore_mem>>) src(%dma_wait3A_42 : memref<128x256xf32, #tpu.memory_space<hbm>>) dst(%arg9 : memref<128x256xf32, #tpu.memory_space<vmem>>)
    %sub3A_43 = arith.subi %squeeze3A, %add3A_38 : i32
    %jit3A_44 = arith.constant 0 : i32
    %jit3A_45 = arith.constant 128 : i32
    %max3A_46 = arith.maxsi %jit3A_44, %sub3A_43 : i32
    %min3A_47 = arith.minsi %jit3A_45, %max3A_46 : i32
    %while3A_48 = arith.constant 0 : i32
    %while3A_49 = scf.while (%while3A_218 = %while3A_48) : (i32) -> i32 {
      %lt3A = arith.cmpi slt, %while3A_218, %min3A_47 : i32
      scf.condition(%lt3A) %while3A_218 : i32
    } do {
    ^bb0(%while3A_218: i32):
      %add3A_219 = arith.addi %add3A_38, %while3A_218 : i32
      %broadcast_in_dim3A_220 = vector.broadcast %add3A_219 : i32 to vector<16xi32>
      %gt3A = arith.cmpi sgt, %masked_cumsum3A, %broadcast_in_dim3A_220 : vector<16xi32>
      %not3A = arith.constant dense<true> : vector<16xi1>
      %not3A_221 = arith.xori %gt3A, %not3A : vector<16xi1>
      %convert_element_type3A = arith.extui %not3A_221 : vector<16xi1> to vector<16xi32>
      %reduce_sum3A = arith.constant true
      %reduce_sum3A_222 = vector.broadcast %reduce_sum3A : i1 to vector<16xi1>
      %reduce_sum3A_223 = tpu.scan <sum>, %convert_element_type3A masked %reduce_sum3A_222 : vector<16xi32>, vector<16xi1> -> vector<16xi32>
      %reduce_sum3A_224 = vector.extract %reduce_sum3A_223[15] : i32 from vector<16xi32>
      %select_n3A = arith.select %gt3A, %masked_cumsum3A, %broadcast_in_dim3A_17 : vector<16xi1>, vector<16xi32>
      %reduce_min3A = arith.constant true
      %reduce_min3A_225 = vector.broadcast %reduce_min3A : i1 to vector<16xi1>
      %reduce_min3A_226 = arith.constant -2147483648 : i32
      %reduce_min3A_227 = vector.broadcast %reduce_min3A_226 : i32 to vector<16xi32>
      %reduce_min3A_228 = arith.xori %select_n3A, %reduce_min3A_227 : vector<16xi32>
      %reduce_min3A_229 = tpu.scan <min>, %reduce_min3A_228 masked %reduce_min3A_225 : vector<16xi32>, vector<16xi1> -> vector<16xi32>
      %reduce_min3A_230 = arith.xori %reduce_min3A_229, %reduce_min3A_227 : vector<16xi32>
      %reduce_min3A_231 = vector.extract %reduce_min3A_230[15] : i32 from vector<16xi32>
      %select_n3A_232 = arith.select %gt3A, %broadcast_in_dim3A_19, %masked_cumsum3A : vector<16xi1>, vector<16xi32>
      %reduce_max3A = arith.constant true
      %reduce_max3A_233 = vector.broadcast %reduce_max3A : i1 to vector<16xi1>
      %reduce_max3A_234 = arith.constant -2147483648 : i32
      %reduce_max3A_235 = vector.broadcast %reduce_max3A_234 : i32 to vector<16xi32>
      %reduce_max3A_236 = arith.xori %select_n3A_232, %reduce_max3A_235 : vector<16xi32>
      %reduce_max3A_237 = tpu.scan <max>, %reduce_max3A_236 masked %reduce_max3A_233 : vector<16xi32>, vector<16xi1> -> vector<16xi32>
      %reduce_max3A_238 = arith.xori %reduce_max3A_237, %reduce_max3A_235 : vector<16xi32>
      %reduce_max3A_239 = vector.extract %reduce_max3A_238[15] : i32 from vector<16xi32>
      %sub3A_240 = arith.subi %reduce_min3A_231, %reduce_max3A_239 : i32
      %broadcast_in_dim3A_241 = vector.broadcast %sub3A_240 : i32 to vector<16xi32>
      %convert_element_type3A_242 = arith.sitofp %broadcast_in_dim3A_241 : vector<16xi32> to vector<16xf32>
      %max3A_243 = arith.constant 1.000000e+00 : f32
      %max3A_244 = vector.broadcast %max3A_243 : f32 to vector<16xf32>
      %max3A_245 = arith.maximumf %convert_element_type3A_242, %max3A_244 : vector<16xf32>
      %div3A = arith.constant 1.000000e+00 : f32
      %div3A_246 = vector.broadcast %div3A : f32 to vector<16xf32>
      %div3A_247 = arith.divf %div3A_246, %max3A_245 : vector<16xf32>
      %get3A_248 = arith.index_cast %reduce_sum3A_224 : i32 to index
      %get3A_249 = arith.constant 0 : index
      %get3A_250 = tpu.vector_load %arg7[%get3A_248, %get3A_249] {strides = array<i32>} : memref<16x256xf32, #tpu.memory_space<vmem>>, vector<16xf32>,
      %get3A_251 = arith.index_cast %reduce_sum3A_224 : i32 to index
      %get3A_252 = arith.constant 16 : index
      %get3A_253 = tpu.vector_load %arg7[%get3A_251, %get3A_252] {strides = array<i32>} : memref<16x256xf32, #tpu.memory_space<vmem>>, vector<16xf32>,
      %get3A_254 = arith.index_cast %reduce_sum3A_224 : i32 to index
      %get3A_255 = arith.constant 32 : index
      %get3A_256 = tpu.vector_load %arg7[%get3A_254, %get3A_255] {strides = array<i32>} : memref<16x256xf32, #tpu.memory_space<vmem>>, vector<16xf32>,
      %get3A_257 = arith.index_cast %reduce_sum3A_224 : i32 to index
      %get3A_258 = arith.constant 48 : index
      %get3A_259 = tpu.vector_load %arg7[%get3A_257, %get3A_258] {strides = array<i32>} : memref<16x256xf32, #tpu.memory_space<vmem>>, vector<16xf32>,
      %get3A_260 = arith.index_cast %reduce_sum3A_224 : i32 to index
      %get3A_261 = arith.constant 64 : index
      %get3A_262 = tpu.vector_load %arg7[%get3A_260, %get3A_261] {strides = array<i32>} : memref<16x256xf32, #tpu.memory_space<vmem>>, vector<16xf32>,
      %get3A_263 = arith.index_cast %reduce_sum3A_224 : i32 to index
      %get3A_264 = arith.constant 80 : index
      %get3A_265 = tpu.vector_load %arg7[%get3A_263, %get3A_264] {strides = array<i32>} : memref<16x256xf32, #tpu.memory_space<vmem>>, vector<16xf32>,
      %get3A_266 = arith.index_cast %reduce_sum3A_224 : i32 to index
      %get3A_267 = arith.constant 96 : index
      %get3A_268 = tpu.vector_load %arg7[%get3A_266, %get3A_267] {strides = array<i32>} : memref<16x256xf32, #tpu.memory_space<vmem>>, vector<16xf32>,
      %get3A_269 = arith.index_cast %reduce_sum3A_224 : i32 to index
      %get3A_270 = arith.constant 112 : index
      %get3A_271 = tpu.vector_load %arg7[%get3A_269, %get3A_270] {strides = array<i32>} : memref<16x256xf32, #tpu.memory_space<vmem>>, vector<16xf32>,
      %get3A_272 = arith.index_cast %reduce_sum3A_224 : i32 to index
      %get3A_273 = arith.constant 128 : index
      %get3A_274 = tpu.vector_load %arg7[%get3A_272, %get3A_273] {strides = array<i32>} : memref<16x256xf32, #tpu.memory_space<vmem>>, vector<16xf32>,
      %get3A_275 = arith.index_cast %reduce_sum3A_224 : i32 to index
      %get3A_276 = arith.constant 144 : index
      %get3A_277 = tpu.vector_load %arg7[%get3A_275, %get3A_276] {strides = array<i32>} : memref<16x256xf32, #tpu.memory_space<vmem>>, vector<16xf32>,
      %get3A_278 = arith.index_cast %reduce_sum3A_224 : i32 to index
      %get3A_279 = arith.constant 160 : index
      %get3A_280 = tpu.vector_load %arg7[%get3A_278, %get3A_279] {strides = array<i32>} : memref<16x256xf32, #tpu.memory_space<vmem>>, vector<16xf32>,
      %get3A_281 = arith.index_cast %reduce_sum3A_224 : i32 to index
      %get3A_282 = arith.constant 176 : index
      %get3A_283 = tpu.vector_load %arg7[%get3A_281, %get3A_282] {strides = array<i32>} : memref<16x256xf32, #tpu.memory_space<vmem>>, vector<16xf32>,
      %get3A_284 = arith.index_cast %reduce_sum3A_224 : i32 to index
      %get3A_285 = arith.constant 192 : index
      %get3A_286 = tpu.vector_load %arg7[%get3A_284, %get3A_285] {strides = array<i32>} : memref<16x256xf32, #tpu.memory_space<vmem>>, vector<16xf32>,
      %get3A_287 = arith.index_cast %reduce_sum3A_224 : i32 to index
      %get3A_288 = arith.constant 208 : index
      %get3A_289 = tpu.vector_load %arg7[%get3A_287, %get3A_288] {strides = array<i32>} : memref<16x256xf32, #tpu.memory_space<vmem>>, vector<16xf32>,
      %get3A_290 = arith.index_cast %reduce_sum3A_224 : i32 to index
      %get3A_291 = arith.constant 224 : index
      %get3A_292 = tpu.vector_load %arg7[%get3A_290, %get3A_291] {strides = array<i32>} : memref<16x256xf32, #tpu.memory_space<vmem>>, vector<16xf32>,
      %get3A_293 = arith.index_cast %reduce_sum3A_224 : i32 to index
      %get3A_294 = arith.constant 240 : index
      %get3A_295 = tpu.vector_load %arg7[%get3A_293, %get3A_294] {strides = array<i32>} : memref<16x256xf32, #tpu.memory_space<vmem>>, vector<16xf32>,
      %sub3A_296 = arith.subi %reduce_min3A_231, %add3A_38 : i32
      %min3A_297 = arith.minsi %sub3A_296, %min3A_47 : i32
      %parallel_loop3A = arith.constant 1 : i32
      scf.for %parallel_loop3A_298 = %while3A_218 to %min3A_297 step %parallel_loop3A  : i32 {
        %parallel_loop3A_299 = arith.index_cast %parallel_loop3A_298 : i32 to index
        %parallel_loop3A_300 = arith.constant 0 : index
        %parallel_loop3A_301 = tpu.vector_load %arg9[%parallel_loop3A_299, %parallel_loop3A_300] {strides = array<i32>} : memref<128x256xf32, #tpu.memory_space<vmem>>, vector<16xf32>,
        %parallel_loop3A_302 = arith.mulf %parallel_loop3A_301, %div3A_247 : vector<16xf32>
        %parallel_loop3A_303 = arith.addf %parallel_loop3A_302, %get3A_250 : vector<16xf32>
        %parallel_loop3A_304 = arith.index_cast %parallel_loop3A_298 : i32 to index
        %parallel_loop3A_305 = arith.constant 0 : index
        %parallel_loop3A_306 = tpu.vector_load %arg9[%parallel_loop3A_304, %parallel_loop3A_305] {strides = array<i32>} : memref<128x256xf32, #tpu.memory_space<vmem>>, vector<16xf32>,
        tpu.vector_store %arg9[%parallel_loop3A_304, %parallel_loop3A_305], %parallel_loop3A_303 {strides = array<i32>} : memref<128x256xf32, #tpu.memory_space<vmem>>, vector<16xf32>,
        %parallel_loop3A_307 = arith.index_cast %parallel_loop3A_298 : i32 to index
        %parallel_loop3A_308 = arith.constant 16 : index
        %parallel_loop3A_309 = tpu.vector_load %arg9[%parallel_loop3A_307, %parallel_loop3A_308] {strides = array<i32>} : memref<128x256xf32, #tpu.memory_space<vmem>>, vector<16xf32>,
        %parallel_loop3A_310 = arith.mulf %parallel_loop3A_309, %div3A_247 : vector<16xf32>
        %parallel_loop3A_311 = arith.addf %parallel_loop3A_310, %get3A_253 : vector<16xf32>
        %parallel_loop3A_312 = arith.index_cast %parallel_loop3A_298 : i32 to index
        %parallel_loop3A_313 = arith.constant 16 : index
        %parallel_loop3A_314 = tpu.vector_load %arg9[%parallel_loop3A_312, %parallel_loop3A_313] {strides = array<i32>} : memref<128x256xf32, #tpu.memory_space<vmem>>, vector<16xf32>,
        tpu.vector_store %arg9[%parallel_loop3A_312, %parallel_loop3A_313], %parallel_loop3A_311 {strides = array<i32>} : memref<128x256xf32, #tpu.memory_space<vmem>>, vector<16xf32>,
        %parallel_loop3A_315 = arith.index_cast %parallel_loop3A_298 : i32 to index
        %parallel_loop3A_316 = arith.constant 32 : index
        %parallel_loop3A_317 = tpu.vector_load %arg9[%parallel_loop3A_315, %parallel_loop3A_316] {strides = array<i32>} : memref<128x256xf32, #tpu.memory_space<vmem>>, vector<16xf32>,
        %parallel_loop3A_318 = arith.mulf %parallel_loop3A_317, %div3A_247 : vector<16xf32>
        %parallel_loop3A_319 = arith.addf %parallel_loop3A_318, %get3A_256 : vector<16xf32>
        %parallel_loop3A_320 = arith.index_cast %parallel_loop3A_298 : i32 to index
        %parallel_loop3A_321 = arith.constant 32 : index
        %parallel_loop3A_322 = tpu.vector_load %arg9[%parallel_loop3A_320, %parallel_loop3A_321] {strides = array<i32>} : memref<128x256xf32, #tpu.memory_space<vmem>>, vector<16xf32>,
        tpu.vector_store %arg9[%parallel_loop3A_320, %parallel_loop3A_321], %parallel_loop3A_319 {strides = array<i32>} : memref<128x256xf32, #tpu.memory_space<vmem>>, vector<16xf32>,
        %parallel_loop3A_323 = arith.index_cast %parallel_loop3A_298 : i32 to index
        %parallel_loop3A_324 = arith.constant 48 : index
        %parallel_loop3A_325 = tpu.vector_load %arg9[%parallel_loop3A_323, %parallel_loop3A_324] {strides = array<i32>} : memref<128x256xf32, #tpu.memory_space<vmem>>, vector<16xf32>,
        %parallel_loop3A_326 = arith.mulf %parallel_loop3A_325, %div3A_247 : vector<16xf32>
        %parallel_loop3A_327 = arith.addf %parallel_loop3A_326, %get3A_259 : vector<16xf32>
        %parallel_loop3A_328 = arith.index_cast %parallel_loop3A_298 : i32 to index
        %parallel_loop3A_329 = arith.constant 48 : index
        %parallel_loop3A_330 = tpu.vector_load %arg9[%parallel_loop3A_328, %parallel_loop3A_329] {strides = array<i32>} : memref<128x256xf32, #tpu.memory_space<vmem>>, vector<16xf32>,
        tpu.vector_store %arg9[%parallel_loop3A_328, %parallel_loop3A_329], %parallel_loop3A_327 {strides = array<i32>} : memref<128x256xf32, #tpu.memory_space<vmem>>, vector<16xf32>,
        %parallel_loop3A_331 = arith.index_cast %parallel_loop3A_298 : i32 to index
        %parallel_loop3A_332 = arith.constant 64 : index
        %parallel_loop3A_333 = tpu.vector_load %arg9[%parallel_loop3A_331, %parallel_loop3A_332] {strides = array<i32>} : memref<128x256xf32, #tpu.memory_space<vmem>>, vector<16xf32>,
        %parallel_loop3A_334 = arith.mulf %parallel_loop3A_333, %div3A_247 : vector<16xf32>
        %parallel_loop3A_335 = arith.addf %parallel_loop3A_334, %get3A_262 : vector<16xf32>
        %parallel_loop3A_336 = arith.index_cast %parallel_loop3A_298 : i32 to index
        %parallel_loop3A_337 = arith.constant 64 : index
        %parallel_loop3A_338 = tpu.vector_load %arg9[%parallel_loop3A_336, %parallel_loop3A_337] {strides = array<i32>} : memref<128x256xf32, #tpu.memory_space<vmem>>, vector<16xf32>,
        tpu.vector_store %arg9[%parallel_loop3A_336, %parallel_loop3A_337], %parallel_loop3A_335 {strides = array<i32>} : memref<128x256xf32, #tpu.memory_space<vmem>>, vector<16xf32>,
        %parallel_loop3A_339 = arith.index_cast %parallel_loop3A_298 : i32 to index
        %parallel_loop3A_340 = arith.constant 80 : index
        %parallel_loop3A_341 = tpu.vector_load %arg9[%parallel_loop3A_339, %parallel_loop3A_340] {strides = array<i32>} : memref<128x256xf32, #tpu.memory_space<vmem>>, vector<16xf32>,
        %parallel_loop3A_342 = arith.mulf %parallel_loop3A_341, %div3A_247 : vector<16xf32>
        %parallel_loop3A_343 = arith.addf %parallel_loop3A_342, %get3A_265 : vector<16xf32>
        %parallel_loop3A_344 = arith.index_cast %parallel_loop3A_298 : i32 to index
        %parallel_loop3A_345 = arith.constant 80 : index
        %parallel_loop3A_346 = tpu.vector_load %arg9[%parallel_loop3A_344, %parallel_loop3A_345] {strides = array<i32>} : memref<128x256xf32, #tpu.memory_space<vmem>>, vector<16xf32>,
        tpu.vector_store %arg9[%parallel_loop3A_344, %parallel_loop3A_345], %parallel_loop3A_343 {strides = array<i32>} : memref<128x256xf32, #tpu.memory_space<vmem>>, vector<16xf32>,
        %parallel_loop3A_347 = arith.index_cast %parallel_loop3A_298 : i32 to index
        %parallel_loop3A_348 = arith.constant 96 : index
        %parallel_loop3A_349 = tpu.vector_load %arg9[%parallel_loop3A_347, %parallel_loop3A_348] {strides = array<i32>} : memref<128x256xf32, #tpu.memory_space<vmem>>, vector<16xf32>,
        %parallel_loop3A_350 = arith.mulf %parallel_loop3A_349, %div3A_247 : vector<16xf32>
        %parallel_loop3A_351 = arith.addf %parallel_loop3A_350, %get3A_268 : vector<16xf32>
        %parallel_loop3A_352 = arith.index_cast %parallel_loop3A_298 : i32 to index
        %parallel_loop3A_353 = arith.constant 96 : index
        %parallel_loop3A_354 = tpu.vector_load %arg9[%parallel_loop3A_352, %parallel_loop3A_353] {strides = array<i32>} : memref<128x256xf32, #tpu.memory_space<vmem>>, vector<16xf32>,
        tpu.vector_store %arg9[%parallel_loop3A_352, %parallel_loop3A_353], %parallel_loop3A_351 {strides = array<i32>} : memref<128x256xf32, #tpu.memory_space<vmem>>, vector<16xf32>,
        %parallel_loop3A_355 = arith.index_cast %parallel_loop3A_298 : i32 to index
        %parallel_loop3A_356 = arith.constant 112 : index
        %parallel_loop3A_357 = tpu.vector_load %arg9[%parallel_loop3A_355, %parallel_loop3A_356] {strides = array<i32>} : memref<128x256xf32, #tpu.memory_space<vmem>>, vector<16xf32>,
        %parallel_loop3A_358 = arith.mulf %parallel_loop3A_357, %div3A_247 : vector<16xf32>
        %parallel_loop3A_359 = arith.addf %parallel_loop3A_358, %get3A_271 : vector<16xf32>
        %parallel_loop3A_360 = arith.index_cast %parallel_loop3A_298 : i32 to index
        %parallel_loop3A_361 = arith.constant 112 : index
        %parallel_loop3A_362 = tpu.vector_load %arg9[%parallel_loop3A_360, %parallel_loop3A_361] {strides = array<i32>} : memref<128x256xf32, #tpu.memory_space<vmem>>, vector<16xf32>,
        tpu.vector_store %arg9[%parallel_loop3A_360, %parallel_loop3A_361], %parallel_loop3A_359 {strides = array<i32>} : memref<128x256xf32, #tpu.memory_space<vmem>>, vector<16xf32>,
        %parallel_loop3A_363 = arith.index_cast %parallel_loop3A_298 : i32 to index
        %parallel_loop3A_364 = arith.constant 128 : index
        %parallel_loop3A_365 = tpu.vector_load %arg9[%parallel_loop3A_363, %parallel_loop3A_364] {strides = array<i32>} : memref<128x256xf32, #tpu.memory_space<vmem>>, vector<16xf32>,
        %parallel_loop3A_366 = arith.mulf %parallel_loop3A_365, %div3A_247 : vector<16xf32>
        %parallel_loop3A_367 = arith.addf %parallel_loop3A_366, %get3A_274 : vector<16xf32>
        %parallel_loop3A_368 = arith.index_cast %parallel_loop3A_298 : i32 to index
        %parallel_loop3A_369 = arith.constant 128 : index
        %parallel_loop3A_370 = tpu.vector_load %arg9[%parallel_loop3A_368, %parallel_loop3A_369] {strides = array<i32>} : memref<128x256xf32, #tpu.memory_space<vmem>>, vector<16xf32>,
        tpu.vector_store %arg9[%parallel_loop3A_368, %parallel_loop3A_369], %parallel_loop3A_367 {strides = array<i32>} : memref<128x256xf32, #tpu.memory_space<vmem>>, vector<16xf32>,
        %parallel_loop3A_371 = arith.index_cast %parallel_loop3A_298 : i32 to index
        %parallel_loop3A_372 = arith.constant 144 : index
        %parallel_loop3A_373 = tpu.vector_load %arg9[%parallel_loop3A_371, %parallel_loop3A_372] {strides = array<i32>} : memref<128x256xf32, #tpu.memory_space<vmem>>, vector<16xf32>,
        %parallel_loop3A_374 = arith.mulf %parallel_loop3A_373, %div3A_247 : vector<16xf32>
        %parallel_loop3A_375 = arith.addf %parallel_loop3A_374, %get3A_277 : vector<16xf32>
        %parallel_loop3A_376 = arith.index_cast %parallel_loop3A_298 : i32 to index
        %parallel_loop3A_377 = arith.constant 144 : index
        %parallel_loop3A_378 = tpu.vector_load %arg9[%parallel_loop3A_376, %parallel_loop3A_377] {strides = array<i32>} : memref<128x256xf32, #tpu.memory_space<vmem>>, vector<16xf32>,
        tpu.vector_store %arg9[%parallel_loop3A_376, %parallel_loop3A_377], %parallel_loop3A_375 {strides = array<i32>} : memref<128x256xf32, #tpu.memory_space<vmem>>, vector<16xf32>,
        %parallel_loop3A_379 = arith.index_cast %parallel_loop3A_298 : i32 to index
        %parallel_loop3A_380 = arith.constant 160 : index
        %parallel_loop3A_381 = tpu.vector_load %arg9[%parallel_loop3A_379, %parallel_loop3A_380] {strides = array<i32>} : memref<128x256xf32, #tpu.memory_space<vmem>>, vector<16xf32>,
        %parallel_loop3A_382 = arith.mulf %parallel_loop3A_381, %div3A_247 : vector<16xf32>
        %parallel_loop3A_383 = arith.addf %parallel_loop3A_382, %get3A_280 : vector<16xf32>
        %parallel_loop3A_384 = arith.index_cast %parallel_loop3A_298 : i32 to index
        %parallel_loop3A_385 = arith.constant 160 : index
        %parallel_loop3A_386 = tpu.vector_load %arg9[%parallel_loop3A_384, %parallel_loop3A_385] {strides = array<i32>} : memref<128x256xf32, #tpu.memory_space<vmem>>, vector<16xf32>,
        tpu.vector_store %arg9[%parallel_loop3A_384, %parallel_loop3A_385], %parallel_loop3A_383 {strides = array<i32>} : memref<128x256xf32, #tpu.memory_space<vmem>>, vector<16xf32>,
        %parallel_loop3A_387 = arith.index_cast %parallel_loop3A_298 : i32 to index
        %parallel_loop3A_388 = arith.constant 176 : index
        %parallel_loop3A_389 = tpu.vector_load %arg9[%parallel_loop3A_387, %parallel_loop3A_388] {strides = array<i32>} : memref<128x256xf32, #tpu.memory_space<vmem>>, vector<16xf32>,
        %parallel_loop3A_390 = arith.mulf %parallel_loop3A_389, %div3A_247 : vector<16xf32>
        %parallel_loop3A_391 = arith.addf %parallel_loop3A_390, %get3A_283 : vector<16xf32>
        %parallel_loop3A_392 = arith.index_cast %parallel_loop3A_298 : i32 to index
        %parallel_loop3A_393 = arith.constant 176 : index
        %parallel_loop3A_394 = tpu.vector_load %arg9[%parallel_loop3A_392, %parallel_loop3A_393] {strides = array<i32>} : memref<128x256xf32, #tpu.memory_space<vmem>>, vector<16xf32>,
        tpu.vector_store %arg9[%parallel_loop3A_392, %parallel_loop3A_393], %parallel_loop3A_391 {strides = array<i32>} : memref<128x256xf32, #tpu.memory_space<vmem>>, vector<16xf32>,
        %parallel_loop3A_395 = arith.index_cast %parallel_loop3A_298 : i32 to index
        %parallel_loop3A_396 = arith.constant 192 : index
        %parallel_loop3A_397 = tpu.vector_load %arg9[%parallel_loop3A_395, %parallel_loop3A_396] {strides = array<i32>} : memref<128x256xf32, #tpu.memory_space<vmem>>, vector<16xf32>,
        %parallel_loop3A_398 = arith.mulf %parallel_loop3A_397, %div3A_247 : vector<16xf32>
        %parallel_loop3A_399 = arith.addf %parallel_loop3A_398, %get3A_286 : vector<16xf32>
        %parallel_loop3A_400 = arith.index_cast %parallel_loop3A_298 : i32 to index
        %parallel_loop3A_401 = arith.constant 192 : index
        %parallel_loop3A_402 = tpu.vector_load %arg9[%parallel_loop3A_400, %parallel_loop3A_401] {strides = array<i32>} : memref<128x256xf32, #tpu.memory_space<vmem>>, vector<16xf32>,
        tpu.vector_store %arg9[%parallel_loop3A_400, %parallel_loop3A_401], %parallel_loop3A_399 {strides = array<i32>} : memref<128x256xf32, #tpu.memory_space<vmem>>, vector<16xf32>,
        %parallel_loop3A_403 = arith.index_cast %parallel_loop3A_298 : i32 to index
        %parallel_loop3A_404 = arith.constant 208 : index
        %parallel_loop3A_405 = tpu.vector_load %arg9[%parallel_loop3A_403, %parallel_loop3A_404] {strides = array<i32>} : memref<128x256xf32, #tpu.memory_space<vmem>>, vector<16xf32>,
        %parallel_loop3A_406 = arith.mulf %parallel_loop3A_405, %div3A_247 : vector<16xf32>
        %parallel_loop3A_407 = arith.addf %parallel_loop3A_406, %get3A_289 : vector<16xf32>
        %parallel_loop3A_408 = arith.index_cast %parallel_loop3A_298 : i32 to index
        %parallel_loop3A_409 = arith.constant 208 : index
        %parallel_loop3A_410 = tpu.vector_load %arg9[%parallel_loop3A_408, %parallel_loop3A_409] {strides = array<i32>} : memref<128x256xf32, #tpu.memory_space<vmem>>, vector<16xf32>,
        tpu.vector_store %arg9[%parallel_loop3A_408, %parallel_loop3A_409], %parallel_loop3A_407 {strides = array<i32>} : memref<128x256xf32, #tpu.memory_space<vmem>>, vector<16xf32>,
        %parallel_loop3A_411 = arith.index_cast %parallel_loop3A_298 : i32 to index
        %parallel_loop3A_412 = arith.constant 224 : index
        %parallel_loop3A_413 = tpu.vector_load %arg9[%parallel_loop3A_411, %parallel_loop3A_412] {strides = array<i32>} : memref<128x256xf32, #tpu.memory_space<vmem>>, vector<16xf32>,
        %parallel_loop3A_414 = arith.mulf %parallel_loop3A_413, %div3A_247 : vector<16xf32>
        %parallel_loop3A_415 = arith.addf %parallel_loop3A_414, %get3A_292 : vector<16xf32>
        %parallel_loop3A_416 = arith.index_cast %parallel_loop3A_298 : i32 to index
        %parallel_loop3A_417 = arith.constant 224 : index
        %parallel_loop3A_418 = tpu.vector_load %arg9[%parallel_loop3A_416, %parallel_loop3A_417] {strides = array<i32>} : memref<128x256xf32, #tpu.memory_space<vmem>>, vector<16xf32>,
        tpu.vector_store %arg9[%parallel_loop3A_416, %parallel_loop3A_417], %parallel_loop3A_415 {strides = array<i32>} : memref<128x256xf32, #tpu.memory_space<vmem>>, vector<16xf32>,
        %parallel_loop3A_419 = arith.index_cast %parallel_loop3A_298 : i32 to index
        %parallel_loop3A_420 = arith.constant 240 : index
        %parallel_loop3A_421 = tpu.vector_load %arg9[%parallel_loop3A_419, %parallel_loop3A_420] {strides = array<i32>} : memref<128x256xf32, #tpu.memory_space<vmem>>, vector<16xf32>,
        %parallel_loop3A_422 = arith.mulf %parallel_loop3A_421, %div3A_247 : vector<16xf32>
        %parallel_loop3A_423 = arith.addf %parallel_loop3A_422, %get3A_295 : vector<16xf32>
        %parallel_loop3A_424 = arith.index_cast %parallel_loop3A_298 : i32 to index
        %parallel_loop3A_425 = arith.constant 240 : index
        %parallel_loop3A_426 = tpu.vector_load %arg9[%parallel_loop3A_424, %parallel_loop3A_425] {strides = array<i32>} : memref<128x256xf32, #tpu.memory_space<vmem>>, vector<16xf32>,
        tpu.vector_store %arg9[%parallel_loop3A_424, %parallel_loop3A_425], %parallel_loop3A_423 {strides = array<i32>} : memref<128x256xf32, #tpu.memory_space<vmem>>, vector<16xf32>,
      } {sc.loop_unroll_factor = 2 : i64, sc.parallel_access}
      scf.yield %min3A_297 : i32
    }
    %dma_start3A_50 = arith.constant 0 : i32
    %dma_start3A_51 = tpu.memref_slice %arg5[%add3A_38, %dma_start3A_50] : memref<32768x256xf32, #tpu.memory_space<hbm>> -> memref<128x256xf32, #tpu.memory_space<hbm>>
    %dma_start3A_52 = arith.constant 0 : i32
    %dma_start3A_53 = tpu.memref_slice %arg5[%add3A_38, %dma_start3A_52] : memref<32768x256xf32, #tpu.memory_space<hbm>> -> memref<128x256xf32, #tpu.memory_space<hbm>>
    tpu.enqueue_dma source(%arg9 : memref<128x256xf32, #tpu.memory_space<vmem>>) target(%dma_start3A_53 : memref<128x256xf32, #tpu.memory_space<hbm>>) target_semaphore(%arg15 : memref<!tpu.dma_semaphore, #tpu.memory_space<semaphore_mem>>)
    %dma_wait3A_54 = arith.constant 0 : i32
    %dma_wait3A_55 = tpu.memref_slice %arg5[%add3A_21, %dma_wait3A_54] : memref<32768x256xf32, #tpu.memory_space<hbm>> -> memref<128x256xf32, #tpu.memory_space<hbm>>
    %dma_wait3A_56 = arith.constant 0 : i32
    %dma_wait3A_57 = tpu.memref_slice %arg5[%add3A_21, %dma_wait3A_56] : memref<32768x256xf32, #tpu.memory_space<hbm>> -> memref<128x256xf32, #tpu.memory_space<hbm>>
    tpu.wait_dma2 semaphore(%arg14 : memref<!tpu.dma_semaphore, #tpu.memory_space<semaphore_mem>>) src(%arg8 : memref<128x256xf32, #tpu.memory_space<vmem>>) dst(%dma_wait3A_57 : memref<128x256xf32, #tpu.memory_space<hbm>>)
    %add3A_58 = arith.constant 384 : i32
    %add3A_59 = arith.addi %mul3A_2, %add3A_58 : i32
    %dma_start3A_60 = arith.constant 0 : i32
    %dma_start3A_61 = tpu.memref_slice %arg3[%add3A_59, %dma_start3A_60] : memref<32768x256xf32, #tpu.memory_space<hbm>> -> memref<128x256xf32, #tpu.memory_space<hbm>>
    %dma_start3A_62 = arith.constant 0 : i32
    %dma_start3A_63 = tpu.memref_slice %arg3[%add3A_59, %dma_start3A_62] : memref<32768x256xf32, #tpu.memory_space<hbm>> -> memref<128x256xf32, #tpu.memory_space<hbm>>
    tpu.enqueue_dma source(%dma_start3A_63 : memref<128x256xf32, #tpu.memory_space<hbm>>) target(%arg8 : memref<128x256xf32, #tpu.memory_space<vmem>>) target_semaphore(%arg11 : memref<!tpu.dma_semaphore, #tpu.memory_space<semaphore_mem>>)
    %add3A_64 = arith.constant 256 : i32
    %add3A_65 = arith.addi %mul3A_2, %add3A_64 : i32
    %dma_wait3A_66 = arith.constant 0 : i32
    %dma_wait3A_67 = tpu.memref_slice %arg3[%add3A_32, %dma_wait3A_66] : memref<32768x256xf32, #tpu.memory_space<hbm>> -> memref<128x256xf32, #tpu.memory_space<hbm>>
    %dma_wait3A_68 = arith.constant 0 : i32
    %dma_wait3A_69 = tpu.memref_slice %arg3[%add3A_32, %dma_wait3A_68] : memref<32768x256xf32, #tpu.memory_space<hbm>> -> memref<128x256xf32, #tpu.memory_space<hbm>>
    tpu.wait_dma2 semaphore(%arg13 : memref<!tpu.dma_semaphore, #tpu.memory_space<semaphore_mem>>) src(%dma_wait3A_69 : memref<128x256xf32, #tpu.memory_space<hbm>>) dst(%arg10 : memref<128x256xf32, #tpu.memory_space<vmem>>)
    %sub3A_70 = arith.subi %squeeze3A, %add3A_65 : i32
    %jit3A_71 = arith.constant 0 : i32
    %jit3A_72 = arith.constant 128 : i32
    %max3A_73 = arith.maxsi %jit3A_71, %sub3A_70 : i32
    %min3A_74 = arith.minsi %jit3A_72, %max3A_73 : i32
    %while3A_75 = arith.constant 0 : i32
    %while3A_76 = scf.while (%while3A_218 = %while3A_75) : (i32) -> i32 {
      %lt3A = arith.cmpi slt, %while3A_218, %min3A_74 : i32
      scf.condition(%lt3A) %while3A_218 : i32
    } do {
    ^bb0(%while3A_218: i32):
      %add3A_219 = arith.addi %add3A_65, %while3A_218 : i32
      %broadcast_in_dim3A_220 = vector.broadcast %add3A_219 : i32 to vector<16xi32>
      %gt3A = arith.cmpi sgt, %masked_cumsum3A, %broadcast_in_dim3A_220 : vector<16xi32>
      %not3A = arith.constant dense<true> : vector<16xi1>
      %not3A_221 = arith.xori %gt3A, %not3A : vector<16xi1>
      %convert_element_type3A = arith.extui %not3A_221 : vector<16xi1> to vector<16xi32>
      %reduce_sum3A = arith.constant true
      %reduce_sum3A_222 = vector.broadcast %reduce_sum3A : i1 to vector<16xi1>
      %reduce_sum3A_223 = tpu.scan <sum>, %convert_element_type3A masked %reduce_sum3A_222 : vector<16xi32>, vector<16xi1> -> vector<16xi32>
      %reduce_sum3A_224 = vector.extract %reduce_sum3A_223[15] : i32 from vector<16xi32>
      %select_n3A = arith.select %gt3A, %masked_cumsum3A, %broadcast_in_dim3A_17 : vector<16xi1>, vector<16xi32>
      %reduce_min3A = arith.constant true
      %reduce_min3A_225 = vector.broadcast %reduce_min3A : i1 to vector<16xi1>
      %reduce_min3A_226 = arith.constant -2147483648 : i32
      %reduce_min3A_227 = vector.broadcast %reduce_min3A_226 : i32 to vector<16xi32>
      %reduce_min3A_228 = arith.xori %select_n3A, %reduce_min3A_227 : vector<16xi32>
      %reduce_min3A_229 = tpu.scan <min>, %reduce_min3A_228 masked %reduce_min3A_225 : vector<16xi32>, vector<16xi1> -> vector<16xi32>
      %reduce_min3A_230 = arith.xori %reduce_min3A_229, %reduce_min3A_227 : vector<16xi32>
      %reduce_min3A_231 = vector.extract %reduce_min3A_230[15] : i32 from vector<16xi32>
      %select_n3A_232 = arith.select %gt3A, %broadcast_in_dim3A_19, %masked_cumsum3A : vector<16xi1>, vector<16xi32>
      %reduce_max3A = arith.constant true
      %reduce_max3A_233 = vector.broadcast %reduce_max3A : i1 to vector<16xi1>
      %reduce_max3A_234 = arith.constant -2147483648 : i32
      %reduce_max3A_235 = vector.broadcast %reduce_max3A_234 : i32 to vector<16xi32>
      %reduce_max3A_236 = arith.xori %select_n3A_232, %reduce_max3A_235 : vector<16xi32>
      %reduce_max3A_237 = tpu.scan <max>, %reduce_max3A_236 masked %reduce_max3A_233 : vector<16xi32>, vector<16xi1> -> vector<16xi32>
      %reduce_max3A_238 = arith.xori %reduce_max3A_237, %reduce_max3A_235 : vector<16xi32>
      %reduce_max3A_239 = vector.extract %reduce_max3A_238[15] : i32 from vector<16xi32>
      %sub3A_240 = arith.subi %reduce_min3A_231, %reduce_max3A_239 : i32
      %broadcast_in_dim3A_241 = vector.broadcast %sub3A_240 : i32 to vector<16xi32>
      %convert_element_type3A_242 = arith.sitofp %broadcast_in_dim3A_241 : vector<16xi32> to vector<16xf32>
      %max3A_243 = arith.constant 1.000000e+00 : f32
      %max3A_244 = vector.broadcast %max3A_243 : f32 to vector<16xf32>
      %max3A_245 = arith.maximumf %convert_element_type3A_242, %max3A_244 : vector<16xf32>
      %div3A = arith.constant 1.000000e+00 : f32
      %div3A_246 = vector.broadcast %div3A : f32 to vector<16xf32>
      %div3A_247 = arith.divf %div3A_246, %max3A_245 : vector<16xf32>
      %get3A_248 = arith.index_cast %reduce_sum3A_224 : i32 to index
      %get3A_249 = arith.constant 0 : index
      %get3A_250 = tpu.vector_load %arg7[%get3A_248, %get3A_249] {strides = array<i32>} : memref<16x256xf32, #tpu.memory_space<vmem>>, vector<16xf32>,
      %get3A_251 = arith.index_cast %reduce_sum3A_224 : i32 to index
      %get3A_252 = arith.constant 16 : index
      %get3A_253 = tpu.vector_load %arg7[%get3A_251, %get3A_252] {strides = array<i32>} : memref<16x256xf32, #tpu.memory_space<vmem>>, vector<16xf32>,
      %get3A_254 = arith.index_cast %reduce_sum3A_224 : i32 to index
      %get3A_255 = arith.constant 32 : index
      %get3A_256 = tpu.vector_load %arg7[%get3A_254, %get3A_255] {strides = array<i32>} : memref<16x256xf32, #tpu.memory_space<vmem>>, vector<16xf32>,
      %get3A_257 = arith.index_cast %reduce_sum3A_224 : i32 to index
      %get3A_258 = arith.constant 48 : index
      %get3A_259 = tpu.vector_load %arg7[%get3A_257, %get3A_258] {strides = array<i32>} : memref<16x256xf32, #tpu.memory_space<vmem>>, vector<16xf32>,
      %get3A_260 = arith.index_cast %reduce_sum3A_224 : i32 to index
      %get3A_261 = arith.constant 64 : index
      %get3A_262 = tpu.vector_load %arg7[%get3A_260, %get3A_261] {strides = array<i32>} : memref<16x256xf32, #tpu.memory_space<vmem>>, vector<16xf32>,
      %get3A_263 = arith.index_cast %reduce_sum3A_224 : i32 to index
      %get3A_264 = arith.constant 80 : index
      %get3A_265 = tpu.vector_load %arg7[%get3A_263, %get3A_264] {strides = array<i32>} : memref<16x256xf32, #tpu.memory_space<vmem>>, vector<16xf32>,
      %get3A_266 = arith.index_cast %reduce_sum3A_224 : i32 to index
      %get3A_267 = arith.constant 96 : index
      %get3A_268 = tpu.vector_load %arg7[%get3A_266, %get3A_267] {strides = array<i32>} : memref<16x256xf32, #tpu.memory_space<vmem>>, vector<16xf32>,
      %get3A_269 = arith.index_cast %reduce_sum3A_224 : i32 to index
      %get3A_270 = arith.constant 112 : index
      %get3A_271 = tpu.vector_load %arg7[%get3A_269, %get3A_270] {strides = array<i32>} : memref<16x256xf32, #tpu.memory_space<vmem>>, vector<16xf32>,
      %get3A_272 = arith.index_cast %reduce_sum3A_224 : i32 to index
      %get3A_273 = arith.constant 128 : index
      %get3A_274 = tpu.vector_load %arg7[%get3A_272, %get3A_273] {strides = array<i32>} : memref<16x256xf32, #tpu.memory_space<vmem>>, vector<16xf32>,
      %get3A_275 = arith.index_cast %reduce_sum3A_224 : i32 to index
      %get3A_276 = arith.constant 144 : index
      %get3A_277 = tpu.vector_load %arg7[%get3A_275, %get3A_276] {strides = array<i32>} : memref<16x256xf32, #tpu.memory_space<vmem>>, vector<16xf32>,
      %get3A_278 = arith.index_cast %reduce_sum3A_224 : i32 to index
      %get3A_279 = arith.constant 160 : index
      %get3A_280 = tpu.vector_load %arg7[%get3A_278, %get3A_279] {strides = array<i32>} : memref<16x256xf32, #tpu.memory_space<vmem>>, vector<16xf32>,
      %get3A_281 = arith.index_cast %reduce_sum3A_224 : i32 to index
      %get3A_282 = arith.constant 176 : index
      %get3A_283 = tpu.vector_load %arg7[%get3A_281, %get3A_282] {strides = array<i32>} : memref<16x256xf32, #tpu.memory_space<vmem>>, vector<16xf32>,
      %get3A_284 = arith.index_cast %reduce_sum3A_224 : i32 to index
      %get3A_285 = arith.constant 192 : index
      %get3A_286 = tpu.vector_load %arg7[%get3A_284, %get3A_285] {strides = array<i32>} : memref<16x256xf32, #tpu.memory_space<vmem>>, vector<16xf32>,
      %get3A_287 = arith.index_cast %reduce_sum3A_224 : i32 to index
      %get3A_288 = arith.constant 208 : index
      %get3A_289 = tpu.vector_load %arg7[%get3A_287, %get3A_288] {strides = array<i32>} : memref<16x256xf32, #tpu.memory_space<vmem>>, vector<16xf32>,
      %get3A_290 = arith.index_cast %reduce_sum3A_224 : i32 to index
      %get3A_291 = arith.constant 224 : index
      %get3A_292 = tpu.vector_load %arg7[%get3A_290, %get3A_291] {strides = array<i32>} : memref<16x256xf32, #tpu.memory_space<vmem>>, vector<16xf32>,
      %get3A_293 = arith.index_cast %reduce_sum3A_224 : i32 to index
      %get3A_294 = arith.constant 240 : index
      %get3A_295 = tpu.vector_load %arg7[%get3A_293, %get3A_294] {strides = array<i32>} : memref<16x256xf32, #tpu.memory_space<vmem>>, vector<16xf32>,
      %sub3A_296 = arith.subi %reduce_min3A_231, %add3A_65 : i32
      %min3A_297 = arith.minsi %sub3A_296, %min3A_74 : i32
      %parallel_loop3A = arith.constant 1 : i32
      scf.for %parallel_loop3A_298 = %while3A_218 to %min3A_297 step %parallel_loop3A  : i32 {
        %parallel_loop3A_299 = arith.index_cast %parallel_loop3A_298 : i32 to index
        %parallel_loop3A_300 = arith.constant 0 : index
        %parallel_loop3A_301 = tpu.vector_load %arg10[%parallel_loop3A_299, %parallel_loop3A_300] {strides = array<i32>} : memref<128x256xf32, #tpu.memory_space<vmem>>, vector<16xf32>,
        %parallel_loop3A_302 = arith.mulf %parallel_loop3A_301, %div3A_247 : vector<16xf32>
        %parallel_loop3A_303 = arith.addf %parallel_loop3A_302, %get3A_250 : vector<16xf32>
        %parallel_loop3A_304 = arith.index_cast %parallel_loop3A_298 : i32 to index
        %parallel_loop3A_305 = arith.constant 0 : index
        %parallel_loop3A_306 = tpu.vector_load %arg10[%parallel_loop3A_304, %parallel_loop3A_305] {strides = array<i32>} : memref<128x256xf32, #tpu.memory_space<vmem>>, vector<16xf32>,
        tpu.vector_store %arg10[%parallel_loop3A_304, %parallel_loop3A_305], %parallel_loop3A_303 {strides = array<i32>} : memref<128x256xf32, #tpu.memory_space<vmem>>, vector<16xf32>,
        %parallel_loop3A_307 = arith.index_cast %parallel_loop3A_298 : i32 to index
        %parallel_loop3A_308 = arith.constant 16 : index
        %parallel_loop3A_309 = tpu.vector_load %arg10[%parallel_loop3A_307, %parallel_loop3A_308] {strides = array<i32>} : memref<128x256xf32, #tpu.memory_space<vmem>>, vector<16xf32>,
        %parallel_loop3A_310 = arith.mulf %parallel_loop3A_309, %div3A_247 : vector<16xf32>
        %parallel_loop3A_311 = arith.addf %parallel_loop3A_310, %get3A_253 : vector<16xf32>
        %parallel_loop3A_312 = arith.index_cast %parallel_loop3A_298 : i32 to index
        %parallel_loop3A_313 = arith.constant 16 : index
        %parallel_loop3A_314 = tpu.vector_load %arg10[%parallel_loop3A_312, %parallel_loop3A_313] {strides = array<i32>} : memref<128x256xf32, #tpu.memory_space<vmem>>, vector<16xf32>,
        tpu.vector_store %arg10[%parallel_loop3A_312, %parallel_loop3A_313], %parallel_loop3A_311 {strides = array<i32>} : memref<128x256xf32, #tpu.memory_space<vmem>>, vector<16xf32>,
        %parallel_loop3A_315 = arith.index_cast %parallel_loop3A_298 : i32 to index
        %parallel_loop3A_316 = arith.constant 32 : index
        %parallel_loop3A_317 = tpu.vector_load %arg10[%parallel_loop3A_315, %parallel_loop3A_316] {strides = array<i32>} : memref<128x256xf32, #tpu.memory_space<vmem>>, vector<16xf32>,
        %parallel_loop3A_318 = arith.mulf %parallel_loop3A_317, %div3A_247 : vector<16xf32>
        %parallel_loop3A_319 = arith.addf %parallel_loop3A_318, %get3A_256 : vector<16xf32>
        %parallel_loop3A_320 = arith.index_cast %parallel_loop3A_298 : i32 to index
        %parallel_loop3A_321 = arith.constant 32 : index
        %parallel_loop3A_322 = tpu.vector_load %arg10[%parallel_loop3A_320, %parallel_loop3A_321] {strides = array<i32>} : memref<128x256xf32, #tpu.memory_space<vmem>>, vector<16xf32>,
        tpu.vector_store %arg10[%parallel_loop3A_320, %parallel_loop3A_321], %parallel_loop3A_319 {strides = array<i32>} : memref<128x256xf32, #tpu.memory_space<vmem>>, vector<16xf32>,
        %parallel_loop3A_323 = arith.index_cast %parallel_loop3A_298 : i32 to index
        %parallel_loop3A_324 = arith.constant 48 : index
        %parallel_loop3A_325 = tpu.vector_load %arg10[%parallel_loop3A_323, %parallel_loop3A_324] {strides = array<i32>} : memref<128x256xf32, #tpu.memory_space<vmem>>, vector<16xf32>,
        %parallel_loop3A_326 = arith.mulf %parallel_loop3A_325, %div3A_247 : vector<16xf32>
        %parallel_loop3A_327 = arith.addf %parallel_loop3A_326, %get3A_259 : vector<16xf32>
        %parallel_loop3A_328 = arith.index_cast %parallel_loop3A_298 : i32 to index
        %parallel_loop3A_329 = arith.constant 48 : index
        %parallel_loop3A_330 = tpu.vector_load %arg10[%parallel_loop3A_328, %parallel_loop3A_329] {strides = array<i32>} : memref<128x256xf32, #tpu.memory_space<vmem>>, vector<16xf32>,
        tpu.vector_store %arg10[%parallel_loop3A_328, %parallel_loop3A_329], %parallel_loop3A_327 {strides = array<i32>} : memref<128x256xf32, #tpu.memory_space<vmem>>, vector<16xf32>,
        %parallel_loop3A_331 = arith.index_cast %parallel_loop3A_298 : i32 to index
        %parallel_loop3A_332 = arith.constant 64 : index
        %parallel_loop3A_333 = tpu.vector_load %arg10[%parallel_loop3A_331, %parallel_loop3A_332] {strides = array<i32>} : memref<128x256xf32, #tpu.memory_space<vmem>>, vector<16xf32>,
        %parallel_loop3A_334 = arith.mulf %parallel_loop3A_333, %div3A_247 : vector<16xf32>
        %parallel_loop3A_335 = arith.addf %parallel_loop3A_334, %get3A_262 : vector<16xf32>
        %parallel_loop3A_336 = arith.index_cast %parallel_loop3A_298 : i32 to index
        %parallel_loop3A_337 = arith.constant 64 : index
        %parallel_loop3A_338 = tpu.vector_load %arg10[%parallel_loop3A_336, %parallel_loop3A_337] {strides = array<i32>} : memref<128x256xf32, #tpu.memory_space<vmem>>, vector<16xf32>,
        tpu.vector_store %arg10[%parallel_loop3A_336, %parallel_loop3A_337], %parallel_loop3A_335 {strides = array<i32>} : memref<128x256xf32, #tpu.memory_space<vmem>>, vector<16xf32>,
        %parallel_loop3A_339 = arith.index_cast %parallel_loop3A_298 : i32 to index
        %parallel_loop3A_340 = arith.constant 80 : index
        %parallel_loop3A_341 = tpu.vector_load %arg10[%parallel_loop3A_339, %parallel_loop3A_340] {strides = array<i32>} : memref<128x256xf32, #tpu.memory_space<vmem>>, vector<16xf32>,
        %parallel_loop3A_342 = arith.mulf %parallel_loop3A_341, %div3A_247 : vector<16xf32>
        %parallel_loop3A_343 = arith.addf %parallel_loop3A_342, %get3A_265 : vector<16xf32>
        %parallel_loop3A_344 = arith.index_cast %parallel_loop3A_298 : i32 to index
        %parallel_loop3A_345 = arith.constant 80 : index
        %parallel_loop3A_346 = tpu.vector_load %arg10[%parallel_loop3A_344, %parallel_loop3A_345] {strides = array<i32>} : memref<128x256xf32, #tpu.memory_space<vmem>>, vector<16xf32>,
        tpu.vector_store %arg10[%parallel_loop3A_344, %parallel_loop3A_345], %parallel_loop3A_343 {strides = array<i32>} : memref<128x256xf32, #tpu.memory_space<vmem>>, vector<16xf32>,
        %parallel_loop3A_347 = arith.index_cast %parallel_loop3A_298 : i32 to index
        %parallel_loop3A_348 = arith.constant 96 : index
        %parallel_loop3A_349 = tpu.vector_load %arg10[%parallel_loop3A_347, %parallel_loop3A_348] {strides = array<i32>} : memref<128x256xf32, #tpu.memory_space<vmem>>, vector<16xf32>,
        %parallel_loop3A_350 = arith.mulf %parallel_loop3A_349, %div3A_247 : vector<16xf32>
        %parallel_loop3A_351 = arith.addf %parallel_loop3A_350, %get3A_268 : vector<16xf32>
        %parallel_loop3A_352 = arith.index_cast %parallel_loop3A_298 : i32 to index
        %parallel_loop3A_353 = arith.constant 96 : index
        %parallel_loop3A_354 = tpu.vector_load %arg10[%parallel_loop3A_352, %parallel_loop3A_353] {strides = array<i32>} : memref<128x256xf32, #tpu.memory_space<vmem>>, vector<16xf32>,
        tpu.vector_store %arg10[%parallel_loop3A_352, %parallel_loop3A_353], %parallel_loop3A_351 {strides = array<i32>} : memref<128x256xf32, #tpu.memory_space<vmem>>, vector<16xf32>,
        %parallel_loop3A_355 = arith.index_cast %parallel_loop3A_298 : i32 to index
        %parallel_loop3A_356 = arith.constant 112 : index
        %parallel_loop3A_357 = tpu.vector_load %arg10[%parallel_loop3A_355, %parallel_loop3A_356] {strides = array<i32>} : memref<128x256xf32, #tpu.memory_space<vmem>>, vector<16xf32>,
        %parallel_loop3A_358 = arith.mulf %parallel_loop3A_357, %div3A_247 : vector<16xf32>
        %parallel_loop3A_359 = arith.addf %parallel_loop3A_358, %get3A_271 : vector<16xf32>
        %parallel_loop3A_360 = arith.index_cast %parallel_loop3A_298 : i32 to index
        %parallel_loop3A_361 = arith.constant 112 : index
        %parallel_loop3A_362 = tpu.vector_load %arg10[%parallel_loop3A_360, %parallel_loop3A_361] {strides = array<i32>} : memref<128x256xf32, #tpu.memory_space<vmem>>, vector<16xf32>,
        tpu.vector_store %arg10[%parallel_loop3A_360, %parallel_loop3A_361], %parallel_loop3A_359 {strides = array<i32>} : memref<128x256xf32, #tpu.memory_space<vmem>>, vector<16xf32>,
        %parallel_loop3A_363 = arith.index_cast %parallel_loop3A_298 : i32 to index
        %parallel_loop3A_364 = arith.constant 128 : index
        %parallel_loop3A_365 = tpu.vector_load %arg10[%parallel_loop3A_363, %parallel_loop3A_364] {strides = array<i32>} : memref<128x256xf32, #tpu.memory_space<vmem>>, vector<16xf32>,
        %parallel_loop3A_366 = arith.mulf %parallel_loop3A_365, %div3A_247 : vector<16xf32>
        %parallel_loop3A_367 = arith.addf %parallel_loop3A_366, %get3A_274 : vector<16xf32>
        %parallel_loop3A_368 = arith.index_cast %parallel_loop3A_298 : i32 to index
        %parallel_loop3A_369 = arith.constant 128 : index
        %parallel_loop3A_370 = tpu.vector_load %arg10[%parallel_loop3A_368, %parallel_loop3A_369] {strides = array<i32>} : memref<128x256xf32, #tpu.memory_space<vmem>>, vector<16xf32>,
        tpu.vector_store %arg10[%parallel_loop3A_368, %parallel_loop3A_369], %parallel_loop3A_367 {strides = array<i32>} : memref<128x256xf32, #tpu.memory_space<vmem>>, vector<16xf32>,
        %parallel_loop3A_371 = arith.index_cast %parallel_loop3A_298 : i32 to index
        %parallel_loop3A_372 = arith.constant 144 : index
        %parallel_loop3A_373 = tpu.vector_load %arg10[%parallel_loop3A_371, %parallel_loop3A_372] {strides = array<i32>} : memref<128x256xf32, #tpu.memory_space<vmem>>, vector<16xf32>,
        %parallel_loop3A_374 = arith.mulf %parallel_loop3A_373, %div3A_247 : vector<16xf32>
        %parallel_loop3A_375 = arith.addf %parallel_loop3A_374, %get3A_277 : vector<16xf32>
        %parallel_loop3A_376 = arith.index_cast %parallel_loop3A_298 : i32 to index
        %parallel_loop3A_377 = arith.constant 144 : index
        %parallel_loop3A_378 = tpu.vector_load %arg10[%parallel_loop3A_376, %parallel_loop3A_377] {strides = array<i32>} : memref<128x256xf32, #tpu.memory_space<vmem>>, vector<16xf32>,
        tpu.vector_store %arg10[%parallel_loop3A_376, %parallel_loop3A_377], %parallel_loop3A_375 {strides = array<i32>} : memref<128x256xf32, #tpu.memory_space<vmem>>, vector<16xf32>,
        %parallel_loop3A_379 = arith.index_cast %parallel_loop3A_298 : i32 to index
        %parallel_loop3A_380 = arith.constant 160 : index
        %parallel_loop3A_381 = tpu.vector_load %arg10[%parallel_loop3A_379, %parallel_loop3A_380] {strides = array<i32>} : memref<128x256xf32, #tpu.memory_space<vmem>>, vector<16xf32>,
        %parallel_loop3A_382 = arith.mulf %parallel_loop3A_381, %div3A_247 : vector<16xf32>
        %parallel_loop3A_383 = arith.addf %parallel_loop3A_382, %get3A_280 : vector<16xf32>
        %parallel_loop3A_384 = arith.index_cast %parallel_loop3A_298 : i32 to index
        %parallel_loop3A_385 = arith.constant 160 : index
        %parallel_loop3A_386 = tpu.vector_load %arg10[%parallel_loop3A_384, %parallel_loop3A_385] {strides = array<i32>} : memref<128x256xf32, #tpu.memory_space<vmem>>, vector<16xf32>,
        tpu.vector_store %arg10[%parallel_loop3A_384, %parallel_loop3A_385], %parallel_loop3A_383 {strides = array<i32>} : memref<128x256xf32, #tpu.memory_space<vmem>>, vector<16xf32>,
        %parallel_loop3A_387 = arith.index_cast %parallel_loop3A_298 : i32 to index
        %parallel_loop3A_388 = arith.constant 176 : index
        %parallel_loop3A_389 = tpu.vector_load %arg10[%parallel_loop3A_387, %parallel_loop3A_388] {strides = array<i32>} : memref<128x256xf32, #tpu.memory_space<vmem>>, vector<16xf32>,
        %parallel_loop3A_390 = arith.mulf %parallel_loop3A_389, %div3A_247 : vector<16xf32>
        %parallel_loop3A_391 = arith.addf %parallel_loop3A_390, %get3A_283 : vector<16xf32>
        %parallel_loop3A_392 = arith.index_cast %parallel_loop3A_298 : i32 to index
        %parallel_loop3A_393 = arith.constant 176 : index
        %parallel_loop3A_394 = tpu.vector_load %arg10[%parallel_loop3A_392, %parallel_loop3A_393] {strides = array<i32>} : memref<128x256xf32, #tpu.memory_space<vmem>>, vector<16xf32>,
        tpu.vector_store %arg10[%parallel_loop3A_392, %parallel_loop3A_393], %parallel_loop3A_391 {strides = array<i32>} : memref<128x256xf32, #tpu.memory_space<vmem>>, vector<16xf32>,
        %parallel_loop3A_395 = arith.index_cast %parallel_loop3A_298 : i32 to index
        %parallel_loop3A_396 = arith.constant 192 : index
        %parallel_loop3A_397 = tpu.vector_load %arg10[%parallel_loop3A_395, %parallel_loop3A_396] {strides = array<i32>} : memref<128x256xf32, #tpu.memory_space<vmem>>, vector<16xf32>,
        %parallel_loop3A_398 = arith.mulf %parallel_loop3A_397, %div3A_247 : vector<16xf32>
        %parallel_loop3A_399 = arith.addf %parallel_loop3A_398, %get3A_286 : vector<16xf32>
        %parallel_loop3A_400 = arith.index_cast %parallel_loop3A_298 : i32 to index
        %parallel_loop3A_401 = arith.constant 192 : index
        %parallel_loop3A_402 = tpu.vector_load %arg10[%parallel_loop3A_400, %parallel_loop3A_401] {strides = array<i32>} : memref<128x256xf32, #tpu.memory_space<vmem>>, vector<16xf32>,
        tpu.vector_store %arg10[%parallel_loop3A_400, %parallel_loop3A_401], %parallel_loop3A_399 {strides = array<i32>} : memref<128x256xf32, #tpu.memory_space<vmem>>, vector<16xf32>,
        %parallel_loop3A_403 = arith.index_cast %parallel_loop3A_298 : i32 to index
        %parallel_loop3A_404 = arith.constant 208 : index
        %parallel_loop3A_405 = tpu.vector_load %arg10[%parallel_loop3A_403, %parallel_loop3A_404] {strides = array<i32>} : memref<128x256xf32, #tpu.memory_space<vmem>>, vector<16xf32>,
        %parallel_loop3A_406 = arith.mulf %parallel_loop3A_405, %div3A_247 : vector<16xf32>
        %parallel_loop3A_407 = arith.addf %parallel_loop3A_406, %get3A_289 : vector<16xf32>
        %parallel_loop3A_408 = arith.index_cast %parallel_loop3A_298 : i32 to index
        %parallel_loop3A_409 = arith.constant 208 : index
        %parallel_loop3A_410 = tpu.vector_load %arg10[%parallel_loop3A_408, %parallel_loop3A_409] {strides = array<i32>} : memref<128x256xf32, #tpu.memory_space<vmem>>, vector<16xf32>,
        tpu.vector_store %arg10[%parallel_loop3A_408, %parallel_loop3A_409], %parallel_loop3A_407 {strides = array<i32>} : memref<128x256xf32, #tpu.memory_space<vmem>>, vector<16xf32>,
        %parallel_loop3A_411 = arith.index_cast %parallel_loop3A_298 : i32 to index
        %parallel_loop3A_412 = arith.constant 224 : index
        %parallel_loop3A_413 = tpu.vector_load %arg10[%parallel_loop3A_411, %parallel_loop3A_412] {strides = array<i32>} : memref<128x256xf32, #tpu.memory_space<vmem>>, vector<16xf32>,
        %parallel_loop3A_414 = arith.mulf %parallel_loop3A_413, %div3A_247 : vector<16xf32>
        %parallel_loop3A_415 = arith.addf %parallel_loop3A_414, %get3A_292 : vector<16xf32>
        %parallel_loop3A_416 = arith.index_cast %parallel_loop3A_298 : i32 to index
        %parallel_loop3A_417 = arith.constant 224 : index
        %parallel_loop3A_418 = tpu.vector_load %arg10[%parallel_loop3A_416, %parallel_loop3A_417] {strides = array<i32>} : memref<128x256xf32, #tpu.memory_space<vmem>>, vector<16xf32>,
        tpu.vector_store %arg10[%parallel_loop3A_416, %parallel_loop3A_417], %parallel_loop3A_415 {strides = array<i32>} : memref<128x256xf32, #tpu.memory_space<vmem>>, vector<16xf32>,
        %parallel_loop3A_419 = arith.index_cast %parallel_loop3A_298 : i32 to index
        %parallel_loop3A_420 = arith.constant 240 : index
        %parallel_loop3A_421 = tpu.vector_load %arg10[%parallel_loop3A_419, %parallel_loop3A_420] {strides = array<i32>} : memref<128x256xf32, #tpu.memory_space<vmem>>, vector<16xf32>,
        %parallel_loop3A_422 = arith.mulf %parallel_loop3A_421, %div3A_247 : vector<16xf32>
        %parallel_loop3A_423 = arith.addf %parallel_loop3A_422, %get3A_295 : vector<16xf32>
        %parallel_loop3A_424 = arith.index_cast %parallel_loop3A_298 : i32 to index
        %parallel_loop3A_425 = arith.constant 240 : index
        %parallel_loop3A_426 = tpu.vector_load %arg10[%parallel_loop3A_424, %parallel_loop3A_425] {strides = array<i32>} : memref<128x256xf32, #tpu.memory_space<vmem>>, vector<16xf32>,
        tpu.vector_store %arg10[%parallel_loop3A_424, %parallel_loop3A_425], %parallel_loop3A_423 {strides = array<i32>} : memref<128x256xf32, #tpu.memory_space<vmem>>, vector<16xf32>,
      } {sc.loop_unroll_factor = 2 : i64, sc.parallel_access}
      scf.yield %min3A_297 : i32
    }
    %dma_start3A_77 = arith.constant 0 : i32
    %dma_start3A_78 = tpu.memref_slice %arg5[%add3A_65, %dma_start3A_77] : memref<32768x256xf32, #tpu.memory_space<hbm>> -> memref<128x256xf32, #tpu.memory_space<hbm>>
    %dma_start3A_79 = arith.constant 0 : i32
    %dma_start3A_80 = tpu.memref_slice %arg5[%add3A_65, %dma_start3A_79] : memref<32768x256xf32, #tpu.memory_space<hbm>> -> memref<128x256xf32, #tpu.memory_space<hbm>>
    tpu.enqueue_dma source(%arg10 : memref<128x256xf32, #tpu.memory_space<vmem>>) target(%dma_start3A_80 : memref<128x256xf32, #tpu.memory_space<hbm>>) target_semaphore(%arg16 : memref<!tpu.dma_semaphore, #tpu.memory_space<semaphore_mem>>)
    %dma_wait3A_81 = arith.constant 0 : i32
    %dma_wait3A_82 = tpu.memref_slice %arg5[%add3A_38, %dma_wait3A_81] : memref<32768x256xf32, #tpu.memory_space<hbm>> -> memref<128x256xf32, #tpu.memory_space<hbm>>
    %dma_wait3A_83 = arith.constant 0 : i32
    %dma_wait3A_84 = tpu.memref_slice %arg5[%add3A_38, %dma_wait3A_83] : memref<32768x256xf32, #tpu.memory_space<hbm>> -> memref<128x256xf32, #tpu.memory_space<hbm>>
    tpu.wait_dma2 semaphore(%arg15 : memref<!tpu.dma_semaphore, #tpu.memory_space<semaphore_mem>>) src(%arg9 : memref<128x256xf32, #tpu.memory_space<vmem>>) dst(%dma_wait3A_84 : memref<128x256xf32, #tpu.memory_space<hbm>>)
    %add3A_85 = arith.constant 512 : i32
    %add3A_86 = arith.addi %mul3A_2, %add3A_85 : i32
    %dma_start3A_87 = arith.constant 0 : i32
    %dma_start3A_88 = tpu.memref_slice %arg3[%add3A_86, %dma_start3A_87] : memref<32768x256xf32, #tpu.memory_space<hbm>> -> memref<128x256xf32, #tpu.memory_space<hbm>>
    %dma_start3A_89 = arith.constant 0 : i32
    %dma_start3A_90 = tpu.memref_slice %arg3[%add3A_86, %dma_start3A_89] : memref<32768x256xf32, #tpu.memory_space<hbm>> -> memref<128x256xf32, #tpu.memory_space<hbm>>
    tpu.enqueue_dma source(%dma_start3A_90 : memref<128x256xf32, #tpu.memory_space<hbm>>) target(%arg9 : memref<128x256xf32, #tpu.memory_space<vmem>>) target_semaphore(%arg12 : memref<!tpu.dma_semaphore, #tpu.memory_space<semaphore_mem>>)
    %add3A_91 = arith.constant 384 : i32
    %add3A_92 = arith.addi %mul3A_2, %add3A_91 : i32
    %dma_wait3A_93 = arith.constant 0 : i32
    %dma_wait3A_94 = tpu.memref_slice %arg3[%add3A_59, %dma_wait3A_93] : memref<32768x256xf32, #tpu.memory_space<hbm>> -> memref<128x256xf32, #tpu.memory_space<hbm>>
    %dma_wait3A_95 = arith.constant 0 : i32
    %dma_wait3A_96 = tpu.memref_slice %arg3[%add3A_59, %dma_wait3A_95] : memref<32768x256xf32, #tpu.memory_space<hbm>> -> memref<128x256xf32, #tpu.memory_space<hbm>>
    tpu.wait_dma2 semaphore(%arg11 : memref<!tpu.dma_semaphore, #tpu.memory_space<semaphore_mem>>) src(%dma_wait3A_96 : memref<128x256xf32, #tpu.memory_space<hbm>>) dst(%arg8 : memref<128x256xf32, #tpu.memory_space<vmem>>)
    %sub3A_97 = arith.subi %squeeze3A, %add3A_92 : i32
    %jit3A_98 = arith.constant 0 : i32
    %jit3A_99 = arith.constant 128 : i32
    %max3A_100 = arith.maxsi %jit3A_98, %sub3A_97 : i32
    %min3A_101 = arith.minsi %jit3A_99, %max3A_100 : i32
    %while3A_102 = arith.constant 0 : i32
    %while3A_103 = scf.while (%while3A_218 = %while3A_102) : (i32) -> i32 {
      %lt3A = arith.cmpi slt, %while3A_218, %min3A_101 : i32
      scf.condition(%lt3A) %while3A_218 : i32
    } do {
    ^bb0(%while3A_218: i32):
      %add3A_219 = arith.addi %add3A_92, %while3A_218 : i32
      %broadcast_in_dim3A_220 = vector.broadcast %add3A_219 : i32 to vector<16xi32>
      %gt3A = arith.cmpi sgt, %masked_cumsum3A, %broadcast_in_dim3A_220 : vector<16xi32>
      %not3A = arith.constant dense<true> : vector<16xi1>
      %not3A_221 = arith.xori %gt3A, %not3A : vector<16xi1>
      %convert_element_type3A = arith.extui %not3A_221 : vector<16xi1> to vector<16xi32>
      %reduce_sum3A = arith.constant true
      %reduce_sum3A_222 = vector.broadcast %reduce_sum3A : i1 to vector<16xi1>
      %reduce_sum3A_223 = tpu.scan <sum>, %convert_element_type3A masked %reduce_sum3A_222 : vector<16xi32>, vector<16xi1> -> vector<16xi32>
      %reduce_sum3A_224 = vector.extract %reduce_sum3A_223[15] : i32 from vector<16xi32>
      %select_n3A = arith.select %gt3A, %masked_cumsum3A, %broadcast_in_dim3A_17 : vector<16xi1>, vector<16xi32>
      %reduce_min3A = arith.constant true
      %reduce_min3A_225 = vector.broadcast %reduce_min3A : i1 to vector<16xi1>
      %reduce_min3A_226 = arith.constant -2147483648 : i32
      %reduce_min3A_227 = vector.broadcast %reduce_min3A_226 : i32 to vector<16xi32>
      %reduce_min3A_228 = arith.xori %select_n3A, %reduce_min3A_227 : vector<16xi32>
      %reduce_min3A_229 = tpu.scan <min>, %reduce_min3A_228 masked %reduce_min3A_225 : vector<16xi32>, vector<16xi1> -> vector<16xi32>
      %reduce_min3A_230 = arith.xori %reduce_min3A_229, %reduce_min3A_227 : vector<16xi32>
      %reduce_min3A_231 = vector.extract %reduce_min3A_230[15] : i32 from vector<16xi32>
      %select_n3A_232 = arith.select %gt3A, %broadcast_in_dim3A_19, %masked_cumsum3A : vector<16xi1>, vector<16xi32>
      %reduce_max3A = arith.constant true
      %reduce_max3A_233 = vector.broadcast %reduce_max3A : i1 to vector<16xi1>
      %reduce_max3A_234 = arith.constant -2147483648 : i32
      %reduce_max3A_235 = vector.broadcast %reduce_max3A_234 : i32 to vector<16xi32>
      %reduce_max3A_236 = arith.xori %select_n3A_232, %reduce_max3A_235 : vector<16xi32>
      %reduce_max3A_237 = tpu.scan <max>, %reduce_max3A_236 masked %reduce_max3A_233 : vector<16xi32>, vector<16xi1> -> vector<16xi32>
      %reduce_max3A_238 = arith.xori %reduce_max3A_237, %reduce_max3A_235 : vector<16xi32>
      %reduce_max3A_239 = vector.extract %reduce_max3A_238[15] : i32 from vector<16xi32>
      %sub3A_240 = arith.subi %reduce_min3A_231, %reduce_max3A_239 : i32
      %broadcast_in_dim3A_241 = vector.broadcast %sub3A_240 : i32 to vector<16xi32>
      %convert_element_type3A_242 = arith.sitofp %broadcast_in_dim3A_241 : vector<16xi32> to vector<16xf32>
      %max3A_243 = arith.constant 1.000000e+00 : f32
      %max3A_244 = vector.broadcast %max3A_243 : f32 to vector<16xf32>
      %max3A_245 = arith.maximumf %convert_element_type3A_242, %max3A_244 : vector<16xf32>
      %div3A = arith.constant 1.000000e+00 : f32
      %div3A_246 = vector.broadcast %div3A : f32 to vector<16xf32>
      %div3A_247 = arith.divf %div3A_246, %max3A_245 : vector<16xf32>
      %get3A_248 = arith.index_cast %reduce_sum3A_224 : i32 to index
      %get3A_249 = arith.constant 0 : index
      %get3A_250 = tpu.vector_load %arg7[%get3A_248, %get3A_249] {strides = array<i32>} : memref<16x256xf32, #tpu.memory_space<vmem>>, vector<16xf32>,
      %get3A_251 = arith.index_cast %reduce_sum3A_224 : i32 to index
      %get3A_252 = arith.constant 16 : index
      %get3A_253 = tpu.vector_load %arg7[%get3A_251, %get3A_252] {strides = array<i32>} : memref<16x256xf32, #tpu.memory_space<vmem>>, vector<16xf32>,
      %get3A_254 = arith.index_cast %reduce_sum3A_224 : i32 to index
      %get3A_255 = arith.constant 32 : index
      %get3A_256 = tpu.vector_load %arg7[%get3A_254, %get3A_255] {strides = array<i32>} : memref<16x256xf32, #tpu.memory_space<vmem>>, vector<16xf32>,
      %get3A_257 = arith.index_cast %reduce_sum3A_224 : i32 to index
      %get3A_258 = arith.constant 48 : index
      %get3A_259 = tpu.vector_load %arg7[%get3A_257, %get3A_258] {strides = array<i32>} : memref<16x256xf32, #tpu.memory_space<vmem>>, vector<16xf32>,
      %get3A_260 = arith.index_cast %reduce_sum3A_224 : i32 to index
      %get3A_261 = arith.constant 64 : index
      %get3A_262 = tpu.vector_load %arg7[%get3A_260, %get3A_261] {strides = array<i32>} : memref<16x256xf32, #tpu.memory_space<vmem>>, vector<16xf32>,
      %get3A_263 = arith.index_cast %reduce_sum3A_224 : i32 to index
      %get3A_264 = arith.constant 80 : index
      %get3A_265 = tpu.vector_load %arg7[%get3A_263, %get3A_264] {strides = array<i32>} : memref<16x256xf32, #tpu.memory_space<vmem>>, vector<16xf32>,
      %get3A_266 = arith.index_cast %reduce_sum3A_224 : i32 to index
      %get3A_267 = arith.constant 96 : index
      %get3A_268 = tpu.vector_load %arg7[%get3A_266, %get3A_267] {strides = array<i32>} : memref<16x256xf32, #tpu.memory_space<vmem>>, vector<16xf32>,
      %get3A_269 = arith.index_cast %reduce_sum3A_224 : i32 to index
      %get3A_270 = arith.constant 112 : index
      %get3A_271 = tpu.vector_load %arg7[%get3A_269, %get3A_270] {strides = array<i32>} : memref<16x256xf32, #tpu.memory_space<vmem>>, vector<16xf32>,
      %get3A_272 = arith.index_cast %reduce_sum3A_224 : i32 to index
      %get3A_273 = arith.constant 128 : index
      %get3A_274 = tpu.vector_load %arg7[%get3A_272, %get3A_273] {strides = array<i32>} : memref<16x256xf32, #tpu.memory_space<vmem>>, vector<16xf32>,
      %get3A_275 = arith.index_cast %reduce_sum3A_224 : i32 to index
      %get3A_276 = arith.constant 144 : index
      %get3A_277 = tpu.vector_load %arg7[%get3A_275, %get3A_276] {strides = array<i32>} : memref<16x256xf32, #tpu.memory_space<vmem>>, vector<16xf32>,
      %get3A_278 = arith.index_cast %reduce_sum3A_224 : i32 to index
      %get3A_279 = arith.constant 160 : index
      %get3A_280 = tpu.vector_load %arg7[%get3A_278, %get3A_279] {strides = array<i32>} : memref<16x256xf32, #tpu.memory_space<vmem>>, vector<16xf32>,
      %get3A_281 = arith.index_cast %reduce_sum3A_224 : i32 to index
      %get3A_282 = arith.constant 176 : index
      %get3A_283 = tpu.vector_load %arg7[%get3A_281, %get3A_282] {strides = array<i32>} : memref<16x256xf32, #tpu.memory_space<vmem>>, vector<16xf32>,
      %get3A_284 = arith.index_cast %reduce_sum3A_224 : i32 to index
      %get3A_285 = arith.constant 192 : index
      %get3A_286 = tpu.vector_load %arg7[%get3A_284, %get3A_285] {strides = array<i32>} : memref<16x256xf32, #tpu.memory_space<vmem>>, vector<16xf32>,
      %get3A_287 = arith.index_cast %reduce_sum3A_224 : i32 to index
      %get3A_288 = arith.constant 208 : index
      %get3A_289 = tpu.vector_load %arg7[%get3A_287, %get3A_288] {strides = array<i32>} : memref<16x256xf32, #tpu.memory_space<vmem>>, vector<16xf32>,
      %get3A_290 = arith.index_cast %reduce_sum3A_224 : i32 to index
      %get3A_291 = arith.constant 224 : index
      %get3A_292 = tpu.vector_load %arg7[%get3A_290, %get3A_291] {strides = array<i32>} : memref<16x256xf32, #tpu.memory_space<vmem>>, vector<16xf32>,
      %get3A_293 = arith.index_cast %reduce_sum3A_224 : i32 to index
      %get3A_294 = arith.constant 240 : index
      %get3A_295 = tpu.vector_load %arg7[%get3A_293, %get3A_294] {strides = array<i32>} : memref<16x256xf32, #tpu.memory_space<vmem>>, vector<16xf32>,
      %sub3A_296 = arith.subi %reduce_min3A_231, %add3A_92 : i32
      %min3A_297 = arith.minsi %sub3A_296, %min3A_101 : i32
      %parallel_loop3A = arith.constant 1 : i32
      scf.for %parallel_loop3A_298 = %while3A_218 to %min3A_297 step %parallel_loop3A  : i32 {
        %parallel_loop3A_299 = arith.index_cast %parallel_loop3A_298 : i32 to index
        %parallel_loop3A_300 = arith.constant 0 : index
        %parallel_loop3A_301 = tpu.vector_load %arg8[%parallel_loop3A_299, %parallel_loop3A_300] {strides = array<i32>} : memref<128x256xf32, #tpu.memory_space<vmem>>, vector<16xf32>,
        %parallel_loop3A_302 = arith.mulf %parallel_loop3A_301, %div3A_247 : vector<16xf32>
        %parallel_loop3A_303 = arith.addf %parallel_loop3A_302, %get3A_250 : vector<16xf32>
        %parallel_loop3A_304 = arith.index_cast %parallel_loop3A_298 : i32 to index
        %parallel_loop3A_305 = arith.constant 0 : index
        %parallel_loop3A_306 = tpu.vector_load %arg8[%parallel_loop3A_304, %parallel_loop3A_305] {strides = array<i32>} : memref<128x256xf32, #tpu.memory_space<vmem>>, vector<16xf32>,
        tpu.vector_store %arg8[%parallel_loop3A_304, %parallel_loop3A_305], %parallel_loop3A_303 {strides = array<i32>} : memref<128x256xf32, #tpu.memory_space<vmem>>, vector<16xf32>,
        %parallel_loop3A_307 = arith.index_cast %parallel_loop3A_298 : i32 to index
        %parallel_loop3A_308 = arith.constant 16 : index
        %parallel_loop3A_309 = tpu.vector_load %arg8[%parallel_loop3A_307, %parallel_loop3A_308] {strides = array<i32>} : memref<128x256xf32, #tpu.memory_space<vmem>>, vector<16xf32>,
        %parallel_loop3A_310 = arith.mulf %parallel_loop3A_309, %div3A_247 : vector<16xf32>
        %parallel_loop3A_311 = arith.addf %parallel_loop3A_310, %get3A_253 : vector<16xf32>
        %parallel_loop3A_312 = arith.index_cast %parallel_loop3A_298 : i32 to index
        %parallel_loop3A_313 = arith.constant 16 : index
        %parallel_loop3A_314 = tpu.vector_load %arg8[%parallel_loop3A_312, %parallel_loop3A_313] {strides = array<i32>} : memref<128x256xf32, #tpu.memory_space<vmem>>, vector<16xf32>,
        tpu.vector_store %arg8[%parallel_loop3A_312, %parallel_loop3A_313], %parallel_loop3A_311 {strides = array<i32>} : memref<128x256xf32, #tpu.memory_space<vmem>>, vector<16xf32>,
        %parallel_loop3A_315 = arith.index_cast %parallel_loop3A_298 : i32 to index
        %parallel_loop3A_316 = arith.constant 32 : index
        %parallel_loop3A_317 = tpu.vector_load %arg8[%parallel_loop3A_315, %parallel_loop3A_316] {strides = array<i32>} : memref<128x256xf32, #tpu.memory_space<vmem>>, vector<16xf32>,
        %parallel_loop3A_318 = arith.mulf %parallel_loop3A_317, %div3A_247 : vector<16xf32>
        %parallel_loop3A_319 = arith.addf %parallel_loop3A_318, %get3A_256 : vector<16xf32>
        %parallel_loop3A_320 = arith.index_cast %parallel_loop3A_298 : i32 to index
        %parallel_loop3A_321 = arith.constant 32 : index
        %parallel_loop3A_322 = tpu.vector_load %arg8[%parallel_loop3A_320, %parallel_loop3A_321] {strides = array<i32>} : memref<128x256xf32, #tpu.memory_space<vmem>>, vector<16xf32>,
        tpu.vector_store %arg8[%parallel_loop3A_320, %parallel_loop3A_321], %parallel_loop3A_319 {strides = array<i32>} : memref<128x256xf32, #tpu.memory_space<vmem>>, vector<16xf32>,
        %parallel_loop3A_323 = arith.index_cast %parallel_loop3A_298 : i32 to index
        %parallel_loop3A_324 = arith.constant 48 : index
        %parallel_loop3A_325 = tpu.vector_load %arg8[%parallel_loop3A_323, %parallel_loop3A_324] {strides = array<i32>} : memref<128x256xf32, #tpu.memory_space<vmem>>, vector<16xf32>,
        %parallel_loop3A_326 = arith.mulf %parallel_loop3A_325, %div3A_247 : vector<16xf32>
        %parallel_loop3A_327 = arith.addf %parallel_loop3A_326, %get3A_259 : vector<16xf32>
        %parallel_loop3A_328 = arith.index_cast %parallel_loop3A_298 : i32 to index
        %parallel_loop3A_329 = arith.constant 48 : index
        %parallel_loop3A_330 = tpu.vector_load %arg8[%parallel_loop3A_328, %parallel_loop3A_329] {strides = array<i32>} : memref<128x256xf32, #tpu.memory_space<vmem>>, vector<16xf32>,
        tpu.vector_store %arg8[%parallel_loop3A_328, %parallel_loop3A_329], %parallel_loop3A_327 {strides = array<i32>} : memref<128x256xf32, #tpu.memory_space<vmem>>, vector<16xf32>,
        %parallel_loop3A_331 = arith.index_cast %parallel_loop3A_298 : i32 to index
        %parallel_loop3A_332 = arith.constant 64 : index
        %parallel_loop3A_333 = tpu.vector_load %arg8[%parallel_loop3A_331, %parallel_loop3A_332] {strides = array<i32>} : memref<128x256xf32, #tpu.memory_space<vmem>>, vector<16xf32>,
        %parallel_loop3A_334 = arith.mulf %parallel_loop3A_333, %div3A_247 : vector<16xf32>
        %parallel_loop3A_335 = arith.addf %parallel_loop3A_334, %get3A_262 : vector<16xf32>
        %parallel_loop3A_336 = arith.index_cast %parallel_loop3A_298 : i32 to index
        %parallel_loop3A_337 = arith.constant 64 : index
        %parallel_loop3A_338 = tpu.vector_load %arg8[%parallel_loop3A_336, %parallel_loop3A_337] {strides = array<i32>} : memref<128x256xf32, #tpu.memory_space<vmem>>, vector<16xf32>,
        tpu.vector_store %arg8[%parallel_loop3A_336, %parallel_loop3A_337], %parallel_loop3A_335 {strides = array<i32>} : memref<128x256xf32, #tpu.memory_space<vmem>>, vector<16xf32>,
        %parallel_loop3A_339 = arith.index_cast %parallel_loop3A_298 : i32 to index
        %parallel_loop3A_340 = arith.constant 80 : index
        %parallel_loop3A_341 = tpu.vector_load %arg8[%parallel_loop3A_339, %parallel_loop3A_340] {strides = array<i32>} : memref<128x256xf32, #tpu.memory_space<vmem>>, vector<16xf32>,
        %parallel_loop3A_342 = arith.mulf %parallel_loop3A_341, %div3A_247 : vector<16xf32>
        %parallel_loop3A_343 = arith.addf %parallel_loop3A_342, %get3A_265 : vector<16xf32>
        %parallel_loop3A_344 = arith.index_cast %parallel_loop3A_298 : i32 to index
        %parallel_loop3A_345 = arith.constant 80 : index
        %parallel_loop3A_346 = tpu.vector_load %arg8[%parallel_loop3A_344, %parallel_loop3A_345] {strides = array<i32>} : memref<128x256xf32, #tpu.memory_space<vmem>>, vector<16xf32>,
        tpu.vector_store %arg8[%parallel_loop3A_344, %parallel_loop3A_345], %parallel_loop3A_343 {strides = array<i32>} : memref<128x256xf32, #tpu.memory_space<vmem>>, vector<16xf32>,
        %parallel_loop3A_347 = arith.index_cast %parallel_loop3A_298 : i32 to index
        %parallel_loop3A_348 = arith.constant 96 : index
        %parallel_loop3A_349 = tpu.vector_load %arg8[%parallel_loop3A_347, %parallel_loop3A_348] {strides = array<i32>} : memref<128x256xf32, #tpu.memory_space<vmem>>, vector<16xf32>,
        %parallel_loop3A_350 = arith.mulf %parallel_loop3A_349, %div3A_247 : vector<16xf32>
        %parallel_loop3A_351 = arith.addf %parallel_loop3A_350, %get3A_268 : vector<16xf32>
        %parallel_loop3A_352 = arith.index_cast %parallel_loop3A_298 : i32 to index
        %parallel_loop3A_353 = arith.constant 96 : index
        %parallel_loop3A_354 = tpu.vector_load %arg8[%parallel_loop3A_352, %parallel_loop3A_353] {strides = array<i32>} : memref<128x256xf32, #tpu.memory_space<vmem>>, vector<16xf32>,
        tpu.vector_store %arg8[%parallel_loop3A_352, %parallel_loop3A_353], %parallel_loop3A_351 {strides = array<i32>} : memref<128x256xf32, #tpu.memory_space<vmem>>, vector<16xf32>,
        %parallel_loop3A_355 = arith.index_cast %parallel_loop3A_298 : i32 to index
        %parallel_loop3A_356 = arith.constant 112 : index
        %parallel_loop3A_357 = tpu.vector_load %arg8[%parallel_loop3A_355, %parallel_loop3A_356] {strides = array<i32>} : memref<128x256xf32, #tpu.memory_space<vmem>>, vector<16xf32>,
        %parallel_loop3A_358 = arith.mulf %parallel_loop3A_357, %div3A_247 : vector<16xf32>
        %parallel_loop3A_359 = arith.addf %parallel_loop3A_358, %get3A_271 : vector<16xf32>
        %parallel_loop3A_360 = arith.index_cast %parallel_loop3A_298 : i32 to index
        %parallel_loop3A_361 = arith.constant 112 : index
        %parallel_loop3A_362 = tpu.vector_load %arg8[%parallel_loop3A_360, %parallel_loop3A_361] {strides = array<i32>} : memref<128x256xf32, #tpu.memory_space<vmem>>, vector<16xf32>,
        tpu.vector_store %arg8[%parallel_loop3A_360, %parallel_loop3A_361], %parallel_loop3A_359 {strides = array<i32>} : memref<128x256xf32, #tpu.memory_space<vmem>>, vector<16xf32>,
        %parallel_loop3A_363 = arith.index_cast %parallel_loop3A_298 : i32 to index
        %parallel_loop3A_364 = arith.constant 128 : index
        %parallel_loop3A_365 = tpu.vector_load %arg8[%parallel_loop3A_363, %parallel_loop3A_364] {strides = array<i32>} : memref<128x256xf32, #tpu.memory_space<vmem>>, vector<16xf32>,
        %parallel_loop3A_366 = arith.mulf %parallel_loop3A_365, %div3A_247 : vector<16xf32>
        %parallel_loop3A_367 = arith.addf %parallel_loop3A_366, %get3A_274 : vector<16xf32>
        %parallel_loop3A_368 = arith.index_cast %parallel_loop3A_298 : i32 to index
        %parallel_loop3A_369 = arith.constant 128 : index
        %parallel_loop3A_370 = tpu.vector_load %arg8[%parallel_loop3A_368, %parallel_loop3A_369] {strides = array<i32>} : memref<128x256xf32, #tpu.memory_space<vmem>>, vector<16xf32>,
        tpu.vector_store %arg8[%parallel_loop3A_368, %parallel_loop3A_369], %parallel_loop3A_367 {strides = array<i32>} : memref<128x256xf32, #tpu.memory_space<vmem>>, vector<16xf32>,
        %parallel_loop3A_371 = arith.index_cast %parallel_loop3A_298 : i32 to index
        %parallel_loop3A_372 = arith.constant 144 : index
        %parallel_loop3A_373 = tpu.vector_load %arg8[%parallel_loop3A_371, %parallel_loop3A_372] {strides = array<i32>} : memref<128x256xf32, #tpu.memory_space<vmem>>, vector<16xf32>,
        %parallel_loop3A_374 = arith.mulf %parallel_loop3A_373, %div3A_247 : vector<16xf32>
        %parallel_loop3A_375 = arith.addf %parallel_loop3A_374, %get3A_277 : vector<16xf32>
        %parallel_loop3A_376 = arith.index_cast %parallel_loop3A_298 : i32 to index
        %parallel_loop3A_377 = arith.constant 144 : index
        %parallel_loop3A_378 = tpu.vector_load %arg8[%parallel_loop3A_376, %parallel_loop3A_377] {strides = array<i32>} : memref<128x256xf32, #tpu.memory_space<vmem>>, vector<16xf32>,
        tpu.vector_store %arg8[%parallel_loop3A_376, %parallel_loop3A_377], %parallel_loop3A_375 {strides = array<i32>} : memref<128x256xf32, #tpu.memory_space<vmem>>, vector<16xf32>,
        %parallel_loop3A_379 = arith.index_cast %parallel_loop3A_298 : i32 to index
        %parallel_loop3A_380 = arith.constant 160 : index
        %parallel_loop3A_381 = tpu.vector_load %arg8[%parallel_loop3A_379, %parallel_loop3A_380] {strides = array<i32>} : memref<128x256xf32, #tpu.memory_space<vmem>>, vector<16xf32>,
        %parallel_loop3A_382 = arith.mulf %parallel_loop3A_381, %div3A_247 : vector<16xf32>
        %parallel_loop3A_383 = arith.addf %parallel_loop3A_382, %get3A_280 : vector<16xf32>
        %parallel_loop3A_384 = arith.index_cast %parallel_loop3A_298 : i32 to index
        %parallel_loop3A_385 = arith.constant 160 : index
        %parallel_loop3A_386 = tpu.vector_load %arg8[%parallel_loop3A_384, %parallel_loop3A_385] {strides = array<i32>} : memref<128x256xf32, #tpu.memory_space<vmem>>, vector<16xf32>,
        tpu.vector_store %arg8[%parallel_loop3A_384, %parallel_loop3A_385], %parallel_loop3A_383 {strides = array<i32>} : memref<128x256xf32, #tpu.memory_space<vmem>>, vector<16xf32>,
        %parallel_loop3A_387 = arith.index_cast %parallel_loop3A_298 : i32 to index
        %parallel_loop3A_388 = arith.constant 176 : index
        %parallel_loop3A_389 = tpu.vector_load %arg8[%parallel_loop3A_387, %parallel_loop3A_388] {strides = array<i32>} : memref<128x256xf32, #tpu.memory_space<vmem>>, vector<16xf32>,
        %parallel_loop3A_390 = arith.mulf %parallel_loop3A_389, %div3A_247 : vector<16xf32>
        %parallel_loop3A_391 = arith.addf %parallel_loop3A_390, %get3A_283 : vector<16xf32>
        %parallel_loop3A_392 = arith.index_cast %parallel_loop3A_298 : i32 to index
        %parallel_loop3A_393 = arith.constant 176 : index
        %parallel_loop3A_394 = tpu.vector_load %arg8[%parallel_loop3A_392, %parallel_loop3A_393] {strides = array<i32>} : memref<128x256xf32, #tpu.memory_space<vmem>>, vector<16xf32>,
        tpu.vector_store %arg8[%parallel_loop3A_392, %parallel_loop3A_393], %parallel_loop3A_391 {strides = array<i32>} : memref<128x256xf32, #tpu.memory_space<vmem>>, vector<16xf32>,
        %parallel_loop3A_395 = arith.index_cast %parallel_loop3A_298 : i32 to index
        %parallel_loop3A_396 = arith.constant 192 : index
        %parallel_loop3A_397 = tpu.vector_load %arg8[%parallel_loop3A_395, %parallel_loop3A_396] {strides = array<i32>} : memref<128x256xf32, #tpu.memory_space<vmem>>, vector<16xf32>,
        %parallel_loop3A_398 = arith.mulf %parallel_loop3A_397, %div3A_247 : vector<16xf32>
        %parallel_loop3A_399 = arith.addf %parallel_loop3A_398, %get3A_286 : vector<16xf32>
        %parallel_loop3A_400 = arith.index_cast %parallel_loop3A_298 : i32 to index
        %parallel_loop3A_401 = arith.constant 192 : index
        %parallel_loop3A_402 = tpu.vector_load %arg8[%parallel_loop3A_400, %parallel_loop3A_401] {strides = array<i32>} : memref<128x256xf32, #tpu.memory_space<vmem>>, vector<16xf32>,
        tpu.vector_store %arg8[%parallel_loop3A_400, %parallel_loop3A_401], %parallel_loop3A_399 {strides = array<i32>} : memref<128x256xf32, #tpu.memory_space<vmem>>, vector<16xf32>,
        %parallel_loop3A_403 = arith.index_cast %parallel_loop3A_298 : i32 to index
        %parallel_loop3A_404 = arith.constant 208 : index
        %parallel_loop3A_405 = tpu.vector_load %arg8[%parallel_loop3A_403, %parallel_loop3A_404] {strides = array<i32>} : memref<128x256xf32, #tpu.memory_space<vmem>>, vector<16xf32>,
        %parallel_loop3A_406 = arith.mulf %parallel_loop3A_405, %div3A_247 : vector<16xf32>
        %parallel_loop3A_407 = arith.addf %parallel_loop3A_406, %get3A_289 : vector<16xf32>
        %parallel_loop3A_408 = arith.index_cast %parallel_loop3A_298 : i32 to index
        %parallel_loop3A_409 = arith.constant 208 : index
        %parallel_loop3A_410 = tpu.vector_load %arg8[%parallel_loop3A_408, %parallel_loop3A_409] {strides = array<i32>} : memref<128x256xf32, #tpu.memory_space<vmem>>, vector<16xf32>,
        tpu.vector_store %arg8[%parallel_loop3A_408, %parallel_loop3A_409], %parallel_loop3A_407 {strides = array<i32>} : memref<128x256xf32, #tpu.memory_space<vmem>>, vector<16xf32>,
        %parallel_loop3A_411 = arith.index_cast %parallel_loop3A_298 : i32 to index
        %parallel_loop3A_412 = arith.constant 224 : index
        %parallel_loop3A_413 = tpu.vector_load %arg8[%parallel_loop3A_411, %parallel_loop3A_412] {strides = array<i32>} : memref<128x256xf32, #tpu.memory_space<vmem>>, vector<16xf32>,
        %parallel_loop3A_414 = arith.mulf %parallel_loop3A_413, %div3A_247 : vector<16xf32>
        %parallel_loop3A_415 = arith.addf %parallel_loop3A_414, %get3A_292 : vector<16xf32>
        %parallel_loop3A_416 = arith.index_cast %parallel_loop3A_298 : i32 to index
        %parallel_loop3A_417 = arith.constant 224 : index
        %parallel_loop3A_418 = tpu.vector_load %arg8[%parallel_loop3A_416, %parallel_loop3A_417] {strides = array<i32>} : memref<128x256xf32, #tpu.memory_space<vmem>>, vector<16xf32>,
        tpu.vector_store %arg8[%parallel_loop3A_416, %parallel_loop3A_417], %parallel_loop3A_415 {strides = array<i32>} : memref<128x256xf32, #tpu.memory_space<vmem>>, vector<16xf32>,
        %parallel_loop3A_419 = arith.index_cast %parallel_loop3A_298 : i32 to index
        %parallel_loop3A_420 = arith.constant 240 : index
        %parallel_loop3A_421 = tpu.vector_load %arg8[%parallel_loop3A_419, %parallel_loop3A_420] {strides = array<i32>} : memref<128x256xf32, #tpu.memory_space<vmem>>, vector<16xf32>,
        %parallel_loop3A_422 = arith.mulf %parallel_loop3A_421, %div3A_247 : vector<16xf32>
        %parallel_loop3A_423 = arith.addf %parallel_loop3A_422, %get3A_295 : vector<16xf32>
        %parallel_loop3A_424 = arith.index_cast %parallel_loop3A_298 : i32 to index
        %parallel_loop3A_425 = arith.constant 240 : index
        %parallel_loop3A_426 = tpu.vector_load %arg8[%parallel_loop3A_424, %parallel_loop3A_425] {strides = array<i32>} : memref<128x256xf32, #tpu.memory_space<vmem>>, vector<16xf32>,
        tpu.vector_store %arg8[%parallel_loop3A_424, %parallel_loop3A_425], %parallel_loop3A_423 {strides = array<i32>} : memref<128x256xf32, #tpu.memory_space<vmem>>, vector<16xf32>,
      } {sc.loop_unroll_factor = 2 : i64, sc.parallel_access}
      scf.yield %min3A_297 : i32
    }
    %dma_start3A_104 = arith.constant 0 : i32
    %dma_start3A_105 = tpu.memref_slice %arg5[%add3A_92, %dma_start3A_104] : memref<32768x256xf32, #tpu.memory_space<hbm>> -> memref<128x256xf32, #tpu.memory_space<hbm>>
    %dma_start3A_106 = arith.constant 0 : i32
    %dma_start3A_107 = tpu.memref_slice %arg5[%add3A_92, %dma_start3A_106] : memref<32768x256xf32, #tpu.memory_space<hbm>> -> memref<128x256xf32, #tpu.memory_space<hbm>>
    tpu.enqueue_dma source(%arg8 : memref<128x256xf32, #tpu.memory_space<vmem>>) target(%dma_start3A_107 : memref<128x256xf32, #tpu.memory_space<hbm>>) target_semaphore(%arg14 : memref<!tpu.dma_semaphore, #tpu.memory_space<semaphore_mem>>)
    %dma_wait3A_108 = arith.constant 0 : i32
    %dma_wait3A_109 = tpu.memref_slice %arg5[%add3A_65, %dma_wait3A_108] : memref<32768x256xf32, #tpu.memory_space<hbm>> -> memref<128x256xf32, #tpu.memory_space<hbm>>
    %dma_wait3A_110 = arith.constant 0 : i32
    %dma_wait3A_111 = tpu.memref_slice %arg5[%add3A_65, %dma_wait3A_110] : memref<32768x256xf32, #tpu.memory_space<hbm>> -> memref<128x256xf32, #tpu.memory_space<hbm>>
    tpu.wait_dma2 semaphore(%arg16 : memref<!tpu.dma_semaphore, #tpu.memory_space<semaphore_mem>>) src(%arg10 : memref<128x256xf32, #tpu.memory_space<vmem>>) dst(%dma_wait3A_111 : memref<128x256xf32, #tpu.memory_space<hbm>>)
    %add3A_112 = arith.constant 640 : i32
    %add3A_113 = arith.addi %mul3A_2, %add3A_112 : i32
    %dma_start3A_114 = arith.constant 0 : i32
    %dma_start3A_115 = tpu.memref_slice %arg3[%add3A_113, %dma_start3A_114] : memref<32768x256xf32, #tpu.memory_space<hbm>> -> memref<128x256xf32, #tpu.memory_space<hbm>>
    %dma_start3A_116 = arith.constant 0 : i32
    %dma_start3A_117 = tpu.memref_slice %arg3[%add3A_113, %dma_start3A_116] : memref<32768x256xf32, #tpu.memory_space<hbm>> -> memref<128x256xf32, #tpu.memory_space<hbm>>
    tpu.enqueue_dma source(%dma_start3A_117 : memref<128x256xf32, #tpu.memory_space<hbm>>) target(%arg10 : memref<128x256xf32, #tpu.memory_space<vmem>>) target_semaphore(%arg13 : memref<!tpu.dma_semaphore, #tpu.memory_space<semaphore_mem>>)
    %add3A_118 = arith.constant 512 : i32
    %add3A_119 = arith.addi %mul3A_2, %add3A_118 : i32
    %dma_wait3A_120 = arith.constant 0 : i32
    %dma_wait3A_121 = tpu.memref_slice %arg3[%add3A_86, %dma_wait3A_120] : memref<32768x256xf32, #tpu.memory_space<hbm>> -> memref<128x256xf32, #tpu.memory_space<hbm>>
    %dma_wait3A_122 = arith.constant 0 : i32
    %dma_wait3A_123 = tpu.memref_slice %arg3[%add3A_86, %dma_wait3A_122] : memref<32768x256xf32, #tpu.memory_space<hbm>> -> memref<128x256xf32, #tpu.memory_space<hbm>>
    tpu.wait_dma2 semaphore(%arg12 : memref<!tpu.dma_semaphore, #tpu.memory_space<semaphore_mem>>) src(%dma_wait3A_123 : memref<128x256xf32, #tpu.memory_space<hbm>>) dst(%arg9 : memref<128x256xf32, #tpu.memory_space<vmem>>)
    %sub3A_124 = arith.subi %squeeze3A, %add3A_119 : i32
    %jit3A_125 = arith.constant 0 : i32
    %jit3A_126 = arith.constant 128 : i32
    %max3A_127 = arith.maxsi %jit3A_125, %sub3A_124 : i32
    %min3A_128 = arith.minsi %jit3A_126, %max3A_127 : i32
    %while3A_129 = arith.constant 0 : i32
    %while3A_130 = scf.while (%while3A_218 = %while3A_129) : (i32) -> i32 {
      %lt3A = arith.cmpi slt, %while3A_218, %min3A_128 : i32
      scf.condition(%lt3A) %while3A_218 : i32
    } do {
    ^bb0(%while3A_218: i32):
      %add3A_219 = arith.addi %add3A_119, %while3A_218 : i32
      %broadcast_in_dim3A_220 = vector.broadcast %add3A_219 : i32 to vector<16xi32>
      %gt3A = arith.cmpi sgt, %masked_cumsum3A, %broadcast_in_dim3A_220 : vector<16xi32>
      %not3A = arith.constant dense<true> : vector<16xi1>
      %not3A_221 = arith.xori %gt3A, %not3A : vector<16xi1>
      %convert_element_type3A = arith.extui %not3A_221 : vector<16xi1> to vector<16xi32>
      %reduce_sum3A = arith.constant true
      %reduce_sum3A_222 = vector.broadcast %reduce_sum3A : i1 to vector<16xi1>
      %reduce_sum3A_223 = tpu.scan <sum>, %convert_element_type3A masked %reduce_sum3A_222 : vector<16xi32>, vector<16xi1> -> vector<16xi32>
      %reduce_sum3A_224 = vector.extract %reduce_sum3A_223[15] : i32 from vector<16xi32>
      %select_n3A = arith.select %gt3A, %masked_cumsum3A, %broadcast_in_dim3A_17 : vector<16xi1>, vector<16xi32>
      %reduce_min3A = arith.constant true
      %reduce_min3A_225 = vector.broadcast %reduce_min3A : i1 to vector<16xi1>
      %reduce_min3A_226 = arith.constant -2147483648 : i32
      %reduce_min3A_227 = vector.broadcast %reduce_min3A_226 : i32 to vector<16xi32>
      %reduce_min3A_228 = arith.xori %select_n3A, %reduce_min3A_227 : vector<16xi32>
      %reduce_min3A_229 = tpu.scan <min>, %reduce_min3A_228 masked %reduce_min3A_225 : vector<16xi32>, vector<16xi1> -> vector<16xi32>
      %reduce_min3A_230 = arith.xori %reduce_min3A_229, %reduce_min3A_227 : vector<16xi32>
      %reduce_min3A_231 = vector.extract %reduce_min3A_230[15] : i32 from vector<16xi32>
      %select_n3A_232 = arith.select %gt3A, %broadcast_in_dim3A_19, %masked_cumsum3A : vector<16xi1>, vector<16xi32>
      %reduce_max3A = arith.constant true
      %reduce_max3A_233 = vector.broadcast %reduce_max3A : i1 to vector<16xi1>
      %reduce_max3A_234 = arith.constant -2147483648 : i32
      %reduce_max3A_235 = vector.broadcast %reduce_max3A_234 : i32 to vector<16xi32>
      %reduce_max3A_236 = arith.xori %select_n3A_232, %reduce_max3A_235 : vector<16xi32>
      %reduce_max3A_237 = tpu.scan <max>, %reduce_max3A_236 masked %reduce_max3A_233 : vector<16xi32>, vector<16xi1> -> vector<16xi32>
      %reduce_max3A_238 = arith.xori %reduce_max3A_237, %reduce_max3A_235 : vector<16xi32>
      %reduce_max3A_239 = vector.extract %reduce_max3A_238[15] : i32 from vector<16xi32>
      %sub3A_240 = arith.subi %reduce_min3A_231, %reduce_max3A_239 : i32
      %broadcast_in_dim3A_241 = vector.broadcast %sub3A_240 : i32 to vector<16xi32>
      %convert_element_type3A_242 = arith.sitofp %broadcast_in_dim3A_241 : vector<16xi32> to vector<16xf32>
      %max3A_243 = arith.constant 1.000000e+00 : f32
      %max3A_244 = vector.broadcast %max3A_243 : f32 to vector<16xf32>
      %max3A_245 = arith.maximumf %convert_element_type3A_242, %max3A_244 : vector<16xf32>
      %div3A = arith.constant 1.000000e+00 : f32
      %div3A_246 = vector.broadcast %div3A : f32 to vector<16xf32>
      %div3A_247 = arith.divf %div3A_246, %max3A_245 : vector<16xf32>
      %get3A_248 = arith.index_cast %reduce_sum3A_224 : i32 to index
      %get3A_249 = arith.constant 0 : index
      %get3A_250 = tpu.vector_load %arg7[%get3A_248, %get3A_249] {strides = array<i32>} : memref<16x256xf32, #tpu.memory_space<vmem>>, vector<16xf32>,
      %get3A_251 = arith.index_cast %reduce_sum3A_224 : i32 to index
      %get3A_252 = arith.constant 16 : index
      %get3A_253 = tpu.vector_load %arg7[%get3A_251, %get3A_252] {strides = array<i32>} : memref<16x256xf32, #tpu.memory_space<vmem>>, vector<16xf32>,
      %get3A_254 = arith.index_cast %reduce_sum3A_224 : i32 to index
      %get3A_255 = arith.constant 32 : index
      %get3A_256 = tpu.vector_load %arg7[%get3A_254, %get3A_255] {strides = array<i32>} : memref<16x256xf32, #tpu.memory_space<vmem>>, vector<16xf32>,
      %get3A_257 = arith.index_cast %reduce_sum3A_224 : i32 to index
      %get3A_258 = arith.constant 48 : index
      %get3A_259 = tpu.vector_load %arg7[%get3A_257, %get3A_258] {strides = array<i32>} : memref<16x256xf32, #tpu.memory_space<vmem>>, vector<16xf32>,
      %get3A_260 = arith.index_cast %reduce_sum3A_224 : i32 to index
      %get3A_261 = arith.constant 64 : index
      %get3A_262 = tpu.vector_load %arg7[%get3A_260, %get3A_261] {strides = array<i32>} : memref<16x256xf32, #tpu.memory_space<vmem>>, vector<16xf32>,
      %get3A_263 = arith.index_cast %reduce_sum3A_224 : i32 to index
      %get3A_264 = arith.constant 80 : index
      %get3A_265 = tpu.vector_load %arg7[%get3A_263, %get3A_264] {strides = array<i32>} : memref<16x256xf32, #tpu.memory_space<vmem>>, vector<16xf32>,
      %get3A_266 = arith.index_cast %reduce_sum3A_224 : i32 to index
      %get3A_267 = arith.constant 96 : index
      %get3A_268 = tpu.vector_load %arg7[%get3A_266, %get3A_267] {strides = array<i32>} : memref<16x256xf32, #tpu.memory_space<vmem>>, vector<16xf32>,
      %get3A_269 = arith.index_cast %reduce_sum3A_224 : i32 to index
      %get3A_270 = arith.constant 112 : index
      %get3A_271 = tpu.vector_load %arg7[%get3A_269, %get3A_270] {strides = array<i32>} : memref<16x256xf32, #tpu.memory_space<vmem>>, vector<16xf32>,
      %get3A_272 = arith.index_cast %reduce_sum3A_224 : i32 to index
      %get3A_273 = arith.constant 128 : index
      %get3A_274 = tpu.vector_load %arg7[%get3A_272, %get3A_273] {strides = array<i32>} : memref<16x256xf32, #tpu.memory_space<vmem>>, vector<16xf32>,
      %get3A_275 = arith.index_cast %reduce_sum3A_224 : i32 to index
      %get3A_276 = arith.constant 144 : index
      %get3A_277 = tpu.vector_load %arg7[%get3A_275, %get3A_276] {strides = array<i32>} : memref<16x256xf32, #tpu.memory_space<vmem>>, vector<16xf32>,
      %get3A_278 = arith.index_cast %reduce_sum3A_224 : i32 to index
      %get3A_279 = arith.constant 160 : index
      %get3A_280 = tpu.vector_load %arg7[%get3A_278, %get3A_279] {strides = array<i32>} : memref<16x256xf32, #tpu.memory_space<vmem>>, vector<16xf32>,
      %get3A_281 = arith.index_cast %reduce_sum3A_224 : i32 to index
      %get3A_282 = arith.constant 176 : index
      %get3A_283 = tpu.vector_load %arg7[%get3A_281, %get3A_282] {strides = array<i32>} : memref<16x256xf32, #tpu.memory_space<vmem>>, vector<16xf32>,
      %get3A_284 = arith.index_cast %reduce_sum3A_224 : i32 to index
      %get3A_285 = arith.constant 192 : index
      %get3A_286 = tpu.vector_load %arg7[%get3A_284, %get3A_285] {strides = array<i32>} : memref<16x256xf32, #tpu.memory_space<vmem>>, vector<16xf32>,
      %get3A_287 = arith.index_cast %reduce_sum3A_224 : i32 to index
      %get3A_288 = arith.constant 208 : index
      %get3A_289 = tpu.vector_load %arg7[%get3A_287, %get3A_288] {strides = array<i32>} : memref<16x256xf32, #tpu.memory_space<vmem>>, vector<16xf32>,
      %get3A_290 = arith.index_cast %reduce_sum3A_224 : i32 to index
      %get3A_291 = arith.constant 224 : index
      %get3A_292 = tpu.vector_load %arg7[%get3A_290, %get3A_291] {strides = array<i32>} : memref<16x256xf32, #tpu.memory_space<vmem>>, vector<16xf32>,
      %get3A_293 = arith.index_cast %reduce_sum3A_224 : i32 to index
      %get3A_294 = arith.constant 240 : index
      %get3A_295 = tpu.vector_load %arg7[%get3A_293, %get3A_294] {strides = array<i32>} : memref<16x256xf32, #tpu.memory_space<vmem>>, vector<16xf32>,
      %sub3A_296 = arith.subi %reduce_min3A_231, %add3A_119 : i32
      %min3A_297 = arith.minsi %sub3A_296, %min3A_128 : i32
      %parallel_loop3A = arith.constant 1 : i32
      scf.for %parallel_loop3A_298 = %while3A_218 to %min3A_297 step %parallel_loop3A  : i32 {
        %parallel_loop3A_299 = arith.index_cast %parallel_loop3A_298 : i32 to index
        %parallel_loop3A_300 = arith.constant 0 : index
        %parallel_loop3A_301 = tpu.vector_load %arg9[%parallel_loop3A_299, %parallel_loop3A_300] {strides = array<i32>} : memref<128x256xf32, #tpu.memory_space<vmem>>, vector<16xf32>,
        %parallel_loop3A_302 = arith.mulf %parallel_loop3A_301, %div3A_247 : vector<16xf32>
        %parallel_loop3A_303 = arith.addf %parallel_loop3A_302, %get3A_250 : vector<16xf32>
        %parallel_loop3A_304 = arith.index_cast %parallel_loop3A_298 : i32 to index
        %parallel_loop3A_305 = arith.constant 0 : index
        %parallel_loop3A_306 = tpu.vector_load %arg9[%parallel_loop3A_304, %parallel_loop3A_305] {strides = array<i32>} : memref<128x256xf32, #tpu.memory_space<vmem>>, vector<16xf32>,
        tpu.vector_store %arg9[%parallel_loop3A_304, %parallel_loop3A_305], %parallel_loop3A_303 {strides = array<i32>} : memref<128x256xf32, #tpu.memory_space<vmem>>, vector<16xf32>,
        %parallel_loop3A_307 = arith.index_cast %parallel_loop3A_298 : i32 to index
        %parallel_loop3A_308 = arith.constant 16 : index
        %parallel_loop3A_309 = tpu.vector_load %arg9[%parallel_loop3A_307, %parallel_loop3A_308] {strides = array<i32>} : memref<128x256xf32, #tpu.memory_space<vmem>>, vector<16xf32>,
        %parallel_loop3A_310 = arith.mulf %parallel_loop3A_309, %div3A_247 : vector<16xf32>
        %parallel_loop3A_311 = arith.addf %parallel_loop3A_310, %get3A_253 : vector<16xf32>
        %parallel_loop3A_312 = arith.index_cast %parallel_loop3A_298 : i32 to index
        %parallel_loop3A_313 = arith.constant 16 : index
        %parallel_loop3A_314 = tpu.vector_load %arg9[%parallel_loop3A_312, %parallel_loop3A_313] {strides = array<i32>} : memref<128x256xf32, #tpu.memory_space<vmem>>, vector<16xf32>,
        tpu.vector_store %arg9[%parallel_loop3A_312, %parallel_loop3A_313], %parallel_loop3A_311 {strides = array<i32>} : memref<128x256xf32, #tpu.memory_space<vmem>>, vector<16xf32>,
        %parallel_loop3A_315 = arith.index_cast %parallel_loop3A_298 : i32 to index
        %parallel_loop3A_316 = arith.constant 32 : index
        %parallel_loop3A_317 = tpu.vector_load %arg9[%parallel_loop3A_315, %parallel_loop3A_316] {strides = array<i32>} : memref<128x256xf32, #tpu.memory_space<vmem>>, vector<16xf32>,
        %parallel_loop3A_318 = arith.mulf %parallel_loop3A_317, %div3A_247 : vector<16xf32>
        %parallel_loop3A_319 = arith.addf %parallel_loop3A_318, %get3A_256 : vector<16xf32>
        %parallel_loop3A_320 = arith.index_cast %parallel_loop3A_298 : i32 to index
        %parallel_loop3A_321 = arith.constant 32 : index
        %parallel_loop3A_322 = tpu.vector_load %arg9[%parallel_loop3A_320, %parallel_loop3A_321] {strides = array<i32>} : memref<128x256xf32, #tpu.memory_space<vmem>>, vector<16xf32>,
        tpu.vector_store %arg9[%parallel_loop3A_320, %parallel_loop3A_321], %parallel_loop3A_319 {strides = array<i32>} : memref<128x256xf32, #tpu.memory_space<vmem>>, vector<16xf32>,
        %parallel_loop3A_323 = arith.index_cast %parallel_loop3A_298 : i32 to index
        %parallel_loop3A_324 = arith.constant 48 : index
        %parallel_loop3A_325 = tpu.vector_load %arg9[%parallel_loop3A_323, %parallel_loop3A_324] {strides = array<i32>} : memref<128x256xf32, #tpu.memory_space<vmem>>, vector<16xf32>,
        %parallel_loop3A_326 = arith.mulf %parallel_loop3A_325, %div3A_247 : vector<16xf32>
        %parallel_loop3A_327 = arith.addf %parallel_loop3A_326, %get3A_259 : vector<16xf32>
        %parallel_loop3A_328 = arith.index_cast %parallel_loop3A_298 : i32 to index
        %parallel_loop3A_329 = arith.constant 48 : index
        %parallel_loop3A_330 = tpu.vector_load %arg9[%parallel_loop3A_328, %parallel_loop3A_329] {strides = array<i32>} : memref<128x256xf32, #tpu.memory_space<vmem>>, vector<16xf32>,
        tpu.vector_store %arg9[%parallel_loop3A_328, %parallel_loop3A_329], %parallel_loop3A_327 {strides = array<i32>} : memref<128x256xf32, #tpu.memory_space<vmem>>, vector<16xf32>,
        %parallel_loop3A_331 = arith.index_cast %parallel_loop3A_298 : i32 to index
        %parallel_loop3A_332 = arith.constant 64 : index
        %parallel_loop3A_333 = tpu.vector_load %arg9[%parallel_loop3A_331, %parallel_loop3A_332] {strides = array<i32>} : memref<128x256xf32, #tpu.memory_space<vmem>>, vector<16xf32>,
        %parallel_loop3A_334 = arith.mulf %parallel_loop3A_333, %div3A_247 : vector<16xf32>
        %parallel_loop3A_335 = arith.addf %parallel_loop3A_334, %get3A_262 : vector<16xf32>
        %parallel_loop3A_336 = arith.index_cast %parallel_loop3A_298 : i32 to index
        %parallel_loop3A_337 = arith.constant 64 : index
        %parallel_loop3A_338 = tpu.vector_load %arg9[%parallel_loop3A_336, %parallel_loop3A_337] {strides = array<i32>} : memref<128x256xf32, #tpu.memory_space<vmem>>, vector<16xf32>,
        tpu.vector_store %arg9[%parallel_loop3A_336, %parallel_loop3A_337], %parallel_loop3A_335 {strides = array<i32>} : memref<128x256xf32, #tpu.memory_space<vmem>>, vector<16xf32>,
        %parallel_loop3A_339 = arith.index_cast %parallel_loop3A_298 : i32 to index
        %parallel_loop3A_340 = arith.constant 80 : index
        %parallel_loop3A_341 = tpu.vector_load %arg9[%parallel_loop3A_339, %parallel_loop3A_340] {strides = array<i32>} : memref<128x256xf32, #tpu.memory_space<vmem>>, vector<16xf32>,
        %parallel_loop3A_342 = arith.mulf %parallel_loop3A_341, %div3A_247 : vector<16xf32>
        %parallel_loop3A_343 = arith.addf %parallel_loop3A_342, %get3A_265 : vector<16xf32>
        %parallel_loop3A_344 = arith.index_cast %parallel_loop3A_298 : i32 to index
        %parallel_loop3A_345 = arith.constant 80 : index
        %parallel_loop3A_346 = tpu.vector_load %arg9[%parallel_loop3A_344, %parallel_loop3A_345] {strides = array<i32>} : memref<128x256xf32, #tpu.memory_space<vmem>>, vector<16xf32>,
        tpu.vector_store %arg9[%parallel_loop3A_344, %parallel_loop3A_345], %parallel_loop3A_343 {strides = array<i32>} : memref<128x256xf32, #tpu.memory_space<vmem>>, vector<16xf32>,
        %parallel_loop3A_347 = arith.index_cast %parallel_loop3A_298 : i32 to index
        %parallel_loop3A_348 = arith.constant 96 : index
        %parallel_loop3A_349 = tpu.vector_load %arg9[%parallel_loop3A_347, %parallel_loop3A_348] {strides = array<i32>} : memref<128x256xf32, #tpu.memory_space<vmem>>, vector<16xf32>,
        %parallel_loop3A_350 = arith.mulf %parallel_loop3A_349, %div3A_247 : vector<16xf32>
        %parallel_loop3A_351 = arith.addf %parallel_loop3A_350, %get3A_268 : vector<16xf32>
        %parallel_loop3A_352 = arith.index_cast %parallel_loop3A_298 : i32 to index
        %parallel_loop3A_353 = arith.constant 96 : index
        %parallel_loop3A_354 = tpu.vector_load %arg9[%parallel_loop3A_352, %parallel_loop3A_353] {strides = array<i32>} : memref<128x256xf32, #tpu.memory_space<vmem>>, vector<16xf32>,
        tpu.vector_store %arg9[%parallel_loop3A_352, %parallel_loop3A_353], %parallel_loop3A_351 {strides = array<i32>} : memref<128x256xf32, #tpu.memory_space<vmem>>, vector<16xf32>,
        %parallel_loop3A_355 = arith.index_cast %parallel_loop3A_298 : i32 to index
        %parallel_loop3A_356 = arith.constant 112 : index
        %parallel_loop3A_357 = tpu.vector_load %arg9[%parallel_loop3A_355, %parallel_loop3A_356] {strides = array<i32>} : memref<128x256xf32, #tpu.memory_space<vmem>>, vector<16xf32>,
        %parallel_loop3A_358 = arith.mulf %parallel_loop3A_357, %div3A_247 : vector<16xf32>
        %parallel_loop3A_359 = arith.addf %parallel_loop3A_358, %get3A_271 : vector<16xf32>
        %parallel_loop3A_360 = arith.index_cast %parallel_loop3A_298 : i32 to index
        %parallel_loop3A_361 = arith.constant 112 : index
        %parallel_loop3A_362 = tpu.vector_load %arg9[%parallel_loop3A_360, %parallel_loop3A_361] {strides = array<i32>} : memref<128x256xf32, #tpu.memory_space<vmem>>, vector<16xf32>,
        tpu.vector_store %arg9[%parallel_loop3A_360, %parallel_loop3A_361], %parallel_loop3A_359 {strides = array<i32>} : memref<128x256xf32, #tpu.memory_space<vmem>>, vector<16xf32>,
        %parallel_loop3A_363 = arith.index_cast %parallel_loop3A_298 : i32 to index
        %parallel_loop3A_364 = arith.constant 128 : index
        %parallel_loop3A_365 = tpu.vector_load %arg9[%parallel_loop3A_363, %parallel_loop3A_364] {strides = array<i32>} : memref<128x256xf32, #tpu.memory_space<vmem>>, vector<16xf32>,
        %parallel_loop3A_366 = arith.mulf %parallel_loop3A_365, %div3A_247 : vector<16xf32>
        %parallel_loop3A_367 = arith.addf %parallel_loop3A_366, %get3A_274 : vector<16xf32>
        %parallel_loop3A_368 = arith.index_cast %parallel_loop3A_298 : i32 to index
        %parallel_loop3A_369 = arith.constant 128 : index
        %parallel_loop3A_370 = tpu.vector_load %arg9[%parallel_loop3A_368, %parallel_loop3A_369] {strides = array<i32>} : memref<128x256xf32, #tpu.memory_space<vmem>>, vector<16xf32>,
        tpu.vector_store %arg9[%parallel_loop3A_368, %parallel_loop3A_369], %parallel_loop3A_367 {strides = array<i32>} : memref<128x256xf32, #tpu.memory_space<vmem>>, vector<16xf32>,
        %parallel_loop3A_371 = arith.index_cast %parallel_loop3A_298 : i32 to index
        %parallel_loop3A_372 = arith.constant 144 : index
        %parallel_loop3A_373 = tpu.vector_load %arg9[%parallel_loop3A_371, %parallel_loop3A_372] {strides = array<i32>} : memref<128x256xf32, #tpu.memory_space<vmem>>, vector<16xf32>,
        %parallel_loop3A_374 = arith.mulf %parallel_loop3A_373, %div3A_247 : vector<16xf32>
        %parallel_loop3A_375 = arith.addf %parallel_loop3A_374, %get3A_277 : vector<16xf32>
        %parallel_loop3A_376 = arith.index_cast %parallel_loop3A_298 : i32 to index
        %parallel_loop3A_377 = arith.constant 144 : index
        %parallel_loop3A_378 = tpu.vector_load %arg9[%parallel_loop3A_376, %parallel_loop3A_377] {strides = array<i32>} : memref<128x256xf32, #tpu.memory_space<vmem>>, vector<16xf32>,
        tpu.vector_store %arg9[%parallel_loop3A_376, %parallel_loop3A_377], %parallel_loop3A_375 {strides = array<i32>} : memref<128x256xf32, #tpu.memory_space<vmem>>, vector<16xf32>,
        %parallel_loop3A_379 = arith.index_cast %parallel_loop3A_298 : i32 to index
        %parallel_loop3A_380 = arith.constant 160 : index
        %parallel_loop3A_381 = tpu.vector_load %arg9[%parallel_loop3A_379, %parallel_loop3A_380] {strides = array<i32>} : memref<128x256xf32, #tpu.memory_space<vmem>>, vector<16xf32>,
        %parallel_loop3A_382 = arith.mulf %parallel_loop3A_381, %div3A_247 : vector<16xf32>
        %parallel_loop3A_383 = arith.addf %parallel_loop3A_382, %get3A_280 : vector<16xf32>
        %parallel_loop3A_384 = arith.index_cast %parallel_loop3A_298 : i32 to index
        %parallel_loop3A_385 = arith.constant 160 : index
        %parallel_loop3A_386 = tpu.vector_load %arg9[%parallel_loop3A_384, %parallel_loop3A_385] {strides = array<i32>} : memref<128x256xf32, #tpu.memory_space<vmem>>, vector<16xf32>,
        tpu.vector_store %arg9[%parallel_loop3A_384, %parallel_loop3A_385], %parallel_loop3A_383 {strides = array<i32>} : memref<128x256xf32, #tpu.memory_space<vmem>>, vector<16xf32>,
        %parallel_loop3A_387 = arith.index_cast %parallel_loop3A_298 : i32 to index
        %parallel_loop3A_388 = arith.constant 176 : index
        %parallel_loop3A_389 = tpu.vector_load %arg9[%parallel_loop3A_387, %parallel_loop3A_388] {strides = array<i32>} : memref<128x256xf32, #tpu.memory_space<vmem>>, vector<16xf32>,
        %parallel_loop3A_390 = arith.mulf %parallel_loop3A_389, %div3A_247 : vector<16xf32>
        %parallel_loop3A_391 = arith.addf %parallel_loop3A_390, %get3A_283 : vector<16xf32>
        %parallel_loop3A_392 = arith.index_cast %parallel_loop3A_298 : i32 to index
        %parallel_loop3A_393 = arith.constant 176 : index
        %parallel_loop3A_394 = tpu.vector_load %arg9[%parallel_loop3A_392, %parallel_loop3A_393] {strides = array<i32>} : memref<128x256xf32, #tpu.memory_space<vmem>>, vector<16xf32>,
        tpu.vector_store %arg9[%parallel_loop3A_392, %parallel_loop3A_393], %parallel_loop3A_391 {strides = array<i32>} : memref<128x256xf32, #tpu.memory_space<vmem>>, vector<16xf32>,
        %parallel_loop3A_395 = arith.index_cast %parallel_loop3A_298 : i32 to index
        %parallel_loop3A_396 = arith.constant 192 : index
        %parallel_loop3A_397 = tpu.vector_load %arg9[%parallel_loop3A_395, %parallel_loop3A_396] {strides = array<i32>} : memref<128x256xf32, #tpu.memory_space<vmem>>, vector<16xf32>,
        %parallel_loop3A_398 = arith.mulf %parallel_loop3A_397, %div3A_247 : vector<16xf32>
        %parallel_loop3A_399 = arith.addf %parallel_loop3A_398, %get3A_286 : vector<16xf32>
        %parallel_loop3A_400 = arith.index_cast %parallel_loop3A_298 : i32 to index
        %parallel_loop3A_401 = arith.constant 192 : index
        %parallel_loop3A_402 = tpu.vector_load %arg9[%parallel_loop3A_400, %parallel_loop3A_401] {strides = array<i32>} : memref<128x256xf32, #tpu.memory_space<vmem>>, vector<16xf32>,
        tpu.vector_store %arg9[%parallel_loop3A_400, %parallel_loop3A_401], %parallel_loop3A_399 {strides = array<i32>} : memref<128x256xf32, #tpu.memory_space<vmem>>, vector<16xf32>,
        %parallel_loop3A_403 = arith.index_cast %parallel_loop3A_298 : i32 to index
        %parallel_loop3A_404 = arith.constant 208 : index
        %parallel_loop3A_405 = tpu.vector_load %arg9[%parallel_loop3A_403, %parallel_loop3A_404] {strides = array<i32>} : memref<128x256xf32, #tpu.memory_space<vmem>>, vector<16xf32>,
        %parallel_loop3A_406 = arith.mulf %parallel_loop3A_405, %div3A_247 : vector<16xf32>
        %parallel_loop3A_407 = arith.addf %parallel_loop3A_406, %get3A_289 : vector<16xf32>
        %parallel_loop3A_408 = arith.index_cast %parallel_loop3A_298 : i32 to index
        %parallel_loop3A_409 = arith.constant 208 : index
        %parallel_loop3A_410 = tpu.vector_load %arg9[%parallel_loop3A_408, %parallel_loop3A_409] {strides = array<i32>} : memref<128x256xf32, #tpu.memory_space<vmem>>, vector<16xf32>,
        tpu.vector_store %arg9[%parallel_loop3A_408, %parallel_loop3A_409], %parallel_loop3A_407 {strides = array<i32>} : memref<128x256xf32, #tpu.memory_space<vmem>>, vector<16xf32>,
        %parallel_loop3A_411 = arith.index_cast %parallel_loop3A_298 : i32 to index
        %parallel_loop3A_412 = arith.constant 224 : index
        %parallel_loop3A_413 = tpu.vector_load %arg9[%parallel_loop3A_411, %parallel_loop3A_412] {strides = array<i32>} : memref<128x256xf32, #tpu.memory_space<vmem>>, vector<16xf32>,
        %parallel_loop3A_414 = arith.mulf %parallel_loop3A_413, %div3A_247 : vector<16xf32>
        %parallel_loop3A_415 = arith.addf %parallel_loop3A_414, %get3A_292 : vector<16xf32>
        %parallel_loop3A_416 = arith.index_cast %parallel_loop3A_298 : i32 to index
        %parallel_loop3A_417 = arith.constant 224 : index
        %parallel_loop3A_418 = tpu.vector_load %arg9[%parallel_loop3A_416, %parallel_loop3A_417] {strides = array<i32>} : memref<128x256xf32, #tpu.memory_space<vmem>>, vector<16xf32>,
        tpu.vector_store %arg9[%parallel_loop3A_416, %parallel_loop3A_417], %parallel_loop3A_415 {strides = array<i32>} : memref<128x256xf32, #tpu.memory_space<vmem>>, vector<16xf32>,
        %parallel_loop3A_419 = arith.index_cast %parallel_loop3A_298 : i32 to index
        %parallel_loop3A_420 = arith.constant 240 : index
        %parallel_loop3A_421 = tpu.vector_load %arg9[%parallel_loop3A_419, %parallel_loop3A_420] {strides = array<i32>} : memref<128x256xf32, #tpu.memory_space<vmem>>, vector<16xf32>,
        %parallel_loop3A_422 = arith.mulf %parallel_loop3A_421, %div3A_247 : vector<16xf32>
        %parallel_loop3A_423 = arith.addf %parallel_loop3A_422, %get3A_295 : vector<16xf32>
        %parallel_loop3A_424 = arith.index_cast %parallel_loop3A_298 : i32 to index
        %parallel_loop3A_425 = arith.constant 240 : index
        %parallel_loop3A_426 = tpu.vector_load %arg9[%parallel_loop3A_424, %parallel_loop3A_425] {strides = array<i32>} : memref<128x256xf32, #tpu.memory_space<vmem>>, vector<16xf32>,
        tpu.vector_store %arg9[%parallel_loop3A_424, %parallel_loop3A_425], %parallel_loop3A_423 {strides = array<i32>} : memref<128x256xf32, #tpu.memory_space<vmem>>, vector<16xf32>,
      } {sc.loop_unroll_factor = 2 : i64, sc.parallel_access}
      scf.yield %min3A_297 : i32
    }
    %dma_start3A_131 = arith.constant 0 : i32
    %dma_start3A_132 = tpu.memref_slice %arg5[%add3A_119, %dma_start3A_131] : memref<32768x256xf32, #tpu.memory_space<hbm>> -> memref<128x256xf32, #tpu.memory_space<hbm>>
    %dma_start3A_133 = arith.constant 0 : i32
    %dma_start3A_134 = tpu.memref_slice %arg5[%add3A_119, %dma_start3A_133] : memref<32768x256xf32, #tpu.memory_space<hbm>> -> memref<128x256xf32, #tpu.memory_space<hbm>>
    tpu.enqueue_dma source(%arg9 : memref<128x256xf32, #tpu.memory_space<vmem>>) target(%dma_start3A_134 : memref<128x256xf32, #tpu.memory_space<hbm>>) target_semaphore(%arg15 : memref<!tpu.dma_semaphore, #tpu.memory_space<semaphore_mem>>)
    %dma_wait3A_135 = arith.constant 0 : i32
    %dma_wait3A_136 = tpu.memref_slice %arg5[%add3A_92, %dma_wait3A_135] : memref<32768x256xf32, #tpu.memory_space<hbm>> -> memref<128x256xf32, #tpu.memory_space<hbm>>
    %dma_wait3A_137 = arith.constant 0 : i32
    %dma_wait3A_138 = tpu.memref_slice %arg5[%add3A_92, %dma_wait3A_137] : memref<32768x256xf32, #tpu.memory_space<hbm>> -> memref<128x256xf32, #tpu.memory_space<hbm>>
    tpu.wait_dma2 semaphore(%arg14 : memref<!tpu.dma_semaphore, #tpu.memory_space<semaphore_mem>>) src(%arg8 : memref<128x256xf32, #tpu.memory_space<vmem>>) dst(%dma_wait3A_138 : memref<128x256xf32, #tpu.memory_space<hbm>>)
    %add3A_139 = arith.constant 768 : i32
    %add3A_140 = arith.addi %mul3A_2, %add3A_139 : i32
    %dma_start3A_141 = arith.constant 0 : i32
    %dma_start3A_142 = tpu.memref_slice %arg3[%add3A_140, %dma_start3A_141] : memref<32768x256xf32, #tpu.memory_space<hbm>> -> memref<128x256xf32, #tpu.memory_space<hbm>>
    %dma_start3A_143 = arith.constant 0 : i32
    %dma_start3A_144 = tpu.memref_slice %arg3[%add3A_140, %dma_start3A_143] : memref<32768x256xf32, #tpu.memory_space<hbm>> -> memref<128x256xf32, #tpu.memory_space<hbm>>
    tpu.enqueue_dma source(%dma_start3A_144 : memref<128x256xf32, #tpu.memory_space<hbm>>) target(%arg8 : memref<128x256xf32, #tpu.memory_space<vmem>>) target_semaphore(%arg11 : memref<!tpu.dma_semaphore, #tpu.memory_space<semaphore_mem>>)
    %add3A_145 = arith.constant 640 : i32
    %add3A_146 = arith.addi %mul3A_2, %add3A_145 : i32
    %dma_wait3A_147 = arith.constant 0 : i32
    %dma_wait3A_148 = tpu.memref_slice %arg3[%add3A_113, %dma_wait3A_147] : memref<32768x256xf32, #tpu.memory_space<hbm>> -> memref<128x256xf32, #tpu.memory_space<hbm>>
    %dma_wait3A_149 = arith.constant 0 : i32
    %dma_wait3A_150 = tpu.memref_slice %arg3[%add3A_113, %dma_wait3A_149] : memref<32768x256xf32, #tpu.memory_space<hbm>> -> memref<128x256xf32, #tpu.memory_space<hbm>>
    tpu.wait_dma2 semaphore(%arg13 : memref<!tpu.dma_semaphore, #tpu.memory_space<semaphore_mem>>) src(%dma_wait3A_150 : memref<128x256xf32, #tpu.memory_space<hbm>>) dst(%arg10 : memref<128x256xf32, #tpu.memory_space<vmem>>)
    %sub3A_151 = arith.subi %squeeze3A, %add3A_146 : i32
    %jit3A_152 = arith.constant 0 : i32
    %jit3A_153 = arith.constant 128 : i32
    %max3A_154 = arith.maxsi %jit3A_152, %sub3A_151 : i32
    %min3A_155 = arith.minsi %jit3A_153, %max3A_154 : i32
    %while3A_156 = arith.constant 0 : i32
    %while3A_157 = scf.while (%while3A_218 = %while3A_156) : (i32) -> i32 {
      %lt3A = arith.cmpi slt, %while3A_218, %min3A_155 : i32
      scf.condition(%lt3A) %while3A_218 : i32
    } do {
    ^bb0(%while3A_218: i32):
      %add3A_219 = arith.addi %add3A_146, %while3A_218 : i32
      %broadcast_in_dim3A_220 = vector.broadcast %add3A_219 : i32 to vector<16xi32>
      %gt3A = arith.cmpi sgt, %masked_cumsum3A, %broadcast_in_dim3A_220 : vector<16xi32>
      %not3A = arith.constant dense<true> : vector<16xi1>
      %not3A_221 = arith.xori %gt3A, %not3A : vector<16xi1>
      %convert_element_type3A = arith.extui %not3A_221 : vector<16xi1> to vector<16xi32>
      %reduce_sum3A = arith.constant true
      %reduce_sum3A_222 = vector.broadcast %reduce_sum3A : i1 to vector<16xi1>
      %reduce_sum3A_223 = tpu.scan <sum>, %convert_element_type3A masked %reduce_sum3A_222 : vector<16xi32>, vector<16xi1> -> vector<16xi32>
      %reduce_sum3A_224 = vector.extract %reduce_sum3A_223[15] : i32 from vector<16xi32>
      %select_n3A = arith.select %gt3A, %masked_cumsum3A, %broadcast_in_dim3A_17 : vector<16xi1>, vector<16xi32>
      %reduce_min3A = arith.constant true
      %reduce_min3A_225 = vector.broadcast %reduce_min3A : i1 to vector<16xi1>
      %reduce_min3A_226 = arith.constant -2147483648 : i32
      %reduce_min3A_227 = vector.broadcast %reduce_min3A_226 : i32 to vector<16xi32>
      %reduce_min3A_228 = arith.xori %select_n3A, %reduce_min3A_227 : vector<16xi32>
      %reduce_min3A_229 = tpu.scan <min>, %reduce_min3A_228 masked %reduce_min3A_225 : vector<16xi32>, vector<16xi1> -> vector<16xi32>
      %reduce_min3A_230 = arith.xori %reduce_min3A_229, %reduce_min3A_227 : vector<16xi32>
      %reduce_min3A_231 = vector.extract %reduce_min3A_230[15] : i32 from vector<16xi32>
      %select_n3A_232 = arith.select %gt3A, %broadcast_in_dim3A_19, %masked_cumsum3A : vector<16xi1>, vector<16xi32>
      %reduce_max3A = arith.constant true
      %reduce_max3A_233 = vector.broadcast %reduce_max3A : i1 to vector<16xi1>
      %reduce_max3A_234 = arith.constant -2147483648 : i32
      %reduce_max3A_235 = vector.broadcast %reduce_max3A_234 : i32 to vector<16xi32>
      %reduce_max3A_236 = arith.xori %select_n3A_232, %reduce_max3A_235 : vector<16xi32>
      %reduce_max3A_237 = tpu.scan <max>, %reduce_max3A_236 masked %reduce_max3A_233 : vector<16xi32>, vector<16xi1> -> vector<16xi32>
      %reduce_max3A_238 = arith.xori %reduce_max3A_237, %reduce_max3A_235 : vector<16xi32>
      %reduce_max3A_239 = vector.extract %reduce_max3A_238[15] : i32 from vector<16xi32>
      %sub3A_240 = arith.subi %reduce_min3A_231, %reduce_max3A_239 : i32
      %broadcast_in_dim3A_241 = vector.broadcast %sub3A_240 : i32 to vector<16xi32>
      %convert_element_type3A_242 = arith.sitofp %broadcast_in_dim3A_241 : vector<16xi32> to vector<16xf32>
      %max3A_243 = arith.constant 1.000000e+00 : f32
      %max3A_244 = vector.broadcast %max3A_243 : f32 to vector<16xf32>
      %max3A_245 = arith.maximumf %convert_element_type3A_242, %max3A_244 : vector<16xf32>
      %div3A = arith.constant 1.000000e+00 : f32
      %div3A_246 = vector.broadcast %div3A : f32 to vector<16xf32>
      %div3A_247 = arith.divf %div3A_246, %max3A_245 : vector<16xf32>
      %get3A_248 = arith.index_cast %reduce_sum3A_224 : i32 to index
      %get3A_249 = arith.constant 0 : index
      %get3A_250 = tpu.vector_load %arg7[%get3A_248, %get3A_249] {strides = array<i32>} : memref<16x256xf32, #tpu.memory_space<vmem>>, vector<16xf32>,
      %get3A_251 = arith.index_cast %reduce_sum3A_224 : i32 to index
      %get3A_252 = arith.constant 16 : index
      %get3A_253 = tpu.vector_load %arg7[%get3A_251, %get3A_252] {strides = array<i32>} : memref<16x256xf32, #tpu.memory_space<vmem>>, vector<16xf32>,
      %get3A_254 = arith.index_cast %reduce_sum3A_224 : i32 to index
      %get3A_255 = arith.constant 32 : index
      %get3A_256 = tpu.vector_load %arg7[%get3A_254, %get3A_255] {strides = array<i32>} : memref<16x256xf32, #tpu.memory_space<vmem>>, vector<16xf32>,
      %get3A_257 = arith.index_cast %reduce_sum3A_224 : i32 to index
      %get3A_258 = arith.constant 48 : index
      %get3A_259 = tpu.vector_load %arg7[%get3A_257, %get3A_258] {strides = array<i32>} : memref<16x256xf32, #tpu.memory_space<vmem>>, vector<16xf32>,
      %get3A_260 = arith.index_cast %reduce_sum3A_224 : i32 to index
      %get3A_261 = arith.constant 64 : index
      %get3A_262 = tpu.vector_load %arg7[%get3A_260, %get3A_261] {strides = array<i32>} : memref<16x256xf32, #tpu.memory_space<vmem>>, vector<16xf32>,
      %get3A_263 = arith.index_cast %reduce_sum3A_224 : i32 to index
      %get3A_264 = arith.constant 80 : index
      %get3A_265 = tpu.vector_load %arg7[%get3A_263, %get3A_264] {strides = array<i32>} : memref<16x256xf32, #tpu.memory_space<vmem>>, vector<16xf32>,
      %get3A_266 = arith.index_cast %reduce_sum3A_224 : i32 to index
      %get3A_267 = arith.constant 96 : index
      %get3A_268 = tpu.vector_load %arg7[%get3A_266, %get3A_267] {strides = array<i32>} : memref<16x256xf32, #tpu.memory_space<vmem>>, vector<16xf32>,
      %get3A_269 = arith.index_cast %reduce_sum3A_224 : i32 to index
      %get3A_270 = arith.constant 112 : index
      %get3A_271 = tpu.vector_load %arg7[%get3A_269, %get3A_270] {strides = array<i32>} : memref<16x256xf32, #tpu.memory_space<vmem>>, vector<16xf32>,
      %get3A_272 = arith.index_cast %reduce_sum3A_224 : i32 to index
      %get3A_273 = arith.constant 128 : index
      %get3A_274 = tpu.vector_load %arg7[%get3A_272, %get3A_273] {strides = array<i32>} : memref<16x256xf32, #tpu.memory_space<vmem>>, vector<16xf32>,
      %get3A_275 = arith.index_cast %reduce_sum3A_224 : i32 to index
      %get3A_276 = arith.constant 144 : index
      %get3A_277 = tpu.vector_load %arg7[%get3A_275, %get3A_276] {strides = array<i32>} : memref<16x256xf32, #tpu.memory_space<vmem>>, vector<16xf32>,
      %get3A_278 = arith.index_cast %reduce_sum3A_224 : i32 to index
      %get3A_279 = arith.constant 160 : index
      %get3A_280 = tpu.vector_load %arg7[%get3A_278, %get3A_279] {strides = array<i32>} : memref<16x256xf32, #tpu.memory_space<vmem>>, vector<16xf32>,
      %get3A_281 = arith.index_cast %reduce_sum3A_224 : i32 to index
      %get3A_282 = arith.constant 176 : index
      %get3A_283 = tpu.vector_load %arg7[%get3A_281, %get3A_282] {strides = array<i32>} : memref<16x256xf32, #tpu.memory_space<vmem>>, vector<16xf32>,
      %get3A_284 = arith.index_cast %reduce_sum3A_224 : i32 to index
      %get3A_285 = arith.constant 192 : index
      %get3A_286 = tpu.vector_load %arg7[%get3A_284, %get3A_285] {strides = array<i32>} : memref<16x256xf32, #tpu.memory_space<vmem>>, vector<16xf32>,
      %get3A_287 = arith.index_cast %reduce_sum3A_224 : i32 to index
      %get3A_288 = arith.constant 208 : index
      %get3A_289 = tpu.vector_load %arg7[%get3A_287, %get3A_288] {strides = array<i32>} : memref<16x256xf32, #tpu.memory_space<vmem>>, vector<16xf32>,
      %get3A_290 = arith.index_cast %reduce_sum3A_224 : i32 to index
      %get3A_291 = arith.constant 224 : index
      %get3A_292 = tpu.vector_load %arg7[%get3A_290, %get3A_291] {strides = array<i32>} : memref<16x256xf32, #tpu.memory_space<vmem>>, vector<16xf32>,
      %get3A_293 = arith.index_cast %reduce_sum3A_224 : i32 to index
      %get3A_294 = arith.constant 240 : index
      %get3A_295 = tpu.vector_load %arg7[%get3A_293, %get3A_294] {strides = array<i32>} : memref<16x256xf32, #tpu.memory_space<vmem>>, vector<16xf32>,
      %sub3A_296 = arith.subi %reduce_min3A_231, %add3A_146 : i32
      %min3A_297 = arith.minsi %sub3A_296, %min3A_155 : i32
      %parallel_loop3A = arith.constant 1 : i32
      scf.for %parallel_loop3A_298 = %while3A_218 to %min3A_297 step %parallel_loop3A  : i32 {
        %parallel_loop3A_299 = arith.index_cast %parallel_loop3A_298 : i32 to index
        %parallel_loop3A_300 = arith.constant 0 : index
        %parallel_loop3A_301 = tpu.vector_load %arg10[%parallel_loop3A_299, %parallel_loop3A_300] {strides = array<i32>} : memref<128x256xf32, #tpu.memory_space<vmem>>, vector<16xf32>,
        %parallel_loop3A_302 = arith.mulf %parallel_loop3A_301, %div3A_247 : vector<16xf32>
        %parallel_loop3A_303 = arith.addf %parallel_loop3A_302, %get3A_250 : vector<16xf32>
        %parallel_loop3A_304 = arith.index_cast %parallel_loop3A_298 : i32 to index
        %parallel_loop3A_305 = arith.constant 0 : index
        %parallel_loop3A_306 = tpu.vector_load %arg10[%parallel_loop3A_304, %parallel_loop3A_305] {strides = array<i32>} : memref<128x256xf32, #tpu.memory_space<vmem>>, vector<16xf32>,
        tpu.vector_store %arg10[%parallel_loop3A_304, %parallel_loop3A_305], %parallel_loop3A_303 {strides = array<i32>} : memref<128x256xf32, #tpu.memory_space<vmem>>, vector<16xf32>,
        %parallel_loop3A_307 = arith.index_cast %parallel_loop3A_298 : i32 to index
        %parallel_loop3A_308 = arith.constant 16 : index
        %parallel_loop3A_309 = tpu.vector_load %arg10[%parallel_loop3A_307, %parallel_loop3A_308] {strides = array<i32>} : memref<128x256xf32, #tpu.memory_space<vmem>>, vector<16xf32>,
        %parallel_loop3A_310 = arith.mulf %parallel_loop3A_309, %div3A_247 : vector<16xf32>
        %parallel_loop3A_311 = arith.addf %parallel_loop3A_310, %get3A_253 : vector<16xf32>
        %parallel_loop3A_312 = arith.index_cast %parallel_loop3A_298 : i32 to index
        %parallel_loop3A_313 = arith.constant 16 : index
        %parallel_loop3A_314 = tpu.vector_load %arg10[%parallel_loop3A_312, %parallel_loop3A_313] {strides = array<i32>} : memref<128x256xf32, #tpu.memory_space<vmem>>, vector<16xf32>,
        tpu.vector_store %arg10[%parallel_loop3A_312, %parallel_loop3A_313], %parallel_loop3A_311 {strides = array<i32>} : memref<128x256xf32, #tpu.memory_space<vmem>>, vector<16xf32>,
        %parallel_loop3A_315 = arith.index_cast %parallel_loop3A_298 : i32 to index
        %parallel_loop3A_316 = arith.constant 32 : index
        %parallel_loop3A_317 = tpu.vector_load %arg10[%parallel_loop3A_315, %parallel_loop3A_316] {strides = array<i32>} : memref<128x256xf32, #tpu.memory_space<vmem>>, vector<16xf32>,
        %parallel_loop3A_318 = arith.mulf %parallel_loop3A_317, %div3A_247 : vector<16xf32>
        %parallel_loop3A_319 = arith.addf %parallel_loop3A_318, %get3A_256 : vector<16xf32>
        %parallel_loop3A_320 = arith.index_cast %parallel_loop3A_298 : i32 to index
        %parallel_loop3A_321 = arith.constant 32 : index
        %parallel_loop3A_322 = tpu.vector_load %arg10[%parallel_loop3A_320, %parallel_loop3A_321] {strides = array<i32>} : memref<128x256xf32, #tpu.memory_space<vmem>>, vector<16xf32>,
        tpu.vector_store %arg10[%parallel_loop3A_320, %parallel_loop3A_321], %parallel_loop3A_319 {strides = array<i32>} : memref<128x256xf32, #tpu.memory_space<vmem>>, vector<16xf32>,
        %parallel_loop3A_323 = arith.index_cast %parallel_loop3A_298 : i32 to index
        %parallel_loop3A_324 = arith.constant 48 : index
        %parallel_loop3A_325 = tpu.vector_load %arg10[%parallel_loop3A_323, %parallel_loop3A_324] {strides = array<i32>} : memref<128x256xf32, #tpu.memory_space<vmem>>, vector<16xf32>,
        %parallel_loop3A_326 = arith.mulf %parallel_loop3A_325, %div3A_247 : vector<16xf32>
        %parallel_loop3A_327 = arith.addf %parallel_loop3A_326, %get3A_259 : vector<16xf32>
        %parallel_loop3A_328 = arith.index_cast %parallel_loop3A_298 : i32 to index
        %parallel_loop3A_329 = arith.constant 48 : index
        %parallel_loop3A_330 = tpu.vector_load %arg10[%parallel_loop3A_328, %parallel_loop3A_329] {strides = array<i32>} : memref<128x256xf32, #tpu.memory_space<vmem>>, vector<16xf32>,
        tpu.vector_store %arg10[%parallel_loop3A_328, %parallel_loop3A_329], %parallel_loop3A_327 {strides = array<i32>} : memref<128x256xf32, #tpu.memory_space<vmem>>, vector<16xf32>,
        %parallel_loop3A_331 = arith.index_cast %parallel_loop3A_298 : i32 to index
        %parallel_loop3A_332 = arith.constant 64 : index
        %parallel_loop3A_333 = tpu.vector_load %arg10[%parallel_loop3A_331, %parallel_loop3A_332] {strides = array<i32>} : memref<128x256xf32, #tpu.memory_space<vmem>>, vector<16xf32>,
        %parallel_loop3A_334 = arith.mulf %parallel_loop3A_333, %div3A_247 : vector<16xf32>
        %parallel_loop3A_335 = arith.addf %parallel_loop3A_334, %get3A_262 : vector<16xf32>
        %parallel_loop3A_336 = arith.index_cast %parallel_loop3A_298 : i32 to index
        %parallel_loop3A_337 = arith.constant 64 : index
        %parallel_loop3A_338 = tpu.vector_load %arg10[%parallel_loop3A_336, %parallel_loop3A_337] {strides = array<i32>} : memref<128x256xf32, #tpu.memory_space<vmem>>, vector<16xf32>,
        tpu.vector_store %arg10[%parallel_loop3A_336, %parallel_loop3A_337], %parallel_loop3A_335 {strides = array<i32>} : memref<128x256xf32, #tpu.memory_space<vmem>>, vector<16xf32>,
        %parallel_loop3A_339 = arith.index_cast %parallel_loop3A_298 : i32 to index
        %parallel_loop3A_340 = arith.constant 80 : index
        %parallel_loop3A_341 = tpu.vector_load %arg10[%parallel_loop3A_339, %parallel_loop3A_340] {strides = array<i32>} : memref<128x256xf32, #tpu.memory_space<vmem>>, vector<16xf32>,
        %parallel_loop3A_342 = arith.mulf %parallel_loop3A_341, %div3A_247 : vector<16xf32>
        %parallel_loop3A_343 = arith.addf %parallel_loop3A_342, %get3A_265 : vector<16xf32>
        %parallel_loop3A_344 = arith.index_cast %parallel_loop3A_298 : i32 to index
        %parallel_loop3A_345 = arith.constant 80 : index
        %parallel_loop3A_346 = tpu.vector_load %arg10[%parallel_loop3A_344, %parallel_loop3A_345] {strides = array<i32>} : memref<128x256xf32, #tpu.memory_space<vmem>>, vector<16xf32>,
        tpu.vector_store %arg10[%parallel_loop3A_344, %parallel_loop3A_345], %parallel_loop3A_343 {strides = array<i32>} : memref<128x256xf32, #tpu.memory_space<vmem>>, vector<16xf32>,
        %parallel_loop3A_347 = arith.index_cast %parallel_loop3A_298 : i32 to index
        %parallel_loop3A_348 = arith.constant 96 : index
        %parallel_loop3A_349 = tpu.vector_load %arg10[%parallel_loop3A_347, %parallel_loop3A_348] {strides = array<i32>} : memref<128x256xf32, #tpu.memory_space<vmem>>, vector<16xf32>,
        %parallel_loop3A_350 = arith.mulf %parallel_loop3A_349, %div3A_247 : vector<16xf32>
        %parallel_loop3A_351 = arith.addf %parallel_loop3A_350, %get3A_268 : vector<16xf32>
        %parallel_loop3A_352 = arith.index_cast %parallel_loop3A_298 : i32 to index
        %parallel_loop3A_353 = arith.constant 96 : index
        %parallel_loop3A_354 = tpu.vector_load %arg10[%parallel_loop3A_352, %parallel_loop3A_353] {strides = array<i32>} : memref<128x256xf32, #tpu.memory_space<vmem>>, vector<16xf32>,
        tpu.vector_store %arg10[%parallel_loop3A_352, %parallel_loop3A_353], %parallel_loop3A_351 {strides = array<i32>} : memref<128x256xf32, #tpu.memory_space<vmem>>, vector<16xf32>,
        %parallel_loop3A_355 = arith.index_cast %parallel_loop3A_298 : i32 to index
        %parallel_loop3A_356 = arith.constant 112 : index
        %parallel_loop3A_357 = tpu.vector_load %arg10[%parallel_loop3A_355, %parallel_loop3A_356] {strides = array<i32>} : memref<128x256xf32, #tpu.memory_space<vmem>>, vector<16xf32>,
        %parallel_loop3A_358 = arith.mulf %parallel_loop3A_357, %div3A_247 : vector<16xf32>
        %parallel_loop3A_359 = arith.addf %parallel_loop3A_358, %get3A_271 : vector<16xf32>
        %parallel_loop3A_360 = arith.index_cast %parallel_loop3A_298 : i32 to index
        %parallel_loop3A_361 = arith.constant 112 : index
        %parallel_loop3A_362 = tpu.vector_load %arg10[%parallel_loop3A_360, %parallel_loop3A_361] {strides = array<i32>} : memref<128x256xf32, #tpu.memory_space<vmem>>, vector<16xf32>,
        tpu.vector_store %arg10[%parallel_loop3A_360, %parallel_loop3A_361], %parallel_loop3A_359 {strides = array<i32>} : memref<128x256xf32, #tpu.memory_space<vmem>>, vector<16xf32>,
        %parallel_loop3A_363 = arith.index_cast %parallel_loop3A_298 : i32 to index
        %parallel_loop3A_364 = arith.constant 128 : index
        %parallel_loop3A_365 = tpu.vector_load %arg10[%parallel_loop3A_363, %parallel_loop3A_364] {strides = array<i32>} : memref<128x256xf32, #tpu.memory_space<vmem>>, vector<16xf32>,
        %parallel_loop3A_366 = arith.mulf %parallel_loop3A_365, %div3A_247 : vector<16xf32>
        %parallel_loop3A_367 = arith.addf %parallel_loop3A_366, %get3A_274 : vector<16xf32>
        %parallel_loop3A_368 = arith.index_cast %parallel_loop3A_298 : i32 to index
        %parallel_loop3A_369 = arith.constant 128 : index
        %parallel_loop3A_370 = tpu.vector_load %arg10[%parallel_loop3A_368, %parallel_loop3A_369] {strides = array<i32>} : memref<128x256xf32, #tpu.memory_space<vmem>>, vector<16xf32>,
        tpu.vector_store %arg10[%parallel_loop3A_368, %parallel_loop3A_369], %parallel_loop3A_367 {strides = array<i32>} : memref<128x256xf32, #tpu.memory_space<vmem>>, vector<16xf32>,
        %parallel_loop3A_371 = arith.index_cast %parallel_loop3A_298 : i32 to index
        %parallel_loop3A_372 = arith.constant 144 : index
        %parallel_loop3A_373 = tpu.vector_load %arg10[%parallel_loop3A_371, %parallel_loop3A_372] {strides = array<i32>} : memref<128x256xf32, #tpu.memory_space<vmem>>, vector<16xf32>,
        %parallel_loop3A_374 = arith.mulf %parallel_loop3A_373, %div3A_247 : vector<16xf32>
        %parallel_loop3A_375 = arith.addf %parallel_loop3A_374, %get3A_277 : vector<16xf32>
        %parallel_loop3A_376 = arith.index_cast %parallel_loop3A_298 : i32 to index
        %parallel_loop3A_377 = arith.constant 144 : index
        %parallel_loop3A_378 = tpu.vector_load %arg10[%parallel_loop3A_376, %parallel_loop3A_377] {strides = array<i32>} : memref<128x256xf32, #tpu.memory_space<vmem>>, vector<16xf32>,
        tpu.vector_store %arg10[%parallel_loop3A_376, %parallel_loop3A_377], %parallel_loop3A_375 {strides = array<i32>} : memref<128x256xf32, #tpu.memory_space<vmem>>, vector<16xf32>,
        %parallel_loop3A_379 = arith.index_cast %parallel_loop3A_298 : i32 to index
        %parallel_loop3A_380 = arith.constant 160 : index
        %parallel_loop3A_381 = tpu.vector_load %arg10[%parallel_loop3A_379, %parallel_loop3A_380] {strides = array<i32>} : memref<128x256xf32, #tpu.memory_space<vmem>>, vector<16xf32>,
        %parallel_loop3A_382 = arith.mulf %parallel_loop3A_381, %div3A_247 : vector<16xf32>
        %parallel_loop3A_383 = arith.addf %parallel_loop3A_382, %get3A_280 : vector<16xf32>
        %parallel_loop3A_384 = arith.index_cast %parallel_loop3A_298 : i32 to index
        %parallel_loop3A_385 = arith.constant 160 : index
        %parallel_loop3A_386 = tpu.vector_load %arg10[%parallel_loop3A_384, %parallel_loop3A_385] {strides = array<i32>} : memref<128x256xf32, #tpu.memory_space<vmem>>, vector<16xf32>,
        tpu.vector_store %arg10[%parallel_loop3A_384, %parallel_loop3A_385], %parallel_loop3A_383 {strides = array<i32>} : memref<128x256xf32, #tpu.memory_space<vmem>>, vector<16xf32>,
        %parallel_loop3A_387 = arith.index_cast %parallel_loop3A_298 : i32 to index
        %parallel_loop3A_388 = arith.constant 176 : index
        %parallel_loop3A_389 = tpu.vector_load %arg10[%parallel_loop3A_387, %parallel_loop3A_388] {strides = array<i32>} : memref<128x256xf32, #tpu.memory_space<vmem>>, vector<16xf32>,
        %parallel_loop3A_390 = arith.mulf %parallel_loop3A_389, %div3A_247 : vector<16xf32>
        %parallel_loop3A_391 = arith.addf %parallel_loop3A_390, %get3A_283 : vector<16xf32>
        %parallel_loop3A_392 = arith.index_cast %parallel_loop3A_298 : i32 to index
        %parallel_loop3A_393 = arith.constant 176 : index
        %parallel_loop3A_394 = tpu.vector_load %arg10[%parallel_loop3A_392, %parallel_loop3A_393] {strides = array<i32>} : memref<128x256xf32, #tpu.memory_space<vmem>>, vector<16xf32>,
        tpu.vector_store %arg10[%parallel_loop3A_392, %parallel_loop3A_393], %parallel_loop3A_391 {strides = array<i32>} : memref<128x256xf32, #tpu.memory_space<vmem>>, vector<16xf32>,
        %parallel_loop3A_395 = arith.index_cast %parallel_loop3A_298 : i32 to index
        %parallel_loop3A_396 = arith.constant 192 : index
        %parallel_loop3A_397 = tpu.vector_load %arg10[%parallel_loop3A_395, %parallel_loop3A_396] {strides = array<i32>} : memref<128x256xf32, #tpu.memory_space<vmem>>, vector<16xf32>,
        %parallel_loop3A_398 = arith.mulf %parallel_loop3A_397, %div3A_247 : vector<16xf32>
        %parallel_loop3A_399 = arith.addf %parallel_loop3A_398, %get3A_286 : vector<16xf32>
        %parallel_loop3A_400 = arith.index_cast %parallel_loop3A_298 : i32 to index
        %parallel_loop3A_401 = arith.constant 192 : index
        %parallel_loop3A_402 = tpu.vector_load %arg10[%parallel_loop3A_400, %parallel_loop3A_401] {strides = array<i32>} : memref<128x256xf32, #tpu.memory_space<vmem>>, vector<16xf32>,
        tpu.vector_store %arg10[%parallel_loop3A_400, %parallel_loop3A_401], %parallel_loop3A_399 {strides = array<i32>} : memref<128x256xf32, #tpu.memory_space<vmem>>, vector<16xf32>,
        %parallel_loop3A_403 = arith.index_cast %parallel_loop3A_298 : i32 to index
        %parallel_loop3A_404 = arith.constant 208 : index
        %parallel_loop3A_405 = tpu.vector_load %arg10[%parallel_loop3A_403, %parallel_loop3A_404] {strides = array<i32>} : memref<128x256xf32, #tpu.memory_space<vmem>>, vector<16xf32>,
        %parallel_loop3A_406 = arith.mulf %parallel_loop3A_405, %div3A_247 : vector<16xf32>
        %parallel_loop3A_407 = arith.addf %parallel_loop3A_406, %get3A_289 : vector<16xf32>
        %parallel_loop3A_408 = arith.index_cast %parallel_loop3A_298 : i32 to index
        %parallel_loop3A_409 = arith.constant 208 : index
        %parallel_loop3A_410 = tpu.vector_load %arg10[%parallel_loop3A_408, %parallel_loop3A_409] {strides = array<i32>} : memref<128x256xf32, #tpu.memory_space<vmem>>, vector<16xf32>,
        tpu.vector_store %arg10[%parallel_loop3A_408, %parallel_loop3A_409], %parallel_loop3A_407 {strides = array<i32>} : memref<128x256xf32, #tpu.memory_space<vmem>>, vector<16xf32>,
        %parallel_loop3A_411 = arith.index_cast %parallel_loop3A_298 : i32 to index
        %parallel_loop3A_412 = arith.constant 224 : index
        %parallel_loop3A_413 = tpu.vector_load %arg10[%parallel_loop3A_411, %parallel_loop3A_412] {strides = array<i32>} : memref<128x256xf32, #tpu.memory_space<vmem>>, vector<16xf32>,
        %parallel_loop3A_414 = arith.mulf %parallel_loop3A_413, %div3A_247 : vector<16xf32>
        %parallel_loop3A_415 = arith.addf %parallel_loop3A_414, %get3A_292 : vector<16xf32>
        %parallel_loop3A_416 = arith.index_cast %parallel_loop3A_298 : i32 to index
        %parallel_loop3A_417 = arith.constant 224 : index
        %parallel_loop3A_418 = tpu.vector_load %arg10[%parallel_loop3A_416, %parallel_loop3A_417] {strides = array<i32>} : memref<128x256xf32, #tpu.memory_space<vmem>>, vector<16xf32>,
        tpu.vector_store %arg10[%parallel_loop3A_416, %parallel_loop3A_417], %parallel_loop3A_415 {strides = array<i32>} : memref<128x256xf32, #tpu.memory_space<vmem>>, vector<16xf32>,
        %parallel_loop3A_419 = arith.index_cast %parallel_loop3A_298 : i32 to index
        %parallel_loop3A_420 = arith.constant 240 : index
        %parallel_loop3A_421 = tpu.vector_load %arg10[%parallel_loop3A_419, %parallel_loop3A_420] {strides = array<i32>} : memref<128x256xf32, #tpu.memory_space<vmem>>, vector<16xf32>,
        %parallel_loop3A_422 = arith.mulf %parallel_loop3A_421, %div3A_247 : vector<16xf32>
        %parallel_loop3A_423 = arith.addf %parallel_loop3A_422, %get3A_295 : vector<16xf32>
        %parallel_loop3A_424 = arith.index_cast %parallel_loop3A_298 : i32 to index
        %parallel_loop3A_425 = arith.constant 240 : index
        %parallel_loop3A_426 = tpu.vector_load %arg10[%parallel_loop3A_424, %parallel_loop3A_425] {strides = array<i32>} : memref<128x256xf32, #tpu.memory_space<vmem>>, vector<16xf32>,
        tpu.vector_store %arg10[%parallel_loop3A_424, %parallel_loop3A_425], %parallel_loop3A_423 {strides = array<i32>} : memref<128x256xf32, #tpu.memory_space<vmem>>, vector<16xf32>,
      } {sc.loop_unroll_factor = 2 : i64, sc.parallel_access}
      scf.yield %min3A_297 : i32
    }
    %dma_start3A_158 = arith.constant 0 : i32
    %dma_start3A_159 = tpu.memref_slice %arg5[%add3A_146, %dma_start3A_158] : memref<32768x256xf32, #tpu.memory_space<hbm>> -> memref<128x256xf32, #tpu.memory_space<hbm>>
    %dma_start3A_160 = arith.constant 0 : i32
    %dma_start3A_161 = tpu.memref_slice %arg5[%add3A_146, %dma_start3A_160] : memref<32768x256xf32, #tpu.memory_space<hbm>> -> memref<128x256xf32, #tpu.memory_space<hbm>>
    tpu.enqueue_dma source(%arg10 : memref<128x256xf32, #tpu.memory_space<vmem>>) target(%dma_start3A_161 : memref<128x256xf32, #tpu.memory_space<hbm>>) target_semaphore(%arg16 : memref<!tpu.dma_semaphore, #tpu.memory_space<semaphore_mem>>)
    %dma_wait3A_162 = arith.constant 0 : i32
    %dma_wait3A_163 = tpu.memref_slice %arg5[%add3A_119, %dma_wait3A_162] : memref<32768x256xf32, #tpu.memory_space<hbm>> -> memref<128x256xf32, #tpu.memory_space<hbm>>
    %dma_wait3A_164 = arith.constant 0 : i32
    %dma_wait3A_165 = tpu.memref_slice %arg5[%add3A_119, %dma_wait3A_164] : memref<32768x256xf32, #tpu.memory_space<hbm>> -> memref<128x256xf32, #tpu.memory_space<hbm>>
    tpu.wait_dma2 semaphore(%arg15 : memref<!tpu.dma_semaphore, #tpu.memory_space<semaphore_mem>>) src(%arg9 : memref<128x256xf32, #tpu.memory_space<vmem>>) dst(%dma_wait3A_165 : memref<128x256xf32, #tpu.memory_space<hbm>>)
    %add3A_166 = arith.constant 896 : i32
    %add3A_167 = arith.addi %mul3A_2, %add3A_166 : i32
    %dma_start3A_168 = arith.constant 0 : i32
    %dma_start3A_169 = tpu.memref_slice %arg3[%add3A_167, %dma_start3A_168] : memref<32768x256xf32, #tpu.memory_space<hbm>> -> memref<128x256xf32, #tpu.memory_space<hbm>>
    %dma_start3A_170 = arith.constant 0 : i32
    %dma_start3A_171 = tpu.memref_slice %arg3[%add3A_167, %dma_start3A_170] : memref<32768x256xf32, #tpu.memory_space<hbm>> -> memref<128x256xf32, #tpu.memory_space<hbm>>
    tpu.enqueue_dma source(%dma_start3A_171 : memref<128x256xf32, #tpu.memory_space<hbm>>) target(%arg9 : memref<128x256xf32, #tpu.memory_space<vmem>>) target_semaphore(%arg12 : memref<!tpu.dma_semaphore, #tpu.memory_space<semaphore_mem>>)
    %add3A_172 = arith.constant 768 : i32
    %add3A_173 = arith.addi %mul3A_2, %add3A_172 : i32
    %dma_wait3A_174 = arith.constant 0 : i32
    %dma_wait3A_175 = tpu.memref_slice %arg3[%add3A_140, %dma_wait3A_174] : memref<32768x256xf32, #tpu.memory_space<hbm>> -> memref<128x256xf32, #tpu.memory_space<hbm>>
    %dma_wait3A_176 = arith.constant 0 : i32
    %dma_wait3A_177 = tpu.memref_slice %arg3[%add3A_140, %dma_wait3A_176] : memref<32768x256xf32, #tpu.memory_space<hbm>> -> memref<128x256xf32, #tpu.memory_space<hbm>>
    tpu.wait_dma2 semaphore(%arg11 : memref<!tpu.dma_semaphore, #tpu.memory_space<semaphore_mem>>) src(%dma_wait3A_177 : memref<128x256xf32, #tpu.memory_space<hbm>>) dst(%arg8 : memref<128x256xf32, #tpu.memory_space<vmem>>)
    %sub3A_178 = arith.subi %squeeze3A, %add3A_173 : i32
    %jit3A_179 = arith.constant 0 : i32
    %jit3A_180 = arith.constant 128 : i32
    %max3A_181 = arith.maxsi %jit3A_179, %sub3A_178 : i32
    %min3A_182 = arith.minsi %jit3A_180, %max3A_181 : i32
    %while3A_183 = arith.constant 0 : i32
    %while3A_184 = scf.while (%while3A_218 = %while3A_183) : (i32) -> i32 {
      %lt3A = arith.cmpi slt, %while3A_218, %min3A_182 : i32
      scf.condition(%lt3A) %while3A_218 : i32
    } do {
    ^bb0(%while3A_218: i32):
      %add3A_219 = arith.addi %add3A_173, %while3A_218 : i32
      %broadcast_in_dim3A_220 = vector.broadcast %add3A_219 : i32 to vector<16xi32>
      %gt3A = arith.cmpi sgt, %masked_cumsum3A, %broadcast_in_dim3A_220 : vector<16xi32>
      %not3A = arith.constant dense<true> : vector<16xi1>
      %not3A_221 = arith.xori %gt3A, %not3A : vector<16xi1>
      %convert_element_type3A = arith.extui %not3A_221 : vector<16xi1> to vector<16xi32>
      %reduce_sum3A = arith.constant true
      %reduce_sum3A_222 = vector.broadcast %reduce_sum3A : i1 to vector<16xi1>
      %reduce_sum3A_223 = tpu.scan <sum>, %convert_element_type3A masked %reduce_sum3A_222 : vector<16xi32>, vector<16xi1> -> vector<16xi32>
      %reduce_sum3A_224 = vector.extract %reduce_sum3A_223[15] : i32 from vector<16xi32>
      %select_n3A = arith.select %gt3A, %masked_cumsum3A, %broadcast_in_dim3A_17 : vector<16xi1>, vector<16xi32>
      %reduce_min3A = arith.constant true
      %reduce_min3A_225 = vector.broadcast %reduce_min3A : i1 to vector<16xi1>
      %reduce_min3A_226 = arith.constant -2147483648 : i32
      %reduce_min3A_227 = vector.broadcast %reduce_min3A_226 : i32 to vector<16xi32>
      %reduce_min3A_228 = arith.xori %select_n3A, %reduce_min3A_227 : vector<16xi32>
      %reduce_min3A_229 = tpu.scan <min>, %reduce_min3A_228 masked %reduce_min3A_225 : vector<16xi32>, vector<16xi1> -> vector<16xi32>
      %reduce_min3A_230 = arith.xori %reduce_min3A_229, %reduce_min3A_227 : vector<16xi32>
      %reduce_min3A_231 = vector.extract %reduce_min3A_230[15] : i32 from vector<16xi32>
      %select_n3A_232 = arith.select %gt3A, %broadcast_in_dim3A_19, %masked_cumsum3A : vector<16xi1>, vector<16xi32>
      %reduce_max3A = arith.constant true
      %reduce_max3A_233 = vector.broadcast %reduce_max3A : i1 to vector<16xi1>
      %reduce_max3A_234 = arith.constant -2147483648 : i32
      %reduce_max3A_235 = vector.broadcast %reduce_max3A_234 : i32 to vector<16xi32>
      %reduce_max3A_236 = arith.xori %select_n3A_232, %reduce_max3A_235 : vector<16xi32>
      %reduce_max3A_237 = tpu.scan <max>, %reduce_max3A_236 masked %reduce_max3A_233 : vector<16xi32>, vector<16xi1> -> vector<16xi32>
      %reduce_max3A_238 = arith.xori %reduce_max3A_237, %reduce_max3A_235 : vector<16xi32>
      %reduce_max3A_239 = vector.extract %reduce_max3A_238[15] : i32 from vector<16xi32>
      %sub3A_240 = arith.subi %reduce_min3A_231, %reduce_max3A_239 : i32
      %broadcast_in_dim3A_241 = vector.broadcast %sub3A_240 : i32 to vector<16xi32>
      %convert_element_type3A_242 = arith.sitofp %broadcast_in_dim3A_241 : vector<16xi32> to vector<16xf32>
      %max3A_243 = arith.constant 1.000000e+00 : f32
      %max3A_244 = vector.broadcast %max3A_243 : f32 to vector<16xf32>
      %max3A_245 = arith.maximumf %convert_element_type3A_242, %max3A_244 : vector<16xf32>
      %div3A = arith.constant 1.000000e+00 : f32
      %div3A_246 = vector.broadcast %div3A : f32 to vector<16xf32>
      %div3A_247 = arith.divf %div3A_246, %max3A_245 : vector<16xf32>
      %get3A_248 = arith.index_cast %reduce_sum3A_224 : i32 to index
      %get3A_249 = arith.constant 0 : index
      %get3A_250 = tpu.vector_load %arg7[%get3A_248, %get3A_249] {strides = array<i32>} : memref<16x256xf32, #tpu.memory_space<vmem>>, vector<16xf32>,
      %get3A_251 = arith.index_cast %reduce_sum3A_224 : i32 to index
      %get3A_252 = arith.constant 16 : index
      %get3A_253 = tpu.vector_load %arg7[%get3A_251, %get3A_252] {strides = array<i32>} : memref<16x256xf32, #tpu.memory_space<vmem>>, vector<16xf32>,
      %get3A_254 = arith.index_cast %reduce_sum3A_224 : i32 to index
      %get3A_255 = arith.constant 32 : index
      %get3A_256 = tpu.vector_load %arg7[%get3A_254, %get3A_255] {strides = array<i32>} : memref<16x256xf32, #tpu.memory_space<vmem>>, vector<16xf32>,
      %get3A_257 = arith.index_cast %reduce_sum3A_224 : i32 to index
      %get3A_258 = arith.constant 48 : index
      %get3A_259 = tpu.vector_load %arg7[%get3A_257, %get3A_258] {strides = array<i32>} : memref<16x256xf32, #tpu.memory_space<vmem>>, vector<16xf32>,
      %get3A_260 = arith.index_cast %reduce_sum3A_224 : i32 to index
      %get3A_261 = arith.constant 64 : index
      %get3A_262 = tpu.vector_load %arg7[%get3A_260, %get3A_261] {strides = array<i32>} : memref<16x256xf32, #tpu.memory_space<vmem>>, vector<16xf32>,
      %get3A_263 = arith.index_cast %reduce_sum3A_224 : i32 to index
      %get3A_264 = arith.constant 80 : index
      %get3A_265 = tpu.vector_load %arg7[%get3A_263, %get3A_264] {strides = array<i32>} : memref<16x256xf32, #tpu.memory_space<vmem>>, vector<16xf32>,
      %get3A_266 = arith.index_cast %reduce_sum3A_224 : i32 to index
      %get3A_267 = arith.constant 96 : index
      %get3A_268 = tpu.vector_load %arg7[%get3A_266, %get3A_267] {strides = array<i32>} : memref<16x256xf32, #tpu.memory_space<vmem>>, vector<16xf32>,
      %get3A_269 = arith.index_cast %reduce_sum3A_224 : i32 to index
      %get3A_270 = arith.constant 112 : index
      %get3A_271 = tpu.vector_load %arg7[%get3A_269, %get3A_270] {strides = array<i32>} : memref<16x256xf32, #tpu.memory_space<vmem>>, vector<16xf32>,
      %get3A_272 = arith.index_cast %reduce_sum3A_224 : i32 to index
      %get3A_273 = arith.constant 128 : index
      %get3A_274 = tpu.vector_load %arg7[%get3A_272, %get3A_273] {strides = array<i32>} : memref<16x256xf32, #tpu.memory_space<vmem>>, vector<16xf32>,
      %get3A_275 = arith.index_cast %reduce_sum3A_224 : i32 to index
      %get3A_276 = arith.constant 144 : index
      %get3A_277 = tpu.vector_load %arg7[%get3A_275, %get3A_276] {strides = array<i32>} : memref<16x256xf32, #tpu.memory_space<vmem>>, vector<16xf32>,
      %get3A_278 = arith.index_cast %reduce_sum3A_224 : i32 to index
      %get3A_279 = arith.constant 160 : index
      %get3A_280 = tpu.vector_load %arg7[%get3A_278, %get3A_279] {strides = array<i32>} : memref<16x256xf32, #tpu.memory_space<vmem>>, vector<16xf32>,
      %get3A_281 = arith.index_cast %reduce_sum3A_224 : i32 to index
      %get3A_282 = arith.constant 176 : index
      %get3A_283 = tpu.vector_load %arg7[%get3A_281, %get3A_282] {strides = array<i32>} : memref<16x256xf32, #tpu.memory_space<vmem>>, vector<16xf32>,
      %get3A_284 = arith.index_cast %reduce_sum3A_224 : i32 to index
      %get3A_285 = arith.constant 192 : index
      %get3A_286 = tpu.vector_load %arg7[%get3A_284, %get3A_285] {strides = array<i32>} : memref<16x256xf32, #tpu.memory_space<vmem>>, vector<16xf32>,
      %get3A_287 = arith.index_cast %reduce_sum3A_224 : i32 to index
      %get3A_288 = arith.constant 208 : index
      %get3A_289 = tpu.vector_load %arg7[%get3A_287, %get3A_288] {strides = array<i32>} : memref<16x256xf32, #tpu.memory_space<vmem>>, vector<16xf32>,
      %get3A_290 = arith.index_cast %reduce_sum3A_224 : i32 to index
      %get3A_291 = arith.constant 224 : index
      %get3A_292 = tpu.vector_load %arg7[%get3A_290, %get3A_291] {strides = array<i32>} : memref<16x256xf32, #tpu.memory_space<vmem>>, vector<16xf32>,
      %get3A_293 = arith.index_cast %reduce_sum3A_224 : i32 to index
      %get3A_294 = arith.constant 240 : index
      %get3A_295 = tpu.vector_load %arg7[%get3A_293, %get3A_294] {strides = array<i32>} : memref<16x256xf32, #tpu.memory_space<vmem>>, vector<16xf32>,
      %sub3A_296 = arith.subi %reduce_min3A_231, %add3A_173 : i32
      %min3A_297 = arith.minsi %sub3A_296, %min3A_182 : i32
      %parallel_loop3A = arith.constant 1 : i32
      scf.for %parallel_loop3A_298 = %while3A_218 to %min3A_297 step %parallel_loop3A  : i32 {
        %parallel_loop3A_299 = arith.index_cast %parallel_loop3A_298 : i32 to index
        %parallel_loop3A_300 = arith.constant 0 : index
        %parallel_loop3A_301 = tpu.vector_load %arg8[%parallel_loop3A_299, %parallel_loop3A_300] {strides = array<i32>} : memref<128x256xf32, #tpu.memory_space<vmem>>, vector<16xf32>,
        %parallel_loop3A_302 = arith.mulf %parallel_loop3A_301, %div3A_247 : vector<16xf32>
        %parallel_loop3A_303 = arith.addf %parallel_loop3A_302, %get3A_250 : vector<16xf32>
        %parallel_loop3A_304 = arith.index_cast %parallel_loop3A_298 : i32 to index
        %parallel_loop3A_305 = arith.constant 0 : index
        %parallel_loop3A_306 = tpu.vector_load %arg8[%parallel_loop3A_304, %parallel_loop3A_305] {strides = array<i32>} : memref<128x256xf32, #tpu.memory_space<vmem>>, vector<16xf32>,
        tpu.vector_store %arg8[%parallel_loop3A_304, %parallel_loop3A_305], %parallel_loop3A_303 {strides = array<i32>} : memref<128x256xf32, #tpu.memory_space<vmem>>, vector<16xf32>,
        %parallel_loop3A_307 = arith.index_cast %parallel_loop3A_298 : i32 to index
        %parallel_loop3A_308 = arith.constant 16 : index
        %parallel_loop3A_309 = tpu.vector_load %arg8[%parallel_loop3A_307, %parallel_loop3A_308] {strides = array<i32>} : memref<128x256xf32, #tpu.memory_space<vmem>>, vector<16xf32>,
        %parallel_loop3A_310 = arith.mulf %parallel_loop3A_309, %div3A_247 : vector<16xf32>
        %parallel_loop3A_311 = arith.addf %parallel_loop3A_310, %get3A_253 : vector<16xf32>
        %parallel_loop3A_312 = arith.index_cast %parallel_loop3A_298 : i32 to index
        %parallel_loop3A_313 = arith.constant 16 : index
        %parallel_loop3A_314 = tpu.vector_load %arg8[%parallel_loop3A_312, %parallel_loop3A_313] {strides = array<i32>} : memref<128x256xf32, #tpu.memory_space<vmem>>, vector<16xf32>,
        tpu.vector_store %arg8[%parallel_loop3A_312, %parallel_loop3A_313], %parallel_loop3A_311 {strides = array<i32>} : memref<128x256xf32, #tpu.memory_space<vmem>>, vector<16xf32>,
        %parallel_loop3A_315 = arith.index_cast %parallel_loop3A_298 : i32 to index
        %parallel_loop3A_316 = arith.constant 32 : index
        %parallel_loop3A_317 = tpu.vector_load %arg8[%parallel_loop3A_315, %parallel_loop3A_316] {strides = array<i32>} : memref<128x256xf32, #tpu.memory_space<vmem>>, vector<16xf32>,
        %parallel_loop3A_318 = arith.mulf %parallel_loop3A_317, %div3A_247 : vector<16xf32>
        %parallel_loop3A_319 = arith.addf %parallel_loop3A_318, %get3A_256 : vector<16xf32>
        %parallel_loop3A_320 = arith.index_cast %parallel_loop3A_298 : i32 to index
        %parallel_loop3A_321 = arith.constant 32 : index
        %parallel_loop3A_322 = tpu.vector_load %arg8[%parallel_loop3A_320, %parallel_loop3A_321] {strides = array<i32>} : memref<128x256xf32, #tpu.memory_space<vmem>>, vector<16xf32>,
        tpu.vector_store %arg8[%parallel_loop3A_320, %parallel_loop3A_321], %parallel_loop3A_319 {strides = array<i32>} : memref<128x256xf32, #tpu.memory_space<vmem>>, vector<16xf32>,
        %parallel_loop3A_323 = arith.index_cast %parallel_loop3A_298 : i32 to index
        %parallel_loop3A_324 = arith.constant 48 : index
        %parallel_loop3A_325 = tpu.vector_load %arg8[%parallel_loop3A_323, %parallel_loop3A_324] {strides = array<i32>} : memref<128x256xf32, #tpu.memory_space<vmem>>, vector<16xf32>,
        %parallel_loop3A_326 = arith.mulf %parallel_loop3A_325, %div3A_247 : vector<16xf32>
        %parallel_loop3A_327 = arith.addf %parallel_loop3A_326, %get3A_259 : vector<16xf32>
        %parallel_loop3A_328 = arith.index_cast %parallel_loop3A_298 : i32 to index
        %parallel_loop3A_329 = arith.constant 48 : index
        %parallel_loop3A_330 = tpu.vector_load %arg8[%parallel_loop3A_328, %parallel_loop3A_329] {strides = array<i32>} : memref<128x256xf32, #tpu.memory_space<vmem>>, vector<16xf32>,
        tpu.vector_store %arg8[%parallel_loop3A_328, %parallel_loop3A_329], %parallel_loop3A_327 {strides = array<i32>} : memref<128x256xf32, #tpu.memory_space<vmem>>, vector<16xf32>,
        %parallel_loop3A_331 = arith.index_cast %parallel_loop3A_298 : i32 to index
        %parallel_loop3A_332 = arith.constant 64 : index
        %parallel_loop3A_333 = tpu.vector_load %arg8[%parallel_loop3A_331, %parallel_loop3A_332] {strides = array<i32>} : memref<128x256xf32, #tpu.memory_space<vmem>>, vector<16xf32>,
        %parallel_loop3A_334 = arith.mulf %parallel_loop3A_333, %div3A_247 : vector<16xf32>
        %parallel_loop3A_335 = arith.addf %parallel_loop3A_334, %get3A_262 : vector<16xf32>
        %parallel_loop3A_336 = arith.index_cast %parallel_loop3A_298 : i32 to index
        %parallel_loop3A_337 = arith.constant 64 : index
        %parallel_loop3A_338 = tpu.vector_load %arg8[%parallel_loop3A_336, %parallel_loop3A_337] {strides = array<i32>} : memref<128x256xf32, #tpu.memory_space<vmem>>, vector<16xf32>,
        tpu.vector_store %arg8[%parallel_loop3A_336, %parallel_loop3A_337], %parallel_loop3A_335 {strides = array<i32>} : memref<128x256xf32, #tpu.memory_space<vmem>>, vector<16xf32>,
        %parallel_loop3A_339 = arith.index_cast %parallel_loop3A_298 : i32 to index
        %parallel_loop3A_340 = arith.constant 80 : index
        %parallel_loop3A_341 = tpu.vector_load %arg8[%parallel_loop3A_339, %parallel_loop3A_340] {strides = array<i32>} : memref<128x256xf32, #tpu.memory_space<vmem>>, vector<16xf32>,
        %parallel_loop3A_342 = arith.mulf %parallel_loop3A_341, %div3A_247 : vector<16xf32>
        %parallel_loop3A_343 = arith.addf %parallel_loop3A_342, %get3A_265 : vector<16xf32>
        %parallel_loop3A_344 = arith.index_cast %parallel_loop3A_298 : i32 to index
        %parallel_loop3A_345 = arith.constant 80 : index
        %parallel_loop3A_346 = tpu.vector_load %arg8[%parallel_loop3A_344, %parallel_loop3A_345] {strides = array<i32>} : memref<128x256xf32, #tpu.memory_space<vmem>>, vector<16xf32>,
        tpu.vector_store %arg8[%parallel_loop3A_344, %parallel_loop3A_345], %parallel_loop3A_343 {strides = array<i32>} : memref<128x256xf32, #tpu.memory_space<vmem>>, vector<16xf32>,
        %parallel_loop3A_347 = arith.index_cast %parallel_loop3A_298 : i32 to index
        %parallel_loop3A_348 = arith.constant 96 : index
        %parallel_loop3A_349 = tpu.vector_load %arg8[%parallel_loop3A_347, %parallel_loop3A_348] {strides = array<i32>} : memref<128x256xf32, #tpu.memory_space<vmem>>, vector<16xf32>,
        %parallel_loop3A_350 = arith.mulf %parallel_loop3A_349, %div3A_247 : vector<16xf32>
        %parallel_loop3A_351 = arith.addf %parallel_loop3A_350, %get3A_268 : vector<16xf32>
        %parallel_loop3A_352 = arith.index_cast %parallel_loop3A_298 : i32 to index
        %parallel_loop3A_353 = arith.constant 96 : index
        %parallel_loop3A_354 = tpu.vector_load %arg8[%parallel_loop3A_352, %parallel_loop3A_353] {strides = array<i32>} : memref<128x256xf32, #tpu.memory_space<vmem>>, vector<16xf32>,
        tpu.vector_store %arg8[%parallel_loop3A_352, %parallel_loop3A_353], %parallel_loop3A_351 {strides = array<i32>} : memref<128x256xf32, #tpu.memory_space<vmem>>, vector<16xf32>,
        %parallel_loop3A_355 = arith.index_cast %parallel_loop3A_298 : i32 to index
        %parallel_loop3A_356 = arith.constant 112 : index
        %parallel_loop3A_357 = tpu.vector_load %arg8[%parallel_loop3A_355, %parallel_loop3A_356] {strides = array<i32>} : memref<128x256xf32, #tpu.memory_space<vmem>>, vector<16xf32>,
        %parallel_loop3A_358 = arith.mulf %parallel_loop3A_357, %div3A_247 : vector<16xf32>
        %parallel_loop3A_359 = arith.addf %parallel_loop3A_358, %get3A_271 : vector<16xf32>
        %parallel_loop3A_360 = arith.index_cast %parallel_loop3A_298 : i32 to index
        %parallel_loop3A_361 = arith.constant 112 : index
        %parallel_loop3A_362 = tpu.vector_load %arg8[%parallel_loop3A_360, %parallel_loop3A_361] {strides = array<i32>} : memref<128x256xf32, #tpu.memory_space<vmem>>, vector<16xf32>,
        tpu.vector_store %arg8[%parallel_loop3A_360, %parallel_loop3A_361], %parallel_loop3A_359 {strides = array<i32>} : memref<128x256xf32, #tpu.memory_space<vmem>>, vector<16xf32>,
        %parallel_loop3A_363 = arith.index_cast %parallel_loop3A_298 : i32 to index
        %parallel_loop3A_364 = arith.constant 128 : index
        %parallel_loop3A_365 = tpu.vector_load %arg8[%parallel_loop3A_363, %parallel_loop3A_364] {strides = array<i32>} : memref<128x256xf32, #tpu.memory_space<vmem>>, vector<16xf32>,
        %parallel_loop3A_366 = arith.mulf %parallel_loop3A_365, %div3A_247 : vector<16xf32>
        %parallel_loop3A_367 = arith.addf %parallel_loop3A_366, %get3A_274 : vector<16xf32>
        %parallel_loop3A_368 = arith.index_cast %parallel_loop3A_298 : i32 to index
        %parallel_loop3A_369 = arith.constant 128 : index
        %parallel_loop3A_370 = tpu.vector_load %arg8[%parallel_loop3A_368, %parallel_loop3A_369] {strides = array<i32>} : memref<128x256xf32, #tpu.memory_space<vmem>>, vector<16xf32>,
        tpu.vector_store %arg8[%parallel_loop3A_368, %parallel_loop3A_369], %parallel_loop3A_367 {strides = array<i32>} : memref<128x256xf32, #tpu.memory_space<vmem>>, vector<16xf32>,
        %parallel_loop3A_371 = arith.index_cast %parallel_loop3A_298 : i32 to index
        %parallel_loop3A_372 = arith.constant 144 : index
        %parallel_loop3A_373 = tpu.vector_load %arg8[%parallel_loop3A_371, %parallel_loop3A_372] {strides = array<i32>} : memref<128x256xf32, #tpu.memory_space<vmem>>, vector<16xf32>,
        %parallel_loop3A_374 = arith.mulf %parallel_loop3A_373, %div3A_247 : vector<16xf32>
        %parallel_loop3A_375 = arith.addf %parallel_loop3A_374, %get3A_277 : vector<16xf32>
        %parallel_loop3A_376 = arith.index_cast %parallel_loop3A_298 : i32 to index
        %parallel_loop3A_377 = arith.constant 144 : index
        %parallel_loop3A_378 = tpu.vector_load %arg8[%parallel_loop3A_376, %parallel_loop3A_377] {strides = array<i32>} : memref<128x256xf32, #tpu.memory_space<vmem>>, vector<16xf32>,
        tpu.vector_store %arg8[%parallel_loop3A_376, %parallel_loop3A_377], %parallel_loop3A_375 {strides = array<i32>} : memref<128x256xf32, #tpu.memory_space<vmem>>, vector<16xf32>,
        %parallel_loop3A_379 = arith.index_cast %parallel_loop3A_298 : i32 to index
        %parallel_loop3A_380 = arith.constant 160 : index
        %parallel_loop3A_381 = tpu.vector_load %arg8[%parallel_loop3A_379, %parallel_loop3A_380] {strides = array<i32>} : memref<128x256xf32, #tpu.memory_space<vmem>>, vector<16xf32>,
        %parallel_loop3A_382 = arith.mulf %parallel_loop3A_381, %div3A_247 : vector<16xf32>
        %parallel_loop3A_383 = arith.addf %parallel_loop3A_382, %get3A_280 : vector<16xf32>
        %parallel_loop3A_384 = arith.index_cast %parallel_loop3A_298 : i32 to index
        %parallel_loop3A_385 = arith.constant 160 : index
        %parallel_loop3A_386 = tpu.vector_load %arg8[%parallel_loop3A_384, %parallel_loop3A_385] {strides = array<i32>} : memref<128x256xf32, #tpu.memory_space<vmem>>, vector<16xf32>,
        tpu.vector_store %arg8[%parallel_loop3A_384, %parallel_loop3A_385], %parallel_loop3A_383 {strides = array<i32>} : memref<128x256xf32, #tpu.memory_space<vmem>>, vector<16xf32>,
        %parallel_loop3A_387 = arith.index_cast %parallel_loop3A_298 : i32 to index
        %parallel_loop3A_388 = arith.constant 176 : index
        %parallel_loop3A_389 = tpu.vector_load %arg8[%parallel_loop3A_387, %parallel_loop3A_388] {strides = array<i32>} : memref<128x256xf32, #tpu.memory_space<vmem>>, vector<16xf32>,
        %parallel_loop3A_390 = arith.mulf %parallel_loop3A_389, %div3A_247 : vector<16xf32>
        %parallel_loop3A_391 = arith.addf %parallel_loop3A_390, %get3A_283 : vector<16xf32>
        %parallel_loop3A_392 = arith.index_cast %parallel_loop3A_298 : i32 to index
        %parallel_loop3A_393 = arith.constant 176 : index
        %parallel_loop3A_394 = tpu.vector_load %arg8[%parallel_loop3A_392, %parallel_loop3A_393] {strides = array<i32>} : memref<128x256xf32, #tpu.memory_space<vmem>>, vector<16xf32>,
        tpu.vector_store %arg8[%parallel_loop3A_392, %parallel_loop3A_393], %parallel_loop3A_391 {strides = array<i32>} : memref<128x256xf32, #tpu.memory_space<vmem>>, vector<16xf32>,
        %parallel_loop3A_395 = arith.index_cast %parallel_loop3A_298 : i32 to index
        %parallel_loop3A_396 = arith.constant 192 : index
        %parallel_loop3A_397 = tpu.vector_load %arg8[%parallel_loop3A_395, %parallel_loop3A_396] {strides = array<i32>} : memref<128x256xf32, #tpu.memory_space<vmem>>, vector<16xf32>,
        %parallel_loop3A_398 = arith.mulf %parallel_loop3A_397, %div3A_247 : vector<16xf32>
        %parallel_loop3A_399 = arith.addf %parallel_loop3A_398, %get3A_286 : vector<16xf32>
        %parallel_loop3A_400 = arith.index_cast %parallel_loop3A_298 : i32 to index
        %parallel_loop3A_401 = arith.constant 192 : index
        %parallel_loop3A_402 = tpu.vector_load %arg8[%parallel_loop3A_400, %parallel_loop3A_401] {strides = array<i32>} : memref<128x256xf32, #tpu.memory_space<vmem>>, vector<16xf32>,
        tpu.vector_store %arg8[%parallel_loop3A_400, %parallel_loop3A_401], %parallel_loop3A_399 {strides = array<i32>} : memref<128x256xf32, #tpu.memory_space<vmem>>, vector<16xf32>,
        %parallel_loop3A_403 = arith.index_cast %parallel_loop3A_298 : i32 to index
        %parallel_loop3A_404 = arith.constant 208 : index
        %parallel_loop3A_405 = tpu.vector_load %arg8[%parallel_loop3A_403, %parallel_loop3A_404] {strides = array<i32>} : memref<128x256xf32, #tpu.memory_space<vmem>>, vector<16xf32>,
        %parallel_loop3A_406 = arith.mulf %parallel_loop3A_405, %div3A_247 : vector<16xf32>
        %parallel_loop3A_407 = arith.addf %parallel_loop3A_406, %get3A_289 : vector<16xf32>
        %parallel_loop3A_408 = arith.index_cast %parallel_loop3A_298 : i32 to index
        %parallel_loop3A_409 = arith.constant 208 : index
        %parallel_loop3A_410 = tpu.vector_load %arg8[%parallel_loop3A_408, %parallel_loop3A_409] {strides = array<i32>} : memref<128x256xf32, #tpu.memory_space<vmem>>, vector<16xf32>,
        tpu.vector_store %arg8[%parallel_loop3A_408, %parallel_loop3A_409], %parallel_loop3A_407 {strides = array<i32>} : memref<128x256xf32, #tpu.memory_space<vmem>>, vector<16xf32>,
        %parallel_loop3A_411 = arith.index_cast %parallel_loop3A_298 : i32 to index
        %parallel_loop3A_412 = arith.constant 224 : index
        %parallel_loop3A_413 = tpu.vector_load %arg8[%parallel_loop3A_411, %parallel_loop3A_412] {strides = array<i32>} : memref<128x256xf32, #tpu.memory_space<vmem>>, vector<16xf32>,
        %parallel_loop3A_414 = arith.mulf %parallel_loop3A_413, %div3A_247 : vector<16xf32>
        %parallel_loop3A_415 = arith.addf %parallel_loop3A_414, %get3A_292 : vector<16xf32>
        %parallel_loop3A_416 = arith.index_cast %parallel_loop3A_298 : i32 to index
        %parallel_loop3A_417 = arith.constant 224 : index
        %parallel_loop3A_418 = tpu.vector_load %arg8[%parallel_loop3A_416, %parallel_loop3A_417] {strides = array<i32>} : memref<128x256xf32, #tpu.memory_space<vmem>>, vector<16xf32>,
        tpu.vector_store %arg8[%parallel_loop3A_416, %parallel_loop3A_417], %parallel_loop3A_415 {strides = array<i32>} : memref<128x256xf32, #tpu.memory_space<vmem>>, vector<16xf32>,
        %parallel_loop3A_419 = arith.index_cast %parallel_loop3A_298 : i32 to index
        %parallel_loop3A_420 = arith.constant 240 : index
        %parallel_loop3A_421 = tpu.vector_load %arg8[%parallel_loop3A_419, %parallel_loop3A_420] {strides = array<i32>} : memref<128x256xf32, #tpu.memory_space<vmem>>, vector<16xf32>,
        %parallel_loop3A_422 = arith.mulf %parallel_loop3A_421, %div3A_247 : vector<16xf32>
        %parallel_loop3A_423 = arith.addf %parallel_loop3A_422, %get3A_295 : vector<16xf32>
        %parallel_loop3A_424 = arith.index_cast %parallel_loop3A_298 : i32 to index
        %parallel_loop3A_425 = arith.constant 240 : index
        %parallel_loop3A_426 = tpu.vector_load %arg8[%parallel_loop3A_424, %parallel_loop3A_425] {strides = array<i32>} : memref<128x256xf32, #tpu.memory_space<vmem>>, vector<16xf32>,
        tpu.vector_store %arg8[%parallel_loop3A_424, %parallel_loop3A_425], %parallel_loop3A_423 {strides = array<i32>} : memref<128x256xf32, #tpu.memory_space<vmem>>, vector<16xf32>,
      } {sc.loop_unroll_factor = 2 : i64, sc.parallel_access}
      scf.yield %min3A_297 : i32
    }
    %dma_start3A_185 = arith.constant 0 : i32
    %dma_start3A_186 = tpu.memref_slice %arg5[%add3A_173, %dma_start3A_185] : memref<32768x256xf32, #tpu.memory_space<hbm>> -> memref<128x256xf32, #tpu.memory_space<hbm>>
    %dma_start3A_187 = arith.constant 0 : i32
    %dma_start3A_188 = tpu.memref_slice %arg5[%add3A_173, %dma_start3A_187] : memref<32768x256xf32, #tpu.memory_space<hbm>> -> memref<128x256xf32, #tpu.memory_space<hbm>>
    tpu.enqueue_dma source(%arg8 : memref<128x256xf32, #tpu.memory_space<vmem>>) target(%dma_start3A_188 : memref<128x256xf32, #tpu.memory_space<hbm>>) target_semaphore(%arg14 : memref<!tpu.dma_semaphore, #tpu.memory_space<semaphore_mem>>)
    %add3A_189 = arith.constant 896 : i32
    %add3A_190 = arith.addi %mul3A_2, %add3A_189 : i32
    %dma_wait3A_191 = arith.constant 0 : i32
    %dma_wait3A_192 = tpu.memref_slice %arg3[%add3A_167, %dma_wait3A_191] : memref<32768x256xf32, #tpu.memory_space<hbm>> -> memref<128x256xf32, #tpu.memory_space<hbm>>
    %dma_wait3A_193 = arith.constant 0 : i32
    %dma_wait3A_194 = tpu.memref_slice %arg3[%add3A_167, %dma_wait3A_193] : memref<32768x256xf32, #tpu.memory_space<hbm>> -> memref<128x256xf32, #tpu.memory_space<hbm>>
    tpu.wait_dma2 semaphore(%arg12 : memref<!tpu.dma_semaphore, #tpu.memory_space<semaphore_mem>>) src(%dma_wait3A_194 : memref<128x256xf32, #tpu.memory_space<hbm>>) dst(%arg9 : memref<128x256xf32, #tpu.memory_space<vmem>>)
    %sub3A_195 = arith.subi %squeeze3A, %add3A_190 : i32
    %jit3A_196 = arith.constant 0 : i32
    %jit3A_197 = arith.constant 128 : i32
    %max3A_198 = arith.maxsi %jit3A_196, %sub3A_195 : i32
    %min3A_199 = arith.minsi %jit3A_197, %max3A_198 : i32
    %while3A_200 = arith.constant 0 : i32
    %while3A_201 = scf.while (%while3A_218 = %while3A_200) : (i32) -> i32 {
      %lt3A = arith.cmpi slt, %while3A_218, %min3A_199 : i32
      scf.condition(%lt3A) %while3A_218 : i32
    } do {
    ^bb0(%while3A_218: i32):
      %add3A_219 = arith.addi %add3A_190, %while3A_218 : i32
      %broadcast_in_dim3A_220 = vector.broadcast %add3A_219 : i32 to vector<16xi32>
      %gt3A = arith.cmpi sgt, %masked_cumsum3A, %broadcast_in_dim3A_220 : vector<16xi32>
      %not3A = arith.constant dense<true> : vector<16xi1>
      %not3A_221 = arith.xori %gt3A, %not3A : vector<16xi1>
      %convert_element_type3A = arith.extui %not3A_221 : vector<16xi1> to vector<16xi32>
      %reduce_sum3A = arith.constant true
      %reduce_sum3A_222 = vector.broadcast %reduce_sum3A : i1 to vector<16xi1>
      %reduce_sum3A_223 = tpu.scan <sum>, %convert_element_type3A masked %reduce_sum3A_222 : vector<16xi32>, vector<16xi1> -> vector<16xi32>
      %reduce_sum3A_224 = vector.extract %reduce_sum3A_223[15] : i32 from vector<16xi32>
      %select_n3A = arith.select %gt3A, %masked_cumsum3A, %broadcast_in_dim3A_17 : vector<16xi1>, vector<16xi32>
      %reduce_min3A = arith.constant true
      %reduce_min3A_225 = vector.broadcast %reduce_min3A : i1 to vector<16xi1>
      %reduce_min3A_226 = arith.constant -2147483648 : i32
      %reduce_min3A_227 = vector.broadcast %reduce_min3A_226 : i32 to vector<16xi32>
      %reduce_min3A_228 = arith.xori %select_n3A, %reduce_min3A_227 : vector<16xi32>
      %reduce_min3A_229 = tpu.scan <min>, %reduce_min3A_228 masked %reduce_min3A_225 : vector<16xi32>, vector<16xi1> -> vector<16xi32>
      %reduce_min3A_230 = arith.xori %reduce_min3A_229, %reduce_min3A_227 : vector<16xi32>
      %reduce_min3A_231 = vector.extract %reduce_min3A_230[15] : i32 from vector<16xi32>
      %select_n3A_232 = arith.select %gt3A, %broadcast_in_dim3A_19, %masked_cumsum3A : vector<16xi1>, vector<16xi32>
      %reduce_max3A = arith.constant true
      %reduce_max3A_233 = vector.broadcast %reduce_max3A : i1 to vector<16xi1>
      %reduce_max3A_234 = arith.constant -2147483648 : i32
      %reduce_max3A_235 = vector.broadcast %reduce_max3A_234 : i32 to vector<16xi32>
      %reduce_max3A_236 = arith.xori %select_n3A_232, %reduce_max3A_235 : vector<16xi32>
      %reduce_max3A_237 = tpu.scan <max>, %reduce_max3A_236 masked %reduce_max3A_233 : vector<16xi32>, vector<16xi1> -> vector<16xi32>
      %reduce_max3A_238 = arith.xori %reduce_max3A_237, %reduce_max3A_235 : vector<16xi32>
      %reduce_max3A_239 = vector.extract %reduce_max3A_238[15] : i32 from vector<16xi32>
      %sub3A_240 = arith.subi %reduce_min3A_231, %reduce_max3A_239 : i32
      %broadcast_in_dim3A_241 = vector.broadcast %sub3A_240 : i32 to vector<16xi32>
      %convert_element_type3A_242 = arith.sitofp %broadcast_in_dim3A_241 : vector<16xi32> to vector<16xf32>
      %max3A_243 = arith.constant 1.000000e+00 : f32
      %max3A_244 = vector.broadcast %max3A_243 : f32 to vector<16xf32>
      %max3A_245 = arith.maximumf %convert_element_type3A_242, %max3A_244 : vector<16xf32>
      %div3A = arith.constant 1.000000e+00 : f32
      %div3A_246 = vector.broadcast %div3A : f32 to vector<16xf32>
      %div3A_247 = arith.divf %div3A_246, %max3A_245 : vector<16xf32>
      %get3A_248 = arith.index_cast %reduce_sum3A_224 : i32 to index
      %get3A_249 = arith.constant 0 : index
      %get3A_250 = tpu.vector_load %arg7[%get3A_248, %get3A_249] {strides = array<i32>} : memref<16x256xf32, #tpu.memory_space<vmem>>, vector<16xf32>,
      %get3A_251 = arith.index_cast %reduce_sum3A_224 : i32 to index
      %get3A_252 = arith.constant 16 : index
      %get3A_253 = tpu.vector_load %arg7[%get3A_251, %get3A_252] {strides = array<i32>} : memref<16x256xf32, #tpu.memory_space<vmem>>, vector<16xf32>,
      %get3A_254 = arith.index_cast %reduce_sum3A_224 : i32 to index
      %get3A_255 = arith.constant 32 : index
      %get3A_256 = tpu.vector_load %arg7[%get3A_254, %get3A_255] {strides = array<i32>} : memref<16x256xf32, #tpu.memory_space<vmem>>, vector<16xf32>,
      %get3A_257 = arith.index_cast %reduce_sum3A_224 : i32 to index
      %get3A_258 = arith.constant 48 : index
      %get3A_259 = tpu.vector_load %arg7[%get3A_257, %get3A_258] {strides = array<i32>} : memref<16x256xf32, #tpu.memory_space<vmem>>, vector<16xf32>,
      %get3A_260 = arith.index_cast %reduce_sum3A_224 : i32 to index
      %get3A_261 = arith.constant 64 : index
      %get3A_262 = tpu.vector_load %arg7[%get3A_260, %get3A_261] {strides = array<i32>} : memref<16x256xf32, #tpu.memory_space<vmem>>, vector<16xf32>,
      %get3A_263 = arith.index_cast %reduce_sum3A_224 : i32 to index
      %get3A_264 = arith.constant 80 : index
      %get3A_265 = tpu.vector_load %arg7[%get3A_263, %get3A_264] {strides = array<i32>} : memref<16x256xf32, #tpu.memory_space<vmem>>, vector<16xf32>,
      %get3A_266 = arith.index_cast %reduce_sum3A_224 : i32 to index
      %get3A_267 = arith.constant 96 : index
      %get3A_268 = tpu.vector_load %arg7[%get3A_266, %get3A_267] {strides = array<i32>} : memref<16x256xf32, #tpu.memory_space<vmem>>, vector<16xf32>,
      %get3A_269 = arith.index_cast %reduce_sum3A_224 : i32 to index
      %get3A_270 = arith.constant 112 : index
      %get3A_271 = tpu.vector_load %arg7[%get3A_269, %get3A_270] {strides = array<i32>} : memref<16x256xf32, #tpu.memory_space<vmem>>, vector<16xf32>,
      %get3A_272 = arith.index_cast %reduce_sum3A_224 : i32 to index
      %get3A_273 = arith.constant 128 : index
      %get3A_274 = tpu.vector_load %arg7[%get3A_272, %get3A_273] {strides = array<i32>} : memref<16x256xf32, #tpu.memory_space<vmem>>, vector<16xf32>,
      %get3A_275 = arith.index_cast %reduce_sum3A_224 : i32 to index
      %get3A_276 = arith.constant 144 : index
      %get3A_277 = tpu.vector_load %arg7[%get3A_275, %get3A_276] {strides = array<i32>} : memref<16x256xf32, #tpu.memory_space<vmem>>, vector<16xf32>,
      %get3A_278 = arith.index_cast %reduce_sum3A_224 : i32 to index
      %get3A_279 = arith.constant 160 : index
      %get3A_280 = tpu.vector_load %arg7[%get3A_278, %get3A_279] {strides = array<i32>} : memref<16x256xf32, #tpu.memory_space<vmem>>, vector<16xf32>,
      %get3A_281 = arith.index_cast %reduce_sum3A_224 : i32 to index
      %get3A_282 = arith.constant 176 : index
      %get3A_283 = tpu.vector_load %arg7[%get3A_281, %get3A_282] {strides = array<i32>} : memref<16x256xf32, #tpu.memory_space<vmem>>, vector<16xf32>,
      %get3A_284 = arith.index_cast %reduce_sum3A_224 : i32 to index
      %get3A_285 = arith.constant 192 : index
      %get3A_286 = tpu.vector_load %arg7[%get3A_284, %get3A_285] {strides = array<i32>} : memref<16x256xf32, #tpu.memory_space<vmem>>, vector<16xf32>,
      %get3A_287 = arith.index_cast %reduce_sum3A_224 : i32 to index
      %get3A_288 = arith.constant 208 : index
      %get3A_289 = tpu.vector_load %arg7[%get3A_287, %get3A_288] {strides = array<i32>} : memref<16x256xf32, #tpu.memory_space<vmem>>, vector<16xf32>,
      %get3A_290 = arith.index_cast %reduce_sum3A_224 : i32 to index
      %get3A_291 = arith.constant 224 : index
      %get3A_292 = tpu.vector_load %arg7[%get3A_290, %get3A_291] {strides = array<i32>} : memref<16x256xf32, #tpu.memory_space<vmem>>, vector<16xf32>,
      %get3A_293 = arith.index_cast %reduce_sum3A_224 : i32 to index
      %get3A_294 = arith.constant 240 : index
      %get3A_295 = tpu.vector_load %arg7[%get3A_293, %get3A_294] {strides = array<i32>} : memref<16x256xf32, #tpu.memory_space<vmem>>, vector<16xf32>,
      %sub3A_296 = arith.subi %reduce_min3A_231, %add3A_190 : i32
      %min3A_297 = arith.minsi %sub3A_296, %min3A_199 : i32
      %parallel_loop3A = arith.constant 1 : i32
      scf.for %parallel_loop3A_298 = %while3A_218 to %min3A_297 step %parallel_loop3A  : i32 {
        %parallel_loop3A_299 = arith.index_cast %parallel_loop3A_298 : i32 to index
        %parallel_loop3A_300 = arith.constant 0 : index
        %parallel_loop3A_301 = tpu.vector_load %arg9[%parallel_loop3A_299, %parallel_loop3A_300] {strides = array<i32>} : memref<128x256xf32, #tpu.memory_space<vmem>>, vector<16xf32>,
        %parallel_loop3A_302 = arith.mulf %parallel_loop3A_301, %div3A_247 : vector<16xf32>
        %parallel_loop3A_303 = arith.addf %parallel_loop3A_302, %get3A_250 : vector<16xf32>
        %parallel_loop3A_304 = arith.index_cast %parallel_loop3A_298 : i32 to index
        %parallel_loop3A_305 = arith.constant 0 : index
        %parallel_loop3A_306 = tpu.vector_load %arg9[%parallel_loop3A_304, %parallel_loop3A_305] {strides = array<i32>} : memref<128x256xf32, #tpu.memory_space<vmem>>, vector<16xf32>,
        tpu.vector_store %arg9[%parallel_loop3A_304, %parallel_loop3A_305], %parallel_loop3A_303 {strides = array<i32>} : memref<128x256xf32, #tpu.memory_space<vmem>>, vector<16xf32>,
        %parallel_loop3A_307 = arith.index_cast %parallel_loop3A_298 : i32 to index
        %parallel_loop3A_308 = arith.constant 16 : index
        %parallel_loop3A_309 = tpu.vector_load %arg9[%parallel_loop3A_307, %parallel_loop3A_308] {strides = array<i32>} : memref<128x256xf32, #tpu.memory_space<vmem>>, vector<16xf32>,
        %parallel_loop3A_310 = arith.mulf %parallel_loop3A_309, %div3A_247 : vector<16xf32>
        %parallel_loop3A_311 = arith.addf %parallel_loop3A_310, %get3A_253 : vector<16xf32>
        %parallel_loop3A_312 = arith.index_cast %parallel_loop3A_298 : i32 to index
        %parallel_loop3A_313 = arith.constant 16 : index
        %parallel_loop3A_314 = tpu.vector_load %arg9[%parallel_loop3A_312, %parallel_loop3A_313] {strides = array<i32>} : memref<128x256xf32, #tpu.memory_space<vmem>>, vector<16xf32>,
        tpu.vector_store %arg9[%parallel_loop3A_312, %parallel_loop3A_313], %parallel_loop3A_311 {strides = array<i32>} : memref<128x256xf32, #tpu.memory_space<vmem>>, vector<16xf32>,
        %parallel_loop3A_315 = arith.index_cast %parallel_loop3A_298 : i32 to index
        %parallel_loop3A_316 = arith.constant 32 : index
        %parallel_loop3A_317 = tpu.vector_load %arg9[%parallel_loop3A_315, %parallel_loop3A_316] {strides = array<i32>} : memref<128x256xf32, #tpu.memory_space<vmem>>, vector<16xf32>,
        %parallel_loop3A_318 = arith.mulf %parallel_loop3A_317, %div3A_247 : vector<16xf32>
        %parallel_loop3A_319 = arith.addf %parallel_loop3A_318, %get3A_256 : vector<16xf32>
        %parallel_loop3A_320 = arith.index_cast %parallel_loop3A_298 : i32 to index
        %parallel_loop3A_321 = arith.constant 32 : index
        %parallel_loop3A_322 = tpu.vector_load %arg9[%parallel_loop3A_320, %parallel_loop3A_321] {strides = array<i32>} : memref<128x256xf32, #tpu.memory_space<vmem>>, vector<16xf32>,
        tpu.vector_store %arg9[%parallel_loop3A_320, %parallel_loop3A_321], %parallel_loop3A_319 {strides = array<i32>} : memref<128x256xf32, #tpu.memory_space<vmem>>, vector<16xf32>,
        %parallel_loop3A_323 = arith.index_cast %parallel_loop3A_298 : i32 to index
        %parallel_loop3A_324 = arith.constant 48 : index
        %parallel_loop3A_325 = tpu.vector_load %arg9[%parallel_loop3A_323, %parallel_loop3A_324] {strides = array<i32>} : memref<128x256xf32, #tpu.memory_space<vmem>>, vector<16xf32>,
        %parallel_loop3A_326 = arith.mulf %parallel_loop3A_325, %div3A_247 : vector<16xf32>
        %parallel_loop3A_327 = arith.addf %parallel_loop3A_326, %get3A_259 : vector<16xf32>
        %parallel_loop3A_328 = arith.index_cast %parallel_loop3A_298 : i32 to index
        %parallel_loop3A_329 = arith.constant 48 : index
        %parallel_loop3A_330 = tpu.vector_load %arg9[%parallel_loop3A_328, %parallel_loop3A_329] {strides = array<i32>} : memref<128x256xf32, #tpu.memory_space<vmem>>, vector<16xf32>,
        tpu.vector_store %arg9[%parallel_loop3A_328, %parallel_loop3A_329], %parallel_loop3A_327 {strides = array<i32>} : memref<128x256xf32, #tpu.memory_space<vmem>>, vector<16xf32>,
        %parallel_loop3A_331 = arith.index_cast %parallel_loop3A_298 : i32 to index
        %parallel_loop3A_332 = arith.constant 64 : index
        %parallel_loop3A_333 = tpu.vector_load %arg9[%parallel_loop3A_331, %parallel_loop3A_332] {strides = array<i32>} : memref<128x256xf32, #tpu.memory_space<vmem>>, vector<16xf32>,
        %parallel_loop3A_334 = arith.mulf %parallel_loop3A_333, %div3A_247 : vector<16xf32>
        %parallel_loop3A_335 = arith.addf %parallel_loop3A_334, %get3A_262 : vector<16xf32>
        %parallel_loop3A_336 = arith.index_cast %parallel_loop3A_298 : i32 to index
        %parallel_loop3A_337 = arith.constant 64 : index
        %parallel_loop3A_338 = tpu.vector_load %arg9[%parallel_loop3A_336, %parallel_loop3A_337] {strides = array<i32>} : memref<128x256xf32, #tpu.memory_space<vmem>>, vector<16xf32>,
        tpu.vector_store %arg9[%parallel_loop3A_336, %parallel_loop3A_337], %parallel_loop3A_335 {strides = array<i32>} : memref<128x256xf32, #tpu.memory_space<vmem>>, vector<16xf32>,
        %parallel_loop3A_339 = arith.index_cast %parallel_loop3A_298 : i32 to index
        %parallel_loop3A_340 = arith.constant 80 : index
        %parallel_loop3A_341 = tpu.vector_load %arg9[%parallel_loop3A_339, %parallel_loop3A_340] {strides = array<i32>} : memref<128x256xf32, #tpu.memory_space<vmem>>, vector<16xf32>,
        %parallel_loop3A_342 = arith.mulf %parallel_loop3A_341, %div3A_247 : vector<16xf32>
        %parallel_loop3A_343 = arith.addf %parallel_loop3A_342, %get3A_265 : vector<16xf32>
        %parallel_loop3A_344 = arith.index_cast %parallel_loop3A_298 : i32 to index
        %parallel_loop3A_345 = arith.constant 80 : index
        %parallel_loop3A_346 = tpu.vector_load %arg9[%parallel_loop3A_344, %parallel_loop3A_345] {strides = array<i32>} : memref<128x256xf32, #tpu.memory_space<vmem>>, vector<16xf32>,
        tpu.vector_store %arg9[%parallel_loop3A_344, %parallel_loop3A_345], %parallel_loop3A_343 {strides = array<i32>} : memref<128x256xf32, #tpu.memory_space<vmem>>, vector<16xf32>,
        %parallel_loop3A_347 = arith.index_cast %parallel_loop3A_298 : i32 to index
        %parallel_loop3A_348 = arith.constant 96 : index
        %parallel_loop3A_349 = tpu.vector_load %arg9[%parallel_loop3A_347, %parallel_loop3A_348] {strides = array<i32>} : memref<128x256xf32, #tpu.memory_space<vmem>>, vector<16xf32>,
        %parallel_loop3A_350 = arith.mulf %parallel_loop3A_349, %div3A_247 : vector<16xf32>
        %parallel_loop3A_351 = arith.addf %parallel_loop3A_350, %get3A_268 : vector<16xf32>
        %parallel_loop3A_352 = arith.index_cast %parallel_loop3A_298 : i32 to index
        %parallel_loop3A_353 = arith.constant 96 : index
        %parallel_loop3A_354 = tpu.vector_load %arg9[%parallel_loop3A_352, %parallel_loop3A_353] {strides = array<i32>} : memref<128x256xf32, #tpu.memory_space<vmem>>, vector<16xf32>,
        tpu.vector_store %arg9[%parallel_loop3A_352, %parallel_loop3A_353], %parallel_loop3A_351 {strides = array<i32>} : memref<128x256xf32, #tpu.memory_space<vmem>>, vector<16xf32>,
        %parallel_loop3A_355 = arith.index_cast %parallel_loop3A_298 : i32 to index
        %parallel_loop3A_356 = arith.constant 112 : index
        %parallel_loop3A_357 = tpu.vector_load %arg9[%parallel_loop3A_355, %parallel_loop3A_356] {strides = array<i32>} : memref<128x256xf32, #tpu.memory_space<vmem>>, vector<16xf32>,
        %parallel_loop3A_358 = arith.mulf %parallel_loop3A_357, %div3A_247 : vector<16xf32>
        %parallel_loop3A_359 = arith.addf %parallel_loop3A_358, %get3A_271 : vector<16xf32>
        %parallel_loop3A_360 = arith.index_cast %parallel_loop3A_298 : i32 to index
        %parallel_loop3A_361 = arith.constant 112 : index
        %parallel_loop3A_362 = tpu.vector_load %arg9[%parallel_loop3A_360, %parallel_loop3A_361] {strides = array<i32>} : memref<128x256xf32, #tpu.memory_space<vmem>>, vector<16xf32>,
        tpu.vector_store %arg9[%parallel_loop3A_360, %parallel_loop3A_361], %parallel_loop3A_359 {strides = array<i32>} : memref<128x256xf32, #tpu.memory_space<vmem>>, vector<16xf32>,
        %parallel_loop3A_363 = arith.index_cast %parallel_loop3A_298 : i32 to index
        %parallel_loop3A_364 = arith.constant 128 : index
        %parallel_loop3A_365 = tpu.vector_load %arg9[%parallel_loop3A_363, %parallel_loop3A_364] {strides = array<i32>} : memref<128x256xf32, #tpu.memory_space<vmem>>, vector<16xf32>,
        %parallel_loop3A_366 = arith.mulf %parallel_loop3A_365, %div3A_247 : vector<16xf32>
        %parallel_loop3A_367 = arith.addf %parallel_loop3A_366, %get3A_274 : vector<16xf32>
        %parallel_loop3A_368 = arith.index_cast %parallel_loop3A_298 : i32 to index
        %parallel_loop3A_369 = arith.constant 128 : index
        %parallel_loop3A_370 = tpu.vector_load %arg9[%parallel_loop3A_368, %parallel_loop3A_369] {strides = array<i32>} : memref<128x256xf32, #tpu.memory_space<vmem>>, vector<16xf32>,
        tpu.vector_store %arg9[%parallel_loop3A_368, %parallel_loop3A_369], %parallel_loop3A_367 {strides = array<i32>} : memref<128x256xf32, #tpu.memory_space<vmem>>, vector<16xf32>,
        %parallel_loop3A_371 = arith.index_cast %parallel_loop3A_298 : i32 to index
        %parallel_loop3A_372 = arith.constant 144 : index
        %parallel_loop3A_373 = tpu.vector_load %arg9[%parallel_loop3A_371, %parallel_loop3A_372] {strides = array<i32>} : memref<128x256xf32, #tpu.memory_space<vmem>>, vector<16xf32>,
        %parallel_loop3A_374 = arith.mulf %parallel_loop3A_373, %div3A_247 : vector<16xf32>
        %parallel_loop3A_375 = arith.addf %parallel_loop3A_374, %get3A_277 : vector<16xf32>
        %parallel_loop3A_376 = arith.index_cast %parallel_loop3A_298 : i32 to index
        %parallel_loop3A_377 = arith.constant 144 : index
        %parallel_loop3A_378 = tpu.vector_load %arg9[%parallel_loop3A_376, %parallel_loop3A_377] {strides = array<i32>} : memref<128x256xf32, #tpu.memory_space<vmem>>, vector<16xf32>,
        tpu.vector_store %arg9[%parallel_loop3A_376, %parallel_loop3A_377], %parallel_loop3A_375 {strides = array<i32>} : memref<128x256xf32, #tpu.memory_space<vmem>>, vector<16xf32>,
        %parallel_loop3A_379 = arith.index_cast %parallel_loop3A_298 : i32 to index
        %parallel_loop3A_380 = arith.constant 160 : index
        %parallel_loop3A_381 = tpu.vector_load %arg9[%parallel_loop3A_379, %parallel_loop3A_380] {strides = array<i32>} : memref<128x256xf32, #tpu.memory_space<vmem>>, vector<16xf32>,
        %parallel_loop3A_382 = arith.mulf %parallel_loop3A_381, %div3A_247 : vector<16xf32>
        %parallel_loop3A_383 = arith.addf %parallel_loop3A_382, %get3A_280 : vector<16xf32>
        %parallel_loop3A_384 = arith.index_cast %parallel_loop3A_298 : i32 to index
        %parallel_loop3A_385 = arith.constant 160 : index
        %parallel_loop3A_386 = tpu.vector_load %arg9[%parallel_loop3A_384, %parallel_loop3A_385] {strides = array<i32>} : memref<128x256xf32, #tpu.memory_space<vmem>>, vector<16xf32>,
        tpu.vector_store %arg9[%parallel_loop3A_384, %parallel_loop3A_385], %parallel_loop3A_383 {strides = array<i32>} : memref<128x256xf32, #tpu.memory_space<vmem>>, vector<16xf32>,
        %parallel_loop3A_387 = arith.index_cast %parallel_loop3A_298 : i32 to index
        %parallel_loop3A_388 = arith.constant 176 : index
        %parallel_loop3A_389 = tpu.vector_load %arg9[%parallel_loop3A_387, %parallel_loop3A_388] {strides = array<i32>} : memref<128x256xf32, #tpu.memory_space<vmem>>, vector<16xf32>,
        %parallel_loop3A_390 = arith.mulf %parallel_loop3A_389, %div3A_247 : vector<16xf32>
        %parallel_loop3A_391 = arith.addf %parallel_loop3A_390, %get3A_283 : vector<16xf32>
        %parallel_loop3A_392 = arith.index_cast %parallel_loop3A_298 : i32 to index
        %parallel_loop3A_393 = arith.constant 176 : index
        %parallel_loop3A_394 = tpu.vector_load %arg9[%parallel_loop3A_392, %parallel_loop3A_393] {strides = array<i32>} : memref<128x256xf32, #tpu.memory_space<vmem>>, vector<16xf32>,
        tpu.vector_store %arg9[%parallel_loop3A_392, %parallel_loop3A_393], %parallel_loop3A_391 {strides = array<i32>} : memref<128x256xf32, #tpu.memory_space<vmem>>, vector<16xf32>,
        %parallel_loop3A_395 = arith.index_cast %parallel_loop3A_298 : i32 to index
        %parallel_loop3A_396 = arith.constant 192 : index
        %parallel_loop3A_397 = tpu.vector_load %arg9[%parallel_loop3A_395, %parallel_loop3A_396] {strides = array<i32>} : memref<128x256xf32, #tpu.memory_space<vmem>>, vector<16xf32>,
        %parallel_loop3A_398 = arith.mulf %parallel_loop3A_397, %div3A_247 : vector<16xf32>
        %parallel_loop3A_399 = arith.addf %parallel_loop3A_398, %get3A_286 : vector<16xf32>
        %parallel_loop3A_400 = arith.index_cast %parallel_loop3A_298 : i32 to index
        %parallel_loop3A_401 = arith.constant 192 : index
        %parallel_loop3A_402 = tpu.vector_load %arg9[%parallel_loop3A_400, %parallel_loop3A_401] {strides = array<i32>} : memref<128x256xf32, #tpu.memory_space<vmem>>, vector<16xf32>,
        tpu.vector_store %arg9[%parallel_loop3A_400, %parallel_loop3A_401], %parallel_loop3A_399 {strides = array<i32>} : memref<128x256xf32, #tpu.memory_space<vmem>>, vector<16xf32>,
        %parallel_loop3A_403 = arith.index_cast %parallel_loop3A_298 : i32 to index
        %parallel_loop3A_404 = arith.constant 208 : index
        %parallel_loop3A_405 = tpu.vector_load %arg9[%parallel_loop3A_403, %parallel_loop3A_404] {strides = array<i32>} : memref<128x256xf32, #tpu.memory_space<vmem>>, vector<16xf32>,
        %parallel_loop3A_406 = arith.mulf %parallel_loop3A_405, %div3A_247 : vector<16xf32>
        %parallel_loop3A_407 = arith.addf %parallel_loop3A_406, %get3A_289 : vector<16xf32>
        %parallel_loop3A_408 = arith.index_cast %parallel_loop3A_298 : i32 to index
        %parallel_loop3A_409 = arith.constant 208 : index
        %parallel_loop3A_410 = tpu.vector_load %arg9[%parallel_loop3A_408, %parallel_loop3A_409] {strides = array<i32>} : memref<128x256xf32, #tpu.memory_space<vmem>>, vector<16xf32>,
        tpu.vector_store %arg9[%parallel_loop3A_408, %parallel_loop3A_409], %parallel_loop3A_407 {strides = array<i32>} : memref<128x256xf32, #tpu.memory_space<vmem>>, vector<16xf32>,
        %parallel_loop3A_411 = arith.index_cast %parallel_loop3A_298 : i32 to index
        %parallel_loop3A_412 = arith.constant 224 : index
        %parallel_loop3A_413 = tpu.vector_load %arg9[%parallel_loop3A_411, %parallel_loop3A_412] {strides = array<i32>} : memref<128x256xf32, #tpu.memory_space<vmem>>, vector<16xf32>,
        %parallel_loop3A_414 = arith.mulf %parallel_loop3A_413, %div3A_247 : vector<16xf32>
        %parallel_loop3A_415 = arith.addf %parallel_loop3A_414, %get3A_292 : vector<16xf32>
        %parallel_loop3A_416 = arith.index_cast %parallel_loop3A_298 : i32 to index
        %parallel_loop3A_417 = arith.constant 224 : index
        %parallel_loop3A_418 = tpu.vector_load %arg9[%parallel_loop3A_416, %parallel_loop3A_417] {strides = array<i32>} : memref<128x256xf32, #tpu.memory_space<vmem>>, vector<16xf32>,
        tpu.vector_store %arg9[%parallel_loop3A_416, %parallel_loop3A_417], %parallel_loop3A_415 {strides = array<i32>} : memref<128x256xf32, #tpu.memory_space<vmem>>, vector<16xf32>,
        %parallel_loop3A_419 = arith.index_cast %parallel_loop3A_298 : i32 to index
        %parallel_loop3A_420 = arith.constant 240 : index
        %parallel_loop3A_421 = tpu.vector_load %arg9[%parallel_loop3A_419, %parallel_loop3A_420] {strides = array<i32>} : memref<128x256xf32, #tpu.memory_space<vmem>>, vector<16xf32>,
        %parallel_loop3A_422 = arith.mulf %parallel_loop3A_421, %div3A_247 : vector<16xf32>
        %parallel_loop3A_423 = arith.addf %parallel_loop3A_422, %get3A_295 : vector<16xf32>
        %parallel_loop3A_424 = arith.index_cast %parallel_loop3A_298 : i32 to index
        %parallel_loop3A_425 = arith.constant 240 : index
        %parallel_loop3A_426 = tpu.vector_load %arg9[%parallel_loop3A_424, %parallel_loop3A_425] {strides = array<i32>} : memref<128x256xf32, #tpu.memory_space<vmem>>, vector<16xf32>,
        tpu.vector_store %arg9[%parallel_loop3A_424, %parallel_loop3A_425], %parallel_loop3A_423 {strides = array<i32>} : memref<128x256xf32, #tpu.memory_space<vmem>>, vector<16xf32>,
      } {sc.loop_unroll_factor = 2 : i64, sc.parallel_access}
      scf.yield %min3A_297 : i32
    }
    %dma_start3A_202 = arith.constant 0 : i32
    %dma_start3A_203 = tpu.memref_slice %arg5[%add3A_190, %dma_start3A_202] : memref<32768x256xf32, #tpu.memory_space<hbm>> -> memref<128x256xf32, #tpu.memory_space<hbm>>
    %dma_start3A_204 = arith.constant 0 : i32
    %dma_start3A_205 = tpu.memref_slice %arg5[%add3A_190, %dma_start3A_204] : memref<32768x256xf32, #tpu.memory_space<hbm>> -> memref<128x256xf32, #tpu.memory_space<hbm>>
    tpu.enqueue_dma source(%arg9 : memref<128x256xf32, #tpu.memory_space<vmem>>) target(%dma_start3A_205 : memref<128x256xf32, #tpu.memory_space<hbm>>) target_semaphore(%arg15 : memref<!tpu.dma_semaphore, #tpu.memory_space<semaphore_mem>>)
    %dma_wait3A_206 = arith.constant 0 : i32
    %dma_wait3A_207 = tpu.memref_slice %arg5[%add3A_146, %dma_wait3A_206] : memref<32768x256xf32, #tpu.memory_space<hbm>> -> memref<128x256xf32, #tpu.memory_space<hbm>>
    %dma_wait3A_208 = arith.constant 0 : i32
    %dma_wait3A_209 = tpu.memref_slice %arg5[%add3A_146, %dma_wait3A_208] : memref<32768x256xf32, #tpu.memory_space<hbm>> -> memref<128x256xf32, #tpu.memory_space<hbm>>
    tpu.wait_dma2 semaphore(%arg16 : memref<!tpu.dma_semaphore, #tpu.memory_space<semaphore_mem>>) src(%arg10 : memref<128x256xf32, #tpu.memory_space<vmem>>) dst(%dma_wait3A_209 : memref<128x256xf32, #tpu.memory_space<hbm>>)
    %dma_wait3A_210 = arith.constant 0 : i32
    %dma_wait3A_211 = tpu.memref_slice %arg5[%add3A_173, %dma_wait3A_210] : memref<32768x256xf32, #tpu.memory_space<hbm>> -> memref<128x256xf32, #tpu.memory_space<hbm>>
    %dma_wait3A_212 = arith.constant 0 : i32
    %dma_wait3A_213 = tpu.memref_slice %arg5[%add3A_173, %dma_wait3A_212] : memref<32768x256xf32, #tpu.memory_space<hbm>> -> memref<128x256xf32, #tpu.memory_space<hbm>>
    tpu.wait_dma2 semaphore(%arg14 : memref<!tpu.dma_semaphore, #tpu.memory_space<semaphore_mem>>) src(%arg8 : memref<128x256xf32, #tpu.memory_space<vmem>>) dst(%dma_wait3A_213 : memref<128x256xf32, #tpu.memory_space<hbm>>)
    %dma_wait3A_214 = arith.constant 0 : i32
    %dma_wait3A_215 = tpu.memref_slice %arg5[%add3A_190, %dma_wait3A_214] : memref<32768x256xf32, #tpu.memory_space<hbm>> -> memref<128x256xf32, #tpu.memory_space<hbm>>
    %dma_wait3A_216 = arith.constant 0 : i32
    %dma_wait3A_217 = tpu.memref_slice %arg5[%add3A_190, %dma_wait3A_216] : memref<32768x256xf32, #tpu.memory_space<hbm>> -> memref<128x256xf32, #tpu.memory_space<hbm>>
    tpu.wait_dma2 semaphore(%arg15 : memref<!tpu.dma_semaphore, #tpu.memory_space<semaphore_mem>>) src(%arg9 : memref<128x256xf32, #tpu.memory_space<vmem>>) dst(%dma_wait3A_217 : memref<128x256xf32, #tpu.memory_space<hbm>>)
    return
  }
}

</mosaic_0001>

<sc_bundles>
// kernel: kernel.3.cloned.1.call-start
scs
__scs_entry_jumppad:
0x0: {  	(pc) =	sbr.rel $0x88, $3  }
0x1: {  	(tag) =	ssettag $0x0;
	lr =	simm.s32 $0x1  }
0x2: {  	[smem:$0x3F9E] =	sst lr;
	_ =	strace $0xD0000000  }
0x3: {  	_ = 	snop  }
0x4: {  	_ = 	snop  }
0x5: {  	_ = 	snop  }
0x6: {  	_ = 	snop  }
0x7: {  	_ = 	snop  }
__scs_overlays_trampoline_lowered:
0x8: {  	[smem:$0x3FAD] =	sst s0  }
0x9: {  	[smem:$0x3FAE] =	sst s1  }
0xa: {  	[smem:$0x3FAF] =	sst s2  }
0xb: {  	[smem:$0x3FB0] =	sst s3  }
0xc: {  	[smem:$0x3FB1] =	sst s4  }
0xd: {  	[smem:$0x3FB2] =	sst s5  }
0xe: {  	[smem:$0x3FB3] =	sst s6  }
0xf: {  	[smem:$0x3FB4] =	sst s7  }
0x10: {  	[smem:$0x3FB5] =	sst s8  }
0x11: {  	[smem:$0x3FB6] =	sst s9;
	s0 =	simm.s32 @!p0 $0x0  }
0x12: {  	s1 =	sld [smem:$0x3F9C];
	s0 =	simm.s32 @p0 $0x1  }
0x13: {  	[smem:$0x3FB7] =	sst s0;
	s0 =	simm.s32 @!p1 $0x0  }
0x14: {  	s2 =	sld [smem:$0x3F9B];
	s0 =	simm.s32 @p1 $0x1  }
0x15: {  	[smem:$0x3FB8] =	sst s0;
	s0 =	simm.s32 @!p2 $0x0  }
0x16: {  	s3 =	sld [smem:$0x3FDB];
	s0 =	simm.s32 @p2 $0x1  }
0x17: {  	s4 =	simm.s32 $0x1BF5;
	[smem:$0x3FBA] =	sst s0  }
0x18: {  	s0 =	sld [smem:$0x3F9D];
	_ =	swait.ge [sflag:s4], $0x0  }
0x19: {  	s7 =	sld [smem:$0x3F9E]  }
0x1a: {  	s8 =	sadd.s32 $0xFFFFE003, lr  }
0x1b: {  	s9 =	sadd.s32 $0xFFFFFEF7, lr;
	s5 =	simm.s32 $0xFFFFFFFF;
	p2 =	slt.u32 s8, $0xFFFFF086  }
0x1c: {  	p1 =	slt.u32 s9, $0xF7A;
	s5 =	simm.s32 @!p2 $0x0  }
0x1d: {  	s5 =	simm.s32 @p1 $0x1;
	p0 =	seq.s32 s7, s2  }
0x1e: {  	s7 =	smul.u32 @!p0 $0xF7A, s2;
	p2 =	seq.s32 @!p0 s5, $0x0  }
0x1f: {  	s9 =	smul.u32 $0xF7A, s1;
	s8 =	simm.s32 @!p0 $0x1BF5;
	p2 =	por !p2, p0  }
0x20: {  	[sflag:s8] =	ssyncset.s32 @!p0 $0xFFFFF086;
	s6 =	sadd.s32 @!p0 s3, s7;
	s7 =	simm.s32 @!p0 $0x108  }
0x21: {  	s3 =	sadd.s32 s3, s9;
	s6 =	sadd.s32 @!p0 $0x88, s6;
	s7 =	simm.s32 @p2 $0x1082  }
0x22: {  	[simem:s7], [sflag:s8] =	dma.local @!p0 [hbm:s6], $0xF7A  }
0x23: {  	s9 =	sor.u32 $0xD0000000, s2;
	s6 =	simm.s32 $0x108;
	_ =	swait.ge @!p0 [sflag:s8], $0x0  }
0x24: {  	s3 =	sadd.s32 $0x88, s3;
	s6 =	simm.s32 @!p1 $0x1082;
	[sflag:s4] =	ssyncset.s32 $0xFFFFF086  }
0x25: {  	[simem:s6], [sflag:s4] =	dma.local [hbm:s3], $0xF7A  }
0x26: {  	[smem:$0x3F9E] =	sst s1;
	(tag) =	ssettag s2;
	_ =	strace s9  }
0x27: {  	s1 =	sld [smem:$0x3FAE]  }
0x28: {  	s2 =	sld [smem:$0x3FAF]  }
0x29: {  	s4 =	sld [smem:$0x3FB1]  }
0x2a: {  	p0 =	seq.s32 s5, $0x0;
	s5 =	sld [smem:$0x3FB2]  }
0x2b: {  	s6 =	sld [smem:$0x3FB3]  }
0x2c: {  	s7 =	sld [smem:$0x3FB4]  }
0x2d: {  	s3 =	simm.s32 $0x108;
	s8 =	sld [smem:$0x3FB5]  }
0x2e: {  	s3 =	simm.s32 @!p0 $0x1082;
	s9 =	sld [smem:$0x3FB6]  }
0x2f: {  	lr =	sadd.s32 s0, s3;
	s0 =	sld [smem:$0x3FAD]  }
0x30: {  	s3 =	sld [smem:$0x3FB0]  }
0x31: {  	[smem:$0x3FB9] =	sst s10  }
0x32: {  	s10 =	sld [smem:$0x3FB7];
	_ =	sdelay $0x3  }
0x33: {  	p0 =	seq.s32 s10, $0x1;
	s10 =	sld [smem:$0x3FB9];
	_ =	sdelay $0x3  }
0x34: {  	[smem:$0x3FB9] =	sst s10  }
0x35: {  	s10 =	sld [smem:$0x3FB8];
	_ =	sdelay $0x3  }
0x36: {  	p1 =	seq.s32 s10, $0x1;
	s10 =	sld [smem:$0x3FB9];
	_ =	sdelay $0x3  }
0x37: {  	[smem:$0x3FB9] =	sst s10  }
0x38: {  	s10 =	sld [smem:$0x3FBA]  }
0x39: {  	_ = 	snop;
	(pc) =	sbr.ind lr, $3  }
0x3a: {  	_ = 	snop  }
0x3b: {  	_ = 	snop  }
0x3c: {  	p2 =	seq.s32 s10, $0x1;
	s10 =	sld [smem:$0x3FB9]  }
0x3d: {  	_ =	shalt  }
0x3e: {  	_ =	shalt  }
0x3f: {  	_ =	shalt  }
0x40: {  	_ =	shalt  }
0x41: {  	_ =	shalt  }
0x42: {  	_ =	shalt  }
0x43: {  	_ =	shalt  }
0x44: {  	_ =	shalt  }
0x45: {  	_ =	shalt  }
0x46: {  	_ =	shalt  }
0x47: {  	_ =	shalt  }
0x48: {  	_ =	shalt  }
0x49: {  	_ =	shalt  }
0x4a: {  	_ =	shalt  }
0x4b: {  	_ =	shalt  }
0x4c: {  	_ =	shalt  }
0x4d: {  	_ =	shalt  }
0x4e: {  	_ =	shalt  }
0x4f: {  	_ =	shalt  }
0x50: {  	_ =	shalt  }
0x51: {  	_ =	shalt  }
0x52: {  	_ =	shalt  }
0x53: {  	_ =	shalt  }
0x54: {  	_ =	shalt  }
0x55: {  	_ =	shalt  }
0x56: {  	_ =	shalt  }
0x57: {  	_ =	shalt  }
0x58: {  	_ =	shalt  }
0x59: {  	_ =	shalt  }
0x5a: {  	_ =	shalt  }
0x5b: {  	_ =	shalt  }
0x5c: {  	_ =	shalt  }
0x5d: {  	_ =	shalt  }
0x5e: {  	_ =	shalt  }
0x5f: {  	_ =	shalt  }
0x60: {  	_ =	shalt  }
0x61: {  	_ =	shalt  }
0x62: {  	_ =	shalt  }
0x63: {  	_ =	shalt  }
0x64: {  	_ =	shalt  }
0x65: {  	_ =	shalt  }
0x66: {  	_ =	shalt  }
0x67: {  	_ =	shalt  }
0x68: {  	_ =	shalt  }
0x69: {  	_ =	shalt  }
0x6a: {  	_ =	shalt  }
0x6b: {  	_ =	shalt  }
0x6c: {  	_ =	shalt  }
0x6d: {  	_ =	shalt  }
0x6e: {  	_ =	shalt  }
0x6f: {  	_ =	shalt  }
0x70: {  	_ =	shalt  }
0x71: {  	_ =	shalt  }
0x72: {  	_ =	shalt  }
0x73: {  	_ =	shalt  }
0x74: {  	_ =	shalt  }
0x75: {  	_ =	shalt  }
0x76: {  	_ =	shalt  }
0x77: {  	_ =	shalt  }
0x78: {  	_ =	shalt  }
0x79: {  	_ =	shalt  }
0x7a: {  	_ =	shalt  }
0x7b: {  	_ =	shalt  }
0x7c: {  	_ =	shalt  }
0x7d: {  	_ =	shalt  }
0x7e: {  	_ =	shalt  }
0x7f: {  	_ =	shalt  }
0x80: {  	_ =	shalt  }
0x81: {  	_ =	shalt  }
0x82: {  	_ =	shalt  }
0x83: {  	_ =	shalt  }
0x84: {  	_ =	shalt  }
0x85: {  	_ =	shalt  }
0x86: {  	_ =	shalt  }
0x87: {  	_ =	shalt  }
.Lfunc_end0:
.L_simem_size_0:
called_computation_lowered:
.L_overlay_start_0:
0x88: {  	s2 =	sld [smem:$0x3FD9]  }
0x89: {  	s3 =	sld [smem:$0x3FFE];
	_ =	sdelay $0x1  }
0x8a: {  	s1 =	srdreg.scid  }
0x8b: {  	s0 =	sand.u32 $0x1, s1  }
0x8c: {  	s18 =	sshll.u32 s0, $0xA;
	s2 =	sadd.s32 s3, s2  }
0x8d: {  	s2 =	sadd.s32 s2, s18  }
0x8e: {  	[smem:$0x3FC5] =	sst s2  }
0x8f: {  	_ = 	snop  }
0x90: {  	s2 =	sld [smem:$0x3FC9]  }
0x91: {  	s19 =	sld [smem:$0x3FC8]  }
0x92: {  	s4 =	sld [smem:$0x3FC7]  }
0x93: {  	s5 =	sld [smem:$0x3FD0];
	(tm) =	ssettm $0x1  }
0x94: {  	s6 =	sld [smem:$0x3FFB];
	_ =	sdelay $0x3  }
0x95: {  	_ =	strace s6  }
0x96: {  	s6 =	sld [smem:$0x3FFC];
	_ =	sdelay $0x3  }
0x97: {  	_ =	strace s6  }
0x98: {  	s6 =	sld [smem:$0x3FFD];
	_ =	sdelay $0x3  }
0x99: {  	_ =	strace s6  }
0x9a: {  	_ =	strace $0x8FFFFFFF  }
0x9b: {  	s20 =	sld [smem:$0x3FDB];
	_ =	sdelay $0x1  }
0x9c: {  	s7 =	simm.s32 $_scs_section_size  }
0x9d: {  	s8 =	simm.s32 $_size__tile_overlayer_lowered;
	s9 =	simm.s32 $_tile_overlayer_lowered  }
0x9e: {  	s23 =	simm.s32 $0x1BFF;
	s22 =	sshll.u32 s9, $0x1;
	s6 =	sadd.s32 s7, s20  }
0x9f: {  	s10 =	simm.s32 $0x0;
	s21 =	sshll.u32 s8, $0x1;
	s8 =	sadd.s32 s22, s6  }
0xa0: {  	[timem:s10], [sflag:s23] =	dma.local [hbm:s8], s21  }
0xa1: {  	_ =	swait.ge [sflag:s23], s21  }
0xa2: {  	s7 =	ssub.s32 $0x0, s21;
	[sflag:s23] =	ssyncset.done $0x0  }
0xa3: {  	[sflag:s23] =	ssyncadd.s32 s7;
	_ =	sdelay $0x1  }
0xa4: {  	s24 =	simm.s32 $0x1B8B  }
0xa5: {  	_ =	swait.ge [sflag:s24], $0x1  }
0xa6: {  	[sflag:s24] =	ssyncset.done $0x0  }
0xa7: {  	s25 =	simm.s32 $0x1B8E;
	[sflag:s24] =	ssyncadd.s32 $0xFFFFFFFF  }
0xa8: {  	s26 =	simm.s32 $execute0_lowered;
	[smem:$0x3FD2] =	sst s25  }
0xa9: {  	s7 =	sshll.u32 s26, $0x1;
	_ =	strace $0x80000046;
	[dreg:$0x1] =	wrdreg $0xFFFFFFFF  }
0xaa: {  	s28 =	simm.s32 $_size_execute0_lowered;
	s6 =	sadd.s32 s6, s7;
	[dreg:$0x0] =	wrdreg $0x0  }
0xab: {  	s7 =	sshll.u32 s28, $0x1;
	[dreg:$0x2] =	wrdreg s6  }
0xac: {  	[dreg:$0x3] =	wrdreg s7  }
0xad: {  	[dreg:$0x4] =	wrdreg $0xC0  }
0xae: {  	_ =	task [dreg:s10], $0x5FFFF  }
0xaf: {  	[dreg:$0x1] =	wrdreg $0xFFFFFFFF  }
0xb0: {  	[dreg:$0x0] =	wrdreg $0x60  }
0xb1: {  	[dreg:$0x2] =	wrdreg s2  }
0xb2: {  	[dreg:$0x3] =	wrdreg s19  }
0xb3: {  	[dreg:$0x4] =	wrdreg s4  }
0xb4: {  	[dreg:$0x5] =	wrdreg s5  }
0xb5: {  	[dreg:$0x6] =	wrdreg $0x9  }
0xb6: {  	_ =	task.clear_ibuf [dreg:s10], $0x7FFFF;
	_ =	strace $0x90000046  }
0xb7: {  	s29 =	simm.s32 $0x9;
	_ =	strace $0x80000048  }
0xb8: {  	_ =	swait.ge [sflag:s29], $0x1  }
0xb9: {  	[sflag:s29] =	ssyncadd.s32 $0xFFFFFFFF  }
0xba: {  	_ =	strace $0x90000048  }
0xbb: {  	_ =	sfence  }
0xbc: {  	s30 =	sld [smem:$0x0];
	_ =	sdelay $0x2  }
0xbd: {  	s31 =	sshll.u32 s1, $0xD;
	s1 =	sshrl.u32 s1, $0x2  }
0xbe: {  	s3 =	sand.u32 $0x4000, s31;
	s1 =	sadd.s32 s1, s30  }
0xbf: {  	s0 =	sor.u32 s3, s0;
	s1 =	sshll.u32 s1, $0x11  }
0xc0: {  	s0 =	sor.u32 s1, s0  }
0xc1: {  	s0 =	sadd.s32 $0x8F2B, s0  }
0xc2: {  	[sflag:s0] =	ssyncadd.remote.s32 $0x1  }
0xc3: {  	_ =	sfence.sel $0xFFFF  }
0xc4: {  	[dreg:$0x0] =	wrdreg $0xFFFFFFFF;
	(pc) =	sbr.abs _section_cstart, $3  }
0xc5: {  	[dreg:$0x1] =	wrdreg $0xFFFFFFFF  }
0xc6: {  	_ =	task.clear_ibuf [dreg:s10], $0x2FFFF;
	_ =	strace $0x9FFFFFFF  }
0xc7: {  	(tm) =	ssettm $0x7FFFFFFF  }
tec
execute0_lowered:
.L_overlay_start_1:
0x0: {  	(tag) =	ssettag $0x1  }
0x1: {  	s0 =	rddreg [dreg:$0x1]  }
0x2: {  	s1 =	rddreg [dreg:$0x3];
	s3 =	srdreg.scid  }
0x3: {  	s2 =	simm.s32 $0x0;
	s5 =	stileid.u32;
	s11 =	simm.s32 $0x6  }
0x4: {  	s12 =	simm.s32 $0x0;
	s3 =	sand.u32 $0x1, s3;
	s5 =	sshll.u32 s5, $0xB  }
0x5: {  	[smem:$0x7FF] =	sst s2;
	s4 =	ssub.s32 $0x2, s3;
	s3 =	sshll.u32 s3, $0xA  }
0x6: {  	s6 =	sshrl.u32 s4, $0x1;
	s3 =	sor.u32 s3, s5;
	s5 =	simm.s32 $0x2  }
0x7: {  	s14 =	ssub.s32 s4, s6;
	s7 =	sshll.u32 s3, $0x5;
	s4 =	sor.u32 $0x80, s3  }
0x8: {  	s6 =	sor.u32 $0x100, s3;
	s13 =	sor.u32 $0x200, s3;
	s16 =	sadd.s32 s0, s7  }
0x9: {  	s9 =	sshll.u32 s4, $0x5;
	s7 =	sadd.s32 s1, s7;
	[dreg:$0x5] =	wrdreg s16  }
0xa: {  	s10 =	sshll.u32 s6, $0x5;
	s8 =	sadd.s32 s0, s9;
	[dreg:$0x7] =	wrdreg s7  }
0xb: {  	s15 =	sor.u32 $0x280, s3;
	s17 =	sadd.s32 s0, s10;
	[dreg:$0x6] =	wrdreg s8  }
0xc: {  	s21 =	sshll.u32 s13, $0x5;
	s9 =	sadd.s32 s1, s9;
	[dreg:$0x8] =	wrdreg s17  }
0xd: {  	s23 =	sshll.u32 s15, $0x5;
	s20 =	sadd.s32 s1, s10;
	[dreg:$0x9] =	wrdreg s9  }
0xe: {  	s31 =	smax.u32 s14, $0x1;
	s22 =	sadd.s32 s0, s21;
	[dreg:$0xb] =	wrdreg s20  }
0xf: {  	s24 =	sadd.s32 s0, s23;
	s8 =	sor.u32 $0x180, s3;
	[dreg:$0xc] =	wrdreg s22  }
0x10: {  	[dreg:$0xe] =	wrdreg s24;
	s9 =	sadd.s32 s1, s21;
	s18 =	sshll.u32 s8, $0x5  }
0x11: {  	s20 =	sor.u32 $0x300, s3;
	[dreg:$0xf] =	wrdreg s9;
	s19 =	sadd.s32 s0, s18  }
0x12: {  	s25 =	sshll.u32 s20, $0x5;
	s7 =	sadd.s32 s1, s18;
	[dreg:$0xa] =	wrdreg s19  }
0x13: {  	s26 =	sadd.s32 s0, s25;
	s29 =	sadd.s32 s1, s25;
	[dreg:$0xd] =	wrdreg s7  }
0x14: {  	s7 =	sadd.s32 s1, s23;
	s23 =	sor.u32 $0x380, s3;
	[dreg:$0x11] =	wrdreg s26  }
.Ltmp0:
0x15: {  	[dreg:$0x13] =	wrdreg s29;
	s28 =	sshll.u32 s23, $0x5;
	(pc) =	sbr.rel .LBB2_1-.Ltmp0, $4  }
0x16: {  	s14 =	simm.s32 $0x9080;
	[dreg:$0x10] =	wrdreg s7;
	s0 =	sadd.s32 s0, s28  }
0x17: {  	s10 =	simm.s32 $0x5;
	s30 =	sadd.s32 s1, s28;
	[dreg:$0x12] =	wrdreg s0  }
0x18: {  	s24 =	simm.s32 $0x1;
	s9 =	simm.s32 $0x9080;
	[dreg:$0x14] =	wrdreg s30  }
0x19: {  	v0 =	vimm.s32 $0x0;
	s7 =	simm.s32 $0x4;
	_ =	strace $0x80000047;
	[dreg:$0x15] =	wrdreg s31  }
.LBB2_81:
0x1a: {  	s0 =	rddreg [dreg:$0x14];
	s14 =	simm.s32 $0x9080  }
0x1b: {  	[hbm4b:s0+s2] =	stream.linear.scatter [tilespmem:s14], [sflag:$0x5], $0x8000, $0x38;
	[tilespmem:$0x19080] =	vst v63  }
0x1c: {  	_ =	swait.ge [sflag:s11], $0x8000  }
0x1d: {  	[sflag:s11] =	ssyncset.done $0x0  }
0x1e: {  	[sflag:s11] =	ssyncadd.s32 $0xFFFF8000  }
0x1f: {  	_ =	swait.ge [sflag:s7], $0x8000  }
0x20: {  	[sflag:s7] =	ssyncset.done $0x0  }
0x21: {  	[sflag:s7] =	ssyncadd.s32 $0xFFFF8000  }
0x22: {  	_ =	swait.ge [sflag:s10], $0x8000  }
0x23: {  	s12 =	sadd.s32 $0x1, s12;
	s31 =	rddreg [dreg:$0x15]  }
0x24: {  	p0 =	sne.s32 s12, s31  }
.Ltmp1:
0x25: {  	_ = 	snop;
	(pc) =	sbr.rel @!p0 .LBB2_82-.Ltmp1, $3  }
0x26: {  	_ =	sdelay $0x1  }
0x27: {  	[sflag:s10] =	ssyncset.done $0x0  }
0x28: {  	[sflag:s10] =	ssyncadd.s32 $0xFFFF8000  }
.LBB2_1:
0x29: {  	s0 =	rddreg [dreg:$0x5];
	s1 =	simm.s32 $0x1080  }
0x2a: {  	[tilespmem:s1], [sflag:$0x1] =	stream.linear.gather [hbm4b:s0+s2], $0x8000, $0x38;
	[tilespmem:$0x19080] =	vst v63  }
0x2b: {  	s26 =	rddreg [dreg:$0x6]  }
0x2c: {  	[tilespmem:s14], [sflag:$0x2] =	stream.linear.gather [hbm4b:s26+s2], $0x8000, $0x38;
	[tilespmem:$0x19080] =	vst v63  }
0x2d: {  	s28 =	rddreg [dreg:$0x0];
	s29 =	simm.s32 $0x7  }
0x2e: {  	[tilespmem:s2], [sflag:$0x7] =	stream.linear.gather [hbm4b:s28+s2], $0x80, $0x38;
	[tilespmem:$0x19080] =	vst v63  }
0x2f: {  	_ =	swait.ge [sflag:s29], $0x80  }
0x30: {  	[sflag:s29] =	ssyncset.done $0x0  }
0x31: {  	[sflag:s29] =	ssyncadd.s32 $0xFFFFFF80  }
0x32: {  	s31 =	simm.s32 $0x80;
	s30 =	rddreg [dreg:$0x2]  }
0x33: {  	[tilespmem:s31], [sflag:$0x7] =	stream.linear.gather [hbm4b:s30+s2], $0x1000, $0x38;
	[tilespmem:$0x19080] =	vst v63  }
0x34: {  	_ =	swait.ge [sflag:s29], $0x1000  }
0x35: {  	[sflag:s29] =	ssyncset.done $0x0  }
0x36: {  	[sflag:s29] =	ssyncadd.s32 $0xFFFFF000  }
0x37: {  	v1 =	vld [tilespmem:$0x0];
	_ =	sdelay $0x4  }
0x38: {  	(xrf0) =	vadd.scan.msk.s32 $0xffff, v1;
	_ =	sdelay $0x5  }
0x39: {  	v1, _, _ =	vpop (xrf0)  }
0x3a: {  	(v2sf) =	vpush v1, $0xF;
	_ =	sdelay $0xe  }
0x3b: {  	s14 =	spop (v2sf)  }
0x3c: {  	s0 =	ssub.s32 s14, s3  }
0x3d: {  	p0 =	slt.s32 s0, $0x1  }
.Ltmp2:
0x3e: {  	_ = 	snop;
	(pc) =	sbr.rel @p0 .LBB2_11-.Ltmp2, $4  }
0x3f: {  	_ = 	snop  }
0x40: {  	_ =	swait.ge [sflag:s24], $0x8000  }
0x41: {  	[sflag:s24] =	ssyncset.done $0x0  }
0x42: {  	[sflag:s24] =	ssyncadd.s32 $0xFFFF8000  }
.Ltmp3:
0x43: {  	(pc) =	sbr.rel .LBB2_4-.Ltmp3, $4  }
0x44: {  	_ = 	snop  }
0x45: {  	p0 =	sgt.s32 s0, $0x0  }
0x46: {  	s0 =	simm.s32 @!p0 $0x0  }
0x47: {  	v2 =	vxor.u32 $0x80000000, v1;
	s17 =	simm.s32 $0x0;
	s16 =	smin.u32 s0, $0x80  }
.LBB2_3:
0x48: {  	p0 =	sge.s32 s18, s16  }
.Ltmp4:
0x49: {  	_ = 	snop;
	(pc) =	sbr.rel @p0 .LBB2_11-.Ltmp4, $1  }
0x4a: {  	_ =	sdelay $0x3  }
.LBB2_4:
0x4b: {  	s29 =	sadd.s32 s3, s17  }
0x4c: {  	vm0 =	vle.s32 v1, s29  }
0x4d: {  	v3 =	vsel vm0, $0x1, v0  }
0x4e: {  	(xrf0) =	vadd.scan.msk.s32 $0xffff, v3;
	v3 =	vsel vm0, $0x80008001, v2  }
0x4f: {  	(xrf0) =	vmin.scan.msk.u32 $0xffff, v3;
	v3 =	vnsel vm0, $0x80000000, v2  }
0x50: {  	(xrf0) =	vmax.scan.msk.u32 $0xffff, v3;
	_ =	sdelay $0x3  }
0x51: {  	v3, _, _ =	vpop (xrf0)  }
0x52: {  	v4, _, _ =	vpop (xrf0);
	(v2sf) =	vpush v3, $0xF  }
0x53: {  	(v2sf) =	vpush v4, $0xF;
	v3, _, _ =	vpop (xrf0)  }
0x54: {  	(v2sf) =	vpush v3, $0xF;
	_ =	sdelay $0xc  }
0x55: {  	s30 =	spop (v2sf)  }
0x56: {  	s0 =	smov.u32 s17;
	s18 =	spop (v2sf);
	s21 =	sshll.u32 s30, $0x8  }
0x57: {  	s17 =	sshll.u32 s30, $0x7;
	s18 =	sxor.u32 $0x80000000, s18;
	s19 =	spop (v2sf)  }
0x58: {  	s21 =	sand.u32 $0xFFFFF800, s21;
	s17 =	sand.u32 $0x380, s17;
	s19 =	sxor.u32 $0x80000000, s19  }
0x59: {  	s26 =	sor.u32 s17, s21;
	s19 =	ssub.s32 s18, s19  }
0x5a: {  	v3 =	vld [tilespmem:s26+$0x80];
	v4 =	vmov s19  }
0x5b: {  	v5 =	vld [tilespmem:s26+$0xA0];
	v6 =	vcvt.s32.f32 v4  }
0x5c: {  	v8 =	vld [tilespmem:s26+$0xD0];
	s18 =	ssub.s32 s18, s3  }
0x5d: {  	s17 =	smov.u32 s16;
	v10 =	vld [tilespmem:s26+$0xF0];
	p0 =	slt.s32 s18, s16;
	v7 =	vmax.f32 v6, $1.000000000e+00  }
0x5e: {  	v11 =	vld [tilespmem:s26+$0x480];
	s17 =	smov.u32 @p0 s18;
	v9 =	vbroadcast v7, $0x0  }
0x5f: {  	v12 =	vld [tilespmem:s26+$0x490];
	s19 =	ssub.s32 s17, s0  }
0x60: {  	v13 =	vld [tilespmem:s26+$0x4A0];
	s31 =	sshrl.u32 s19, $0x1F;
	(erf) = vrcp.f32 v9  }
0x61: {  	v14 =	vld [tilespmem:s26+$0x4B0];
	s21 =	sadd.s32 s31, s19  }
0x62: {  	v15 =	vld [tilespmem:s26+$0x4C0];
	s21 =	sand.u32 $0xFFFFFFFE, s21  }
0x63: {  	v16 =	vld [tilespmem:s26+$0x4D0];
	s25 =	sadd.s32 s0, s21  }
0x64: {  	v17 =	vld [tilespmem:s26+$0x4E0];
	p0 =	sge.s32 s0, s25  }
.Ltmp5:
0x65: {  	v9 =	vld [tilespmem:s26+$0xE0];
	(pc) =	sbr.rel @p0 .LBB2_8-.Ltmp5, $4  }
0x66: {  	v18 =	vld [tilespmem:s26+$0x4F0]  }
0x67: {  	v4 =	vld [tilespmem:s26+$0x90]  }
0x68: {  	v6 =	vld [tilespmem:s26+$0xB0]  }
0x69: {  	v7 =	vld [tilespmem:s26+$0xC0];
	v19 =	vpop (erf)  }
0x6a: {  	s26 =	sshll.u32 s0, $0x7;
	s28 =	sshll.u32 s0, $0x8  }
0x6b: {  	s29 =	sadd.s32 $0x80, s26;
	s30 =	sadd.s32 $0x100, s28  }
0x6c: {  	s1 =	sadd.s32 $0xFFFFFF00, s30;
	s28 =	sadd.s32 $0xFFFFFF80, s29  }
0x6d: {  	s26 =	sand.u32 $0xFFFFF800, s1;
	s28 =	sand.u32 $0x380, s28  }
0x6e: {  	s31 =	sor.u32 s28, s26  }
0x6f: {  	v20 =	vld [tilespmem:s31+$0x14F0]  }
0x70: {  	v21 =	vld [tilespmem:s31+$0x1080]  }
0x71: {  	v22 =	vld [tilespmem:s31+$0x1090]  }
0x72: {  	v23 =	vld [tilespmem:s31+$0x10A0]  }
0x73: {  	v32 =	vld [tilespmem:s31+$0x14B0]  }
0x74: {  	v24 =	vld [tilespmem:s31+$0x10B0]  }
0x75: {  	v25 =	vld [tilespmem:s31+$0x10C0];
	v20 =	vmul.f32 v20, v19  }
0x76: {  	v26 =	vld [tilespmem:s31+$0x10D0];
	v21 =	vmul.f32 v21, v19  }
0x77: {  	v27 =	vld [tilespmem:s31+$0x10E0];
	v22 =	vmul.f32 v22, v19;
	v20 =	vadd.f32 v20, v18  }
0x78: {  	v28 =	vld [tilespmem:s31+$0x10F0];
	v32 =	vmul.f32 v32, v19;
	v21 =	vadd.f32 v21, v3  }
0x79: {  	v29 =	vld [tilespmem:s31+$0x1480];
	v23 =	vmul.f32 v23, v19;
	v22 =	vadd.f32 v22, v4;
	[tilespmem:s31+$0x14F0] =	vst v20  }
0x7a: {  	v30 =	vld [tilespmem:s31+$0x1490];
	v24 =	vmul.f32 v24, v19;
	v32 =	vadd.f32 v32, v14;
	[tilespmem:s31+$0x1080] =	vst v21  }
0x7b: {  	v31 =	vld [tilespmem:s31+$0x14A0];
	v21 =	vadd.f32 v23, v5;
	v23 =	vmul.f32 v25, v19;
	[tilespmem:s31+$0x1090] =	vst v22  }
0x7c: {  	s22 =	sand.u32 $0xFFFFF800, s30;
	s28 =	sand.u32 $0x380, s29;
	v25 =	vld [tilespmem:s31+$0x14D0];
	v22 =	vadd.f32 v24, v6;
	v24 =	vmul.f32 v26, v19;
	[tilespmem:s31+$0x14B0] =	vst v32  }
0x7d: {  	s26 =	sor.u32 s28, s22;
	v26 =	vld [tilespmem:s31+$0x14E0];
	[tilespmem:s31+$0x10A0] =	vst v21;
	v21 =	vadd.f32 v23, v7;
	v23 =	vmul.f32 v27, v19  }
0x7e: {  	v27 =	vld [tilespmem:s26+$0x1080];
	[tilespmem:s31+$0x10B0] =	vst v22;
	v22 =	vadd.f32 v24, v8;
	v24 =	vmul.f32 v28, v19  }
0x7f: {  	v20 =	vld [tilespmem:s31+$0x14C0];
	[tilespmem:s31+$0x10C0] =	vst v21;
	v21 =	vadd.f32 v23, v9;
	v23 =	vmul.f32 v29, v19  }
0x80: {  	v28 =	vld [tilespmem:s26+$0x1090];
	[tilespmem:s31+$0x10D0] =	vst v22;
	v22 =	vadd.f32 v24, v10;
	v24 =	vmul.f32 v30, v19  }
0x81: {  	v25 =	vmul.f32 v25, v19;
	[tilespmem:s31+$0x10E0] =	vst v21;
	v21 =	vadd.f32 v23, v11  }
0x82: {  	v29 =	vld [tilespmem:s26+$0x10A0];
	v26 =	vmul.f32 v26, v19;
	v23 =	vmul.f32 v31, v19;
	[tilespmem:s31+$0x10F0] =	vst v22;
	v22 =	vadd.f32 v24, v12  }
0x83: {  	v30 =	vld [tilespmem:s26+$0x10B0];
	v24 =	vmul.f32 v27, v19;
	v25 =	vadd.f32 v25, v16;
	[tilespmem:s31+$0x1480] =	vst v21  }
0x84: {  	v31 =	vld [tilespmem:s26+$0x10C0];
	v26 =	vadd.f32 v26, v17;
	v21 =	vadd.f32 v23, v13;
	[tilespmem:s31+$0x1490] =	vst v22  }
0x85: {  	v27 =	vld [tilespmem:s26+$0x10D0];
	v22 =	vmul.f32 v28, v19;
	v28 =	vmul.f32 v20, v19;
	v23 =	vadd.f32 v24, v3;
	[tilespmem:s31+$0x14D0] =	vst v25  }
0x86: {  	s28 =	sadd.s32 $0x2, s0;
	v33 =	vld [tilespmem:s26+$0x10E0];
	[tilespmem:s31+$0x14E0] =	vst v26  }
0x87: {  	p0 =	slt.s32 s28, s25;
	v24 =	vld [tilespmem:s26+$0x10F0];
	v28 =	vadd.f32 v28, v15;
	[tilespmem:s26+$0x1080] =	vst v23;
	v23 =	vmul.f32 v29, v19  }
.Ltmp6:
0x88: {  	v20 =	vld [tilespmem:s26+$0x1480];
	[tilespmem:s31+$0x14A0] =	vst v21;
	v22 =	vadd.f32 v22, v4;
	v29 =	vmul.f32 v30, v19;
	(pc) =	sbr.rel @!p0 .LBB2_7-.Ltmp6, $4  }
0x89: {  	v21 =	vld [tilespmem:s26+$0x1490];
	[tilespmem:s31+$0x14C0] =	vst v28;
	v28 =	vmul.f32 v31, v19;
	v23 =	vadd.f32 v23, v5  }
0x8a: {  	[tilespmem:s26+$0x1090] =	vst v22;
	v22 =	vld [tilespmem:s26+$0x14A0];
	v25 =	vmul.f32 v27, v19;
	v29 =	vadd.f32 v29, v6  }
0x8b: {  	v27 =	vadd.f32 v28, v7;
	v28 =	vmul.f32 v33, v19;
	[tilespmem:s26+$0x10A0] =	vst v23;
	v23 =	vld [tilespmem:s26+$0x14B0]  }
0x8c: {  	s0 =	sadd.s32 $0x100, s29;
	s29 =	sadd.s32 $0x200, s30;
	v26 =	vadd.f32 v25, v8;
	v25 =	vmul.f32 v24, v19;
	v24 =	vld [tilespmem:s26+$0x14C0];
	[tilespmem:s26+$0x10B0] =	vst v29  }
.LBB2_6:
0x8d: {  	s30 =	sadd.s32 $0xFFFFFF00, s29;
	s31 =	sadd.s32 $0xFFFFFF80, s0;
	s28 =	sadd.s32 $0x2, s28;
	[tilespmem:s26+$0x10C0] =	vst v27;
	v27 =	vadd.f32 v28, v9;
	v20 =	vmul.f32 v20, v19;
	v28 =	vld [tilespmem:s26+$0x14D0]  }
0x8e: {  	s30 =	sand.u32 $0xFFFFF800, s30;
	s31 =	sand.u32 $0x380, s31;
	p0 =	slt.s32 s28, s25;
	[tilespmem:s26+$0x10D0] =	vst v26;
	v25 =	vadd.f32 v25, v10;
	v21 =	vmul.f32 v21, v19;
	v26 =	vld [tilespmem:s26+$0x14E0]  }
0x8f: {  	s22 =	sand.u32 $0x380, s0;
	s30 =	sor.u32 s31, s30;
	s31 =	sand.u32 $0xFFFFF800, s29;
	[tilespmem:s26+$0x10E0] =	vst v27;
	v20 =	vadd.f32 v20, v11;
	v22 =	vmul.f32 v22, v19;
	v27 =	vld [tilespmem:s26+$0x14F0]  }
0x90: {  	v29 =	vld [tilespmem:s30+$0x14F0];
	s22 =	sor.u32 s22, s31;
	[tilespmem:s26+$0x10F0] =	vst v25;
	v21 =	vadd.f32 v21, v12;
	v23 =	vmul.f32 v23, v19  }
0x91: {  	v25 =	vld [tilespmem:s30+$0x1080];
	[tilespmem:s26+$0x1480] =	vst v20;
	v20 =	vadd.f32 v22, v13;
	v22 =	vmul.f32 v24, v19  }
0x92: {  	v24 =	vld [tilespmem:s30+$0x1090];
	[tilespmem:s26+$0x1490] =	vst v21;
	v21 =	vadd.f32 v23, v14;
	v23 =	vmul.f32 v28, v19  }
0x93: {  	v28 =	vld [tilespmem:s30+$0x10A0];
	[tilespmem:s26+$0x14A0] =	vst v20;
	v20 =	vadd.f32 v22, v15;
	v22 =	vmul.f32 v26, v19  }
0x94: {  	v26 =	vld [tilespmem:s30+$0x10B0];
	[tilespmem:s26+$0x14B0] =	vst v21;
	v21 =	vadd.f32 v23, v16;
	v23 =	vmul.f32 v27, v19  }
0x95: {  	v27 =	vld [tilespmem:s30+$0x10C0];
	v29 =	vmul.f32 v29, v19;
	[tilespmem:s26+$0x14C0] =	vst v20;
	v20 =	vadd.f32 v22, v17  }
0x96: {  	v22 =	vmul.f32 v25, v19;
	v25 =	vld [tilespmem:s30+$0x10D0];
	[tilespmem:s26+$0x14D0] =	vst v21;
	v21 =	vadd.f32 v23, v18  }
0x97: {  	v23 =	vmul.f32 v24, v19;
	v24 =	vld [tilespmem:s30+$0x10E0];
	v29 =	vadd.f32 v29, v18;
	[tilespmem:s26+$0x14E0] =	vst v20  }
0x98: {  	v20 =	vadd.f32 v22, v3;
	v22 =	vmul.f32 v28, v19;
	v28 =	vld [tilespmem:s30+$0x10F0];
	[tilespmem:s26+$0x14F0] =	vst v21;
	s26 =	smov.u32 s22  }
0x99: {  	v21 =	vadd.f32 v23, v4;
	v23 =	vmul.f32 v26, v19;
	v26 =	vld [tilespmem:s30+$0x1480];
	[tilespmem:s30+$0x14F0] =	vst v29  }
0x9a: {  	[tilespmem:s30+$0x1080] =	vst v20;
	v20 =	vadd.f32 v22, v5;
	v22 =	vmul.f32 v27, v19;
	v27 =	vld [tilespmem:s30+$0x1490]  }
0x9b: {  	[tilespmem:s30+$0x1090] =	vst v21;
	v21 =	vadd.f32 v23, v6;
	v23 =	vmul.f32 v25, v19;
	v25 =	vld [tilespmem:s30+$0x14A0]  }
0x9c: {  	[tilespmem:s30+$0x10A0] =	vst v20;
	v20 =	vadd.f32 v22, v7;
	v22 =	vmul.f32 v24, v19;
	v24 =	vld [tilespmem:s30+$0x14B0]  }
0x9d: {  	[tilespmem:s30+$0x10B0] =	vst v21;
	v21 =	vadd.f32 v23, v8;
	v23 =	vmul.f32 v28, v19;
	v28 =	vld [tilespmem:s30+$0x14C0]  }
0x9e: {  	[tilespmem:s30+$0x10C0] =	vst v20;
	v20 =	vadd.f32 v22, v9;
	v22 =	vmul.f32 v26, v19;
	v26 =	vld [tilespmem:s30+$0x14D0]  }
0x9f: {  	[tilespmem:s30+$0x10D0] =	vst v21;
	v21 =	vadd.f32 v23, v10;
	v23 =	vmul.f32 v27, v19;
	v27 =	vld [tilespmem:s30+$0x14E0]  }
0xa0: {  	[tilespmem:s30+$0x10E0] =	vst v20;
	v20 =	vadd.f32 v22, v11;
	v22 =	vmul.f32 v25, v19;
	v25 =	vld [tilespmem:s26+$0x1080]  }
0xa1: {  	[tilespmem:s30+$0x10F0] =	vst v21;
	v21 =	vadd.f32 v23, v12;
	v23 =	vmul.f32 v24, v19;
	v24 =	vld [tilespmem:s26+$0x1090]  }
0xa2: {  	[tilespmem:s30+$0x1480] =	vst v20;
	v20 =	vadd.f32 v22, v13;
	v22 =	vmul.f32 v28, v19;
	v28 =	vld [tilespmem:s26+$0x10A0]  }
0xa3: {  	[tilespmem:s30+$0x1490] =	vst v21;
	v21 =	vadd.f32 v23, v14;
	v23 =	vmul.f32 v26, v19;
	v26 =	vld [tilespmem:s26+$0x10B0]  }
0xa4: {  	[tilespmem:s30+$0x14A0] =	vst v20;
	v20 =	vadd.f32 v22, v15;
	v22 =	vmul.f32 v27, v19;
	v27 =	vld [tilespmem:s26+$0x10C0]  }
0xa5: {  	[tilespmem:s30+$0x14B0] =	vst v21;
	v21 =	vadd.f32 v23, v16;
	v23 =	vmul.f32 v25, v19;
	v25 =	vld [tilespmem:s26+$0x10D0]  }
0xa6: {  	[tilespmem:s30+$0x14C0] =	vst v20;
	v20 =	vadd.f32 v22, v17;
	v22 =	vmul.f32 v24, v19;
	v24 =	vld [tilespmem:s26+$0x10E0]  }
0xa7: {  	[tilespmem:s30+$0x14D0] =	vst v21;
	v21 =	vadd.f32 v23, v3;
	v23 =	vmul.f32 v28, v19;
	v29 =	vld [tilespmem:s26+$0x10F0]  }
.Ltmp7:
0xa8: {  	[tilespmem:s30+$0x14E0] =	vst v20;
	v22 =	vadd.f32 v22, v4;
	v26 =	vmul.f32 v26, v19;
	v20 =	vld [tilespmem:s26+$0x1480];
	(pc) =	sbr.rel @p0 .LBB2_6-.Ltmp7, $4  }
0xa9: {  	[tilespmem:s26+$0x1080] =	vst v21;
	v23 =	vadd.f32 v23, v5;
	v27 =	vmul.f32 v27, v19;
	v21 =	vld [tilespmem:s26+$0x1490]  }
0xaa: {  	[tilespmem:s26+$0x1090] =	vst v22;
	v26 =	vadd.f32 v26, v6;
	v25 =	vmul.f32 v25, v19;
	v22 =	vld [tilespmem:s26+$0x14A0]  }
0xab: {  	[tilespmem:s26+$0x10A0] =	vst v23;
	v27 =	vadd.f32 v27, v7;
	v28 =	vmul.f32 v24, v19;
	v23 =	vld [tilespmem:s26+$0x14B0]  }
0xac: {  	s0 =	sadd.s32 $0x100, s0;
	s29 =	sadd.s32 $0x200, s29;
	[tilespmem:s26+$0x10B0] =	vst v26;
	v26 =	vadd.f32 v25, v8;
	v25 =	vmul.f32 v29, v19;
	v24 =	vld [tilespmem:s26+$0x14C0]  }
.LBB2_7:
0xad: {  	[tilespmem:s26+$0x10C0] =	vst v27;
	v54 =	vld [tilespmem:s26+$0x14D0];
	v28 =	vadd.f32 v28, v9;
	v20 =	vmul.f32 v20, v19  }
0xae: {  	v56 =	vld [tilespmem:s26+$0x14F0];
	[tilespmem:s26+$0x10D0] =	vst v26;
	v25 =	vadd.f32 v25, v10;
	v21 =	vmul.f32 v21, v19  }
0xaf: {  	v55 =	vld [tilespmem:s26+$0x14E0];
	[tilespmem:s26+$0x10E0] =	vst v28;
	v20 =	vadd.f32 v20, v11;
	v22 =	vmul.f32 v22, v19  }
0xb0: {  	[tilespmem:s26+$0x10F0] =	vst v25;
	v21 =	vadd.f32 v21, v12;
	v23 =	vmul.f32 v23, v19  }
0xb1: {  	[tilespmem:s26+$0x1480] =	vst v20;
	v20 =	vadd.f32 v22, v13;
	v57 =	vmul.f32 v24, v19  }
0xb2: {  	[tilespmem:s26+$0x1490] =	vst v21;
	v58 =	vadd.f32 v23, v14;
	v59 =	vmul.f32 v54, v19  }
0xb3: {  	v62 =	vmul.f32 v56, v19;
	[tilespmem:s26+$0x14A0] =	vst v20;
	v20 =	vadd.f32 v57, v15  }
0xb4: {  	v60 =	vmul.f32 v55, v19;
	[tilespmem:s26+$0x14B0] =	vst v58;
	v61 =	vadd.f32 v59, v16  }
0xb5: {  	v63 =	vadd.f32 v62, v18;
	[tilespmem:s26+$0x14C0] =	vst v20  }
0xb6: {  	v20 =	vadd.f32 v60, v17;
	[tilespmem:s26+$0x14D0] =	vst v61  }
0xb7: {  	[tilespmem:s26+$0x14F0] =	vst v63  }
0xb8: {  	[tilespmem:s26+$0x14E0] =	vst v20  }
.LBB2_8:
0xb9: {  	p0 =	sge.s32 s25, s17  }
.Ltmp8:
0xba: {  	_ = 	snop;
	(pc) =	sbr.rel @p0 .LBB2_3-.Ltmp8, $1  }
0xbb: {  	_ =	sdelay $0x3  }
0xbc: {  	s0 =	ssub.s32 s19, s21;
	s31 =	sshll.u32 s17, $0x7  }
0xbd: {  	s25 =	sshll.u32 s17, $0x8;
	s21 =	sshll.u32 s0, $0x7;
	s26 =	sshll.u32 s0, $0x8  }
0xbe: {  	s19 =	ssub.s32 s31, s21;
	s21 =	ssub.s32 s25, s26  }
.LBB2_10:
0xbf: {  	s22 =	sand.u32 $0xFFFFF800, s21;
	s25 =	sand.u32 $0x380, s19  }
0xc0: {  	s25 =	sor.u32 s25, s22  }
0xc1: {  	v20 =	vld [tilespmem:s25+$0x1080]  }
0xc2: {  	v21 =	vld [tilespmem:s25+$0x1090]  }
0xc3: {  	v23 =	vld [tilespmem:s25+$0x10B0]  }
0xc4: {  	v22 =	vld [tilespmem:s25+$0x10A0]  }
0xc5: {  	v25 =	vld [tilespmem:s25+$0x10D0]  }
0xc6: {  	v24 =	vld [tilespmem:s25+$0x10C0];
	v20 =	vmul.f32 v20, v19  }
0xc7: {  	v27 =	vld [tilespmem:s25+$0x10F0];
	v21 =	vmul.f32 v21, v19  }
0xc8: {  	v26 =	vld [tilespmem:s25+$0x10E0];
	v23 =	vmul.f32 v23, v19;
	v20 =	vadd.f32 v20, v3  }
0xc9: {  	v39 =	vld [tilespmem:s25+$0x1490];
	v22 =	vmul.f32 v22, v19;
	v21 =	vadd.f32 v21, v4  }
0xca: {  	v28 =	vld [tilespmem:s25+$0x1480];
	v41 =	vmul.f32 v25, v19;
	v40 =	vadd.f32 v23, v6;
	[tilespmem:s25+$0x1080] =	vst v20  }
0xcb: {  	v44 =	vld [tilespmem:s25+$0x14B0];
	v38 =	vmul.f32 v24, v19;
	v20 =	vadd.f32 v22, v5;
	[tilespmem:s25+$0x1090] =	vst v21  }
0xcc: {  	v42 =	vld [tilespmem:s25+$0x14A0];
	v46 =	vmul.f32 v27, v19;
	v45 =	vadd.f32 v41, v8;
	[tilespmem:s25+$0x10B0] =	vst v40  }
0xcd: {  	v49 =	vld [tilespmem:s25+$0x14D0];
	v43 =	vmul.f32 v26, v19;
	[tilespmem:s25+$0x10A0] =	vst v20;
	v20 =	vadd.f32 v38, v7  }
0xce: {  	v47 =	vld [tilespmem:s25+$0x14C0];
	v51 =	vmul.f32 v39, v19;
	v50 =	vadd.f32 v46, v10;
	[tilespmem:s25+$0x10D0] =	vst v45  }
0xcf: {  	v54 =	vld [tilespmem:s25+$0x14F0];
	v48 =	vmul.f32 v28, v19;
	[tilespmem:s25+$0x10C0] =	vst v20;
	v20 =	vadd.f32 v43, v9  }
0xd0: {  	v52 =	vld [tilespmem:s25+$0x14E0];
	v56 =	vmul.f32 v44, v19;
	v55 =	vadd.f32 v51, v12;
	[tilespmem:s25+$0x10F0] =	vst v50  }
0xd1: {  	v53 =	vmul.f32 v42, v19;
	[tilespmem:s25+$0x10E0] =	vst v20;
	v20 =	vadd.f32 v48, v11  }
0xd2: {  	v59 =	vmul.f32 v49, v19;
	v58 =	vadd.f32 v56, v14;
	[tilespmem:s25+$0x1490] =	vst v55  }
0xd3: {  	v57 =	vmul.f32 v47, v19;
	[tilespmem:s25+$0x1480] =	vst v20;
	v20 =	vadd.f32 v53, v13  }
0xd4: {  	p0 =	seq.s32 s0, $0x1;
	v62 =	vmul.f32 v54, v19;
	v61 =	vadd.f32 v59, v16;
	[tilespmem:s25+$0x14B0] =	vst v58  }
.Ltmp9:
0xd5: {  	v60 =	vmul.f32 v52, v19;
	[tilespmem:s25+$0x14A0] =	vst v20;
	v20 =	vadd.f32 v57, v15;
	(pc) =	sbr.rel @!p0 .LBB2_10-.Ltmp9, $4  }
0xd6: {  	v63 =	vadd.f32 v62, v18;
	[tilespmem:s25+$0x14D0] =	vst v61  }
0xd7: {  	[tilespmem:s25+$0x14C0] =	vst v20;
	v20 =	vadd.f32 v60, v17  }
0xd8: {  	[tilespmem:s25+$0x14F0] =	vst v63  }
0xd9: {  	s19 =	sadd.s32 $0x80, s19;
	s21 =	sadd.s32 $0x100, s21;
	s0 =	sadd.s32 $0xFFFFFFFF, s0;
	[tilespmem:s25+$0x14E0] =	vst v20  }
.Ltmp10:
0xda: {  	_ = 	snop;
	(pc) =	sbr.rel .LBB2_3-.Ltmp10, $1  }
0xdb: {  	_ =	sdelay $0x3  }
.LBB2_11:
0xdc: {  	s0 =	rddreg [dreg:$0x7];
	s1 =	simm.s32 $0x1080  }
0xdd: {  	[hbm4b:s0+s2] =	stream.linear.scatter [tilespmem:s1], [sflag:$0x4], $0x8000, $0x38;
	[tilespmem:$0x19080] =	vst v63  }
0xde: {  	s0 =	ssub.s32 s14, s4  }
0xdf: {  	p0 =	slt.s32 s0, $0x1  }
.Ltmp11:
0xe0: {  	s30 =	rddreg [dreg:$0x8];
	s31 =	simm.s32 $0x11080;
	(pc) =	sbr.rel @p0 .LBB2_21-.Ltmp11, $4  }
0xe1: {  	[tilespmem:s31], [sflag:$0x3] =	stream.linear.gather [hbm4b:s30+s2], $0x8000, $0x38;
	[tilespmem:$0x19080] =	vst v63  }
0xe2: {  	_ =	swait.ge [sflag:s5], $0x8000  }
0xe3: {  	[sflag:s5] =	ssyncset.done $0x0  }
0xe4: {  	[sflag:s5] =	ssyncadd.s32 $0xFFFF8000  }
.Ltmp12:
0xe5: {  	(pc) =	sbr.rel .LBB2_14-.Ltmp12, $4  }
0xe6: {  	_ = 	snop  }
0xe7: {  	p0 =	sgt.s32 s0, $0x0  }
0xe8: {  	s0 =	simm.s32 @!p0 $0x0  }
0xe9: {  	v2 =	vxor.u32 $0x80000000, v1;
	s17 =	simm.s32 $0x0;
	s16 =	smin.u32 s0, $0x80  }
.LBB2_13:
0xea: {  	p0 =	sge.s32 s18, s16  }
.Ltmp13:
0xeb: {  	_ = 	snop;
	(pc) =	sbr.rel @p0 .LBB2_21-.Ltmp13, $1  }
0xec: {  	_ =	sdelay $0x3  }
.LBB2_14:
0xed: {  	s29 =	sadd.s32 s4, s17  }
0xee: {  	vm0 =	vle.s32 v1, s29  }
0xef: {  	v3 =	vsel vm0, $0x1, v0  }
0xf0: {  	(xrf0) =	vadd.scan.msk.s32 $0xffff, v3;
	v3 =	vsel vm0, $0x80008001, v2  }
0xf1: {  	(xrf0) =	vmin.scan.msk.u32 $0xffff, v3;
	v3 =	vnsel vm0, $0x80000000, v2  }
0xf2: {  	(xrf0) =	vmax.scan.msk.u32 $0xffff, v3;
	_ =	sdelay $0x3  }
0xf3: {  	v3, _, _ =	vpop (xrf0)  }
0xf4: {  	v4, _, _ =	vpop (xrf0);
	(v2sf) =	vpush v3, $0xF  }
0xf5: {  	(v2sf) =	vpush v4, $0xF;
	v3, _, _ =	vpop (xrf0)  }
0xf6: {  	(v2sf) =	vpush v3, $0xF;
	_ =	sdelay $0xc  }
0xf7: {  	s30 =	spop (v2sf)  }
0xf8: {  	s0 =	smov.u32 s17;
	s18 =	spop (v2sf);
	s21 =	sshll.u32 s30, $0x8  }
0xf9: {  	s17 =	sshll.u32 s30, $0x7;
	s18 =	sxor.u32 $0x80000000, s18;
	s19 =	spop (v2sf)  }
0xfa: {  	s21 =	sand.u32 $0xFFFFF800, s21;
	s17 =	sand.u32 $0x380, s17;
	s19 =	sxor.u32 $0x80000000, s19  }
0xfb: {  	s22 =	sor.u32 s17, s21;
	s19 =	ssub.s32 s18, s19  }
0xfc: {  	v3 =	vld [tilespmem:s22+$0x80];
	v4 =	vmov s19  }
0xfd: {  	v5 =	vld [tilespmem:s22+$0xA0];
	v6 =	vcvt.s32.f32 v4  }
0xfe: {  	v8 =	vld [tilespmem:s22+$0xD0];
	s18 =	ssub.s32 s18, s4  }
0xff: {  	s17 =	smov.u32 s16;
	v10 =	vld [tilespmem:s22+$0xF0];
	p0 =	slt.s32 s18, s16;
	v7 =	vmax.f32 v6, $1.000000000e+00  }
0x100: {  	v11 =	vld [tilespmem:s22+$0x480];
	s17 =	smov.u32 @p0 s18;
	v9 =	vbroadcast v7, $0x0  }
0x101: {  	v12 =	vld [tilespmem:s22+$0x490];
	s19 =	ssub.s32 s17, s0  }
0x102: {  	v13 =	vld [tilespmem:s22+$0x4A0];
	s31 =	sshrl.u32 s19, $0x1F;
	(erf) = vrcp.f32 v9  }
0x103: {  	v14 =	vld [tilespmem:s22+$0x4B0];
	s21 =	sadd.s32 s31, s19  }
0x104: {  	v15 =	vld [tilespmem:s22+$0x4C0];
	s21 =	sand.u32 $0xFFFFFFFE, s21  }
0x105: {  	v16 =	vld [tilespmem:s22+$0x4D0];
	s25 =	sadd.s32 s0, s21  }
0x106: {  	v17 =	vld [tilespmem:s22+$0x4E0];
	p0 =	sge.s32 s0, s25  }
.Ltmp14:
0x107: {  	v9 =	vld [tilespmem:s22+$0xE0];
	(pc) =	sbr.rel @p0 .LBB2_18-.Ltmp14, $4  }
0x108: {  	v18 =	vld [tilespmem:s22+$0x4F0]  }
0x109: {  	v4 =	vld [tilespmem:s22+$0x90]  }
0x10a: {  	v6 =	vld [tilespmem:s22+$0xB0]  }
0x10b: {  	v7 =	vld [tilespmem:s22+$0xC0];
	v19 =	vpop (erf)  }
0x10c: {  	s22 =	sshll.u32 s0, $0x7;
	s26 =	sshll.u32 s0, $0x8  }
0x10d: {  	s29 =	sadd.s32 $0x80, s22;
	s30 =	sadd.s32 $0x100, s26  }
0x10e: {  	s31 =	sadd.s32 $0xFFFFFF00, s30;
	s1 =	sadd.s32 $0xFFFFFF80, s29  }
0x10f: {  	s22 =	sand.u32 $0xFFFFF800, s31;
	s26 =	sand.u32 $0x380, s1  }
0x110: {  	s31 =	sor.u32 s26, s22  }
0x111: {  	v20 =	vld [tilespmem:s31+$0x94F0]  }
0x112: {  	v21 =	vld [tilespmem:s31+$0x9080]  }
0x113: {  	v22 =	vld [tilespmem:s31+$0x9090]  }
0x114: {  	v23 =	vld [tilespmem:s31+$0x90A0]  }
0x115: {  	v32 =	vld [tilespmem:s31+$0x94B0]  }
0x116: {  	v24 =	vld [tilespmem:s31+$0x90B0]  }
0x117: {  	v25 =	vld [tilespmem:s31+$0x90C0];
	v20 =	vmul.f32 v20, v19  }
0x118: {  	v26 =	vld [tilespmem:s31+$0x90D0];
	v21 =	vmul.f32 v21, v19  }
0x119: {  	v27 =	vld [tilespmem:s31+$0x90E0];
	v22 =	vmul.f32 v22, v19;
	v20 =	vadd.f32 v20, v18  }
0x11a: {  	v28 =	vld [tilespmem:s31+$0x90F0];
	v32 =	vmul.f32 v32, v19;
	v21 =	vadd.f32 v21, v3  }
0x11b: {  	v29 =	vld [tilespmem:s31+$0x9480];
	v23 =	vmul.f32 v23, v19;
	v22 =	vadd.f32 v22, v4;
	[tilespmem:s31+$0x94F0] =	vst v20  }
0x11c: {  	v30 =	vld [tilespmem:s31+$0x9490];
	v24 =	vmul.f32 v24, v19;
	v32 =	vadd.f32 v32, v14;
	[tilespmem:s31+$0x9080] =	vst v21  }
0x11d: {  	v31 =	vld [tilespmem:s31+$0x94A0];
	v21 =	vadd.f32 v23, v5;
	v23 =	vmul.f32 v25, v19;
	[tilespmem:s31+$0x9090] =	vst v22  }
0x11e: {  	s1 =	sand.u32 $0x380, s29;
	s26 =	sand.u32 $0xFFFFF800, s30;
	v25 =	vld [tilespmem:s31+$0x94D0];
	v22 =	vadd.f32 v24, v6;
	v24 =	vmul.f32 v26, v19;
	[tilespmem:s31+$0x94B0] =	vst v32  }
0x11f: {  	s26 =	sor.u32 s1, s26;
	v26 =	vld [tilespmem:s31+$0x94E0];
	[tilespmem:s31+$0x90A0] =	vst v21;
	v21 =	vadd.f32 v23, v7;
	v23 =	vmul.f32 v27, v19  }
0x120: {  	v27 =	vld [tilespmem:s26+$0x9080];
	[tilespmem:s31+$0x90B0] =	vst v22;
	v22 =	vadd.f32 v24, v8;
	v24 =	vmul.f32 v28, v19  }
0x121: {  	v20 =	vld [tilespmem:s31+$0x94C0];
	[tilespmem:s31+$0x90C0] =	vst v21;
	v21 =	vadd.f32 v23, v9;
	v23 =	vmul.f32 v29, v19  }
0x122: {  	v28 =	vld [tilespmem:s26+$0x9090];
	[tilespmem:s31+$0x90D0] =	vst v22;
	v22 =	vadd.f32 v24, v10;
	v24 =	vmul.f32 v30, v19  }
0x123: {  	v25 =	vmul.f32 v25, v19;
	[tilespmem:s31+$0x90E0] =	vst v21;
	v21 =	vadd.f32 v23, v11  }
0x124: {  	v29 =	vld [tilespmem:s26+$0x90A0];
	v26 =	vmul.f32 v26, v19;
	v23 =	vmul.f32 v31, v19;
	[tilespmem:s31+$0x90F0] =	vst v22;
	v22 =	vadd.f32 v24, v12  }
0x125: {  	v30 =	vld [tilespmem:s26+$0x90B0];
	v24 =	vmul.f32 v27, v19;
	v25 =	vadd.f32 v25, v16;
	[tilespmem:s31+$0x9480] =	vst v21  }
0x126: {  	v31 =	vld [tilespmem:s26+$0x90C0];
	v26 =	vadd.f32 v26, v17;
	v21 =	vadd.f32 v23, v13;
	[tilespmem:s31+$0x9490] =	vst v22  }
0x127: {  	v27 =	vld [tilespmem:s26+$0x90D0];
	v22 =	vmul.f32 v28, v19;
	v28 =	vmul.f32 v20, v19;
	v23 =	vadd.f32 v24, v3;
	[tilespmem:s31+$0x94D0] =	vst v25  }
0x128: {  	s28 =	sadd.s32 $0x2, s0;
	v33 =	vld [tilespmem:s26+$0x90E0];
	[tilespmem:s31+$0x94E0] =	vst v26  }
0x129: {  	p0 =	slt.s32 s28, s25;
	v24 =	vld [tilespmem:s26+$0x90F0];
	v28 =	vadd.f32 v28, v15;
	[tilespmem:s26+$0x9080] =	vst v23;
	v23 =	vmul.f32 v29, v19  }
.Ltmp15:
0x12a: {  	v20 =	vld [tilespmem:s26+$0x9480];
	[tilespmem:s31+$0x94A0] =	vst v21;
	v22 =	vadd.f32 v22, v4;
	v29 =	vmul.f32 v30, v19;
	(pc) =	sbr.rel @!p0 .LBB2_17-.Ltmp15, $4  }
0x12b: {  	v21 =	vld [tilespmem:s26+$0x9490];
	[tilespmem:s31+$0x94C0] =	vst v28;
	v28 =	vmul.f32 v31, v19;
	v23 =	vadd.f32 v23, v5  }
0x12c: {  	[tilespmem:s26+$0x9090] =	vst v22;
	v22 =	vld [tilespmem:s26+$0x94A0];
	v25 =	vmul.f32 v27, v19;
	v29 =	vadd.f32 v29, v6  }
0x12d: {  	v27 =	vadd.f32 v28, v7;
	v28 =	vmul.f32 v33, v19;
	[tilespmem:s26+$0x90A0] =	vst v23;
	v23 =	vld [tilespmem:s26+$0x94B0]  }
0x12e: {  	s0 =	sadd.s32 $0x100, s29;
	s29 =	sadd.s32 $0x200, s30;
	v26 =	vadd.f32 v25, v8;
	v25 =	vmul.f32 v24, v19;
	v24 =	vld [tilespmem:s26+$0x94C0];
	[tilespmem:s26+$0x90B0] =	vst v29  }
.LBB2_16:
0x12f: {  	s22 =	sadd.s32 $0xFFFFFF00, s29;
	s30 =	sadd.s32 $0xFFFFFF80, s0;
	s28 =	sadd.s32 $0x2, s28;
	[tilespmem:s26+$0x90C0] =	vst v27;
	v27 =	vadd.f32 v28, v9;
	v20 =	vmul.f32 v20, v19;
	v28 =	vld [tilespmem:s26+$0x94D0]  }
0x130: {  	s22 =	sand.u32 $0xFFFFF800, s22;
	s30 =	sand.u32 $0x380, s30;
	p0 =	slt.s32 s28, s25;
	[tilespmem:s26+$0x90D0] =	vst v26;
	v25 =	vadd.f32 v25, v10;
	v21 =	vmul.f32 v21, v19;
	v26 =	vld [tilespmem:s26+$0x94E0]  }
0x131: {  	s31 =	sand.u32 $0x380, s0;
	s30 =	sor.u32 s30, s22;
	s22 =	sand.u32 $0xFFFFF800, s29;
	[tilespmem:s26+$0x90E0] =	vst v27;
	v20 =	vadd.f32 v20, v11;
	v22 =	vmul.f32 v22, v19;
	v27 =	vld [tilespmem:s26+$0x94F0]  }
0x132: {  	v29 =	vld [tilespmem:s30+$0x94F0];
	s22 =	sor.u32 s31, s22;
	[tilespmem:s26+$0x90F0] =	vst v25;
	v21 =	vadd.f32 v21, v12;
	v23 =	vmul.f32 v23, v19  }
0x133: {  	v25 =	vld [tilespmem:s30+$0x9080];
	[tilespmem:s26+$0x9480] =	vst v20;
	v20 =	vadd.f32 v22, v13;
	v22 =	vmul.f32 v24, v19  }
0x134: {  	v24 =	vld [tilespmem:s30+$0x9090];
	[tilespmem:s26+$0x9490] =	vst v21;
	v21 =	vadd.f32 v23, v14;
	v23 =	vmul.f32 v28, v19  }
0x135: {  	v28 =	vld [tilespmem:s30+$0x90A0];
	[tilespmem:s26+$0x94A0] =	vst v20;
	v20 =	vadd.f32 v22, v15;
	v22 =	vmul.f32 v26, v19  }
0x136: {  	v26 =	vld [tilespmem:s30+$0x90B0];
	[tilespmem:s26+$0x94B0] =	vst v21;
	v21 =	vadd.f32 v23, v16;
	v23 =	vmul.f32 v27, v19  }
0x137: {  	v27 =	vld [tilespmem:s30+$0x90C0];
	v29 =	vmul.f32 v29, v19;
	[tilespmem:s26+$0x94C0] =	vst v20;
	v20 =	vadd.f32 v22, v17  }
0x138: {  	v22 =	vmul.f32 v25, v19;
	v25 =	vld [tilespmem:s30+$0x90D0];
	[tilespmem:s26+$0x94D0] =	vst v21;
	v21 =	vadd.f32 v23, v18  }
0x139: {  	v23 =	vmul.f32 v24, v19;
	v24 =	vld [tilespmem:s30+$0x90E0];
	v29 =	vadd.f32 v29, v18;
	[tilespmem:s26+$0x94E0] =	vst v20  }
0x13a: {  	v20 =	vadd.f32 v22, v3;
	v22 =	vmul.f32 v28, v19;
	v28 =	vld [tilespmem:s30+$0x90F0];
	[tilespmem:s26+$0x94F0] =	vst v21;
	s26 =	smov.u32 s22  }
0x13b: {  	v21 =	vadd.f32 v23, v4;
	v23 =	vmul.f32 v26, v19;
	v26 =	vld [tilespmem:s30+$0x9480];
	[tilespmem:s30+$0x94F0] =	vst v29  }
0x13c: {  	[tilespmem:s30+$0x9080] =	vst v20;
	v20 =	vadd.f32 v22, v5;
	v22 =	vmul.f32 v27, v19;
	v27 =	vld [tilespmem:s30+$0x9490]  }
0x13d: {  	[tilespmem:s30+$0x9090] =	vst v21;
	v21 =	vadd.f32 v23, v6;
	v23 =	vmul.f32 v25, v19;
	v25 =	vld [tilespmem:s30+$0x94A0]  }
0x13e: {  	[tilespmem:s30+$0x90A0] =	vst v20;
	v20 =	vadd.f32 v22, v7;
	v22 =	vmul.f32 v24, v19;
	v24 =	vld [tilespmem:s30+$0x94B0]  }
0x13f: {  	[tilespmem:s30+$0x90B0] =	vst v21;
	v21 =	vadd.f32 v23, v8;
	v23 =	vmul.f32 v28, v19;
	v28 =	vld [tilespmem:s30+$0x94C0]  }
0x140: {  	[tilespmem:s30+$0x90C0] =	vst v20;
	v20 =	vadd.f32 v22, v9;
	v22 =	vmul.f32 v26, v19;
	v26 =	vld [tilespmem:s30+$0x94D0]  }
0x141: {  	[tilespmem:s30+$0x90D0] =	vst v21;
	v21 =	vadd.f32 v23, v10;
	v23 =	vmul.f32 v27, v19;
	v27 =	vld [tilespmem:s30+$0x94E0]  }
0x142: {  	[tilespmem:s30+$0x90E0] =	vst v20;
	v20 =	vadd.f32 v22, v11;
	v22 =	vmul.f32 v25, v19;
	v25 =	vld [tilespmem:s26+$0x9080]  }
0x143: {  	[tilespmem:s30+$0x90F0] =	vst v21;
	v21 =	vadd.f32 v23, v12;
	v23 =	vmul.f32 v24, v19;
	v24 =	vld [tilespmem:s26+$0x9090]  }
0x144: {  	[tilespmem:s30+$0x9480] =	vst v20;
	v20 =	vadd.f32 v22, v13;
	v22 =	vmul.f32 v28, v19;
	v28 =	vld [tilespmem:s26+$0x90A0]  }
0x145: {  	[tilespmem:s30+$0x9490] =	vst v21;
	v21 =	vadd.f32 v23, v14;
	v23 =	vmul.f32 v26, v19;
	v26 =	vld [tilespmem:s26+$0x90B0]  }
0x146: {  	[tilespmem:s30+$0x94A0] =	vst v20;
	v20 =	vadd.f32 v22, v15;
	v22 =	vmul.f32 v27, v19;
	v27 =	vld [tilespmem:s26+$0x90C0]  }
0x147: {  	[tilespmem:s30+$0x94B0] =	vst v21;
	v21 =	vadd.f32 v23, v16;
	v23 =	vmul.f32 v25, v19;
	v25 =	vld [tilespmem:s26+$0x90D0]  }
0x148: {  	[tilespmem:s30+$0x94C0] =	vst v20;
	v20 =	vadd.f32 v22, v17;
	v22 =	vmul.f32 v24, v19;
	v24 =	vld [tilespmem:s26+$0x90E0]  }
0x149: {  	[tilespmem:s30+$0x94D0] =	vst v21;
	v21 =	vadd.f32 v23, v3;
	v23 =	vmul.f32 v28, v19;
	v29 =	vld [tilespmem:s26+$0x90F0]  }
.Ltmp16:
0x14a: {  	[tilespmem:s30+$0x94E0] =	vst v20;
	v22 =	vadd.f32 v22, v4;
	v26 =	vmul.f32 v26, v19;
	v20 =	vld [tilespmem:s26+$0x9480];
	(pc) =	sbr.rel @p0 .LBB2_16-.Ltmp16, $4  }
0x14b: {  	[tilespmem:s26+$0x9080] =	vst v21;
	v23 =	vadd.f32 v23, v5;
	v27 =	vmul.f32 v27, v19;
	v21 =	vld [tilespmem:s26+$0x9490]  }
0x14c: {  	[tilespmem:s26+$0x9090] =	vst v22;
	v26 =	vadd.f32 v26, v6;
	v25 =	vmul.f32 v25, v19;
	v22 =	vld [tilespmem:s26+$0x94A0]  }
0x14d: {  	[tilespmem:s26+$0x90A0] =	vst v23;
	v27 =	vadd.f32 v27, v7;
	v28 =	vmul.f32 v24, v19;
	v23 =	vld [tilespmem:s26+$0x94B0]  }
0x14e: {  	s0 =	sadd.s32 $0x100, s0;
	s29 =	sadd.s32 $0x200, s29;
	[tilespmem:s26+$0x90B0] =	vst v26;
	v26 =	vadd.f32 v25, v8;
	v25 =	vmul.f32 v29, v19;
	v24 =	vld [tilespmem:s26+$0x94C0]  }
.LBB2_17:
0x14f: {  	[tilespmem:s26+$0x90C0] =	vst v27;
	v54 =	vld [tilespmem:s26+$0x94D0];
	v28 =	vadd.f32 v28, v9;
	v20 =	vmul.f32 v20, v19  }
0x150: {  	v56 =	vld [tilespmem:s26+$0x94F0];
	[tilespmem:s26+$0x90D0] =	vst v26;
	v25 =	vadd.f32 v25, v10;
	v21 =	vmul.f32 v21, v19  }
0x151: {  	v55 =	vld [tilespmem:s26+$0x94E0];
	[tilespmem:s26+$0x90E0] =	vst v28;
	v20 =	vadd.f32 v20, v11;
	v22 =	vmul.f32 v22, v19  }
0x152: {  	[tilespmem:s26+$0x90F0] =	vst v25;
	v21 =	vadd.f32 v21, v12;
	v23 =	vmul.f32 v23, v19  }
0x153: {  	[tilespmem:s26+$0x9480] =	vst v20;
	v20 =	vadd.f32 v22, v13;
	v57 =	vmul.f32 v24, v19  }
0x154: {  	[tilespmem:s26+$0x9490] =	vst v21;
	v58 =	vadd.f32 v23, v14;
	v59 =	vmul.f32 v54, v19  }
0x155: {  	v62 =	vmul.f32 v56, v19;
	[tilespmem:s26+$0x94A0] =	vst v20;
	v20 =	vadd.f32 v57, v15  }
0x156: {  	v60 =	vmul.f32 v55, v19;
	[tilespmem:s26+$0x94B0] =	vst v58;
	v61 =	vadd.f32 v59, v16  }
0x157: {  	v63 =	vadd.f32 v62, v18;
	[tilespmem:s26+$0x94C0] =	vst v20  }
0x158: {  	v20 =	vadd.f32 v60, v17;
	[tilespmem:s26+$0x94D0] =	vst v61  }
0x159: {  	[tilespmem:s26+$0x94F0] =	vst v63  }
0x15a: {  	[tilespmem:s26+$0x94E0] =	vst v20  }
.LBB2_18:
0x15b: {  	p0 =	sge.s32 s25, s17  }
.Ltmp17:
0x15c: {  	_ = 	snop;
	(pc) =	sbr.rel @p0 .LBB2_13-.Ltmp17, $1  }
0x15d: {  	_ =	sdelay $0x3  }
0x15e: {  	s0 =	ssub.s32 s19, s21;
	s31 =	sshll.u32 s17, $0x7  }
0x15f: {  	s22 =	sshll.u32 s17, $0x8;
	s21 =	sshll.u32 s0, $0x7;
	s25 =	sshll.u32 s0, $0x8  }
0x160: {  	s19 =	ssub.s32 s31, s21;
	s21 =	ssub.s32 s22, s25  }
.LBB2_20:
0x161: {  	s22 =	sand.u32 $0xFFFFF800, s21;
	s25 =	sand.u32 $0x380, s19  }
0x162: {  	s25 =	sor.u32 s25, s22  }
0x163: {  	v20 =	vld [tilespmem:s25+$0x9080]  }
0x164: {  	v21 =	vld [tilespmem:s25+$0x9090]  }
0x165: {  	v23 =	vld [tilespmem:s25+$0x90B0]  }
0x166: {  	v22 =	vld [tilespmem:s25+$0x90A0]  }
0x167: {  	v25 =	vld [tilespmem:s25+$0x90D0]  }
0x168: {  	v24 =	vld [tilespmem:s25+$0x90C0];
	v20 =	vmul.f32 v20, v19  }
0x169: {  	v27 =	vld [tilespmem:s25+$0x90F0];
	v21 =	vmul.f32 v21, v19  }
0x16a: {  	v26 =	vld [tilespmem:s25+$0x90E0];
	v23 =	vmul.f32 v23, v19;
	v20 =	vadd.f32 v20, v3  }
0x16b: {  	v39 =	vld [tilespmem:s25+$0x9490];
	v22 =	vmul.f32 v22, v19;
	v21 =	vadd.f32 v21, v4  }
0x16c: {  	v28 =	vld [tilespmem:s25+$0x9480];
	v41 =	vmul.f32 v25, v19;
	v40 =	vadd.f32 v23, v6;
	[tilespmem:s25+$0x9080] =	vst v20  }
0x16d: {  	v44 =	vld [tilespmem:s25+$0x94B0];
	v38 =	vmul.f32 v24, v19;
	v20 =	vadd.f32 v22, v5;
	[tilespmem:s25+$0x9090] =	vst v21  }
0x16e: {  	v42 =	vld [tilespmem:s25+$0x94A0];
	v46 =	vmul.f32 v27, v19;
	v45 =	vadd.f32 v41, v8;
	[tilespmem:s25+$0x90B0] =	vst v40  }
0x16f: {  	v49 =	vld [tilespmem:s25+$0x94D0];
	v43 =	vmul.f32 v26, v19;
	[tilespmem:s25+$0x90A0] =	vst v20;
	v20 =	vadd.f32 v38, v7  }
0x170: {  	v47 =	vld [tilespmem:s25+$0x94C0];
	v51 =	vmul.f32 v39, v19;
	v50 =	vadd.f32 v46, v10;
	[tilespmem:s25+$0x90D0] =	vst v45  }
0x171: {  	v54 =	vld [tilespmem:s25+$0x94F0];
	v48 =	vmul.f32 v28, v19;
	[tilespmem:s25+$0x90C0] =	vst v20;
	v20 =	vadd.f32 v43, v9  }
0x172: {  	v52 =	vld [tilespmem:s25+$0x94E0];
	v56 =	vmul.f32 v44, v19;
	v55 =	vadd.f32 v51, v12;
	[tilespmem:s25+$0x90F0] =	vst v50  }
0x173: {  	v53 =	vmul.f32 v42, v19;
	[tilespmem:s25+$0x90E0] =	vst v20;
	v20 =	vadd.f32 v48, v11  }
0x174: {  	v59 =	vmul.f32 v49, v19;
	v58 =	vadd.f32 v56, v14;
	[tilespmem:s25+$0x9490] =	vst v55  }
0x175: {  	v57 =	vmul.f32 v47, v19;
	[tilespmem:s25+$0x9480] =	vst v20;
	v20 =	vadd.f32 v53, v13  }
0x176: {  	p0 =	seq.s32 s0, $0x1;
	v62 =	vmul.f32 v54, v19;
	v61 =	vadd.f32 v59, v16;
	[tilespmem:s25+$0x94B0] =	vst v58  }
.Ltmp18:
0x177: {  	v60 =	vmul.f32 v52, v19;
	[tilespmem:s25+$0x94A0] =	vst v20;
	v20 =	vadd.f32 v57, v15;
	(pc) =	sbr.rel @!p0 .LBB2_20-.Ltmp18, $4  }
0x178: {  	v63 =	vadd.f32 v62, v18;
	[tilespmem:s25+$0x94D0] =	vst v61  }
0x179: {  	[tilespmem:s25+$0x94C0] =	vst v20;
	v20 =	vadd.f32 v60, v17  }
0x17a: {  	[tilespmem:s25+$0x94F0] =	vst v63  }
0x17b: {  	s19 =	sadd.s32 $0x80, s19;
	s21 =	sadd.s32 $0x100, s21;
	s0 =	sadd.s32 $0xFFFFFFFF, s0;
	[tilespmem:s25+$0x94E0] =	vst v20  }
.Ltmp19:
0x17c: {  	_ = 	snop;
	(pc) =	sbr.rel .LBB2_13-.Ltmp19, $1  }
0x17d: {  	_ =	sdelay $0x3  }
.LBB2_21:
0x17e: {  	s0 =	rddreg [dreg:$0x9]  }
0x17f: {  	[hbm4b:s0+s2] =	stream.linear.scatter [tilespmem:s9], [sflag:$0x5], $0x8000, $0x38;
	[tilespmem:$0x19080] =	vst v63  }
0x180: {  	s1 =	simm.s32 $0x1080;
	s0 =	ssub.s32 s14, s6;
	_ =	swait.ge [sflag:s7], $0x8000  }
0x181: {  	s31 =	simm.s32 $0x3;
	p0 =	slt.s32 s0, $0x1;
	[sflag:s7] =	ssyncset.done $0x0  }
.Ltmp20:
0x182: {  	s30 =	rddreg [dreg:$0xa];
	[sflag:s7] =	ssyncadd.s32 $0xFFFF8000;
	(pc) =	sbr.rel @p0 .LBB2_31-.Ltmp20, $4  }
0x183: {  	[tilespmem:s1], [sflag:$0x1] =	stream.linear.gather [hbm4b:s30+s2], $0x8000, $0x38;
	[tilespmem:$0x19080] =	vst v63  }
0x184: {  	_ =	swait.ge [sflag:s31], $0x8000  }
0x185: {  	[sflag:s31] =	ssyncset.done $0x0  }
0x186: {  	[sflag:s31] =	ssyncadd.s32 $0xFFFF8000  }
.Ltmp21:
0x187: {  	(pc) =	sbr.rel .LBB2_24-.Ltmp21, $4  }
0x188: {  	_ = 	snop  }
0x189: {  	p0 =	sgt.s32 s0, $0x0  }
0x18a: {  	s0 =	simm.s32 @!p0 $0x0  }
0x18b: {  	v2 =	vxor.u32 $0x80000000, v1;
	s16 =	simm.s32 $0x0;
	s17 =	smin.u32 s0, $0x80  }
.LBB2_23:
0x18c: {  	p0 =	sge.s32 s18, s17  }
.Ltmp22:
0x18d: {  	_ = 	snop;
	(pc) =	sbr.rel @p0 .LBB2_31-.Ltmp22, $1  }
0x18e: {  	_ =	sdelay $0x3  }
.LBB2_24:
0x18f: {  	s29 =	sadd.s32 s6, s16  }
0x190: {  	vm0 =	vle.s32 v1, s29  }
0x191: {  	v3 =	vsel vm0, $0x1, v0  }
0x192: {  	(xrf0) =	vadd.scan.msk.s32 $0xffff, v3;
	v3 =	vsel vm0, $0x80008001, v2  }
0x193: {  	(xrf0) =	vmin.scan.msk.u32 $0xffff, v3;
	v3 =	vnsel vm0, $0x80000000, v2  }
0x194: {  	(xrf0) =	vmax.scan.msk.u32 $0xffff, v3;
	_ =	sdelay $0x3  }
0x195: {  	v3, _, _ =	vpop (xrf0)  }
0x196: {  	v4, _, _ =	vpop (xrf0);
	(v2sf) =	vpush v3, $0xF  }
0x197: {  	(v2sf) =	vpush v4, $0xF;
	v3, _, _ =	vpop (xrf0)  }
0x198: {  	(v2sf) =	vpush v3, $0xF;
	_ =	sdelay $0xc  }
0x199: {  	s30 =	spop (v2sf)  }
0x19a: {  	s0 =	smov.u32 s16;
	s18 =	spop (v2sf);
	s21 =	sshll.u32 s30, $0x8  }
0x19b: {  	s16 =	sshll.u32 s30, $0x7;
	s18 =	sxor.u32 $0x80000000, s18;
	s19 =	spop (v2sf)  }
0x19c: {  	s21 =	sand.u32 $0xFFFFF800, s21;
	s16 =	sand.u32 $0x380, s16;
	s19 =	sxor.u32 $0x80000000, s19  }
0x19d: {  	s22 =	sor.u32 s16, s21;
	s19 =	ssub.s32 s18, s19  }
0x19e: {  	v3 =	vld [tilespmem:s22+$0x80];
	v4 =	vmov s19  }
0x19f: {  	v5 =	vld [tilespmem:s22+$0xA0];
	v6 =	vcvt.s32.f32 v4  }
0x1a0: {  	v8 =	vld [tilespmem:s22+$0xD0];
	s18 =	ssub.s32 s18, s6  }
0x1a1: {  	s16 =	smov.u32 s17;
	v10 =	vld [tilespmem:s22+$0xF0];
	p0 =	slt.s32 s18, s17;
	v7 =	vmax.f32 v6, $1.000000000e+00  }
0x1a2: {  	v11 =	vld [tilespmem:s22+$0x480];
	s16 =	smov.u32 @p0 s18;
	v9 =	vbroadcast v7, $0x0  }
0x1a3: {  	v12 =	vld [tilespmem:s22+$0x490];
	s19 =	ssub.s32 s16, s0  }
0x1a4: {  	v13 =	vld [tilespmem:s22+$0x4A0];
	s31 =	sshrl.u32 s19, $0x1F;
	(erf) = vrcp.f32 v9  }
0x1a5: {  	v14 =	vld [tilespmem:s22+$0x4B0];
	s21 =	sadd.s32 s31, s19  }
0x1a6: {  	v15 =	vld [tilespmem:s22+$0x4C0];
	s21 =	sand.u32 $0xFFFFFFFE, s21  }
0x1a7: {  	v16 =	vld [tilespmem:s22+$0x4D0];
	s25 =	sadd.s32 s0, s21  }
0x1a8: {  	v17 =	vld [tilespmem:s22+$0x4E0];
	p0 =	sge.s32 s0, s25  }
.Ltmp23:
0x1a9: {  	v18 =	vld [tilespmem:s22+$0x4F0];
	(pc) =	sbr.rel @p0 .LBB2_28-.Ltmp23, $4  }
0x1aa: {  	v4 =	vld [tilespmem:s22+$0x90]  }
0x1ab: {  	v6 =	vld [tilespmem:s22+$0xB0]  }
0x1ac: {  	v7 =	vld [tilespmem:s22+$0xC0]  }
0x1ad: {  	v9 =	vld [tilespmem:s22+$0xE0];
	v19 =	vpop (erf)  }
0x1ae: {  	s22 =	sshll.u32 s0, $0x7;
	s26 =	sshll.u32 s0, $0x8  }
0x1af: {  	s30 =	sadd.s32 $0x80, s22;
	s31 =	sadd.s32 $0x100, s26  }
0x1b0: {  	s26 =	sadd.s32 $0xFFFFFF00, s31;
	s1 =	sadd.s32 $0xFFFFFF80, s30  }
0x1b1: {  	s22 =	sand.u32 $0xFFFFF800, s26;
	s26 =	sand.u32 $0x380, s1  }
0x1b2: {  	s22 =	sor.u32 s26, s22  }
0x1b3: {  	s28 =	sand.u32 $0x380, s30;
	s1 =	sand.u32 $0xFFFFF800, s31;
	v20 =	vld [tilespmem:s22+$0x11080]  }
0x1b4: {  	s29 =	sor.u32 s28, s1  }
0x1b5: {  	s26 =	sadd.s32 $0x11080, s29;
	v21 =	vld [tilespmem:s29+$0x11080]  }
0x1b6: {  	v22 =	vld [tilespmem:s26+$0x40]  }
0x1b7: {  	v23 =	vld [tilespmem:s26+$0x50]  }
0x1b8: {  	v24 =	vld [tilespmem:s26+$0x60];
	v20 =	vmul.f32 v20, v19  }
0x1b9: {  	v25 =	vld [tilespmem:s26+$0x70]  }
0x1ba: {  	v26 =	vld [tilespmem:s26+$0x400];
	v20 =	vadd.f32 v20, v3  }
0x1bb: {  	v27 =	vld [tilespmem:s26+$0x410]  }
0x1bc: {  	s28 =	sadd.s32 $0x11080, s22;
	v29 =	vld [tilespmem:s26+$0x420];
	v21 =	vmul.f32 v21, v19;
	[tilespmem:s22+$0x11080] =	vst v20  }
0x1bd: {  	v22 =	vmul.f32 v22, v19;
	v20 =	vld [tilespmem:s28+$0x30]  }
0x1be: {  	v24 =	vmul.f32 v24, v19;
	v21 =	vadd.f32 v21, v3;
	v28 =	vld [tilespmem:s28+$0x10]  }
0x1bf: {  	v31 =	vld [tilespmem:s26+$0x430];
	v23 =	vmul.f32 v23, v19;
	v25 =	vmul.f32 v25, v19;
	v22 =	vadd.f32 v22, v7  }
0x1c0: {  	v24 =	vadd.f32 v24, v9;
	[tilespmem:s29+$0x11080] =	vst v21;
	v30 =	vld [tilespmem:s28+$0x20]  }
0x1c1: {  	v26 =	vmul.f32 v26, v19;
	v25 =	vadd.f32 v25, v10;
	v21 =	vadd.f32 v23, v8;
	v23 =	vld [tilespmem:s28+$0x40];
	[tilespmem:s26+$0x40] =	vst v22  }
0x1c2: {  	[tilespmem:s26+$0x60] =	vst v24;
	v20 =	vmul.f32 v20, v19  }
0x1c3: {  	v26 =	vadd.f32 v26, v11;
	v24 =	vld [tilespmem:s28+$0x70];
	[tilespmem:s26+$0x70] =	vst v25;
	v22 =	vmul.f32 v28, v19  }
0x1c4: {  	v27 =	vmul.f32 v27, v19;
	[tilespmem:s26+$0x50] =	vst v21;
	v21 =	vld [tilespmem:s28+$0x60];
	v20 =	vadd.f32 v20, v6  }
0x1c5: {  	[tilespmem:s26+$0x400] =	vst v26;
	v28 =	vld [tilespmem:s28+$0x50];
	v30 =	vmul.f32 v30, v19;
	v22 =	vadd.f32 v22, v4  }
0x1c6: {  	v27 =	vadd.f32 v27, v12;
	v23 =	vmul.f32 v23, v19;
	[tilespmem:s28+$0x30] =	vst v20;
	v20 =	vld [tilespmem:s26+$0x10]  }
0x1c7: {  	v29 =	vmul.f32 v29, v19;
	v30 =	vadd.f32 v30, v5;
	[tilespmem:s28+$0x10] =	vst v22;
	v22 =	vld [tilespmem:s26+$0x20]  }
0x1c8: {  	v31 =	vmul.f32 v31, v19;
	[tilespmem:s26+$0x410] =	vst v27;
	v23 =	vadd.f32 v23, v7  }
0x1c9: {  	v26 =	vadd.f32 v29, v13;
	v24 =	vmul.f32 v24, v19;
	[tilespmem:s28+$0x20] =	vst v30;
	v30 =	vld [tilespmem:s26+$0x30]  }
0x1ca: {  	v25 =	vld [tilespmem:s28+$0x400];
	v27 =	vadd.f32 v31, v14;
	[tilespmem:s28+$0x40] =	vst v23;
	v23 =	vmul.f32 v21, v19  }
0x1cb: {  	v29 =	vld [tilespmem:s28+$0x410];
	[tilespmem:s26+$0x420] =	vst v26;
	v24 =	vadd.f32 v24, v10;
	v26 =	vmul.f32 v28, v19  }
0x1cc: {  	s29 =	sadd.s32 $0x2, s0;
	v31 =	vld [tilespmem:s28+$0x420];
	[tilespmem:s26+$0x430] =	vst v27;
	v23 =	vadd.f32 v23, v9;
	v20 =	vmul.f32 v20, v19;
	v22 =	vmul.f32 v22, v19  }
0x1cd: {  	v32 =	vld [tilespmem:s28+$0x430];
	p0 =	slt.s32 s29, s25;
	[tilespmem:s28+$0x70] =	vst v24;
	v26 =	vadd.f32 v26, v8  }
.Ltmp24:
0x1ce: {  	[tilespmem:s28+$0x60] =	vst v23;
	v28 =	vmul.f32 v30, v19;
	v27 =	vadd.f32 v20, v4;
	v20 =	vld [tilespmem:s28+$0x440];
	v22 =	vadd.f32 v22, v5;
	(pc) =	sbr.rel @!p0 .LBB2_27-.Ltmp24, $4  }
0x1cf: {  	v25 =	vmul.f32 v25, v19;
	v21 =	vld [tilespmem:s28+$0x450];
	[tilespmem:s28+$0x50] =	vst v26  }
0x1d0: {  	v29 =	vmul.f32 v29, v19;
	v26 =	vadd.f32 v28, v6;
	[tilespmem:s26+$0x20] =	vst v22;
	v22 =	vld [tilespmem:s28+$0x460]  }
0x1d1: {  	v23 =	vld [tilespmem:s28+$0x470];
	v28 =	vmul.f32 v31, v19;
	[tilespmem:s26+$0x10] =	vst v27;
	v27 =	vadd.f32 v25, v11  }
0x1d2: {  	s30 =	sadd.s32 $0x100, s30;
	s0 =	sadd.s32 $0x200, s31;
	v24 =	vld [tilespmem:s26+$0x440];
	[tilespmem:s26+$0x30] =	vst v26;
	v25 =	vadd.f32 v29, v12;
	v26 =	vmul.f32 v32, v19  }
.LBB2_26:
0x1d3: {  	s22 =	sadd.s32 $0xFFFFFF00, s0;
	s31 =	sadd.s32 $0xFFFFFF80, s30;
	s29 =	sadd.s32 $0x2, s29;
	[tilespmem:s28+$0x400] =	vst v27;
	v27 =	vadd.f32 v28, v13;
	v20 =	vmul.f32 v20, v19;
	v28 =	vld [tilespmem:s26+$0x450]  }
0x1d4: {  	s22 =	sand.u32 $0xFFFFF800, s22;
	s31 =	sand.u32 $0x380, s31;
	p0 =	slt.s32 s29, s25;
	[tilespmem:s28+$0x410] =	vst v25;
	v25 =	vadd.f32 v26, v14;
	v21 =	vmul.f32 v21, v19;
	v26 =	vld [tilespmem:s26+$0x460]  }
0x1d5: {  	s1 =	sand.u32 $0x380, s30;
	s22 =	sor.u32 s31, s22;
	s31 =	sand.u32 $0xFFFFF800, s0;
	[tilespmem:s28+$0x420] =	vst v27;
	v20 =	vadd.f32 v20, v15;
	v22 =	vmul.f32 v22, v19;
	v27 =	vld [tilespmem:s26+$0x470]  }
0x1d6: {  	v29 =	vld [tilespmem:s22+$0x11080];
	s1 =	sor.u32 s1, s31;
	[tilespmem:s28+$0x430] =	vst v25;
	v21 =	vadd.f32 v21, v16;
	v23 =	vmul.f32 v23, v19  }
0x1d7: {  	s31 =	sadd.s32 $0x11080, s1;
	v25 =	vld [tilespmem:s1+$0x11080];
	[tilespmem:s28+$0x440] =	vst v20;
	v20 =	vadd.f32 v22, v17;
	v22 =	vmul.f32 v24, v19  }
0x1d8: {  	v24 =	vld [tilespmem:s31+$0x40];
	[tilespmem:s28+$0x450] =	vst v21;
	v21 =	vadd.f32 v23, v18;
	v23 =	vmul.f32 v28, v19  }
0x1d9: {  	v28 =	vld [tilespmem:s31+$0x50];
	[tilespmem:s28+$0x460] =	vst v20;
	v20 =	vadd.f32 v22, v15;
	v22 =	vmul.f32 v26, v19  }
0x1da: {  	v26 =	vld [tilespmem:s31+$0x60];
	[tilespmem:s28+$0x470] =	vst v21;
	v21 =	vadd.f32 v23, v16;
	v23 =	vmul.f32 v27, v19  }
0x1db: {  	v27 =	vmul.f32 v29, v19;
	v29 =	vld [tilespmem:s31+$0x70];
	[tilespmem:s26+$0x440] =	vst v20;
	v20 =	vadd.f32 v22, v17  }
0x1dc: {  	v22 =	vmul.f32 v25, v19;
	v25 =	vld [tilespmem:s31+$0x400];
	[tilespmem:s26+$0x450] =	vst v21;
	v21 =	vadd.f32 v23, v18  }
0x1dd: {  	v23 =	vadd.f32 v27, v3;
	v24 =	vmul.f32 v24, v19;
	v27 =	vld [tilespmem:s31+$0x410];
	[tilespmem:s26+$0x460] =	vst v20  }
0x1de: {  	v20 =	vadd.f32 v22, v3;
	v22 =	vmul.f32 v28, v19;
	v28 =	vld [tilespmem:s31+$0x420];
	[tilespmem:s26+$0x470] =	vst v21;
	s26 =	smov.u32 s31  }
0x1df: {  	s28 =	sadd.s32 $0x11080, s22;
	[tilespmem:s22+$0x11080] =	vst v23;
	v21 =	vadd.f32 v24, v7;
	v23 =	vmul.f32 v26, v19;
	v24 =	vld [tilespmem:s26+$0x430]  }
0x1e0: {  	v26 =	vld [tilespmem:s28+$0x30];
	[tilespmem:s1+$0x11080] =	vst v20;
	v20 =	vadd.f32 v22, v8;
	v22 =	vmul.f32 v29, v19  }
0x1e1: {  	v29 =	vld [tilespmem:s28+$0x10];
	[tilespmem:s26+$0x40] =	vst v21;
	v21 =	vadd.f32 v23, v9;
	v23 =	vmul.f32 v25, v19  }
0x1e2: {  	v25 =	vld [tilespmem:s28+$0x20];
	[tilespmem:s26+$0x50] =	vst v20;
	v20 =	vadd.f32 v22, v10;
	v22 =	vmul.f32 v27, v19  }
0x1e3: {  	v27 =	vld [tilespmem:s26+$0x10];
	[tilespmem:s26+$0x60] =	vst v21;
	v21 =	vadd.f32 v23, v11;
	v23 =	vmul.f32 v28, v19  }
0x1e4: {  	v28 =	vld [tilespmem:s26+$0x20];
	[tilespmem:s26+$0x70] =	vst v20;
	v20 =	vadd.f32 v22, v12;
	v22 =	vmul.f32 v24, v19  }
0x1e5: {  	v24 =	vmul.f32 v26, v19;
	v26 =	vld [tilespmem:s26+$0x30];
	[tilespmem:s26+$0x400] =	vst v21;
	v21 =	vadd.f32 v23, v13  }
0x1e6: {  	v23 =	vmul.f32 v29, v19;
	v29 =	vld [tilespmem:s28+$0x40];
	[tilespmem:s26+$0x410] =	vst v20;
	v20 =	vadd.f32 v22, v14  }
0x1e7: {  	v22 =	vmul.f32 v25, v19;
	v24 =	vadd.f32 v24, v6;
	v25 =	vld [tilespmem:s28+$0x50];
	[tilespmem:s26+$0x420] =	vst v21  }
0x1e8: {  	v21 =	vadd.f32 v23, v4;
	v23 =	vld [tilespmem:s28+$0x60];
	v27 =	vmul.f32 v27, v19;
	[tilespmem:s26+$0x430] =	vst v20  }
0x1e9: {  	v20 =	vadd.f32 v22, v5;
	[tilespmem:s28+$0x30] =	vst v24;
	v22 =	vld [tilespmem:s28+$0x70];
	v24 =	vmul.f32 v28, v19  }
0x1ea: {  	[tilespmem:s28+$0x10] =	vst v21;
	v21 =	vld [tilespmem:s28+$0x400];
	v27 =	vadd.f32 v27, v4;
	v26 =	vmul.f32 v26, v19  }
0x1eb: {  	[tilespmem:s28+$0x20] =	vst v20;
	v20 =	vmul.f32 v29, v19;
	v28 =	vld [tilespmem:s28+$0x410];
	v24 =	vadd.f32 v24, v5  }
0x1ec: {  	v25 =	vmul.f32 v25, v19;
	v29 =	vld [tilespmem:s28+$0x420];
	[tilespmem:s26+$0x10] =	vst v27;
	v26 =	vadd.f32 v26, v6  }
0x1ed: {  	v27 =	vadd.f32 v20, v7;
	v23 =	vmul.f32 v23, v19;
	v30 =	vld [tilespmem:s28+$0x430];
	[tilespmem:s26+$0x20] =	vst v24  }
.Ltmp25:
0x1ee: {  	v24 =	vadd.f32 v25, v8;
	v22 =	vmul.f32 v22, v19;
	v20 =	vld [tilespmem:s28+$0x440];
	[tilespmem:s26+$0x30] =	vst v26;
	(pc) =	sbr.rel @p0 .LBB2_26-.Ltmp25, $4  }
0x1ef: {  	[tilespmem:s28+$0x40] =	vst v27;
	v23 =	vadd.f32 v23, v9;
	v25 =	vmul.f32 v21, v19;
	v21 =	vld [tilespmem:s28+$0x450]  }
0x1f0: {  	[tilespmem:s28+$0x50] =	vst v24;
	v24 =	vadd.f32 v22, v10;
	v26 =	vmul.f32 v28, v19;
	v22 =	vld [tilespmem:s28+$0x460]  }
0x1f1: {  	[tilespmem:s28+$0x60] =	vst v23;
	v27 =	vadd.f32 v25, v11;
	v28 =	vmul.f32 v29, v19;
	v23 =	vld [tilespmem:s28+$0x470]  }
0x1f2: {  	s30 =	sadd.s32 $0x100, s30;
	s0 =	sadd.s32 $0x200, s0;
	[tilespmem:s28+$0x70] =	vst v24;
	v25 =	vadd.f32 v26, v12;
	v26 =	vmul.f32 v30, v19;
	v24 =	vld [tilespmem:s26+$0x440]  }
.LBB2_27:
0x1f3: {  	[tilespmem:s28+$0x400] =	vst v27;
	v52 =	vadd.f32 v28, v13;
	v20 =	vmul.f32 v20, v19;
	v53 =	vld [tilespmem:s26+$0x450]  }
0x1f4: {  	v56 =	vld [tilespmem:s26+$0x470];
	[tilespmem:s28+$0x410] =	vst v25;
	v54 =	vadd.f32 v26, v14;
	v21 =	vmul.f32 v21, v19  }
0x1f5: {  	v55 =	vld [tilespmem:s26+$0x460];
	[tilespmem:s28+$0x420] =	vst v52;
	v20 =	vadd.f32 v20, v15;
	v22 =	vmul.f32 v22, v19  }
0x1f6: {  	[tilespmem:s28+$0x430] =	vst v54;
	v21 =	vadd.f32 v21, v16;
	v23 =	vmul.f32 v23, v19  }
0x1f7: {  	[tilespmem:s28+$0x440] =	vst v20;
	v20 =	vadd.f32 v22, v17;
	v57 =	vmul.f32 v24, v19  }
0x1f8: {  	[tilespmem:s28+$0x450] =	vst v21;
	v58 =	vadd.f32 v23, v18;
	v59 =	vmul.f32 v53, v19  }
0x1f9: {  	v62 =	vmul.f32 v56, v19;
	[tilespmem:s28+$0x460] =	vst v20;
	v20 =	vadd.f32 v57, v15  }
0x1fa: {  	v60 =	vmul.f32 v55, v19;
	[tilespmem:s28+$0x470] =	vst v58;
	v61 =	vadd.f32 v59, v16  }
0x1fb: {  	v63 =	vadd.f32 v62, v18;
	[tilespmem:s26+$0x440] =	vst v20  }
0x1fc: {  	v20 =	vadd.f32 v60, v17;
	[tilespmem:s26+$0x450] =	vst v61  }
0x1fd: {  	[tilespmem:s26+$0x470] =	vst v63  }
0x1fe: {  	[tilespmem:s26+$0x460] =	vst v20  }
.LBB2_28:
0x1ff: {  	p0 =	sge.s32 s25, s16  }
.Ltmp26:
0x200: {  	_ = 	snop;
	(pc) =	sbr.rel @p0 .LBB2_23-.Ltmp26, $1  }
0x201: {  	_ =	sdelay $0x3  }
0x202: {  	s0 =	ssub.s32 s19, s21;
	s31 =	sshll.u32 s16, $0x7  }
0x203: {  	s22 =	sshll.u32 s16, $0x8;
	s21 =	sshll.u32 s0, $0x7;
	s25 =	sshll.u32 s0, $0x8  }
0x204: {  	s19 =	ssub.s32 s31, s21;
	s21 =	ssub.s32 s22, s25  }
.LBB2_30:
0x205: {  	s1 =	sand.u32 $0xFFFFF800, s21;
	s22 =	sand.u32 $0x380, s19  }
0x206: {  	s1 =	sor.u32 s22, s1  }
0x207: {  	v20 =	vld [tilespmem:s1+$0x11080];
	_ =	sdelay $0x4  }
0x208: {  	v20 =	vmul.f32 v20, v19;
	_ =	sdelay $0x1  }
0x209: {  	v20 =	vadd.f32 v20, v3;
	_ =	sdelay $0x1  }
0x20a: {  	s22 =	sadd.s32 $0x11080, s1;
	[tilespmem:s1+$0x11080] =	vst v20  }
0x20b: {  	v20 =	vld [tilespmem:s22+$0x10]  }
0x20c: {  	v23 =	vld [tilespmem:s22+$0x40]  }
0x20d: {  	v22 =	vld [tilespmem:s22+$0x30]  }
0x20e: {  	v25 =	vld [tilespmem:s22+$0x60]  }
0x20f: {  	v24 =	vld [tilespmem:s22+$0x50]  }
0x210: {  	v27 =	vld [tilespmem:s22+$0x400];
	v20 =	vmul.f32 v20, v19  }
0x211: {  	v26 =	vld [tilespmem:s22+$0x70];
	v23 =	vmul.f32 v23, v19  }
0x212: {  	v42 =	vld [tilespmem:s22+$0x420];
	v22 =	vmul.f32 v22, v19;
	v20 =	vadd.f32 v20, v4  }
0x213: {  	v28 =	vld [tilespmem:s22+$0x410];
	v44 =	vmul.f32 v25, v19;
	v43 =	vadd.f32 v23, v7  }
0x214: {  	v47 =	vld [tilespmem:s22+$0x440];
	v41 =	vmul.f32 v24, v19;
	[tilespmem:s22+$0x10] =	vst v20;
	v20 =	vadd.f32 v22, v6  }
0x215: {  	v45 =	vld [tilespmem:s22+$0x430];
	v49 =	vmul.f32 v27, v19;
	v48 =	vadd.f32 v44, v9;
	[tilespmem:s22+$0x40] =	vst v43  }
0x216: {  	v52 =	vld [tilespmem:s22+$0x460];
	v46 =	vmul.f32 v26, v19;
	[tilespmem:s22+$0x30] =	vst v20;
	v20 =	vadd.f32 v41, v8  }
0x217: {  	v50 =	vld [tilespmem:s22+$0x450];
	v54 =	vmul.f32 v42, v19;
	v53 =	vadd.f32 v49, v11;
	[tilespmem:s22+$0x60] =	vst v48  }
0x218: {  	v51 =	vmul.f32 v28, v19;
	v21 =	vld [tilespmem:s22+$0x20];
	[tilespmem:s22+$0x50] =	vst v20;
	v20 =	vadd.f32 v46, v10  }
0x219: {  	v55 =	vld [tilespmem:s22+$0x470];
	v58 =	vmul.f32 v47, v19;
	v57 =	vadd.f32 v54, v13;
	[tilespmem:s22+$0x400] =	vst v53  }
0x21a: {  	v56 =	vmul.f32 v45, v19;
	[tilespmem:s22+$0x70] =	vst v20;
	v20 =	vadd.f32 v51, v12  }
0x21b: {  	v61 =	vmul.f32 v52, v19;
	v60 =	vadd.f32 v58, v15;
	[tilespmem:s22+$0x420] =	vst v57  }
0x21c: {  	v59 =	vmul.f32 v50, v19;
	[tilespmem:s22+$0x410] =	vst v20;
	v20 =	vadd.f32 v56, v14  }
0x21d: {  	p0 =	seq.s32 s0, $0x1;
	v63 =	vadd.f32 v61, v17;
	[tilespmem:s22+$0x440] =	vst v60;
	v21 =	vmul.f32 v21, v19  }
.Ltmp27:
0x21e: {  	v62 =	vmul.f32 v55, v19;
	[tilespmem:s22+$0x430] =	vst v20;
	v20 =	vadd.f32 v59, v16;
	(pc) =	sbr.rel @!p0 .LBB2_30-.Ltmp27, $4  }
0x21f: {  	[tilespmem:s22+$0x460] =	vst v63;
	v21 =	vadd.f32 v21, v5  }
0x220: {  	[tilespmem:s22+$0x450] =	vst v20;
	v20 =	vadd.f32 v62, v18  }
0x221: {  	[tilespmem:s22+$0x20] =	vst v21  }
0x222: {  	s19 =	sadd.s32 $0x80, s19;
	s21 =	sadd.s32 $0x100, s21;
	s0 =	sadd.s32 $0xFFFFFFFF, s0;
	[tilespmem:s22+$0x470] =	vst v20  }
.Ltmp28:
0x223: {  	_ = 	snop;
	(pc) =	sbr.rel .LBB2_23-.Ltmp28, $1  }
0x224: {  	_ =	sdelay $0x3  }
.LBB2_31:
0x225: {  	s0 =	rddreg [dreg:$0xb];
	s1 =	simm.s32 $0x11080  }
0x226: {  	[hbm4b:s0+s2] =	stream.linear.scatter [tilespmem:s1], [sflag:$0x6], $0x8000, $0x38;
	[tilespmem:$0x19080] =	vst v63  }
0x227: {  	s0 =	ssub.s32 s14, s8;
	_ =	swait.ge [sflag:s10], $0x8000  }
0x228: {  	p0 =	slt.s32 s0, $0x1;
	[sflag:s10] =	ssyncset.done $0x0  }
.Ltmp29:
0x229: {  	s31 =	rddreg [dreg:$0xc];
	[sflag:s10] =	ssyncadd.s32 $0xFFFF8000;
	(pc) =	sbr.rel @p0 .LBB2_41-.Ltmp29, $4  }
0x22a: {  	[tilespmem:s9], [sflag:$0x2] =	stream.linear.gather [hbm4b:s31+s2], $0x8000, $0x38;
	[tilespmem:$0x19080] =	vst v63  }
0x22b: {  	_ =	swait.ge [sflag:s24], $0x8000  }
0x22c: {  	[sflag:s24] =	ssyncset.done $0x0  }
0x22d: {  	[sflag:s24] =	ssyncadd.s32 $0xFFFF8000  }
.Ltmp30:
0x22e: {  	(pc) =	sbr.rel .LBB2_34-.Ltmp30, $4  }
0x22f: {  	_ = 	snop  }
0x230: {  	p0 =	sgt.s32 s0, $0x0  }
0x231: {  	s0 =	simm.s32 @!p0 $0x0  }
0x232: {  	v2 =	vxor.u32 $0x80000000, v1;
	s17 =	simm.s32 $0x0;
	s16 =	smin.u32 s0, $0x80  }
.LBB2_33:
0x233: {  	p0 =	sge.s32 s18, s16  }
.Ltmp31:
0x234: {  	_ = 	snop;
	(pc) =	sbr.rel @p0 .LBB2_41-.Ltmp31, $1  }
0x235: {  	_ =	sdelay $0x3  }
.LBB2_34:
0x236: {  	s1 =	sadd.s32 s8, s17  }
0x237: {  	vm0 =	vle.s32 v1, s1  }
0x238: {  	v3 =	vsel vm0, $0x1, v0  }
0x239: {  	(xrf0) =	vadd.scan.msk.s32 $0xffff, v3;
	v3 =	vsel vm0, $0x80008001, v2  }
0x23a: {  	(xrf0) =	vmin.scan.msk.u32 $0xffff, v3;
	v3 =	vnsel vm0, $0x80000000, v2  }
0x23b: {  	(xrf0) =	vmax.scan.msk.u32 $0xffff, v3;
	_ =	sdelay $0x3  }
0x23c: {  	v3, _, _ =	vpop (xrf0)  }
0x23d: {  	v4, _, _ =	vpop (xrf0);
	(v2sf) =	vpush v3, $0xF  }
0x23e: {  	(v2sf) =	vpush v4, $0xF;
	v3, _, _ =	vpop (xrf0)  }
0x23f: {  	(v2sf) =	vpush v3, $0xF;
	_ =	sdelay $0xc  }
0x240: {  	s30 =	spop (v2sf)  }
0x241: {  	s0 =	smov.u32 s17;
	s31 =	spop (v2sf);
	s19 =	sshll.u32 s30, $0x8  }
0x242: {  	s1 =	sshll.u32 s30, $0x7;
	s17 =	sxor.u32 $0x80000000, s31;
	s18 =	spop (v2sf)  }
0x243: {  	s19 =	sand.u32 $0xFFFFF800, s19;
	s1 =	sand.u32 $0x380, s1;
	s18 =	sxor.u32 $0x80000000, s18  }
0x244: {  	s1 =	sor.u32 s1, s19;
	s18 =	ssub.s32 s17, s18  }
0x245: {  	v3 =	vld [tilespmem:s1+$0x80];
	v4 =	vmov s18  }
0x246: {  	v5 =	vld [tilespmem:s1+$0xA0];
	v6 =	vcvt.s32.f32 v4  }
0x247: {  	v8 =	vld [tilespmem:s1+$0xD0];
	s18 =	ssub.s32 s17, s8  }
0x248: {  	v10 =	vld [tilespmem:s1+$0xF0];
	s17 =	smov.u32 s16;
	p0 =	slt.s32 s18, s16;
	v7 =	vmax.f32 v6, $1.000000000e+00  }
0x249: {  	v11 =	vld [tilespmem:s1+$0x480];
	s17 =	smov.u32 @p0 s18;
	v9 =	vbroadcast v7, $0x0  }
0x24a: {  	v12 =	vld [tilespmem:s1+$0x490];
	s19 =	ssub.s32 s17, s0  }
0x24b: {  	v13 =	vld [tilespmem:s1+$0x4A0];
	s21 =	sshrl.u32 s19, $0x1F;
	(erf) = vrcp.f32 v9  }
0x24c: {  	v14 =	vld [tilespmem:s1+$0x4B0];
	s21 =	sadd.s32 s21, s19  }
0x24d: {  	v15 =	vld [tilespmem:s1+$0x4C0];
	s21 =	sand.u32 $0xFFFFFFFE, s21  }
0x24e: {  	v16 =	vld [tilespmem:s1+$0x4D0];
	s25 =	sadd.s32 s0, s21  }
0x24f: {  	v17 =	vld [tilespmem:s1+$0x4E0];
	p0 =	sge.s32 s0, s25  }
.Ltmp32:
0x250: {  	v9 =	vld [tilespmem:s1+$0xE0];
	(pc) =	sbr.rel @p0 .LBB2_38-.Ltmp32, $4  }
0x251: {  	v18 =	vld [tilespmem:s1+$0x4F0]  }
0x252: {  	v4 =	vld [tilespmem:s1+$0x90]  }
0x253: {  	v6 =	vld [tilespmem:s1+$0xB0]  }
0x254: {  	v7 =	vld [tilespmem:s1+$0xC0];
	v19 =	vpop (erf)  }
0x255: {  	s1 =	sshll.u32 s0, $0x7;
	s22 =	sshll.u32 s0, $0x8  }
0x256: {  	s29 =	sadd.s32 $0x80, s1;
	s30 =	sadd.s32 $0x100, s22  }
0x257: {  	s26 =	sadd.s32 $0xFFFFFF00, s30;
	s31 =	sadd.s32 $0xFFFFFF80, s29  }
0x258: {  	s1 =	sand.u32 $0xFFFFF800, s26;
	s22 =	sand.u32 $0x380, s31  }
0x259: {  	s31 =	sor.u32 s22, s1  }
0x25a: {  	v20 =	vld [tilespmem:s31+$0x14F0]  }
0x25b: {  	v21 =	vld [tilespmem:s31+$0x1080]  }
0x25c: {  	v22 =	vld [tilespmem:s31+$0x1090]  }
0x25d: {  	v23 =	vld [tilespmem:s31+$0x10A0]  }
0x25e: {  	v32 =	vld [tilespmem:s31+$0x14B0]  }
0x25f: {  	v24 =	vld [tilespmem:s31+$0x10B0]  }
0x260: {  	v25 =	vld [tilespmem:s31+$0x10C0];
	v20 =	vmul.f32 v20, v19  }
0x261: {  	v26 =	vld [tilespmem:s31+$0x10D0];
	v21 =	vmul.f32 v21, v19  }
0x262: {  	v27 =	vld [tilespmem:s31+$0x10E0];
	v22 =	vmul.f32 v22, v19;
	v20 =	vadd.f32 v20, v18  }
0x263: {  	v28 =	vld [tilespmem:s31+$0x10F0];
	v32 =	vmul.f32 v32, v19;
	v21 =	vadd.f32 v21, v3  }
0x264: {  	v29 =	vld [tilespmem:s31+$0x1480];
	v23 =	vmul.f32 v23, v19;
	v22 =	vadd.f32 v22, v4;
	[tilespmem:s31+$0x14F0] =	vst v20  }
0x265: {  	v30 =	vld [tilespmem:s31+$0x1490];
	v24 =	vmul.f32 v24, v19;
	v32 =	vadd.f32 v32, v14;
	[tilespmem:s31+$0x1080] =	vst v21  }
0x266: {  	v31 =	vld [tilespmem:s31+$0x14A0];
	v21 =	vadd.f32 v23, v5;
	v23 =	vmul.f32 v25, v19;
	[tilespmem:s31+$0x1090] =	vst v22  }
0x267: {  	s26 =	sand.u32 $0x380, s29;
	s22 =	sand.u32 $0xFFFFF800, s30;
	v25 =	vld [tilespmem:s31+$0x14D0];
	v22 =	vadd.f32 v24, v6;
	v24 =	vmul.f32 v26, v19;
	[tilespmem:s31+$0x14B0] =	vst v32  }
0x268: {  	s26 =	sor.u32 s26, s22;
	v26 =	vld [tilespmem:s31+$0x14E0];
	[tilespmem:s31+$0x10A0] =	vst v21;
	v21 =	vadd.f32 v23, v7;
	v23 =	vmul.f32 v27, v19  }
0x269: {  	v27 =	vld [tilespmem:s26+$0x1080];
	[tilespmem:s31+$0x10B0] =	vst v22;
	v22 =	vadd.f32 v24, v8;
	v24 =	vmul.f32 v28, v19  }
0x26a: {  	v20 =	vld [tilespmem:s31+$0x14C0];
	[tilespmem:s31+$0x10C0] =	vst v21;
	v21 =	vadd.f32 v23, v9;
	v23 =	vmul.f32 v29, v19  }
0x26b: {  	v28 =	vld [tilespmem:s26+$0x1090];
	[tilespmem:s31+$0x10D0] =	vst v22;
	v22 =	vadd.f32 v24, v10;
	v24 =	vmul.f32 v30, v19  }
0x26c: {  	v25 =	vmul.f32 v25, v19;
	[tilespmem:s31+$0x10E0] =	vst v21;
	v21 =	vadd.f32 v23, v11  }
0x26d: {  	v29 =	vld [tilespmem:s26+$0x10A0];
	v26 =	vmul.f32 v26, v19;
	v23 =	vmul.f32 v31, v19;
	[tilespmem:s31+$0x10F0] =	vst v22;
	v22 =	vadd.f32 v24, v12  }
0x26e: {  	v30 =	vld [tilespmem:s26+$0x10B0];
	v24 =	vmul.f32 v27, v19;
	v25 =	vadd.f32 v25, v16;
	[tilespmem:s31+$0x1480] =	vst v21  }
0x26f: {  	v31 =	vld [tilespmem:s26+$0x10C0];
	v26 =	vadd.f32 v26, v17;
	v21 =	vadd.f32 v23, v13;
	[tilespmem:s31+$0x1490] =	vst v22  }
0x270: {  	v27 =	vld [tilespmem:s26+$0x10D0];
	v22 =	vmul.f32 v28, v19;
	v28 =	vmul.f32 v20, v19;
	v23 =	vadd.f32 v24, v3;
	[tilespmem:s31+$0x14D0] =	vst v25  }
0x271: {  	s28 =	sadd.s32 $0x2, s0;
	v33 =	vld [tilespmem:s26+$0x10E0];
	[tilespmem:s31+$0x14E0] =	vst v26  }
0x272: {  	p0 =	slt.s32 s28, s25;
	v24 =	vld [tilespmem:s26+$0x10F0];
	v28 =	vadd.f32 v28, v15;
	[tilespmem:s26+$0x1080] =	vst v23;
	v23 =	vmul.f32 v29, v19  }
.Ltmp33:
0x273: {  	v20 =	vld [tilespmem:s26+$0x1480];
	[tilespmem:s31+$0x14A0] =	vst v21;
	v22 =	vadd.f32 v22, v4;
	v29 =	vmul.f32 v30, v19;
	(pc) =	sbr.rel @!p0 .LBB2_37-.Ltmp33, $4  }
0x274: {  	v21 =	vld [tilespmem:s26+$0x1490];
	[tilespmem:s31+$0x14C0] =	vst v28;
	v28 =	vmul.f32 v31, v19;
	v23 =	vadd.f32 v23, v5  }
0x275: {  	[tilespmem:s26+$0x1090] =	vst v22;
	v22 =	vld [tilespmem:s26+$0x14A0];
	v25 =	vmul.f32 v27, v19;
	v29 =	vadd.f32 v29, v6  }
0x276: {  	v27 =	vadd.f32 v28, v7;
	v28 =	vmul.f32 v33, v19;
	[tilespmem:s26+$0x10A0] =	vst v23;
	v23 =	vld [tilespmem:s26+$0x14B0]  }
0x277: {  	s0 =	sadd.s32 $0x100, s29;
	s29 =	sadd.s32 $0x200, s30;
	v26 =	vadd.f32 v25, v8;
	v25 =	vmul.f32 v24, v19;
	v24 =	vld [tilespmem:s26+$0x14C0];
	[tilespmem:s26+$0x10B0] =	vst v29  }
.LBB2_36:
0x278: {  	s1 =	sadd.s32 $0xFFFFFF00, s29;
	s22 =	sadd.s32 $0xFFFFFF80, s0;
	s28 =	sadd.s32 $0x2, s28;
	[tilespmem:s26+$0x10C0] =	vst v27;
	v27 =	vadd.f32 v28, v9;
	v20 =	vmul.f32 v20, v19;
	v28 =	vld [tilespmem:s26+$0x14D0]  }
0x279: {  	s1 =	sand.u32 $0xFFFFF800, s1;
	s22 =	sand.u32 $0x380, s22;
	p0 =	slt.s32 s28, s25;
	[tilespmem:s26+$0x10D0] =	vst v26;
	v25 =	vadd.f32 v25, v10;
	v21 =	vmul.f32 v21, v19;
	v26 =	vld [tilespmem:s26+$0x14E0]  }
0x27a: {  	s30 =	sor.u32 s22, s1;
	s1 =	sand.u32 $0xFFFFF800, s29;
	s22 =	sand.u32 $0x380, s0;
	[tilespmem:s26+$0x10E0] =	vst v27;
	v20 =	vadd.f32 v20, v11;
	v22 =	vmul.f32 v22, v19;
	v27 =	vld [tilespmem:s26+$0x14F0]  }
0x27b: {  	v29 =	vld [tilespmem:s30+$0x14F0];
	s1 =	sor.u32 s22, s1;
	[tilespmem:s26+$0x10F0] =	vst v25;
	v21 =	vadd.f32 v21, v12;
	v23 =	vmul.f32 v23, v19  }
0x27c: {  	v25 =	vld [tilespmem:s30+$0x1080];
	[tilespmem:s26+$0x1480] =	vst v20;
	v20 =	vadd.f32 v22, v13;
	v22 =	vmul.f32 v24, v19  }
0x27d: {  	v24 =	vld [tilespmem:s30+$0x1090];
	[tilespmem:s26+$0x1490] =	vst v21;
	v21 =	vadd.f32 v23, v14;
	v23 =	vmul.f32 v28, v19  }
0x27e: {  	v28 =	vld [tilespmem:s30+$0x10A0];
	[tilespmem:s26+$0x14A0] =	vst v20;
	v20 =	vadd.f32 v22, v15;
	v22 =	vmul.f32 v26, v19  }
0x27f: {  	v26 =	vld [tilespmem:s30+$0x10B0];
	[tilespmem:s26+$0x14B0] =	vst v21;
	v21 =	vadd.f32 v23, v16;
	v23 =	vmul.f32 v27, v19  }
0x280: {  	v27 =	vld [tilespmem:s30+$0x10C0];
	v29 =	vmul.f32 v29, v19;
	[tilespmem:s26+$0x14C0] =	vst v20;
	v20 =	vadd.f32 v22, v17  }
0x281: {  	v22 =	vmul.f32 v25, v19;
	v25 =	vld [tilespmem:s30+$0x10D0];
	[tilespmem:s26+$0x14D0] =	vst v21;
	v21 =	vadd.f32 v23, v18  }
0x282: {  	v23 =	vmul.f32 v24, v19;
	v24 =	vld [tilespmem:s30+$0x10E0];
	v29 =	vadd.f32 v29, v18;
	[tilespmem:s26+$0x14E0] =	vst v20  }
0x283: {  	v20 =	vadd.f32 v22, v3;
	v22 =	vmul.f32 v28, v19;
	v28 =	vld [tilespmem:s30+$0x10F0];
	[tilespmem:s26+$0x14F0] =	vst v21;
	s26 =	smov.u32 s1  }
0x284: {  	v21 =	vadd.f32 v23, v4;
	v23 =	vmul.f32 v26, v19;
	v26 =	vld [tilespmem:s30+$0x1480];
	[tilespmem:s30+$0x14F0] =	vst v29  }
0x285: {  	[tilespmem:s30+$0x1080] =	vst v20;
	v20 =	vadd.f32 v22, v5;
	v22 =	vmul.f32 v27, v19;
	v27 =	vld [tilespmem:s30+$0x1490]  }
0x286: {  	[tilespmem:s30+$0x1090] =	vst v21;
	v21 =	vadd.f32 v23, v6;
	v23 =	vmul.f32 v25, v19;
	v25 =	vld [tilespmem:s30+$0x14A0]  }
0x287: {  	[tilespmem:s30+$0x10A0] =	vst v20;
	v20 =	vadd.f32 v22, v7;
	v22 =	vmul.f32 v24, v19;
	v24 =	vld [tilespmem:s30+$0x14B0]  }
0x288: {  	[tilespmem:s30+$0x10B0] =	vst v21;
	v21 =	vadd.f32 v23, v8;
	v23 =	vmul.f32 v28, v19;
	v28 =	vld [tilespmem:s30+$0x14C0]  }
0x289: {  	[tilespmem:s30+$0x10C0] =	vst v20;
	v20 =	vadd.f32 v22, v9;
	v22 =	vmul.f32 v26, v19;
	v26 =	vld [tilespmem:s30+$0x14D0]  }
0x28a: {  	[tilespmem:s30+$0x10D0] =	vst v21;
	v21 =	vadd.f32 v23, v10;
	v23 =	vmul.f32 v27, v19;
	v27 =	vld [tilespmem:s30+$0x14E0]  }
0x28b: {  	[tilespmem:s30+$0x10E0] =	vst v20;
	v20 =	vadd.f32 v22, v11;
	v22 =	vmul.f32 v25, v19;
	v25 =	vld [tilespmem:s26+$0x1080]  }
0x28c: {  	[tilespmem:s30+$0x10F0] =	vst v21;
	v21 =	vadd.f32 v23, v12;
	v23 =	vmul.f32 v24, v19;
	v24 =	vld [tilespmem:s26+$0x1090]  }
0x28d: {  	[tilespmem:s30+$0x1480] =	vst v20;
	v20 =	vadd.f32 v22, v13;
	v22 =	vmul.f32 v28, v19;
	v28 =	vld [tilespmem:s26+$0x10A0]  }
0x28e: {  	[tilespmem:s30+$0x1490] =	vst v21;
	v21 =	vadd.f32 v23, v14;
	v23 =	vmul.f32 v26, v19;
	v26 =	vld [tilespmem:s26+$0x10B0]  }
0x28f: {  	[tilespmem:s30+$0x14A0] =	vst v20;
	v20 =	vadd.f32 v22, v15;
	v22 =	vmul.f32 v27, v19;
	v27 =	vld [tilespmem:s26+$0x10C0]  }
0x290: {  	[tilespmem:s30+$0x14B0] =	vst v21;
	v21 =	vadd.f32 v23, v16;
	v23 =	vmul.f32 v25, v19;
	v25 =	vld [tilespmem:s26+$0x10D0]  }
0x291: {  	[tilespmem:s30+$0x14C0] =	vst v20;
	v20 =	vadd.f32 v22, v17;
	v22 =	vmul.f32 v24, v19;
	v24 =	vld [tilespmem:s26+$0x10E0]  }
0x292: {  	[tilespmem:s30+$0x14D0] =	vst v21;
	v21 =	vadd.f32 v23, v3;
	v23 =	vmul.f32 v28, v19;
	v29 =	vld [tilespmem:s26+$0x10F0]  }
.Ltmp34:
0x293: {  	[tilespmem:s30+$0x14E0] =	vst v20;
	v22 =	vadd.f32 v22, v4;
	v26 =	vmul.f32 v26, v19;
	v20 =	vld [tilespmem:s26+$0x1480];
	(pc) =	sbr.rel @p0 .LBB2_36-.Ltmp34, $4  }
0x294: {  	[tilespmem:s26+$0x1080] =	vst v21;
	v23 =	vadd.f32 v23, v5;
	v27 =	vmul.f32 v27, v19;
	v21 =	vld [tilespmem:s26+$0x1490]  }
0x295: {  	[tilespmem:s26+$0x1090] =	vst v22;
	v26 =	vadd.f32 v26, v6;
	v25 =	vmul.f32 v25, v19;
	v22 =	vld [tilespmem:s26+$0x14A0]  }
0x296: {  	[tilespmem:s26+$0x10A0] =	vst v23;
	v27 =	vadd.f32 v27, v7;
	v28 =	vmul.f32 v24, v19;
	v23 =	vld [tilespmem:s26+$0x14B0]  }
0x297: {  	s0 =	sadd.s32 $0x100, s0;
	s29 =	sadd.s32 $0x200, s29;
	[tilespmem:s26+$0x10B0] =	vst v26;
	v26 =	vadd.f32 v25, v8;
	v25 =	vmul.f32 v29, v19;
	v24 =	vld [tilespmem:s26+$0x14C0]  }
.LBB2_37:
0x298: {  	[tilespmem:s26+$0x10C0] =	vst v27;
	v54 =	vld [tilespmem:s26+$0x14D0];
	v28 =	vadd.f32 v28, v9;
	v20 =	vmul.f32 v20, v19  }
0x299: {  	v56 =	vld [tilespmem:s26+$0x14F0];
	[tilespmem:s26+$0x10D0] =	vst v26;
	v25 =	vadd.f32 v25, v10;
	v21 =	vmul.f32 v21, v19  }
0x29a: {  	v55 =	vld [tilespmem:s26+$0x14E0];
	[tilespmem:s26+$0x10E0] =	vst v28;
	v20 =	vadd.f32 v20, v11;
	v22 =	vmul.f32 v22, v19  }
0x29b: {  	[tilespmem:s26+$0x10F0] =	vst v25;
	v21 =	vadd.f32 v21, v12;
	v23 =	vmul.f32 v23, v19  }
0x29c: {  	[tilespmem:s26+$0x1480] =	vst v20;
	v20 =	vadd.f32 v22, v13;
	v57 =	vmul.f32 v24, v19  }
0x29d: {  	[tilespmem:s26+$0x1490] =	vst v21;
	v58 =	vadd.f32 v23, v14;
	v59 =	vmul.f32 v54, v19  }
0x29e: {  	v62 =	vmul.f32 v56, v19;
	[tilespmem:s26+$0x14A0] =	vst v20;
	v20 =	vadd.f32 v57, v15  }
0x29f: {  	v60 =	vmul.f32 v55, v19;
	[tilespmem:s26+$0x14B0] =	vst v58;
	v61 =	vadd.f32 v59, v16  }
0x2a0: {  	v63 =	vadd.f32 v62, v18;
	[tilespmem:s26+$0x14C0] =	vst v20  }
0x2a1: {  	v20 =	vadd.f32 v60, v17;
	[tilespmem:s26+$0x14D0] =	vst v61  }
0x2a2: {  	[tilespmem:s26+$0x14F0] =	vst v63  }
0x2a3: {  	[tilespmem:s26+$0x14E0] =	vst v20  }
.LBB2_38:
0x2a4: {  	p0 =	sge.s32 s25, s17  }
.Ltmp35:
0x2a5: {  	_ = 	snop;
	(pc) =	sbr.rel @p0 .LBB2_33-.Ltmp35, $1  }
0x2a6: {  	_ =	sdelay $0x3  }
0x2a7: {  	s0 =	ssub.s32 s19, s21;
	s1 =	sshll.u32 s17, $0x7  }
0x2a8: {  	s31 =	sshll.u32 s17, $0x8;
	s19 =	sshll.u32 s0, $0x7;
	s22 =	sshll.u32 s0, $0x8  }
0x2a9: {  	s19 =	ssub.s32 s1, s19;
	s21 =	ssub.s32 s31, s22  }
.LBB2_40:
0x2aa: {  	s1 =	sand.u32 $0xFFFFF800, s21;
	s22 =	sand.u32 $0x380, s19  }
0x2ab: {  	s25 =	sor.u32 s22, s1  }
0x2ac: {  	v20 =	vld [tilespmem:s25+$0x1080]  }
0x2ad: {  	v21 =	vld [tilespmem:s25+$0x1090]  }
0x2ae: {  	v23 =	vld [tilespmem:s25+$0x10B0]  }
0x2af: {  	v22 =	vld [tilespmem:s25+$0x10A0]  }
0x2b0: {  	v25 =	vld [tilespmem:s25+$0x10D0]  }
0x2b1: {  	v24 =	vld [tilespmem:s25+$0x10C0];
	v20 =	vmul.f32 v20, v19  }
0x2b2: {  	v27 =	vld [tilespmem:s25+$0x10F0];
	v21 =	vmul.f32 v21, v19  }
0x2b3: {  	v26 =	vld [tilespmem:s25+$0x10E0];
	v23 =	vmul.f32 v23, v19;
	v20 =	vadd.f32 v20, v3  }
0x2b4: {  	v39 =	vld [tilespmem:s25+$0x1490];
	v22 =	vmul.f32 v22, v19;
	v21 =	vadd.f32 v21, v4  }
0x2b5: {  	v28 =	vld [tilespmem:s25+$0x1480];
	v41 =	vmul.f32 v25, v19;
	v40 =	vadd.f32 v23, v6;
	[tilespmem:s25+$0x1080] =	vst v20  }
0x2b6: {  	v44 =	vld [tilespmem:s25+$0x14B0];
	v38 =	vmul.f32 v24, v19;
	v20 =	vadd.f32 v22, v5;
	[tilespmem:s25+$0x1090] =	vst v21  }
0x2b7: {  	v42 =	vld [tilespmem:s25+$0x14A0];
	v46 =	vmul.f32 v27, v19;
	v45 =	vadd.f32 v41, v8;
	[tilespmem:s25+$0x10B0] =	vst v40  }
0x2b8: {  	v49 =	vld [tilespmem:s25+$0x14D0];
	v43 =	vmul.f32 v26, v19;
	[tilespmem:s25+$0x10A0] =	vst v20;
	v20 =	vadd.f32 v38, v7  }
0x2b9: {  	v47 =	vld [tilespmem:s25+$0x14C0];
	v51 =	vmul.f32 v39, v19;
	v50 =	vadd.f32 v46, v10;
	[tilespmem:s25+$0x10D0] =	vst v45  }
0x2ba: {  	v54 =	vld [tilespmem:s25+$0x14F0];
	v48 =	vmul.f32 v28, v19;
	[tilespmem:s25+$0x10C0] =	vst v20;
	v20 =	vadd.f32 v43, v9  }
0x2bb: {  	v52 =	vld [tilespmem:s25+$0x14E0];
	v56 =	vmul.f32 v44, v19;
	v55 =	vadd.f32 v51, v12;
	[tilespmem:s25+$0x10F0] =	vst v50  }
0x2bc: {  	v53 =	vmul.f32 v42, v19;
	[tilespmem:s25+$0x10E0] =	vst v20;
	v20 =	vadd.f32 v48, v11  }
0x2bd: {  	v59 =	vmul.f32 v49, v19;
	v58 =	vadd.f32 v56, v14;
	[tilespmem:s25+$0x1490] =	vst v55  }
0x2be: {  	v57 =	vmul.f32 v47, v19;
	[tilespmem:s25+$0x1480] =	vst v20;
	v20 =	vadd.f32 v53, v13  }
0x2bf: {  	p0 =	seq.s32 s0, $0x1;
	v62 =	vmul.f32 v54, v19;
	v61 =	vadd.f32 v59, v16;
	[tilespmem:s25+$0x14B0] =	vst v58  }
.Ltmp36:
0x2c0: {  	v60 =	vmul.f32 v52, v19;
	[tilespmem:s25+$0x14A0] =	vst v20;
	v20 =	vadd.f32 v57, v15;
	(pc) =	sbr.rel @!p0 .LBB2_40-.Ltmp36, $4  }
0x2c1: {  	v63 =	vadd.f32 v62, v18;
	[tilespmem:s25+$0x14D0] =	vst v61  }
0x2c2: {  	[tilespmem:s25+$0x14C0] =	vst v20;
	v20 =	vadd.f32 v60, v17  }
0x2c3: {  	[tilespmem:s25+$0x14F0] =	vst v63  }
0x2c4: {  	s19 =	sadd.s32 $0x80, s19;
	s21 =	sadd.s32 $0x100, s21;
	s0 =	sadd.s32 $0xFFFFFFFF, s0;
	[tilespmem:s25+$0x14E0] =	vst v20  }
.Ltmp37:
0x2c5: {  	_ = 	snop;
	(pc) =	sbr.rel .LBB2_33-.Ltmp37, $1  }
0x2c6: {  	_ =	sdelay $0x3  }
.LBB2_41:
0x2c7: {  	s0 =	rddreg [dreg:$0xd];
	s1 =	simm.s32 $0x1080  }
0x2c8: {  	[hbm4b:s0+s2] =	stream.linear.scatter [tilespmem:s1], [sflag:$0x4], $0x8000, $0x38;
	[tilespmem:$0x19080] =	vst v63  }
0x2c9: {  	s0 =	ssub.s32 s14, s13;
	_ =	swait.ge [sflag:s11], $0x8000  }
0x2ca: {  	s31 =	simm.s32 $0x11080;
	p0 =	slt.s32 s0, $0x1;
	[sflag:s11] =	ssyncset.done $0x0  }
.Ltmp38:
0x2cb: {  	s30 =	rddreg [dreg:$0xe];
	[sflag:s11] =	ssyncadd.s32 $0xFFFF8000;
	(pc) =	sbr.rel @p0 .LBB2_51-.Ltmp38, $4  }
0x2cc: {  	[tilespmem:s31], [sflag:$0x3] =	stream.linear.gather [hbm4b:s30+s2], $0x8000, $0x38;
	[tilespmem:$0x19080] =	vst v63  }
0x2cd: {  	_ =	swait.ge [sflag:s5], $0x8000  }
0x2ce: {  	[sflag:s5] =	ssyncset.done $0x0  }
0x2cf: {  	[sflag:s5] =	ssyncadd.s32 $0xFFFF8000  }
.Ltmp39:
0x2d0: {  	(pc) =	sbr.rel .LBB2_44-.Ltmp39, $4  }
0x2d1: {  	_ = 	snop  }
0x2d2: {  	p0 =	sgt.s32 s0, $0x0  }
0x2d3: {  	s0 =	simm.s32 @!p0 $0x0  }
0x2d4: {  	v2 =	vxor.u32 $0x80000000, v1;
	s17 =	simm.s32 $0x0;
	s16 =	smin.u32 s0, $0x80  }
.LBB2_43:
0x2d5: {  	p0 =	sge.s32 s18, s16  }
.Ltmp40:
0x2d6: {  	_ = 	snop;
	(pc) =	sbr.rel @p0 .LBB2_51-.Ltmp40, $1  }
0x2d7: {  	_ =	sdelay $0x3  }
.LBB2_44:
0x2d8: {  	s1 =	sadd.s32 s13, s17  }
0x2d9: {  	vm0 =	vle.s32 v1, s1  }
0x2da: {  	v3 =	vsel vm0, $0x1, v0  }
0x2db: {  	(xrf0) =	vadd.scan.msk.s32 $0xffff, v3;
	v3 =	vsel vm0, $0x80008001, v2  }
0x2dc: {  	(xrf0) =	vmin.scan.msk.u32 $0xffff, v3;
	v3 =	vnsel vm0, $0x80000000, v2  }
0x2dd: {  	(xrf0) =	vmax.scan.msk.u32 $0xffff, v3;
	_ =	sdelay $0x3  }
0x2de: {  	v3, _, _ =	vpop (xrf0)  }
0x2df: {  	v4, _, _ =	vpop (xrf0);
	(v2sf) =	vpush v3, $0xF  }
0x2e0: {  	(v2sf) =	vpush v4, $0xF;
	v3, _, _ =	vpop (xrf0)  }
0x2e1: {  	(v2sf) =	vpush v3, $0xF;
	_ =	sdelay $0xc  }
0x2e2: {  	s30 =	spop (v2sf)  }
0x2e3: {  	s0 =	smov.u32 s17;
	s31 =	spop (v2sf);
	s19 =	sshll.u32 s30, $0x8  }
0x2e4: {  	s1 =	sshll.u32 s30, $0x7;
	s17 =	sxor.u32 $0x80000000, s31;
	s18 =	spop (v2sf)  }
0x2e5: {  	s19 =	sand.u32 $0xFFFFF800, s19;
	s1 =	sand.u32 $0x380, s1;
	s18 =	sxor.u32 $0x80000000, s18  }
0x2e6: {  	s1 =	sor.u32 s1, s19;
	s18 =	ssub.s32 s17, s18  }
0x2e7: {  	v3 =	vld [tilespmem:s1+$0x80];
	v4 =	vmov s18  }
0x2e8: {  	v5 =	vld [tilespmem:s1+$0xA0];
	v6 =	vcvt.s32.f32 v4  }
0x2e9: {  	v8 =	vld [tilespmem:s1+$0xD0];
	s18 =	ssub.s32 s17, s13  }
0x2ea: {  	v10 =	vld [tilespmem:s1+$0xF0];
	s17 =	smov.u32 s16;
	p0 =	slt.s32 s18, s16;
	v7 =	vmax.f32 v6, $1.000000000e+00  }
0x2eb: {  	v11 =	vld [tilespmem:s1+$0x480];
	s17 =	smov.u32 @p0 s18;
	v9 =	vbroadcast v7, $0x0  }
0x2ec: {  	v12 =	vld [tilespmem:s1+$0x490];
	s19 =	ssub.s32 s17, s0  }
0x2ed: {  	v13 =	vld [tilespmem:s1+$0x4A0];
	s21 =	sshrl.u32 s19, $0x1F;
	(erf) = vrcp.f32 v9  }
0x2ee: {  	v14 =	vld [tilespmem:s1+$0x4B0];
	s21 =	sadd.s32 s21, s19  }
0x2ef: {  	v15 =	vld [tilespmem:s1+$0x4C0];
	s21 =	sand.u32 $0xFFFFFFFE, s21  }
0x2f0: {  	v16 =	vld [tilespmem:s1+$0x4D0];
	s25 =	sadd.s32 s0, s21  }
0x2f1: {  	v17 =	vld [tilespmem:s1+$0x4E0];
	p0 =	sge.s32 s0, s25  }
.Ltmp41:
0x2f2: {  	v9 =	vld [tilespmem:s1+$0xE0];
	(pc) =	sbr.rel @p0 .LBB2_48-.Ltmp41, $4  }
0x2f3: {  	v18 =	vld [tilespmem:s1+$0x4F0]  }
0x2f4: {  	v4 =	vld [tilespmem:s1+$0x90]  }
0x2f5: {  	v6 =	vld [tilespmem:s1+$0xB0]  }
0x2f6: {  	v7 =	vld [tilespmem:s1+$0xC0];
	v19 =	vpop (erf)  }
0x2f7: {  	s1 =	sshll.u32 s0, $0x7;
	s22 =	sshll.u32 s0, $0x8  }
0x2f8: {  	s29 =	sadd.s32 $0x80, s1;
	s30 =	sadd.s32 $0x100, s22  }
0x2f9: {  	s26 =	sadd.s32 $0xFFFFFF00, s30;
	s31 =	sadd.s32 $0xFFFFFF80, s29  }
0x2fa: {  	s1 =	sand.u32 $0xFFFFF800, s26;
	s22 =	sand.u32 $0x380, s31  }
0x2fb: {  	s31 =	sor.u32 s22, s1  }
0x2fc: {  	v20 =	vld [tilespmem:s31+$0x94F0]  }
0x2fd: {  	v21 =	vld [tilespmem:s31+$0x9080]  }
0x2fe: {  	v22 =	vld [tilespmem:s31+$0x9090]  }
0x2ff: {  	v23 =	vld [tilespmem:s31+$0x90A0]  }
0x300: {  	v32 =	vld [tilespmem:s31+$0x94B0]  }
0x301: {  	v24 =	vld [tilespmem:s31+$0x90B0]  }
0x302: {  	v25 =	vld [tilespmem:s31+$0x90C0];
	v20 =	vmul.f32 v20, v19  }
0x303: {  	v26 =	vld [tilespmem:s31+$0x90D0];
	v21 =	vmul.f32 v21, v19  }
0x304: {  	v27 =	vld [tilespmem:s31+$0x90E0];
	v22 =	vmul.f32 v22, v19;
	v20 =	vadd.f32 v20, v18  }
0x305: {  	v28 =	vld [tilespmem:s31+$0x90F0];
	v32 =	vmul.f32 v32, v19;
	v21 =	vadd.f32 v21, v3  }
0x306: {  	v29 =	vld [tilespmem:s31+$0x9480];
	v23 =	vmul.f32 v23, v19;
	v22 =	vadd.f32 v22, v4;
	[tilespmem:s31+$0x94F0] =	vst v20  }
0x307: {  	v30 =	vld [tilespmem:s31+$0x9490];
	v24 =	vmul.f32 v24, v19;
	v32 =	vadd.f32 v32, v14;
	[tilespmem:s31+$0x9080] =	vst v21  }
0x308: {  	v31 =	vld [tilespmem:s31+$0x94A0];
	v21 =	vadd.f32 v23, v5;
	v23 =	vmul.f32 v25, v19;
	[tilespmem:s31+$0x9090] =	vst v22  }
0x309: {  	s26 =	sand.u32 $0x380, s29;
	s22 =	sand.u32 $0xFFFFF800, s30;
	v25 =	vld [tilespmem:s31+$0x94D0];
	v22 =	vadd.f32 v24, v6;
	v24 =	vmul.f32 v26, v19;
	[tilespmem:s31+$0x94B0] =	vst v32  }
0x30a: {  	s26 =	sor.u32 s26, s22;
	v26 =	vld [tilespmem:s31+$0x94E0];
	[tilespmem:s31+$0x90A0] =	vst v21;
	v21 =	vadd.f32 v23, v7;
	v23 =	vmul.f32 v27, v19  }
0x30b: {  	v27 =	vld [tilespmem:s26+$0x9080];
	[tilespmem:s31+$0x90B0] =	vst v22;
	v22 =	vadd.f32 v24, v8;
	v24 =	vmul.f32 v28, v19  }
0x30c: {  	v20 =	vld [tilespmem:s31+$0x94C0];
	[tilespmem:s31+$0x90C0] =	vst v21;
	v21 =	vadd.f32 v23, v9;
	v23 =	vmul.f32 v29, v19  }
0x30d: {  	v28 =	vld [tilespmem:s26+$0x9090];
	[tilespmem:s31+$0x90D0] =	vst v22;
	v22 =	vadd.f32 v24, v10;
	v24 =	vmul.f32 v30, v19  }
0x30e: {  	v25 =	vmul.f32 v25, v19;
	[tilespmem:s31+$0x90E0] =	vst v21;
	v21 =	vadd.f32 v23, v11  }
0x30f: {  	v29 =	vld [tilespmem:s26+$0x90A0];
	v26 =	vmul.f32 v26, v19;
	v23 =	vmul.f32 v31, v19;
	[tilespmem:s31+$0x90F0] =	vst v22;
	v22 =	vadd.f32 v24, v12  }
0x310: {  	v30 =	vld [tilespmem:s26+$0x90B0];
	v24 =	vmul.f32 v27, v19;
	v25 =	vadd.f32 v25, v16;
	[tilespmem:s31+$0x9480] =	vst v21  }
0x311: {  	v31 =	vld [tilespmem:s26+$0x90C0];
	v26 =	vadd.f32 v26, v17;
	v21 =	vadd.f32 v23, v13;
	[tilespmem:s31+$0x9490] =	vst v22  }
0x312: {  	v27 =	vld [tilespmem:s26+$0x90D0];
	v22 =	vmul.f32 v28, v19;
	v28 =	vmul.f32 v20, v19;
	v23 =	vadd.f32 v24, v3;
	[tilespmem:s31+$0x94D0] =	vst v25  }
0x313: {  	s28 =	sadd.s32 $0x2, s0;
	v33 =	vld [tilespmem:s26+$0x90E0];
	[tilespmem:s31+$0x94E0] =	vst v26  }
0x314: {  	p0 =	slt.s32 s28, s25;
	v24 =	vld [tilespmem:s26+$0x90F0];
	v28 =	vadd.f32 v28, v15;
	[tilespmem:s26+$0x9080] =	vst v23;
	v23 =	vmul.f32 v29, v19  }
.Ltmp42:
0x315: {  	v20 =	vld [tilespmem:s26+$0x9480];
	[tilespmem:s31+$0x94A0] =	vst v21;
	v22 =	vadd.f32 v22, v4;
	v29 =	vmul.f32 v30, v19;
	(pc) =	sbr.rel @!p0 .LBB2_47-.Ltmp42, $4  }
0x316: {  	v21 =	vld [tilespmem:s26+$0x9490];
	[tilespmem:s31+$0x94C0] =	vst v28;
	v28 =	vmul.f32 v31, v19;
	v23 =	vadd.f32 v23, v5  }
0x317: {  	[tilespmem:s26+$0x9090] =	vst v22;
	v22 =	vld [tilespmem:s26+$0x94A0];
	v25 =	vmul.f32 v27, v19;
	v29 =	vadd.f32 v29, v6  }
0x318: {  	v27 =	vadd.f32 v28, v7;
	v28 =	vmul.f32 v33, v19;
	[tilespmem:s26+$0x90A0] =	vst v23;
	v23 =	vld [tilespmem:s26+$0x94B0]  }
0x319: {  	s0 =	sadd.s32 $0x100, s29;
	s29 =	sadd.s32 $0x200, s30;
	v26 =	vadd.f32 v25, v8;
	v25 =	vmul.f32 v24, v19;
	v24 =	vld [tilespmem:s26+$0x94C0];
	[tilespmem:s26+$0x90B0] =	vst v29  }
.LBB2_46:
0x31a: {  	s1 =	sadd.s32 $0xFFFFFF00, s29;
	s22 =	sadd.s32 $0xFFFFFF80, s0;
	s28 =	sadd.s32 $0x2, s28;
	[tilespmem:s26+$0x90C0] =	vst v27;
	v27 =	vadd.f32 v28, v9;
	v20 =	vmul.f32 v20, v19;
	v28 =	vld [tilespmem:s26+$0x94D0]  }
0x31b: {  	s1 =	sand.u32 $0xFFFFF800, s1;
	s22 =	sand.u32 $0x380, s22;
	p0 =	slt.s32 s28, s25;
	[tilespmem:s26+$0x90D0] =	vst v26;
	v25 =	vadd.f32 v25, v10;
	v21 =	vmul.f32 v21, v19;
	v26 =	vld [tilespmem:s26+$0x94E0]  }
0x31c: {  	s30 =	sor.u32 s22, s1;
	s1 =	sand.u32 $0xFFFFF800, s29;
	s22 =	sand.u32 $0x380, s0;
	[tilespmem:s26+$0x90E0] =	vst v27;
	v20 =	vadd.f32 v20, v11;
	v22 =	vmul.f32 v22, v19;
	v27 =	vld [tilespmem:s26+$0x94F0]  }
0x31d: {  	v29 =	vld [tilespmem:s30+$0x94F0];
	s1 =	sor.u32 s22, s1;
	[tilespmem:s26+$0x90F0] =	vst v25;
	v21 =	vadd.f32 v21, v12;
	v23 =	vmul.f32 v23, v19  }
0x31e: {  	v25 =	vld [tilespmem:s30+$0x9080];
	[tilespmem:s26+$0x9480] =	vst v20;
	v20 =	vadd.f32 v22, v13;
	v22 =	vmul.f32 v24, v19  }
0x31f: {  	v24 =	vld [tilespmem:s30+$0x9090];
	[tilespmem:s26+$0x9490] =	vst v21;
	v21 =	vadd.f32 v23, v14;
	v23 =	vmul.f32 v28, v19  }
0x320: {  	v28 =	vld [tilespmem:s30+$0x90A0];
	[tilespmem:s26+$0x94A0] =	vst v20;
	v20 =	vadd.f32 v22, v15;
	v22 =	vmul.f32 v26, v19  }
0x321: {  	v26 =	vld [tilespmem:s30+$0x90B0];
	[tilespmem:s26+$0x94B0] =	vst v21;
	v21 =	vadd.f32 v23, v16;
	v23 =	vmul.f32 v27, v19  }
0x322: {  	v27 =	vld [tilespmem:s30+$0x90C0];
	v29 =	vmul.f32 v29, v19;
	[tilespmem:s26+$0x94C0] =	vst v20;
	v20 =	vadd.f32 v22, v17  }
0x323: {  	v22 =	vmul.f32 v25, v19;
	v25 =	vld [tilespmem:s30+$0x90D0];
	[tilespmem:s26+$0x94D0] =	vst v21;
	v21 =	vadd.f32 v23, v18  }
0x324: {  	v23 =	vmul.f32 v24, v19;
	v24 =	vld [tilespmem:s30+$0x90E0];
	v29 =	vadd.f32 v29, v18;
	[tilespmem:s26+$0x94E0] =	vst v20  }
0x325: {  	v20 =	vadd.f32 v22, v3;
	v22 =	vmul.f32 v28, v19;
	v28 =	vld [tilespmem:s30+$0x90F0];
	[tilespmem:s26+$0x94F0] =	vst v21;
	s26 =	smov.u32 s1  }
0x326: {  	v21 =	vadd.f32 v23, v4;
	v23 =	vmul.f32 v26, v19;
	v26 =	vld [tilespmem:s30+$0x9480];
	[tilespmem:s30+$0x94F0] =	vst v29  }
0x327: {  	[tilespmem:s30+$0x9080] =	vst v20;
	v20 =	vadd.f32 v22, v5;
	v22 =	vmul.f32 v27, v19;
	v27 =	vld [tilespmem:s30+$0x9490]  }
0x328: {  	[tilespmem:s30+$0x9090] =	vst v21;
	v21 =	vadd.f32 v23, v6;
	v23 =	vmul.f32 v25, v19;
	v25 =	vld [tilespmem:s30+$0x94A0]  }
0x329: {  	[tilespmem:s30+$0x90A0] =	vst v20;
	v20 =	vadd.f32 v22, v7;
	v22 =	vmul.f32 v24, v19;
	v24 =	vld [tilespmem:s30+$0x94B0]  }
0x32a: {  	[tilespmem:s30+$0x90B0] =	vst v21;
	v21 =	vadd.f32 v23, v8;
	v23 =	vmul.f32 v28, v19;
	v28 =	vld [tilespmem:s30+$0x94C0]  }
0x32b: {  	[tilespmem:s30+$0x90C0] =	vst v20;
	v20 =	vadd.f32 v22, v9;
	v22 =	vmul.f32 v26, v19;
	v26 =	vld [tilespmem:s30+$0x94D0]  }
0x32c: {  	[tilespmem:s30+$0x90D0] =	vst v21;
	v21 =	vadd.f32 v23, v10;
	v23 =	vmul.f32 v27, v19;
	v27 =	vld [tilespmem:s30+$0x94E0]  }
0x32d: {  	[tilespmem:s30+$0x90E0] =	vst v20;
	v20 =	vadd.f32 v22, v11;
	v22 =	vmul.f32 v25, v19;
	v25 =	vld [tilespmem:s26+$0x9080]  }
0x32e: {  	[tilespmem:s30+$0x90F0] =	vst v21;
	v21 =	vadd.f32 v23, v12;
	v23 =	vmul.f32 v24, v19;
	v24 =	vld [tilespmem:s26+$0x9090]  }
0x32f: {  	[tilespmem:s30+$0x9480] =	vst v20;
	v20 =	vadd.f32 v22, v13;
	v22 =	vmul.f32 v28, v19;
	v28 =	vld [tilespmem:s26+$0x90A0]  }
0x330: {  	[tilespmem:s30+$0x9490] =	vst v21;
	v21 =	vadd.f32 v23, v14;
	v23 =	vmul.f32 v26, v19;
	v26 =	vld [tilespmem:s26+$0x90B0]  }
0x331: {  	[tilespmem:s30+$0x94A0] =	vst v20;
	v20 =	vadd.f32 v22, v15;
	v22 =	vmul.f32 v27, v19;
	v27 =	vld [tilespmem:s26+$0x90C0]  }
0x332: {  	[tilespmem:s30+$0x94B0] =	vst v21;
	v21 =	vadd.f32 v23, v16;
	v23 =	vmul.f32 v25, v19;
	v25 =	vld [tilespmem:s26+$0x90D0]  }
0x333: {  	[tilespmem:s30+$0x94C0] =	vst v20;
	v20 =	vadd.f32 v22, v17;
	v22 =	vmul.f32 v24, v19;
	v24 =	vld [tilespmem:s26+$0x90E0]  }
0x334: {  	[tilespmem:s30+$0x94D0] =	vst v21;
	v21 =	vadd.f32 v23, v3;
	v23 =	vmul.f32 v28, v19;
	v29 =	vld [tilespmem:s26+$0x90F0]  }
.Ltmp43:
0x335: {  	[tilespmem:s30+$0x94E0] =	vst v20;
	v22 =	vadd.f32 v22, v4;
	v26 =	vmul.f32 v26, v19;
	v20 =	vld [tilespmem:s26+$0x9480];
	(pc) =	sbr.rel @p0 .LBB2_46-.Ltmp43, $4  }
0x336: {  	[tilespmem:s26+$0x9080] =	vst v21;
	v23 =	vadd.f32 v23, v5;
	v27 =	vmul.f32 v27, v19;
	v21 =	vld [tilespmem:s26+$0x9490]  }
0x337: {  	[tilespmem:s26+$0x9090] =	vst v22;
	v26 =	vadd.f32 v26, v6;
	v25 =	vmul.f32 v25, v19;
	v22 =	vld [tilespmem:s26+$0x94A0]  }
0x338: {  	[tilespmem:s26+$0x90A0] =	vst v23;
	v27 =	vadd.f32 v27, v7;
	v28 =	vmul.f32 v24, v19;
	v23 =	vld [tilespmem:s26+$0x94B0]  }
0x339: {  	s0 =	sadd.s32 $0x100, s0;
	s29 =	sadd.s32 $0x200, s29;
	[tilespmem:s26+$0x90B0] =	vst v26;
	v26 =	vadd.f32 v25, v8;
	v25 =	vmul.f32 v29, v19;
	v24 =	vld [tilespmem:s26+$0x94C0]  }
.LBB2_47:
0x33a: {  	[tilespmem:s26+$0x90C0] =	vst v27;
	v54 =	vld [tilespmem:s26+$0x94D0];
	v28 =	vadd.f32 v28, v9;
	v20 =	vmul.f32 v20, v19  }
0x33b: {  	v56 =	vld [tilespmem:s26+$0x94F0];
	[tilespmem:s26+$0x90D0] =	vst v26;
	v25 =	vadd.f32 v25, v10;
	v21 =	vmul.f32 v21, v19  }
0x33c: {  	v55 =	vld [tilespmem:s26+$0x94E0];
	[tilespmem:s26+$0x90E0] =	vst v28;
	v20 =	vadd.f32 v20, v11;
	v22 =	vmul.f32 v22, v19  }
0x33d: {  	[tilespmem:s26+$0x90F0] =	vst v25;
	v21 =	vadd.f32 v21, v12;
	v23 =	vmul.f32 v23, v19  }
0x33e: {  	[tilespmem:s26+$0x9480] =	vst v20;
	v20 =	vadd.f32 v22, v13;
	v57 =	vmul.f32 v24, v19  }
0x33f: {  	[tilespmem:s26+$0x9490] =	vst v21;
	v58 =	vadd.f32 v23, v14;
	v59 =	vmul.f32 v54, v19  }
0x340: {  	v62 =	vmul.f32 v56, v19;
	[tilespmem:s26+$0x94A0] =	vst v20;
	v20 =	vadd.f32 v57, v15  }
0x341: {  	v60 =	vmul.f32 v55, v19;
	[tilespmem:s26+$0x94B0] =	vst v58;
	v61 =	vadd.f32 v59, v16  }
0x342: {  	v63 =	vadd.f32 v62, v18;
	[tilespmem:s26+$0x94C0] =	vst v20  }
0x343: {  	v20 =	vadd.f32 v60, v17;
	[tilespmem:s26+$0x94D0] =	vst v61  }
0x344: {  	[tilespmem:s26+$0x94F0] =	vst v63  }
0x345: {  	[tilespmem:s26+$0x94E0] =	vst v20  }
.LBB2_48:
0x346: {  	p0 =	sge.s32 s25, s17  }
.Ltmp44:
0x347: {  	_ = 	snop;
	(pc) =	sbr.rel @p0 .LBB2_43-.Ltmp44, $1  }
0x348: {  	_ =	sdelay $0x3  }
0x349: {  	s0 =	ssub.s32 s19, s21;
	s1 =	sshll.u32 s17, $0x7  }
0x34a: {  	s31 =	sshll.u32 s17, $0x8;
	s19 =	sshll.u32 s0, $0x7;
	s22 =	sshll.u32 s0, $0x8  }
0x34b: {  	s19 =	ssub.s32 s1, s19;
	s21 =	ssub.s32 s31, s22  }
.LBB2_50:
0x34c: {  	s1 =	sand.u32 $0xFFFFF800, s21;
	s22 =	sand.u32 $0x380, s19  }
0x34d: {  	s25 =	sor.u32 s22, s1  }
0x34e: {  	v20 =	vld [tilespmem:s25+$0x9080]  }
0x34f: {  	v21 =	vld [tilespmem:s25+$0x9090]  }
0x350: {  	v23 =	vld [tilespmem:s25+$0x90B0]  }
0x351: {  	v22 =	vld [tilespmem:s25+$0x90A0]  }
0x352: {  	v25 =	vld [tilespmem:s25+$0x90D0]  }
0x353: {  	v24 =	vld [tilespmem:s25+$0x90C0];
	v20 =	vmul.f32 v20, v19  }
0x354: {  	v27 =	vld [tilespmem:s25+$0x90F0];
	v21 =	vmul.f32 v21, v19  }
0x355: {  	v26 =	vld [tilespmem:s25+$0x90E0];
	v23 =	vmul.f32 v23, v19;
	v20 =	vadd.f32 v20, v3  }
0x356: {  	v39 =	vld [tilespmem:s25+$0x9490];
	v22 =	vmul.f32 v22, v19;
	v21 =	vadd.f32 v21, v4  }
0x357: {  	v28 =	vld [tilespmem:s25+$0x9480];
	v41 =	vmul.f32 v25, v19;
	v40 =	vadd.f32 v23, v6;
	[tilespmem:s25+$0x9080] =	vst v20  }
0x358: {  	v44 =	vld [tilespmem:s25+$0x94B0];
	v38 =	vmul.f32 v24, v19;
	v20 =	vadd.f32 v22, v5;
	[tilespmem:s25+$0x9090] =	vst v21  }
0x359: {  	v42 =	vld [tilespmem:s25+$0x94A0];
	v46 =	vmul.f32 v27, v19;
	v45 =	vadd.f32 v41, v8;
	[tilespmem:s25+$0x90B0] =	vst v40  }
0x35a: {  	v49 =	vld [tilespmem:s25+$0x94D0];
	v43 =	vmul.f32 v26, v19;
	[tilespmem:s25+$0x90A0] =	vst v20;
	v20 =	vadd.f32 v38, v7  }
0x35b: {  	v47 =	vld [tilespmem:s25+$0x94C0];
	v51 =	vmul.f32 v39, v19;
	v50 =	vadd.f32 v46, v10;
	[tilespmem:s25+$0x90D0] =	vst v45  }
0x35c: {  	v54 =	vld [tilespmem:s25+$0x94F0];
	v48 =	vmul.f32 v28, v19;
	[tilespmem:s25+$0x90C0] =	vst v20;
	v20 =	vadd.f32 v43, v9  }
0x35d: {  	v52 =	vld [tilespmem:s25+$0x94E0];
	v56 =	vmul.f32 v44, v19;
	v55 =	vadd.f32 v51, v12;
	[tilespmem:s25+$0x90F0] =	vst v50  }
0x35e: {  	v53 =	vmul.f32 v42, v19;
	[tilespmem:s25+$0x90E0] =	vst v20;
	v20 =	vadd.f32 v48, v11  }
0x35f: {  	v59 =	vmul.f32 v49, v19;
	v58 =	vadd.f32 v56, v14;
	[tilespmem:s25+$0x9490] =	vst v55  }
0x360: {  	v57 =	vmul.f32 v47, v19;
	[tilespmem:s25+$0x9480] =	vst v20;
	v20 =	vadd.f32 v53, v13  }
0x361: {  	p0 =	seq.s32 s0, $0x1;
	v62 =	vmul.f32 v54, v19;
	v61 =	vadd.f32 v59, v16;
	[tilespmem:s25+$0x94B0] =	vst v58  }
.Ltmp45:
0x362: {  	v60 =	vmul.f32 v52, v19;
	[tilespmem:s25+$0x94A0] =	vst v20;
	v20 =	vadd.f32 v57, v15;
	(pc) =	sbr.rel @!p0 .LBB2_50-.Ltmp45, $4  }
0x363: {  	v63 =	vadd.f32 v62, v18;
	[tilespmem:s25+$0x94D0] =	vst v61  }
0x364: {  	[tilespmem:s25+$0x94C0] =	vst v20;
	v20 =	vadd.f32 v60, v17  }
0x365: {  	[tilespmem:s25+$0x94F0] =	vst v63  }
0x366: {  	s19 =	sadd.s32 $0x80, s19;
	s21 =	sadd.s32 $0x100, s21;
	s0 =	sadd.s32 $0xFFFFFFFF, s0;
	[tilespmem:s25+$0x94E0] =	vst v20  }
.Ltmp46:
0x367: {  	_ = 	snop;
	(pc) =	sbr.rel .LBB2_43-.Ltmp46, $1  }
0x368: {  	_ =	sdelay $0x3  }
.LBB2_51:
0x369: {  	s0 =	rddreg [dreg:$0xf]  }
0x36a: {  	[hbm4b:s0+s2] =	stream.linear.scatter [tilespmem:s9], [sflag:$0x5], $0x8000, $0x38;
	[tilespmem:$0x19080] =	vst v63  }
0x36b: {  	s1 =	simm.s32 $0x1080;
	s0 =	ssub.s32 s14, s15;
	_ =	swait.ge [sflag:s7], $0x8000  }
0x36c: {  	s31 =	simm.s32 $0x3;
	p0 =	slt.s32 s0, $0x1;
	[sflag:s7] =	ssyncset.done $0x0  }
.Ltmp47:
0x36d: {  	s30 =	rddreg [dreg:$0x11];
	[sflag:s7] =	ssyncadd.s32 $0xFFFF8000;
	(pc) =	sbr.rel @p0 .LBB2_61-.Ltmp47, $4  }
0x36e: {  	[tilespmem:s1], [sflag:$0x1] =	stream.linear.gather [hbm4b:s30+s2], $0x8000, $0x38;
	[tilespmem:$0x19080] =	vst v63  }
0x36f: {  	_ =	swait.ge [sflag:s31], $0x8000  }
0x370: {  	[sflag:s31] =	ssyncset.done $0x0  }
0x371: {  	[sflag:s31] =	ssyncadd.s32 $0xFFFF8000  }
.Ltmp48:
0x372: {  	(pc) =	sbr.rel .LBB2_54-.Ltmp48, $4  }
0x373: {  	_ = 	snop  }
0x374: {  	p0 =	sgt.s32 s0, $0x0  }
0x375: {  	s0 =	simm.s32 @!p0 $0x0  }
0x376: {  	v2 =	vxor.u32 $0x80000000, v1;
	s17 =	simm.s32 $0x0;
	s16 =	smin.u32 s0, $0x80  }
.LBB2_53:
0x377: {  	p0 =	sge.s32 s18, s16  }
.Ltmp49:
0x378: {  	_ = 	snop;
	(pc) =	sbr.rel @p0 .LBB2_61-.Ltmp49, $1  }
0x379: {  	_ =	sdelay $0x3  }
.LBB2_54:
0x37a: {  	s1 =	sadd.s32 s15, s17  }
0x37b: {  	vm0 =	vle.s32 v1, s1  }
0x37c: {  	v3 =	vsel vm0, $0x1, v0  }
0x37d: {  	(xrf0) =	vadd.scan.msk.s32 $0xffff, v3;
	v3 =	vsel vm0, $0x80008001, v2  }
0x37e: {  	(xrf0) =	vmin.scan.msk.u32 $0xffff, v3;
	v3 =	vnsel vm0, $0x80000000, v2  }
0x37f: {  	(xrf0) =	vmax.scan.msk.u32 $0xffff, v3;
	_ =	sdelay $0x3  }
0x380: {  	v3, _, _ =	vpop (xrf0)  }
0x381: {  	v4, _, _ =	vpop (xrf0);
	(v2sf) =	vpush v3, $0xF  }
0x382: {  	(v2sf) =	vpush v4, $0xF;
	v3, _, _ =	vpop (xrf0)  }
0x383: {  	(v2sf) =	vpush v3, $0xF;
	_ =	sdelay $0xc  }
0x384: {  	s30 =	spop (v2sf)  }
0x385: {  	s0 =	smov.u32 s17;
	s31 =	spop (v2sf);
	s19 =	sshll.u32 s30, $0x8  }
0x386: {  	s1 =	sshll.u32 s30, $0x7;
	s17 =	sxor.u32 $0x80000000, s31;
	s18 =	spop (v2sf)  }
0x387: {  	s19 =	sand.u32 $0xFFFFF800, s19;
	s1 =	sand.u32 $0x380, s1;
	s18 =	sxor.u32 $0x80000000, s18  }
0x388: {  	s1 =	sor.u32 s1, s19;
	s18 =	ssub.s32 s17, s18  }
0x389: {  	v3 =	vld [tilespmem:s1+$0x80];
	v4 =	vmov s18  }
0x38a: {  	v5 =	vld [tilespmem:s1+$0xA0];
	v6 =	vcvt.s32.f32 v4  }
0x38b: {  	v8 =	vld [tilespmem:s1+$0xD0];
	s18 =	ssub.s32 s17, s15  }
0x38c: {  	v10 =	vld [tilespmem:s1+$0xF0];
	s17 =	smov.u32 s16;
	p0 =	slt.s32 s18, s16;
	v7 =	vmax.f32 v6, $1.000000000e+00  }
0x38d: {  	v11 =	vld [tilespmem:s1+$0x480];
	s17 =	smov.u32 @p0 s18;
	v9 =	vbroadcast v7, $0x0  }
0x38e: {  	v12 =	vld [tilespmem:s1+$0x490];
	s19 =	ssub.s32 s17, s0  }
0x38f: {  	v13 =	vld [tilespmem:s1+$0x4A0];
	s21 =	sshrl.u32 s19, $0x1F;
	(erf) = vrcp.f32 v9  }
0x390: {  	v14 =	vld [tilespmem:s1+$0x4B0];
	s21 =	sadd.s32 s21, s19  }
0x391: {  	v15 =	vld [tilespmem:s1+$0x4C0];
	s21 =	sand.u32 $0xFFFFFFFE, s21  }
0x392: {  	v16 =	vld [tilespmem:s1+$0x4D0];
	s25 =	sadd.s32 s0, s21  }
0x393: {  	v17 =	vld [tilespmem:s1+$0x4E0];
	p0 =	sge.s32 s0, s25  }
.Ltmp50:
0x394: {  	v18 =	vld [tilespmem:s1+$0x4F0];
	(pc) =	sbr.rel @p0 .LBB2_58-.Ltmp50, $4  }
0x395: {  	v4 =	vld [tilespmem:s1+$0x90]  }
0x396: {  	v6 =	vld [tilespmem:s1+$0xB0]  }
0x397: {  	v7 =	vld [tilespmem:s1+$0xC0]  }
0x398: {  	v9 =	vld [tilespmem:s1+$0xE0];
	v19 =	vpop (erf)  }
0x399: {  	s1 =	sshll.u32 s0, $0x7;
	s22 =	sshll.u32 s0, $0x8  }
0x39a: {  	s30 =	sadd.s32 $0x80, s1;
	s31 =	sadd.s32 $0x100, s22  }
0x39b: {  	s22 =	sadd.s32 $0xFFFFFF00, s31;
	s26 =	sadd.s32 $0xFFFFFF80, s30  }
0x39c: {  	s1 =	sand.u32 $0xFFFFF800, s22;
	s22 =	sand.u32 $0x380, s26  }
0x39d: {  	s1 =	sor.u32 s22, s1  }
0x39e: {  	s26 =	sand.u32 $0x380, s30;
	s22 =	sand.u32 $0xFFFFF800, s31;
	v20 =	vld [tilespmem:s1+$0x11080]  }
0x39f: {  	s22 =	sor.u32 s26, s22  }
0x3a0: {  	s26 =	sadd.s32 $0x11080, s22;
	v21 =	vld [tilespmem:s22+$0x11080]  }
0x3a1: {  	v22 =	vld [tilespmem:s26+$0x40]  }
0x3a2: {  	v23 =	vld [tilespmem:s26+$0x50]  }
0x3a3: {  	v24 =	vld [tilespmem:s26+$0x60];
	v20 =	vmul.f32 v20, v19  }
0x3a4: {  	v25 =	vld [tilespmem:s26+$0x70]  }
0x3a5: {  	v26 =	vld [tilespmem:s26+$0x400];
	v20 =	vadd.f32 v20, v3  }
0x3a6: {  	v27 =	vld [tilespmem:s26+$0x410]  }
0x3a7: {  	s28 =	sadd.s32 $0x11080, s1;
	v29 =	vld [tilespmem:s26+$0x420];
	v21 =	vmul.f32 v21, v19;
	[tilespmem:s1+$0x11080] =	vst v20  }
0x3a8: {  	v22 =	vmul.f32 v22, v19;
	v20 =	vld [tilespmem:s28+$0x30]  }
0x3a9: {  	v24 =	vmul.f32 v24, v19;
	v21 =	vadd.f32 v21, v3;
	v28 =	vld [tilespmem:s28+$0x10]  }
0x3aa: {  	v31 =	vld [tilespmem:s26+$0x430];
	v23 =	vmul.f32 v23, v19;
	v25 =	vmul.f32 v25, v19;
	v22 =	vadd.f32 v22, v7  }
0x3ab: {  	v24 =	vadd.f32 v24, v9;
	v30 =	vld [tilespmem:s28+$0x20];
	[tilespmem:s22+$0x11080] =	vst v21  }
0x3ac: {  	v26 =	vmul.f32 v26, v19;
	v25 =	vadd.f32 v25, v10;
	v21 =	vadd.f32 v23, v8;
	v23 =	vld [tilespmem:s28+$0x40];
	[tilespmem:s26+$0x40] =	vst v22  }
0x3ad: {  	[tilespmem:s26+$0x60] =	vst v24;
	v20 =	vmul.f32 v20, v19  }
0x3ae: {  	v26 =	vadd.f32 v26, v11;
	v24 =	vld [tilespmem:s28+$0x70];
	[tilespmem:s26+$0x70] =	vst v25;
	v22 =	vmul.f32 v28, v19  }
0x3af: {  	v27 =	vmul.f32 v27, v19;
	[tilespmem:s26+$0x50] =	vst v21;
	v21 =	vld [tilespmem:s28+$0x60];
	v20 =	vadd.f32 v20, v6  }
0x3b0: {  	[tilespmem:s26+$0x400] =	vst v26;
	v28 =	vld [tilespmem:s28+$0x50];
	v30 =	vmul.f32 v30, v19;
	v22 =	vadd.f32 v22, v4  }
0x3b1: {  	v27 =	vadd.f32 v27, v12;
	v23 =	vmul.f32 v23, v19;
	[tilespmem:s28+$0x30] =	vst v20;
	v20 =	vld [tilespmem:s26+$0x10]  }
0x3b2: {  	v29 =	vmul.f32 v29, v19;
	v30 =	vadd.f32 v30, v5;
	[tilespmem:s28+$0x10] =	vst v22;
	v22 =	vld [tilespmem:s26+$0x20]  }
0x3b3: {  	v31 =	vmul.f32 v31, v19;
	[tilespmem:s26+$0x410] =	vst v27;
	v23 =	vadd.f32 v23, v7  }
0x3b4: {  	v26 =	vadd.f32 v29, v13;
	v24 =	vmul.f32 v24, v19;
	[tilespmem:s28+$0x20] =	vst v30;
	v30 =	vld [tilespmem:s26+$0x30]  }
0x3b5: {  	v25 =	vld [tilespmem:s28+$0x400];
	v27 =	vadd.f32 v31, v14;
	[tilespmem:s28+$0x40] =	vst v23;
	v23 =	vmul.f32 v21, v19  }
0x3b6: {  	v29 =	vld [tilespmem:s28+$0x410];
	[tilespmem:s26+$0x420] =	vst v26;
	v24 =	vadd.f32 v24, v10;
	v26 =	vmul.f32 v28, v19  }
0x3b7: {  	s29 =	sadd.s32 $0x2, s0;
	v31 =	vld [tilespmem:s28+$0x420];
	[tilespmem:s26+$0x430] =	vst v27;
	v23 =	vadd.f32 v23, v9;
	v20 =	vmul.f32 v20, v19;
	v22 =	vmul.f32 v22, v19  }
0x3b8: {  	p0 =	slt.s32 s29, s25;
	v32 =	vld [tilespmem:s28+$0x430];
	[tilespmem:s28+$0x70] =	vst v24;
	v26 =	vadd.f32 v26, v8  }
.Ltmp51:
0x3b9: {  	[tilespmem:s28+$0x60] =	vst v23;
	v28 =	vmul.f32 v30, v19;
	v27 =	vadd.f32 v20, v4;
	v20 =	vld [tilespmem:s28+$0x440];
	v22 =	vadd.f32 v22, v5;
	(pc) =	sbr.rel @!p0 .LBB2_57-.Ltmp51, $4  }
0x3ba: {  	v25 =	vmul.f32 v25, v19;
	v21 =	vld [tilespmem:s28+$0x450];
	[tilespmem:s28+$0x50] =	vst v26  }
0x3bb: {  	v29 =	vmul.f32 v29, v19;
	v26 =	vadd.f32 v28, v6;
	[tilespmem:s26+$0x20] =	vst v22;
	v22 =	vld [tilespmem:s28+$0x460]  }
0x3bc: {  	v23 =	vld [tilespmem:s28+$0x470];
	v28 =	vmul.f32 v31, v19;
	[tilespmem:s26+$0x10] =	vst v27;
	v27 =	vadd.f32 v25, v11  }
0x3bd: {  	s0 =	sadd.s32 $0x200, s31;
	s30 =	sadd.s32 $0x100, s30;
	v24 =	vld [tilespmem:s26+$0x440];
	[tilespmem:s26+$0x30] =	vst v26;
	v25 =	vadd.f32 v29, v12;
	v26 =	vmul.f32 v32, v19  }
.LBB2_56:
0x3be: {  	s1 =	sadd.s32 $0xFFFFFF00, s0;
	s22 =	sadd.s32 $0xFFFFFF80, s30;
	s29 =	sadd.s32 $0x2, s29;
	[tilespmem:s28+$0x400] =	vst v27;
	v27 =	vadd.f32 v28, v13;
	v20 =	vmul.f32 v20, v19;
	v28 =	vld [tilespmem:s26+$0x450]  }
0x3bf: {  	s1 =	sand.u32 $0xFFFFF800, s1;
	s22 =	sand.u32 $0x380, s22;
	p0 =	slt.s32 s29, s25;
	[tilespmem:s28+$0x410] =	vst v25;
	v25 =	vadd.f32 v26, v14;
	v21 =	vmul.f32 v21, v19;
	v26 =	vld [tilespmem:s26+$0x460]  }
0x3c0: {  	s31 =	sand.u32 $0x380, s30;
	s1 =	sor.u32 s22, s1;
	s22 =	sand.u32 $0xFFFFF800, s0;
	[tilespmem:s28+$0x420] =	vst v27;
	v20 =	vadd.f32 v20, v15;
	v22 =	vmul.f32 v22, v19;
	v27 =	vld [tilespmem:s26+$0x470]  }
0x3c1: {  	v29 =	vld [tilespmem:s1+$0x11080];
	s22 =	sor.u32 s31, s22;
	[tilespmem:s28+$0x430] =	vst v25;
	v21 =	vadd.f32 v21, v16;
	v23 =	vmul.f32 v23, v19  }
0x3c2: {  	s31 =	sadd.s32 $0x11080, s22;
	v25 =	vld [tilespmem:s22+$0x11080];
	[tilespmem:s28+$0x440] =	vst v20;
	v20 =	vadd.f32 v22, v17;
	v22 =	vmul.f32 v24, v19  }
0x3c3: {  	v24 =	vld [tilespmem:s31+$0x40];
	[tilespmem:s28+$0x450] =	vst v21;
	v21 =	vadd.f32 v23, v18;
	v23 =	vmul.f32 v28, v19  }
0x3c4: {  	v28 =	vld [tilespmem:s31+$0x50];
	[tilespmem:s28+$0x460] =	vst v20;
	v20 =	vadd.f32 v22, v15;
	v22 =	vmul.f32 v26, v19  }
0x3c5: {  	v26 =	vld [tilespmem:s31+$0x60];
	[tilespmem:s28+$0x470] =	vst v21;
	v21 =	vadd.f32 v23, v16;
	v23 =	vmul.f32 v27, v19  }
0x3c6: {  	v27 =	vmul.f32 v29, v19;
	v29 =	vld [tilespmem:s31+$0x70];
	[tilespmem:s26+$0x440] =	vst v20;
	v20 =	vadd.f32 v22, v17  }
0x3c7: {  	v22 =	vmul.f32 v25, v19;
	v25 =	vld [tilespmem:s31+$0x400];
	[tilespmem:s26+$0x450] =	vst v21;
	v21 =	vadd.f32 v23, v18  }
0x3c8: {  	v23 =	vadd.f32 v27, v3;
	v24 =	vmul.f32 v24, v19;
	v27 =	vld [tilespmem:s31+$0x410];
	[tilespmem:s26+$0x460] =	vst v20  }
0x3c9: {  	v20 =	vadd.f32 v22, v3;
	v22 =	vmul.f32 v28, v19;
	v28 =	vld [tilespmem:s31+$0x420];
	[tilespmem:s26+$0x470] =	vst v21;
	s26 =	smov.u32 s31  }
0x3ca: {  	s28 =	sadd.s32 $0x11080, s1;
	[tilespmem:s1+$0x11080] =	vst v23;
	v21 =	vadd.f32 v24, v7;
	v23 =	vmul.f32 v26, v19;
	v24 =	vld [tilespmem:s26+$0x430]  }
0x3cb: {  	v26 =	vld [tilespmem:s28+$0x30];
	[tilespmem:s22+$0x11080] =	vst v20;
	v20 =	vadd.f32 v22, v8;
	v22 =	vmul.f32 v29, v19  }
0x3cc: {  	v29 =	vld [tilespmem:s28+$0x10];
	[tilespmem:s26+$0x40] =	vst v21;
	v21 =	vadd.f32 v23, v9;
	v23 =	vmul.f32 v25, v19  }
0x3cd: {  	v25 =	vld [tilespmem:s28+$0x20];
	[tilespmem:s26+$0x50] =	vst v20;
	v20 =	vadd.f32 v22, v10;
	v22 =	vmul.f32 v27, v19  }
0x3ce: {  	v27 =	vld [tilespmem:s26+$0x10];
	[tilespmem:s26+$0x60] =	vst v21;
	v21 =	vadd.f32 v23, v11;
	v23 =	vmul.f32 v28, v19  }
0x3cf: {  	v28 =	vld [tilespmem:s26+$0x20];
	[tilespmem:s26+$0x70] =	vst v20;
	v20 =	vadd.f32 v22, v12;
	v22 =	vmul.f32 v24, v19  }
0x3d0: {  	v24 =	vmul.f32 v26, v19;
	v26 =	vld [tilespmem:s26+$0x30];
	[tilespmem:s26+$0x400] =	vst v21;
	v21 =	vadd.f32 v23, v13  }
0x3d1: {  	v23 =	vmul.f32 v29, v19;
	v29 =	vld [tilespmem:s28+$0x40];
	[tilespmem:s26+$0x410] =	vst v20;
	v20 =	vadd.f32 v22, v14  }
0x3d2: {  	v22 =	vmul.f32 v25, v19;
	v24 =	vadd.f32 v24, v6;
	v25 =	vld [tilespmem:s28+$0x50];
	[tilespmem:s26+$0x420] =	vst v21  }
0x3d3: {  	v21 =	vadd.f32 v23, v4;
	v23 =	vld [tilespmem:s28+$0x60];
	v27 =	vmul.f32 v27, v19;
	[tilespmem:s26+$0x430] =	vst v20  }
0x3d4: {  	v20 =	vadd.f32 v22, v5;
	[tilespmem:s28+$0x30] =	vst v24;
	v22 =	vld [tilespmem:s28+$0x70];
	v24 =	vmul.f32 v28, v19  }
0x3d5: {  	[tilespmem:s28+$0x10] =	vst v21;
	v21 =	vld [tilespmem:s28+$0x400];
	v27 =	vadd.f32 v27, v4;
	v26 =	vmul.f32 v26, v19  }
0x3d6: {  	[tilespmem:s28+$0x20] =	vst v20;
	v20 =	vmul.f32 v29, v19;
	v28 =	vld [tilespmem:s28+$0x410];
	v24 =	vadd.f32 v24, v5  }
0x3d7: {  	v25 =	vmul.f32 v25, v19;
	v29 =	vld [tilespmem:s28+$0x420];
	[tilespmem:s26+$0x10] =	vst v27;
	v26 =	vadd.f32 v26, v6  }
0x3d8: {  	v27 =	vadd.f32 v20, v7;
	v23 =	vmul.f32 v23, v19;
	v30 =	vld [tilespmem:s28+$0x430];
	[tilespmem:s26+$0x20] =	vst v24  }
.Ltmp52:
0x3d9: {  	v24 =	vadd.f32 v25, v8;
	v22 =	vmul.f32 v22, v19;
	v20 =	vld [tilespmem:s28+$0x440];
	[tilespmem:s26+$0x30] =	vst v26;
	(pc) =	sbr.rel @p0 .LBB2_56-.Ltmp52, $4  }
0x3da: {  	[tilespmem:s28+$0x40] =	vst v27;
	v23 =	vadd.f32 v23, v9;
	v25 =	vmul.f32 v21, v19;
	v21 =	vld [tilespmem:s28+$0x450]  }
0x3db: {  	[tilespmem:s28+$0x50] =	vst v24;
	v24 =	vadd.f32 v22, v10;
	v26 =	vmul.f32 v28, v19;
	v22 =	vld [tilespmem:s28+$0x460]  }
0x3dc: {  	[tilespmem:s28+$0x60] =	vst v23;
	v27 =	vadd.f32 v25, v11;
	v28 =	vmul.f32 v29, v19;
	v23 =	vld [tilespmem:s28+$0x470]  }
0x3dd: {  	s30 =	sadd.s32 $0x100, s30;
	s0 =	sadd.s32 $0x200, s0;
	[tilespmem:s28+$0x70] =	vst v24;
	v25 =	vadd.f32 v26, v12;
	v26 =	vmul.f32 v30, v19;
	v24 =	vld [tilespmem:s26+$0x440]  }
.LBB2_57:
0x3de: {  	[tilespmem:s28+$0x400] =	vst v27;
	v52 =	vadd.f32 v28, v13;
	v20 =	vmul.f32 v20, v19;
	v53 =	vld [tilespmem:s26+$0x450]  }
0x3df: {  	v56 =	vld [tilespmem:s26+$0x470];
	[tilespmem:s28+$0x410] =	vst v25;
	v54 =	vadd.f32 v26, v14;
	v21 =	vmul.f32 v21, v19  }
0x3e0: {  	v55 =	vld [tilespmem:s26+$0x460];
	[tilespmem:s28+$0x420] =	vst v52;
	v20 =	vadd.f32 v20, v15;
	v22 =	vmul.f32 v22, v19  }
0x3e1: {  	[tilespmem:s28+$0x430] =	vst v54;
	v21 =	vadd.f32 v21, v16;
	v23 =	vmul.f32 v23, v19  }
0x3e2: {  	[tilespmem:s28+$0x440] =	vst v20;
	v20 =	vadd.f32 v22, v17;
	v57 =	vmul.f32 v24, v19  }
0x3e3: {  	[tilespmem:s28+$0x450] =	vst v21;
	v58 =	vadd.f32 v23, v18;
	v59 =	vmul.f32 v53, v19  }
0x3e4: {  	v62 =	vmul.f32 v56, v19;
	[tilespmem:s28+$0x460] =	vst v20;
	v20 =	vadd.f32 v57, v15  }
0x3e5: {  	v60 =	vmul.f32 v55, v19;
	[tilespmem:s28+$0x470] =	vst v58;
	v61 =	vadd.f32 v59, v16  }
0x3e6: {  	v63 =	vadd.f32 v62, v18;
	[tilespmem:s26+$0x440] =	vst v20  }
0x3e7: {  	v20 =	vadd.f32 v60, v17;
	[tilespmem:s26+$0x450] =	vst v61  }
0x3e8: {  	[tilespmem:s26+$0x470] =	vst v63  }
0x3e9: {  	[tilespmem:s26+$0x460] =	vst v20  }
.LBB2_58:
0x3ea: {  	p0 =	sge.s32 s25, s17  }
.Ltmp53:
0x3eb: {  	_ = 	snop;
	(pc) =	sbr.rel @p0 .LBB2_53-.Ltmp53, $1  }
0x3ec: {  	_ =	sdelay $0x3  }
0x3ed: {  	s0 =	ssub.s32 s19, s21;
	s1 =	sshll.u32 s17, $0x7  }
0x3ee: {  	s31 =	sshll.u32 s17, $0x8;
	s19 =	sshll.u32 s0, $0x7;
	s22 =	sshll.u32 s0, $0x8  }
0x3ef: {  	s19 =	ssub.s32 s1, s19;
	s21 =	ssub.s32 s31, s22  }
.LBB2_60:
0x3f0: {  	s1 =	sand.u32 $0xFFFFF800, s21;
	s22 =	sand.u32 $0x380, s19  }
0x3f1: {  	s1 =	sor.u32 s22, s1  }
0x3f2: {  	v20 =	vld [tilespmem:s1+$0x11080];
	_ =	sdelay $0x4  }
0x3f3: {  	v20 =	vmul.f32 v20, v19;
	_ =	sdelay $0x1  }
0x3f4: {  	v20 =	vadd.f32 v20, v3;
	_ =	sdelay $0x1  }
0x3f5: {  	s22 =	sadd.s32 $0x11080, s1;
	[tilespmem:s1+$0x11080] =	vst v20  }
0x3f6: {  	v20 =	vld [tilespmem:s22+$0x10]  }
0x3f7: {  	v23 =	vld [tilespmem:s22+$0x40]  }
0x3f8: {  	v22 =	vld [tilespmem:s22+$0x30]  }
0x3f9: {  	v25 =	vld [tilespmem:s22+$0x60]  }
0x3fa: {  	v24 =	vld [tilespmem:s22+$0x50]  }
0x3fb: {  	v27 =	vld [tilespmem:s22+$0x400];
	v20 =	vmul.f32 v20, v19  }
0x3fc: {  	v26 =	vld [tilespmem:s22+$0x70];
	v23 =	vmul.f32 v23, v19  }
0x3fd: {  	v42 =	vld [tilespmem:s22+$0x420];
	v22 =	vmul.f32 v22, v19;
	v20 =	vadd.f32 v20, v4  }
0x3fe: {  	v28 =	vld [tilespmem:s22+$0x410];
	v44 =	vmul.f32 v25, v19;
	v43 =	vadd.f32 v23, v7  }
0x3ff: {  	v47 =	vld [tilespmem:s22+$0x440];
	v41 =	vmul.f32 v24, v19;
	[tilespmem:s22+$0x10] =	vst v20;
	v20 =	vadd.f32 v22, v6  }
0x400: {  	v45 =	vld [tilespmem:s22+$0x430];
	v49 =	vmul.f32 v27, v19;
	v48 =	vadd.f32 v44, v9;
	[tilespmem:s22+$0x40] =	vst v43  }
0x401: {  	v52 =	vld [tilespmem:s22+$0x460];
	v46 =	vmul.f32 v26, v19;
	[tilespmem:s22+$0x30] =	vst v20;
	v20 =	vadd.f32 v41, v8  }
0x402: {  	v50 =	vld [tilespmem:s22+$0x450];
	v54 =	vmul.f32 v42, v19;
	v53 =	vadd.f32 v49, v11;
	[tilespmem:s22+$0x60] =	vst v48  }
0x403: {  	v51 =	vmul.f32 v28, v19;
	v21 =	vld [tilespmem:s22+$0x20];
	[tilespmem:s22+$0x50] =	vst v20;
	v20 =	vadd.f32 v46, v10  }
0x404: {  	v55 =	vld [tilespmem:s22+$0x470];
	v58 =	vmul.f32 v47, v19;
	v57 =	vadd.f32 v54, v13;
	[tilespmem:s22+$0x400] =	vst v53  }
0x405: {  	v56 =	vmul.f32 v45, v19;
	[tilespmem:s22+$0x70] =	vst v20;
	v20 =	vadd.f32 v51, v12  }
0x406: {  	v61 =	vmul.f32 v52, v19;
	v60 =	vadd.f32 v58, v15;
	[tilespmem:s22+$0x420] =	vst v57  }
0x407: {  	v59 =	vmul.f32 v50, v19;
	[tilespmem:s22+$0x410] =	vst v20;
	v20 =	vadd.f32 v56, v14  }
0x408: {  	p0 =	seq.s32 s0, $0x1;
	v63 =	vadd.f32 v61, v17;
	[tilespmem:s22+$0x440] =	vst v60;
	v21 =	vmul.f32 v21, v19  }
.Ltmp54:
0x409: {  	v62 =	vmul.f32 v55, v19;
	[tilespmem:s22+$0x430] =	vst v20;
	v20 =	vadd.f32 v59, v16;
	(pc) =	sbr.rel @!p0 .LBB2_60-.Ltmp54, $4  }
0x40a: {  	[tilespmem:s22+$0x460] =	vst v63;
	v21 =	vadd.f32 v21, v5  }
0x40b: {  	[tilespmem:s22+$0x450] =	vst v20;
	v20 =	vadd.f32 v62, v18  }
0x40c: {  	[tilespmem:s22+$0x20] =	vst v21  }
0x40d: {  	s19 =	sadd.s32 $0x80, s19;
	s21 =	sadd.s32 $0x100, s21;
	s0 =	sadd.s32 $0xFFFFFFFF, s0;
	[tilespmem:s22+$0x470] =	vst v20  }
.Ltmp55:
0x40e: {  	_ = 	snop;
	(pc) =	sbr.rel .LBB2_53-.Ltmp55, $1  }
0x40f: {  	_ =	sdelay $0x3  }
.LBB2_61:
0x410: {  	s0 =	rddreg [dreg:$0x10];
	s1 =	simm.s32 $0x11080  }
0x411: {  	[hbm4b:s0+s2] =	stream.linear.scatter [tilespmem:s1], [sflag:$0x6], $0x8000, $0x38;
	[tilespmem:$0x19080] =	vst v63  }
0x412: {  	s0 =	ssub.s32 s14, s20;
	_ =	swait.ge [sflag:s10], $0x8000  }
0x413: {  	p0 =	slt.s32 s0, $0x1;
	[sflag:s10] =	ssyncset.done $0x0  }
.Ltmp56:
0x414: {  	s31 =	rddreg [dreg:$0x12];
	[sflag:s10] =	ssyncadd.s32 $0xFFFF8000;
	(pc) =	sbr.rel @p0 .LBB2_71-.Ltmp56, $4  }
0x415: {  	[tilespmem:s9], [sflag:$0x2] =	stream.linear.gather [hbm4b:s31+s2], $0x8000, $0x38;
	[tilespmem:$0x19080] =	vst v63  }
0x416: {  	_ =	swait.ge [sflag:s24], $0x8000  }
0x417: {  	[sflag:s24] =	ssyncset.done $0x0  }
0x418: {  	[sflag:s24] =	ssyncadd.s32 $0xFFFF8000  }
.Ltmp57:
0x419: {  	(pc) =	sbr.rel .LBB2_64-.Ltmp57, $4  }
0x41a: {  	_ = 	snop  }
0x41b: {  	p0 =	sgt.s32 s0, $0x0  }
0x41c: {  	s0 =	simm.s32 @!p0 $0x0  }
0x41d: {  	v2 =	vxor.u32 $0x80000000, v1;
	s17 =	simm.s32 $0x0;
	s16 =	smin.u32 s0, $0x80  }
.LBB2_63:
0x41e: {  	p0 =	sge.s32 s18, s16  }
.Ltmp58:
0x41f: {  	_ = 	snop;
	(pc) =	sbr.rel @p0 .LBB2_71-.Ltmp58, $1  }
0x420: {  	_ =	sdelay $0x3  }
.LBB2_64:
0x421: {  	s1 =	sadd.s32 s20, s17  }
0x422: {  	vm0 =	vle.s32 v1, s1  }
0x423: {  	v3 =	vsel vm0, $0x1, v0  }
0x424: {  	(xrf0) =	vadd.scan.msk.s32 $0xffff, v3;
	v3 =	vsel vm0, $0x80008001, v2  }
0x425: {  	(xrf0) =	vmin.scan.msk.u32 $0xffff, v3;
	v3 =	vnsel vm0, $0x80000000, v2  }
0x426: {  	(xrf0) =	vmax.scan.msk.u32 $0xffff, v3;
	_ =	sdelay $0x3  }
0x427: {  	v3, _, _ =	vpop (xrf0)  }
0x428: {  	v4, _, _ =	vpop (xrf0);
	(v2sf) =	vpush v3, $0xF  }
0x429: {  	(v2sf) =	vpush v4, $0xF;
	v3, _, _ =	vpop (xrf0)  }
0x42a: {  	(v2sf) =	vpush v3, $0xF;
	_ =	sdelay $0xc  }
0x42b: {  	s30 =	spop (v2sf)  }
0x42c: {  	s0 =	smov.u32 s17;
	s31 =	spop (v2sf);
	s19 =	sshll.u32 s30, $0x8  }
0x42d: {  	s1 =	sshll.u32 s30, $0x7;
	s17 =	sxor.u32 $0x80000000, s31;
	s18 =	spop (v2sf)  }
0x42e: {  	s19 =	sand.u32 $0xFFFFF800, s19;
	s1 =	sand.u32 $0x380, s1;
	s18 =	sxor.u32 $0x80000000, s18  }
0x42f: {  	s1 =	sor.u32 s1, s19;
	s18 =	ssub.s32 s17, s18  }
0x430: {  	v3 =	vld [tilespmem:s1+$0x80];
	v4 =	vmov s18  }
0x431: {  	v5 =	vld [tilespmem:s1+$0xA0];
	v6 =	vcvt.s32.f32 v4  }
0x432: {  	v8 =	vld [tilespmem:s1+$0xD0];
	s18 =	ssub.s32 s17, s20  }
0x433: {  	v10 =	vld [tilespmem:s1+$0xF0];
	s17 =	smov.u32 s16;
	p0 =	slt.s32 s18, s16;
	v7 =	vmax.f32 v6, $1.000000000e+00  }
0x434: {  	v11 =	vld [tilespmem:s1+$0x480];
	s17 =	smov.u32 @p0 s18;
	v9 =	vbroadcast v7, $0x0  }
0x435: {  	v12 =	vld [tilespmem:s1+$0x490];
	s19 =	ssub.s32 s17, s0  }
0x436: {  	v13 =	vld [tilespmem:s1+$0x4A0];
	s21 =	sshrl.u32 s19, $0x1F;
	(erf) = vrcp.f32 v9  }
0x437: {  	v14 =	vld [tilespmem:s1+$0x4B0];
	s21 =	sadd.s32 s21, s19  }
0x438: {  	v15 =	vld [tilespmem:s1+$0x4C0];
	s21 =	sand.u32 $0xFFFFFFFE, s21  }
0x439: {  	v16 =	vld [tilespmem:s1+$0x4D0];
	s25 =	sadd.s32 s0, s21  }
0x43a: {  	v17 =	vld [tilespmem:s1+$0x4E0];
	p0 =	sge.s32 s0, s25  }
.Ltmp59:
0x43b: {  	v9 =	vld [tilespmem:s1+$0xE0];
	(pc) =	sbr.rel @p0 .LBB2_68-.Ltmp59, $4  }
0x43c: {  	v18 =	vld [tilespmem:s1+$0x4F0]  }
0x43d: {  	v4 =	vld [tilespmem:s1+$0x90]  }
0x43e: {  	v6 =	vld [tilespmem:s1+$0xB0]  }
0x43f: {  	v7 =	vld [tilespmem:s1+$0xC0];
	v19 =	vpop (erf)  }
0x440: {  	s1 =	sshll.u32 s0, $0x7;
	s22 =	sshll.u32 s0, $0x8  }
0x441: {  	s29 =	sadd.s32 $0x80, s1;
	s30 =	sadd.s32 $0x100, s22  }
0x442: {  	s26 =	sadd.s32 $0xFFFFFF00, s30;
	s31 =	sadd.s32 $0xFFFFFF80, s29  }
0x443: {  	s1 =	sand.u32 $0xFFFFF800, s26;
	s22 =	sand.u32 $0x380, s31  }
0x444: {  	s31 =	sor.u32 s22, s1  }
0x445: {  	v20 =	vld [tilespmem:s31+$0x14F0]  }
0x446: {  	v21 =	vld [tilespmem:s31+$0x1080]  }
0x447: {  	v22 =	vld [tilespmem:s31+$0x1090]  }
0x448: {  	v23 =	vld [tilespmem:s31+$0x10A0]  }
0x449: {  	v32 =	vld [tilespmem:s31+$0x14B0]  }
0x44a: {  	v24 =	vld [tilespmem:s31+$0x10B0]  }
0x44b: {  	v25 =	vld [tilespmem:s31+$0x10C0];
	v20 =	vmul.f32 v20, v19  }
0x44c: {  	v26 =	vld [tilespmem:s31+$0x10D0];
	v21 =	vmul.f32 v21, v19  }
0x44d: {  	v27 =	vld [tilespmem:s31+$0x10E0];
	v22 =	vmul.f32 v22, v19;
	v20 =	vadd.f32 v20, v18  }
0x44e: {  	v28 =	vld [tilespmem:s31+$0x10F0];
	v32 =	vmul.f32 v32, v19;
	v21 =	vadd.f32 v21, v3  }
0x44f: {  	v29 =	vld [tilespmem:s31+$0x1480];
	v23 =	vmul.f32 v23, v19;
	v22 =	vadd.f32 v22, v4;
	[tilespmem:s31+$0x14F0] =	vst v20  }
0x450: {  	v30 =	vld [tilespmem:s31+$0x1490];
	v24 =	vmul.f32 v24, v19;
	v32 =	vadd.f32 v32, v14;
	[tilespmem:s31+$0x1080] =	vst v21  }
0x451: {  	v31 =	vld [tilespmem:s31+$0x14A0];
	v21 =	vadd.f32 v23, v5;
	v23 =	vmul.f32 v25, v19;
	[tilespmem:s31+$0x1090] =	vst v22  }
0x452: {  	s26 =	sand.u32 $0x380, s29;
	s22 =	sand.u32 $0xFFFFF800, s30;
	v25 =	vld [tilespmem:s31+$0x14D0];
	v22 =	vadd.f32 v24, v6;
	v24 =	vmul.f32 v26, v19;
	[tilespmem:s31+$0x14B0] =	vst v32  }
0x453: {  	s26 =	sor.u32 s26, s22;
	v26 =	vld [tilespmem:s31+$0x14E0];
	[tilespmem:s31+$0x10A0] =	vst v21;
	v21 =	vadd.f32 v23, v7;
	v23 =	vmul.f32 v27, v19  }
0x454: {  	v27 =	vld [tilespmem:s26+$0x1080];
	[tilespmem:s31+$0x10B0] =	vst v22;
	v22 =	vadd.f32 v24, v8;
	v24 =	vmul.f32 v28, v19  }
0x455: {  	v20 =	vld [tilespmem:s31+$0x14C0];
	[tilespmem:s31+$0x10C0] =	vst v21;
	v21 =	vadd.f32 v23, v9;
	v23 =	vmul.f32 v29, v19  }
0x456: {  	v28 =	vld [tilespmem:s26+$0x1090];
	[tilespmem:s31+$0x10D0] =	vst v22;
	v22 =	vadd.f32 v24, v10;
	v24 =	vmul.f32 v30, v19  }
0x457: {  	v25 =	vmul.f32 v25, v19;
	[tilespmem:s31+$0x10E0] =	vst v21;
	v21 =	vadd.f32 v23, v11  }
0x458: {  	v29 =	vld [tilespmem:s26+$0x10A0];
	v26 =	vmul.f32 v26, v19;
	v23 =	vmul.f32 v31, v19;
	[tilespmem:s31+$0x10F0] =	vst v22;
	v22 =	vadd.f32 v24, v12  }
0x459: {  	v30 =	vld [tilespmem:s26+$0x10B0];
	v24 =	vmul.f32 v27, v19;
	v25 =	vadd.f32 v25, v16;
	[tilespmem:s31+$0x1480] =	vst v21  }
0x45a: {  	v31 =	vld [tilespmem:s26+$0x10C0];
	v26 =	vadd.f32 v26, v17;
	v21 =	vadd.f32 v23, v13;
	[tilespmem:s31+$0x1490] =	vst v22  }
0x45b: {  	v27 =	vld [tilespmem:s26+$0x10D0];
	v22 =	vmul.f32 v28, v19;
	v28 =	vmul.f32 v20, v19;
	v23 =	vadd.f32 v24, v3;
	[tilespmem:s31+$0x14D0] =	vst v25  }
0x45c: {  	s28 =	sadd.s32 $0x2, s0;
	v33 =	vld [tilespmem:s26+$0x10E0];
	[tilespmem:s31+$0x14E0] =	vst v26  }
0x45d: {  	p0 =	slt.s32 s28, s25;
	v24 =	vld [tilespmem:s26+$0x10F0];
	v28 =	vadd.f32 v28, v15;
	[tilespmem:s26+$0x1080] =	vst v23;
	v23 =	vmul.f32 v29, v19  }
.Ltmp60:
0x45e: {  	v20 =	vld [tilespmem:s26+$0x1480];
	[tilespmem:s31+$0x14A0] =	vst v21;
	v22 =	vadd.f32 v22, v4;
	v29 =	vmul.f32 v30, v19;
	(pc) =	sbr.rel @!p0 .LBB2_67-.Ltmp60, $4  }
0x45f: {  	v21 =	vld [tilespmem:s26+$0x1490];
	[tilespmem:s31+$0x14C0] =	vst v28;
	v28 =	vmul.f32 v31, v19;
	v23 =	vadd.f32 v23, v5  }
0x460: {  	[tilespmem:s26+$0x1090] =	vst v22;
	v22 =	vld [tilespmem:s26+$0x14A0];
	v25 =	vmul.f32 v27, v19;
	v29 =	vadd.f32 v29, v6  }
0x461: {  	v27 =	vadd.f32 v28, v7;
	v28 =	vmul.f32 v33, v19;
	[tilespmem:s26+$0x10A0] =	vst v23;
	v23 =	vld [tilespmem:s26+$0x14B0]  }
0x462: {  	s0 =	sadd.s32 $0x100, s29;
	s29 =	sadd.s32 $0x200, s30;
	v26 =	vadd.f32 v25, v8;
	v25 =	vmul.f32 v24, v19;
	v24 =	vld [tilespmem:s26+$0x14C0];
	[tilespmem:s26+$0x10B0] =	vst v29  }
.LBB2_66:
0x463: {  	s1 =	sadd.s32 $0xFFFFFF00, s29;
	s22 =	sadd.s32 $0xFFFFFF80, s0;
	s28 =	sadd.s32 $0x2, s28;
	[tilespmem:s26+$0x10C0] =	vst v27;
	v27 =	vadd.f32 v28, v9;
	v20 =	vmul.f32 v20, v19;
	v28 =	vld [tilespmem:s26+$0x14D0]  }
0x464: {  	s1 =	sand.u32 $0xFFFFF800, s1;
	s22 =	sand.u32 $0x380, s22;
	p0 =	slt.s32 s28, s25;
	[tilespmem:s26+$0x10D0] =	vst v26;
	v25 =	vadd.f32 v25, v10;
	v21 =	vmul.f32 v21, v19;
	v26 =	vld [tilespmem:s26+$0x14E0]  }
0x465: {  	s30 =	sor.u32 s22, s1;
	s1 =	sand.u32 $0xFFFFF800, s29;
	s22 =	sand.u32 $0x380, s0;
	[tilespmem:s26+$0x10E0] =	vst v27;
	v20 =	vadd.f32 v20, v11;
	v22 =	vmul.f32 v22, v19;
	v27 =	vld [tilespmem:s26+$0x14F0]  }
0x466: {  	v29 =	vld [tilespmem:s30+$0x14F0];
	s1 =	sor.u32 s22, s1;
	[tilespmem:s26+$0x10F0] =	vst v25;
	v21 =	vadd.f32 v21, v12;
	v23 =	vmul.f32 v23, v19  }
0x467: {  	v25 =	vld [tilespmem:s30+$0x1080];
	[tilespmem:s26+$0x1480] =	vst v20;
	v20 =	vadd.f32 v22, v13;
	v22 =	vmul.f32 v24, v19  }
0x468: {  	v24 =	vld [tilespmem:s30+$0x1090];
	[tilespmem:s26+$0x1490] =	vst v21;
	v21 =	vadd.f32 v23, v14;
	v23 =	vmul.f32 v28, v19  }
0x469: {  	v28 =	vld [tilespmem:s30+$0x10A0];
	[tilespmem:s26+$0x14A0] =	vst v20;
	v20 =	vadd.f32 v22, v15;
	v22 =	vmul.f32 v26, v19  }
0x46a: {  	v26 =	vld [tilespmem:s30+$0x10B0];
	[tilespmem:s26+$0x14B0] =	vst v21;
	v21 =	vadd.f32 v23, v16;
	v23 =	vmul.f32 v27, v19  }
0x46b: {  	v27 =	vld [tilespmem:s30+$0x10C0];
	v29 =	vmul.f32 v29, v19;
	[tilespmem:s26+$0x14C0] =	vst v20;
	v20 =	vadd.f32 v22, v17  }
0x46c: {  	v22 =	vmul.f32 v25, v19;
	v25 =	vld [tilespmem:s30+$0x10D0];
	[tilespmem:s26+$0x14D0] =	vst v21;
	v21 =	vadd.f32 v23, v18  }
0x46d: {  	v23 =	vmul.f32 v24, v19;
	v24 =	vld [tilespmem:s30+$0x10E0];
	v29 =	vadd.f32 v29, v18;
	[tilespmem:s26+$0x14E0] =	vst v20  }
0x46e: {  	v20 =	vadd.f32 v22, v3;
	v22 =	vmul.f32 v28, v19;
	v28 =	vld [tilespmem:s30+$0x10F0];
	[tilespmem:s26+$0x14F0] =	vst v21;
	s26 =	smov.u32 s1  }
0x46f: {  	v21 =	vadd.f32 v23, v4;
	v23 =	vmul.f32 v26, v19;
	v26 =	vld [tilespmem:s30+$0x1480];
	[tilespmem:s30+$0x14F0] =	vst v29  }
0x470: {  	[tilespmem:s30+$0x1080] =	vst v20;
	v20 =	vadd.f32 v22, v5;
	v22 =	vmul.f32 v27, v19;
	v27 =	vld [tilespmem:s30+$0x1490]  }
0x471: {  	[tilespmem:s30+$0x1090] =	vst v21;
	v21 =	vadd.f32 v23, v6;
	v23 =	vmul.f32 v25, v19;
	v25 =	vld [tilespmem:s30+$0x14A0]  }
0x472: {  	[tilespmem:s30+$0x10A0] =	vst v20;
	v20 =	vadd.f32 v22, v7;
	v22 =	vmul.f32 v24, v19;
	v24 =	vld [tilespmem:s30+$0x14B0]  }
0x473: {  	[tilespmem:s30+$0x10B0] =	vst v21;
	v21 =	vadd.f32 v23, v8;
	v23 =	vmul.f32 v28, v19;
	v28 =	vld [tilespmem:s30+$0x14C0]  }
0x474: {  	[tilespmem:s30+$0x10C0] =	vst v20;
	v20 =	vadd.f32 v22, v9;
	v22 =	vmul.f32 v26, v19;
	v26 =	vld [tilespmem:s30+$0x14D0]  }
0x475: {  	[tilespmem:s30+$0x10D0] =	vst v21;
	v21 =	vadd.f32 v23, v10;
	v23 =	vmul.f32 v27, v19;
	v27 =	vld [tilespmem:s30+$0x14E0]  }
0x476: {  	[tilespmem:s30+$0x10E0] =	vst v20;
	v20 =	vadd.f32 v22, v11;
	v22 =	vmul.f32 v25, v19;
	v25 =	vld [tilespmem:s26+$0x1080]  }
0x477: {  	[tilespmem:s30+$0x10F0] =	vst v21;
	v21 =	vadd.f32 v23, v12;
	v23 =	vmul.f32 v24, v19;
	v24 =	vld [tilespmem:s26+$0x1090]  }
0x478: {  	[tilespmem:s30+$0x1480] =	vst v20;
	v20 =	vadd.f32 v22, v13;
	v22 =	vmul.f32 v28, v19;
	v28 =	vld [tilespmem:s26+$0x10A0]  }
0x479: {  	[tilespmem:s30+$0x1490] =	vst v21;
	v21 =	vadd.f32 v23, v14;
	v23 =	vmul.f32 v26, v19;
	v26 =	vld [tilespmem:s26+$0x10B0]  }
0x47a: {  	[tilespmem:s30+$0x14A0] =	vst v20;
	v20 =	vadd.f32 v22, v15;
	v22 =	vmul.f32 v27, v19;
	v27 =	vld [tilespmem:s26+$0x10C0]  }
0x47b: {  	[tilespmem:s30+$0x14B0] =	vst v21;
	v21 =	vadd.f32 v23, v16;
	v23 =	vmul.f32 v25, v19;
	v25 =	vld [tilespmem:s26+$0x10D0]  }
0x47c: {  	[tilespmem:s30+$0x14C0] =	vst v20;
	v20 =	vadd.f32 v22, v17;
	v22 =	vmul.f32 v24, v19;
	v24 =	vld [tilespmem:s26+$0x10E0]  }
0x47d: {  	[tilespmem:s30+$0x14D0] =	vst v21;
	v21 =	vadd.f32 v23, v3;
	v23 =	vmul.f32 v28, v19;
	v29 =	vld [tilespmem:s26+$0x10F0]  }
.Ltmp61:
0x47e: {  	[tilespmem:s30+$0x14E0] =	vst v20;
	v22 =	vadd.f32 v22, v4;
	v26 =	vmul.f32 v26, v19;
	v20 =	vld [tilespmem:s26+$0x1480];
	(pc) =	sbr.rel @p0 .LBB2_66-.Ltmp61, $4  }
0x47f: {  	[tilespmem:s26+$0x1080] =	vst v21;
	v23 =	vadd.f32 v23, v5;
	v27 =	vmul.f32 v27, v19;
	v21 =	vld [tilespmem:s26+$0x1490]  }
0x480: {  	[tilespmem:s26+$0x1090] =	vst v22;
	v26 =	vadd.f32 v26, v6;
	v25 =	vmul.f32 v25, v19;
	v22 =	vld [tilespmem:s26+$0x14A0]  }
0x481: {  	[tilespmem:s26+$0x10A0] =	vst v23;
	v27 =	vadd.f32 v27, v7;
	v28 =	vmul.f32 v24, v19;
	v23 =	vld [tilespmem:s26+$0x14B0]  }
0x482: {  	s0 =	sadd.s32 $0x100, s0;
	s29 =	sadd.s32 $0x200, s29;
	[tilespmem:s26+$0x10B0] =	vst v26;
	v26 =	vadd.f32 v25, v8;
	v25 =	vmul.f32 v29, v19;
	v24 =	vld [tilespmem:s26+$0x14C0]  }
.LBB2_67:
0x483: {  	[tilespmem:s26+$0x10C0] =	vst v27;
	v54 =	vld [tilespmem:s26+$0x14D0];
	v28 =	vadd.f32 v28, v9;
	v20 =	vmul.f32 v20, v19  }
0x484: {  	v56 =	vld [tilespmem:s26+$0x14F0];
	[tilespmem:s26+$0x10D0] =	vst v26;
	v25 =	vadd.f32 v25, v10;
	v21 =	vmul.f32 v21, v19  }
0x485: {  	v55 =	vld [tilespmem:s26+$0x14E0];
	[tilespmem:s26+$0x10E0] =	vst v28;
	v20 =	vadd.f32 v20, v11;
	v22 =	vmul.f32 v22, v19  }
0x486: {  	[tilespmem:s26+$0x10F0] =	vst v25;
	v21 =	vadd.f32 v21, v12;
	v23 =	vmul.f32 v23, v19  }
0x487: {  	[tilespmem:s26+$0x1480] =	vst v20;
	v20 =	vadd.f32 v22, v13;
	v57 =	vmul.f32 v24, v19  }
0x488: {  	[tilespmem:s26+$0x1490] =	vst v21;
	v58 =	vadd.f32 v23, v14;
	v59 =	vmul.f32 v54, v19  }
0x489: {  	v62 =	vmul.f32 v56, v19;
	[tilespmem:s26+$0x14A0] =	vst v20;
	v20 =	vadd.f32 v57, v15  }
0x48a: {  	v60 =	vmul.f32 v55, v19;
	[tilespmem:s26+$0x14B0] =	vst v58;
	v61 =	vadd.f32 v59, v16  }
0x48b: {  	v63 =	vadd.f32 v62, v18;
	[tilespmem:s26+$0x14C0] =	vst v20  }
0x48c: {  	v20 =	vadd.f32 v60, v17;
	[tilespmem:s26+$0x14D0] =	vst v61  }
0x48d: {  	[tilespmem:s26+$0x14F0] =	vst v63  }
0x48e: {  	[tilespmem:s26+$0x14E0] =	vst v20  }
.LBB2_68:
0x48f: {  	p0 =	sge.s32 s25, s17  }
.Ltmp62:
0x490: {  	_ = 	snop;
	(pc) =	sbr.rel @p0 .LBB2_63-.Ltmp62, $1  }
0x491: {  	_ =	sdelay $0x3  }
0x492: {  	s0 =	ssub.s32 s19, s21;
	s1 =	sshll.u32 s17, $0x7  }
0x493: {  	s31 =	sshll.u32 s17, $0x8;
	s19 =	sshll.u32 s0, $0x7;
	s22 =	sshll.u32 s0, $0x8  }
0x494: {  	s19 =	ssub.s32 s1, s19;
	s21 =	ssub.s32 s31, s22  }
.LBB2_70:
0x495: {  	s1 =	sand.u32 $0xFFFFF800, s21;
	s22 =	sand.u32 $0x380, s19  }
0x496: {  	s25 =	sor.u32 s22, s1  }
0x497: {  	v20 =	vld [tilespmem:s25+$0x1080]  }
0x498: {  	v21 =	vld [tilespmem:s25+$0x1090]  }
0x499: {  	v23 =	vld [tilespmem:s25+$0x10B0]  }
0x49a: {  	v22 =	vld [tilespmem:s25+$0x10A0]  }
0x49b: {  	v25 =	vld [tilespmem:s25+$0x10D0]  }
0x49c: {  	v24 =	vld [tilespmem:s25+$0x10C0];
	v20 =	vmul.f32 v20, v19  }
0x49d: {  	v27 =	vld [tilespmem:s25+$0x10F0];
	v21 =	vmul.f32 v21, v19  }
0x49e: {  	v26 =	vld [tilespmem:s25+$0x10E0];
	v23 =	vmul.f32 v23, v19;
	v20 =	vadd.f32 v20, v3  }
0x49f: {  	v39 =	vld [tilespmem:s25+$0x1490];
	v22 =	vmul.f32 v22, v19;
	v21 =	vadd.f32 v21, v4  }
0x4a0: {  	v28 =	vld [tilespmem:s25+$0x1480];
	v41 =	vmul.f32 v25, v19;
	v40 =	vadd.f32 v23, v6;
	[tilespmem:s25+$0x1080] =	vst v20  }
0x4a1: {  	v44 =	vld [tilespmem:s25+$0x14B0];
	v38 =	vmul.f32 v24, v19;
	v20 =	vadd.f32 v22, v5;
	[tilespmem:s25+$0x1090] =	vst v21  }
0x4a2: {  	v42 =	vld [tilespmem:s25+$0x14A0];
	v46 =	vmul.f32 v27, v19;
	v45 =	vadd.f32 v41, v8;
	[tilespmem:s25+$0x10B0] =	vst v40  }
0x4a3: {  	v49 =	vld [tilespmem:s25+$0x14D0];
	v43 =	vmul.f32 v26, v19;
	[tilespmem:s25+$0x10A0] =	vst v20;
	v20 =	vadd.f32 v38, v7  }
0x4a4: {  	v47 =	vld [tilespmem:s25+$0x14C0];
	v51 =	vmul.f32 v39, v19;
	v50 =	vadd.f32 v46, v10;
	[tilespmem:s25+$0x10D0] =	vst v45  }
0x4a5: {  	v54 =	vld [tilespmem:s25+$0x14F0];
	v48 =	vmul.f32 v28, v19;
	[tilespmem:s25+$0x10C0] =	vst v20;
	v20 =	vadd.f32 v43, v9  }
0x4a6: {  	v52 =	vld [tilespmem:s25+$0x14E0];
	v56 =	vmul.f32 v44, v19;
	v55 =	vadd.f32 v51, v12;
	[tilespmem:s25+$0x10F0] =	vst v50  }
0x4a7: {  	v53 =	vmul.f32 v42, v19;
	[tilespmem:s25+$0x10E0] =	vst v20;
	v20 =	vadd.f32 v48, v11  }
0x4a8: {  	v59 =	vmul.f32 v49, v19;
	v58 =	vadd.f32 v56, v14;
	[tilespmem:s25+$0x1490] =	vst v55  }
0x4a9: {  	v57 =	vmul.f32 v47, v19;
	[tilespmem:s25+$0x1480] =	vst v20;
	v20 =	vadd.f32 v53, v13  }
0x4aa: {  	p0 =	seq.s32 s0, $0x1;
	v62 =	vmul.f32 v54, v19;
	v61 =	vadd.f32 v59, v16;
	[tilespmem:s25+$0x14B0] =	vst v58  }
.Ltmp63:
0x4ab: {  	v60 =	vmul.f32 v52, v19;
	[tilespmem:s25+$0x14A0] =	vst v20;
	v20 =	vadd.f32 v57, v15;
	(pc) =	sbr.rel @!p0 .LBB2_70-.Ltmp63, $4  }
0x4ac: {  	v63 =	vadd.f32 v62, v18;
	[tilespmem:s25+$0x14D0] =	vst v61  }
0x4ad: {  	[tilespmem:s25+$0x14C0] =	vst v20;
	v20 =	vadd.f32 v60, v17  }
0x4ae: {  	[tilespmem:s25+$0x14F0] =	vst v63  }
0x4af: {  	s19 =	sadd.s32 $0x80, s19;
	s21 =	sadd.s32 $0x100, s21;
	s0 =	sadd.s32 $0xFFFFFFFF, s0;
	[tilespmem:s25+$0x14E0] =	vst v20  }
.Ltmp64:
0x4b0: {  	_ = 	snop;
	(pc) =	sbr.rel .LBB2_63-.Ltmp64, $1  }
0x4b1: {  	_ =	sdelay $0x3  }
.LBB2_71:
0x4b2: {  	s0 =	rddreg [dreg:$0x13];
	s1 =	simm.s32 $0x1080  }
0x4b3: {  	[hbm4b:s0+s2] =	stream.linear.scatter [tilespmem:s1], [sflag:$0x4], $0x8000, $0x38;
	[tilespmem:$0x19080] =	vst v63  }
0x4b4: {  	s0 =	ssub.s32 s14, s23  }
0x4b5: {  	p0 =	slt.s32 s0, $0x1  }
.Ltmp65:
0x4b6: {  	_ = 	snop;
	(pc) =	sbr.rel @p0 .LBB2_81-.Ltmp65, $4  }
0x4b7: {  	_ = 	snop  }
0x4b8: {  	_ =	swait.ge [sflag:s5], $0x8000  }
0x4b9: {  	[sflag:s5] =	ssyncset.done $0x0  }
0x4ba: {  	[sflag:s5] =	ssyncadd.s32 $0xFFFF8000  }
.Ltmp66:
0x4bb: {  	(pc) =	sbr.rel .LBB2_74-.Ltmp66, $4  }
0x4bc: {  	_ = 	snop  }
0x4bd: {  	p0 =	sgt.s32 s0, $0x0  }
0x4be: {  	s0 =	simm.s32 @!p0 $0x0  }
0x4bf: {  	v2 =	vxor.u32 $0x80000000, v1;
	s16 =	simm.s32 $0x0;
	s14 =	smin.u32 s0, $0x80  }
.LBB2_73:
0x4c0: {  	p0 =	sge.s32 s17, s14  }
.Ltmp67:
0x4c1: {  	_ = 	snop;
	(pc) =	sbr.rel @p0 .LBB2_81-.Ltmp67, $1  }
0x4c2: {  	_ =	sdelay $0x3  }
.LBB2_74:
0x4c3: {  	s1 =	sadd.s32 s23, s16  }
0x4c4: {  	vm0 =	vle.s32 v1, s1  }
0x4c5: {  	v3 =	vsel vm0, $0x1, v0  }
0x4c6: {  	(xrf0) =	vadd.scan.msk.s32 $0xffff, v3;
	v3 =	vsel vm0, $0x80008001, v2  }
0x4c7: {  	(xrf0) =	vmin.scan.msk.u32 $0xffff, v3;
	v3 =	vnsel vm0, $0x80000000, v2  }
0x4c8: {  	(xrf0) =	vmax.scan.msk.u32 $0xffff, v3;
	_ =	sdelay $0x3  }
0x4c9: {  	v3, _, _ =	vpop (xrf0)  }
0x4ca: {  	v4, _, _ =	vpop (xrf0);
	(v2sf) =	vpush v3, $0xF  }
0x4cb: {  	(v2sf) =	vpush v4, $0xF;
	v3, _, _ =	vpop (xrf0)  }
0x4cc: {  	(v2sf) =	vpush v3, $0xF;
	_ =	sdelay $0xc  }
0x4cd: {  	s30 =	spop (v2sf)  }
0x4ce: {  	s0 =	smov.u32 s16;
	s31 =	spop (v2sf);
	s18 =	sshll.u32 s30, $0x8  }
0x4cf: {  	s1 =	sshll.u32 s30, $0x7;
	s16 =	sxor.u32 $0x80000000, s31;
	s17 =	spop (v2sf)  }
0x4d0: {  	s18 =	sand.u32 $0xFFFFF800, s18;
	s1 =	sand.u32 $0x380, s1;
	s17 =	sxor.u32 $0x80000000, s17  }
0x4d1: {  	s1 =	sor.u32 s1, s18;
	s17 =	ssub.s32 s16, s17  }
0x4d2: {  	v3 =	vld [tilespmem:s1+$0x80];
	v4 =	vmov s17  }
0x4d3: {  	v5 =	vld [tilespmem:s1+$0xA0];
	v6 =	vcvt.s32.f32 v4  }
0x4d4: {  	v8 =	vld [tilespmem:s1+$0xD0];
	s17 =	ssub.s32 s16, s23  }
0x4d5: {  	v10 =	vld [tilespmem:s1+$0xF0];
	s16 =	smov.u32 s14;
	p0 =	slt.s32 s17, s14;
	v7 =	vmax.f32 v6, $1.000000000e+00  }
0x4d6: {  	v11 =	vld [tilespmem:s1+$0x480];
	s16 =	smov.u32 @p0 s17;
	v9 =	vbroadcast v7, $0x0  }
0x4d7: {  	v12 =	vld [tilespmem:s1+$0x490];
	s18 =	ssub.s32 s16, s0  }
0x4d8: {  	v13 =	vld [tilespmem:s1+$0x4A0];
	s19 =	sshrl.u32 s18, $0x1F;
	(erf) = vrcp.f32 v9  }
0x4d9: {  	v14 =	vld [tilespmem:s1+$0x4B0];
	s19 =	sadd.s32 s19, s18  }
0x4da: {  	v15 =	vld [tilespmem:s1+$0x4C0];
	s19 =	sand.u32 $0xFFFFFFFE, s19  }
0x4db: {  	v16 =	vld [tilespmem:s1+$0x4D0];
	s21 =	sadd.s32 s0, s19  }
0x4dc: {  	v17 =	vld [tilespmem:s1+$0x4E0];
	p0 =	sge.s32 s0, s21  }
.Ltmp68:
0x4dd: {  	v9 =	vld [tilespmem:s1+$0xE0];
	(pc) =	sbr.rel @p0 .LBB2_78-.Ltmp68, $4  }
0x4de: {  	v18 =	vld [tilespmem:s1+$0x4F0]  }
0x4df: {  	v4 =	vld [tilespmem:s1+$0x90]  }
0x4e0: {  	v6 =	vld [tilespmem:s1+$0xB0]  }
0x4e1: {  	v7 =	vld [tilespmem:s1+$0xC0];
	v19 =	vpop (erf)  }
0x4e2: {  	s1 =	sshll.u32 s0, $0x7;
	s22 =	sshll.u32 s0, $0x8  }
0x4e3: {  	s28 =	sadd.s32 $0x80, s1;
	s29 =	sadd.s32 $0x100, s22  }
0x4e4: {  	s22 =	sadd.s32 $0xFFFFFF00, s29;
	s25 =	sadd.s32 $0xFFFFFF80, s28  }
0x4e5: {  	s1 =	sand.u32 $0xFFFFF800, s22;
	s22 =	sand.u32 $0x380, s25  }
0x4e6: {  	s30 =	sor.u32 s22, s1  }
0x4e7: {  	v20 =	vld [tilespmem:s30+$0x94F0]  }
0x4e8: {  	v21 =	vld [tilespmem:s30+$0x9080]  }
0x4e9: {  	v22 =	vld [tilespmem:s30+$0x9090]  }
0x4ea: {  	v23 =	vld [tilespmem:s30+$0x90A0]  }
0x4eb: {  	v32 =	vld [tilespmem:s30+$0x94B0]  }
0x4ec: {  	v24 =	vld [tilespmem:s30+$0x90B0]  }
0x4ed: {  	v25 =	vld [tilespmem:s30+$0x90C0];
	v20 =	vmul.f32 v20, v19  }
0x4ee: {  	v26 =	vld [tilespmem:s30+$0x90D0];
	v21 =	vmul.f32 v21, v19  }
0x4ef: {  	v27 =	vld [tilespmem:s30+$0x90E0];
	v22 =	vmul.f32 v22, v19;
	v20 =	vadd.f32 v20, v18  }
0x4f0: {  	v28 =	vld [tilespmem:s30+$0x90F0];
	v32 =	vmul.f32 v32, v19;
	v21 =	vadd.f32 v21, v3  }
0x4f1: {  	v29 =	vld [tilespmem:s30+$0x9480];
	v23 =	vmul.f32 v23, v19;
	v22 =	vadd.f32 v22, v4;
	[tilespmem:s30+$0x94F0] =	vst v20  }
0x4f2: {  	v30 =	vld [tilespmem:s30+$0x9490];
	v24 =	vmul.f32 v24, v19;
	v32 =	vadd.f32 v32, v14;
	[tilespmem:s30+$0x9080] =	vst v21  }
0x4f3: {  	v31 =	vld [tilespmem:s30+$0x94A0];
	v21 =	vadd.f32 v23, v5;
	v23 =	vmul.f32 v25, v19;
	[tilespmem:s30+$0x9090] =	vst v22  }
0x4f4: {  	s26 =	sand.u32 $0xFFFFF800, s29;
	s31 =	sand.u32 $0x380, s28;
	v25 =	vld [tilespmem:s30+$0x94D0];
	v22 =	vadd.f32 v24, v6;
	v24 =	vmul.f32 v26, v19;
	[tilespmem:s30+$0x94B0] =	vst v32  }
0x4f5: {  	s25 =	sor.u32 s31, s26;
	v26 =	vld [tilespmem:s30+$0x94E0];
	[tilespmem:s30+$0x90A0] =	vst v21;
	v21 =	vadd.f32 v23, v7;
	v23 =	vmul.f32 v27, v19  }
0x4f6: {  	v27 =	vld [tilespmem:s25+$0x9080];
	[tilespmem:s30+$0x90B0] =	vst v22;
	v22 =	vadd.f32 v24, v8;
	v24 =	vmul.f32 v28, v19  }
0x4f7: {  	v20 =	vld [tilespmem:s30+$0x94C0];
	[tilespmem:s30+$0x90C0] =	vst v21;
	v21 =	vadd.f32 v23, v9;
	v23 =	vmul.f32 v29, v19  }
0x4f8: {  	v28 =	vld [tilespmem:s25+$0x9090];
	[tilespmem:s30+$0x90D0] =	vst v22;
	v22 =	vadd.f32 v24, v10;
	v24 =	vmul.f32 v30, v19  }
0x4f9: {  	v25 =	vmul.f32 v25, v19;
	[tilespmem:s30+$0x90E0] =	vst v21;
	v21 =	vadd.f32 v23, v11  }
0x4fa: {  	v29 =	vld [tilespmem:s25+$0x90A0];
	v26 =	vmul.f32 v26, v19;
	v23 =	vmul.f32 v31, v19;
	[tilespmem:s30+$0x90F0] =	vst v22;
	v22 =	vadd.f32 v24, v12  }
0x4fb: {  	v30 =	vld [tilespmem:s25+$0x90B0];
	v24 =	vmul.f32 v27, v19;
	v25 =	vadd.f32 v25, v16;
	[tilespmem:s30+$0x9480] =	vst v21  }
0x4fc: {  	v31 =	vld [tilespmem:s25+$0x90C0];
	v26 =	vadd.f32 v26, v17;
	v21 =	vadd.f32 v23, v13;
	[tilespmem:s30+$0x9490] =	vst v22  }
0x4fd: {  	v27 =	vld [tilespmem:s25+$0x90D0];
	v22 =	vmul.f32 v28, v19;
	v28 =	vmul.f32 v20, v19;
	v23 =	vadd.f32 v24, v3;
	[tilespmem:s30+$0x94D0] =	vst v25  }
0x4fe: {  	s26 =	sadd.s32 $0x2, s0;
	v33 =	vld [tilespmem:s25+$0x90E0];
	[tilespmem:s30+$0x94E0] =	vst v26  }
0x4ff: {  	p0 =	slt.s32 s26, s21;
	v24 =	vld [tilespmem:s25+$0x90F0];
	v28 =	vadd.f32 v28, v15;
	[tilespmem:s25+$0x9080] =	vst v23;
	v23 =	vmul.f32 v29, v19  }
.Ltmp69:
0x500: {  	v20 =	vld [tilespmem:s25+$0x9480];
	[tilespmem:s30+$0x94A0] =	vst v21;
	v22 =	vadd.f32 v22, v4;
	v29 =	vmul.f32 v30, v19;
	(pc) =	sbr.rel @!p0 .LBB2_77-.Ltmp69, $4  }
0x501: {  	v21 =	vld [tilespmem:s25+$0x9490];
	[tilespmem:s30+$0x94C0] =	vst v28;
	v28 =	vmul.f32 v31, v19;
	v23 =	vadd.f32 v23, v5  }
0x502: {  	[tilespmem:s25+$0x9090] =	vst v22;
	v22 =	vld [tilespmem:s25+$0x94A0];
	v25 =	vmul.f32 v27, v19;
	v29 =	vadd.f32 v29, v6  }
0x503: {  	v27 =	vadd.f32 v28, v7;
	v28 =	vmul.f32 v33, v19;
	[tilespmem:s25+$0x90A0] =	vst v23;
	v23 =	vld [tilespmem:s25+$0x94B0]  }
0x504: {  	s0 =	sadd.s32 $0x100, s28;
	s28 =	sadd.s32 $0x200, s29;
	v26 =	vadd.f32 v25, v8;
	v25 =	vmul.f32 v24, v19;
	v24 =	vld [tilespmem:s25+$0x94C0];
	[tilespmem:s25+$0x90B0] =	vst v29  }
.LBB2_76:
0x505: {  	s1 =	sadd.s32 $0xFFFFFF00, s28;
	s22 =	sadd.s32 $0xFFFFFF80, s0;
	s26 =	sadd.s32 $0x2, s26;
	[tilespmem:s25+$0x90C0] =	vst v27;
	v27 =	vadd.f32 v28, v9;
	v20 =	vmul.f32 v20, v19;
	v28 =	vld [tilespmem:s25+$0x94D0]  }
0x506: {  	s1 =	sand.u32 $0xFFFFF800, s1;
	s22 =	sand.u32 $0x380, s22;
	p0 =	slt.s32 s26, s21;
	[tilespmem:s25+$0x90D0] =	vst v26;
	v25 =	vadd.f32 v25, v10;
	v21 =	vmul.f32 v21, v19;
	v26 =	vld [tilespmem:s25+$0x94E0]  }
0x507: {  	s29 =	sor.u32 s22, s1;
	s1 =	sand.u32 $0xFFFFF800, s28;
	s22 =	sand.u32 $0x380, s0;
	[tilespmem:s25+$0x90E0] =	vst v27;
	v20 =	vadd.f32 v20, v11;
	v22 =	vmul.f32 v22, v19;
	v27 =	vld [tilespmem:s25+$0x94F0]  }
0x508: {  	v29 =	vld [tilespmem:s29+$0x94F0];
	s1 =	sor.u32 s22, s1;
	[tilespmem:s25+$0x90F0] =	vst v25;
	v21 =	vadd.f32 v21, v12;
	v23 =	vmul.f32 v23, v19  }
0x509: {  	v25 =	vld [tilespmem:s29+$0x9080];
	[tilespmem:s25+$0x9480] =	vst v20;
	v20 =	vadd.f32 v22, v13;
	v22 =	vmul.f32 v24, v19  }
0x50a: {  	v24 =	vld [tilespmem:s29+$0x9090];
	[tilespmem:s25+$0x9490] =	vst v21;
	v21 =	vadd.f32 v23, v14;
	v23 =	vmul.f32 v28, v19  }
0x50b: {  	v28 =	vld [tilespmem:s29+$0x90A0];
	[tilespmem:s25+$0x94A0] =	vst v20;
	v20 =	vadd.f32 v22, v15;
	v22 =	vmul.f32 v26, v19  }
0x50c: {  	v26 =	vld [tilespmem:s29+$0x90B0];
	[tilespmem:s25+$0x94B0] =	vst v21;
	v21 =	vadd.f32 v23, v16;
	v23 =	vmul.f32 v27, v19  }
0x50d: {  	v27 =	vld [tilespmem:s29+$0x90C0];
	v29 =	vmul.f32 v29, v19;
	[tilespmem:s25+$0x94C0] =	vst v20;
	v20 =	vadd.f32 v22, v17  }
0x50e: {  	v22 =	vmul.f32 v25, v19;
	v25 =	vld [tilespmem:s29+$0x90D0];
	[tilespmem:s25+$0x94D0] =	vst v21;
	v21 =	vadd.f32 v23, v18  }
0x50f: {  	v23 =	vmul.f32 v24, v19;
	v24 =	vld [tilespmem:s29+$0x90E0];
	v29 =	vadd.f32 v29, v18;
	[tilespmem:s25+$0x94E0] =	vst v20  }
0x510: {  	v20 =	vadd.f32 v22, v3;
	v22 =	vmul.f32 v28, v19;
	v28 =	vld [tilespmem:s29+$0x90F0];
	[tilespmem:s25+$0x94F0] =	vst v21;
	s25 =	smov.u32 s1  }
0x511: {  	v21 =	vadd.f32 v23, v4;
	v23 =	vmul.f32 v26, v19;
	v26 =	vld [tilespmem:s29+$0x9480];
	[tilespmem:s29+$0x94F0] =	vst v29  }
0x512: {  	[tilespmem:s29+$0x9080] =	vst v20;
	v20 =	vadd.f32 v22, v5;
	v22 =	vmul.f32 v27, v19;
	v27 =	vld [tilespmem:s29+$0x9490]  }
0x513: {  	[tilespmem:s29+$0x9090] =	vst v21;
	v21 =	vadd.f32 v23, v6;
	v23 =	vmul.f32 v25, v19;
	v25 =	vld [tilespmem:s29+$0x94A0]  }
0x514: {  	[tilespmem:s29+$0x90A0] =	vst v20;
	v20 =	vadd.f32 v22, v7;
	v22 =	vmul.f32 v24, v19;
	v24 =	vld [tilespmem:s29+$0x94B0]  }
0x515: {  	[tilespmem:s29+$0x90B0] =	vst v21;
	v21 =	vadd.f32 v23, v8;
	v23 =	vmul.f32 v28, v19;
	v28 =	vld [tilespmem:s29+$0x94C0]  }
0x516: {  	[tilespmem:s29+$0x90C0] =	vst v20;
	v20 =	vadd.f32 v22, v9;
	v22 =	vmul.f32 v26, v19;
	v26 =	vld [tilespmem:s29+$0x94D0]  }
0x517: {  	[tilespmem:s29+$0x90D0] =	vst v21;
	v21 =	vadd.f32 v23, v10;
	v23 =	vmul.f32 v27, v19;
	v27 =	vld [tilespmem:s29+$0x94E0]  }
0x518: {  	[tilespmem:s29+$0x90E0] =	vst v20;
	v20 =	vadd.f32 v22, v11;
	v22 =	vmul.f32 v25, v19;
	v25 =	vld [tilespmem:s25+$0x9080]  }
0x519: {  	[tilespmem:s29+$0x90F0] =	vst v21;
	v21 =	vadd.f32 v23, v12;
	v23 =	vmul.f32 v24, v19;
	v24 =	vld [tilespmem:s25+$0x9090]  }
0x51a: {  	[tilespmem:s29+$0x9480] =	vst v20;
	v20 =	vadd.f32 v22, v13;
	v22 =	vmul.f32 v28, v19;
	v28 =	vld [tilespmem:s25+$0x90A0]  }
0x51b: {  	[tilespmem:s29+$0x9490] =	vst v21;
	v21 =	vadd.f32 v23, v14;
	v23 =	vmul.f32 v26, v19;
	v26 =	vld [tilespmem:s25+$0x90B0]  }
0x51c: {  	[tilespmem:s29+$0x94A0] =	vst v20;
	v20 =	vadd.f32 v22, v15;
	v22 =	vmul.f32 v27, v19;
	v27 =	vld [tilespmem:s25+$0x90C0]  }
0x51d: {  	[tilespmem:s29+$0x94B0] =	vst v21;
	v21 =	vadd.f32 v23, v16;
	v23 =	vmul.f32 v25, v19;
	v25 =	vld [tilespmem:s25+$0x90D0]  }
0x51e: {  	[tilespmem:s29+$0x94C0] =	vst v20;
	v20 =	vadd.f32 v22, v17;
	v22 =	vmul.f32 v24, v19;
	v24 =	vld [tilespmem:s25+$0x90E0]  }
0x51f: {  	[tilespmem:s29+$0x94D0] =	vst v21;
	v21 =	vadd.f32 v23, v3;
	v23 =	vmul.f32 v28, v19;
	v29 =	vld [tilespmem:s25+$0x90F0]  }
.Ltmp70:
0x520: {  	[tilespmem:s29+$0x94E0] =	vst v20;
	v22 =	vadd.f32 v22, v4;
	v26 =	vmul.f32 v26, v19;
	v20 =	vld [tilespmem:s25+$0x9480];
	(pc) =	sbr.rel @p0 .LBB2_76-.Ltmp70, $4  }
0x521: {  	[tilespmem:s25+$0x9080] =	vst v21;
	v23 =	vadd.f32 v23, v5;
	v27 =	vmul.f32 v27, v19;
	v21 =	vld [tilespmem:s25+$0x9490]  }
0x522: {  	[tilespmem:s25+$0x9090] =	vst v22;
	v26 =	vadd.f32 v26, v6;
	v25 =	vmul.f32 v25, v19;
	v22 =	vld [tilespmem:s25+$0x94A0]  }
0x523: {  	[tilespmem:s25+$0x90A0] =	vst v23;
	v27 =	vadd.f32 v27, v7;
	v28 =	vmul.f32 v24, v19;
	v23 =	vld [tilespmem:s25+$0x94B0]  }
0x524: {  	s0 =	sadd.s32 $0x100, s0;
	s28 =	sadd.s32 $0x200, s28;
	[tilespmem:s25+$0x90B0] =	vst v26;
	v26 =	vadd.f32 v25, v8;
	v25 =	vmul.f32 v29, v19;
	v24 =	vld [tilespmem:s25+$0x94C0]  }
.LBB2_77:
0x525: {  	[tilespmem:s25+$0x90C0] =	vst v27;
	v54 =	vld [tilespmem:s25+$0x94D0];
	v28 =	vadd.f32 v28, v9;
	v20 =	vmul.f32 v20, v19  }
0x526: {  	v56 =	vld [tilespmem:s25+$0x94F0];
	[tilespmem:s25+$0x90D0] =	vst v26;
	v25 =	vadd.f32 v25, v10;
	v21 =	vmul.f32 v21, v19  }
0x527: {  	v55 =	vld [tilespmem:s25+$0x94E0];
	[tilespmem:s25+$0x90E0] =	vst v28;
	v20 =	vadd.f32 v20, v11;
	v22 =	vmul.f32 v22, v19  }
0x528: {  	[tilespmem:s25+$0x90F0] =	vst v25;
	v21 =	vadd.f32 v21, v12;
	v23 =	vmul.f32 v23, v19  }
0x529: {  	[tilespmem:s25+$0x9480] =	vst v20;
	v20 =	vadd.f32 v22, v13;
	v57 =	vmul.f32 v24, v19  }
0x52a: {  	[tilespmem:s25+$0x9490] =	vst v21;
	v58 =	vadd.f32 v23, v14;
	v59 =	vmul.f32 v54, v19  }
0x52b: {  	v62 =	vmul.f32 v56, v19;
	[tilespmem:s25+$0x94A0] =	vst v20;
	v20 =	vadd.f32 v57, v15  }
0x52c: {  	v60 =	vmul.f32 v55, v19;
	[tilespmem:s25+$0x94B0] =	vst v58;
	v61 =	vadd.f32 v59, v16  }
0x52d: {  	v63 =	vadd.f32 v62, v18;
	[tilespmem:s25+$0x94C0] =	vst v20  }
0x52e: {  	v20 =	vadd.f32 v60, v17;
	[tilespmem:s25+$0x94D0] =	vst v61  }
0x52f: {  	[tilespmem:s25+$0x94F0] =	vst v63  }
0x530: {  	[tilespmem:s25+$0x94E0] =	vst v20  }
.LBB2_78:
0x531: {  	p0 =	sge.s32 s21, s16  }
.Ltmp71:
0x532: {  	_ = 	snop;
	(pc) =	sbr.rel @p0 .LBB2_73-.Ltmp71, $1  }
0x533: {  	_ =	sdelay $0x3  }
0x534: {  	s0 =	ssub.s32 s18, s19;
	s1 =	sshll.u32 s16, $0x7  }
0x535: {  	s31 =	sshll.u32 s16, $0x8;
	s18 =	sshll.u32 s0, $0x7;
	s21 =	sshll.u32 s0, $0x8  }
0x536: {  	s18 =	ssub.s32 s1, s18;
	s19 =	ssub.s32 s31, s21  }
.LBB2_80:
0x537: {  	s1 =	sand.u32 $0xFFFFF800, s19;
	s21 =	sand.u32 $0x380, s18  }
0x538: {  	s21 =	sor.u32 s21, s1  }
0x539: {  	v20 =	vld [tilespmem:s21+$0x9080]  }
0x53a: {  	v21 =	vld [tilespmem:s21+$0x9090]  }
0x53b: {  	v23 =	vld [tilespmem:s21+$0x90B0]  }
0x53c: {  	v22 =	vld [tilespmem:s21+$0x90A0]  }
0x53d: {  	v25 =	vld [tilespmem:s21+$0x90D0]  }
0x53e: {  	v24 =	vld [tilespmem:s21+$0x90C0];
	v20 =	vmul.f32 v20, v19  }
0x53f: {  	v27 =	vld [tilespmem:s21+$0x90F0];
	v21 =	vmul.f32 v21, v19  }
0x540: {  	v26 =	vld [tilespmem:s21+$0x90E0];
	v23 =	vmul.f32 v23, v19;
	v20 =	vadd.f32 v20, v3  }
0x541: {  	v39 =	vld [tilespmem:s21+$0x9490];
	v22 =	vmul.f32 v22, v19;
	v21 =	vadd.f32 v21, v4  }
0x542: {  	v28 =	vld [tilespmem:s21+$0x9480];
	v41 =	vmul.f32 v25, v19;
	v40 =	vadd.f32 v23, v6;
	[tilespmem:s21+$0x9080] =	vst v20  }
0x543: {  	v44 =	vld [tilespmem:s21+$0x94B0];
	v38 =	vmul.f32 v24, v19;
	v20 =	vadd.f32 v22, v5;
	[tilespmem:s21+$0x9090] =	vst v21  }
0x544: {  	v42 =	vld [tilespmem:s21+$0x94A0];
	v46 =	vmul.f32 v27, v19;
	v45 =	vadd.f32 v41, v8;
	[tilespmem:s21+$0x90B0] =	vst v40  }
0x545: {  	v49 =	vld [tilespmem:s21+$0x94D0];
	v43 =	vmul.f32 v26, v19;
	[tilespmem:s21+$0x90A0] =	vst v20;
	v20 =	vadd.f32 v38, v7  }
0x546: {  	v47 =	vld [tilespmem:s21+$0x94C0];
	v51 =	vmul.f32 v39, v19;
	v50 =	vadd.f32 v46, v10;
	[tilespmem:s21+$0x90D0] =	vst v45  }
0x547: {  	v54 =	vld [tilespmem:s21+$0x94F0];
	v48 =	vmul.f32 v28, v19;
	[tilespmem:s21+$0x90C0] =	vst v20;
	v20 =	vadd.f32 v43, v9  }
0x548: {  	v52 =	vld [tilespmem:s21+$0x94E0];
	v56 =	vmul.f32 v44, v19;
	v55 =	vadd.f32 v51, v12;
	[tilespmem:s21+$0x90F0] =	vst v50  }
0x549: {  	v53 =	vmul.f32 v42, v19;
	[tilespmem:s21+$0x90E0] =	vst v20;
	v20 =	vadd.f32 v48, v11  }
0x54a: {  	v59 =	vmul.f32 v49, v19;
	v58 =	vadd.f32 v56, v14;
	[tilespmem:s21+$0x9490] =	vst v55  }
0x54b: {  	v57 =	vmul.f32 v47, v19;
	[tilespmem:s21+$0x9480] =	vst v20;
	v20 =	vadd.f32 v53, v13  }
0x54c: {  	p0 =	seq.s32 s0, $0x1;
	v62 =	vmul.f32 v54, v19;
	v61 =	vadd.f32 v59, v16;
	[tilespmem:s21+$0x94B0] =	vst v58  }
.Ltmp72:
0x54d: {  	v60 =	vmul.f32 v52, v19;
	[tilespmem:s21+$0x94A0] =	vst v20;
	v20 =	vadd.f32 v57, v15;
	(pc) =	sbr.rel @!p0 .LBB2_80-.Ltmp72, $4  }
0x54e: {  	v63 =	vadd.f32 v62, v18;
	[tilespmem:s21+$0x94D0] =	vst v61  }
0x54f: {  	[tilespmem:s21+$0x94C0] =	vst v20;
	v20 =	vadd.f32 v60, v17  }
0x550: {  	[tilespmem:s21+$0x94F0] =	vst v63  }
0x551: {  	s18 =	sadd.s32 $0x80, s18;
	s19 =	sadd.s32 $0x100, s19;
	s0 =	sadd.s32 $0xFFFFFFFF, s0;
	[tilespmem:s21+$0x94E0] =	vst v20  }
.Ltmp73:
0x552: {  	_ = 	snop;
	(pc) =	sbr.rel .LBB2_73-.Ltmp73, $1  }
0x553: {  	_ =	sdelay $0x3  }
.LBB2_82:
0x554: {  	_ =	sfence.sel $0x180000  }
0x555: {  	[bflag:$0x0] =	sbarrier.arrive $0xFFFF  }
0x556: {  	_ =	strace $0x90000047  }
0x557: {  	s0 =	stileid.u32;
	[bflag:$0x2] =	sbarrier.arrive $0xFFFF  }
0x558: {  	p0 =	sne.s32 s0, $0x0;
	s0 =	rddreg [dreg:$0x4]  }
0x559: {  	s0 =	sadd.s32 @!p0 $0x100000, s0  }
0x55a: {  	[sflag:s0] =	ssyncadd.tile.s32 @!p0 $0x1;
	_ =	shalt  }
.Lfunc_end2:
_tile_overlayer_lowered:
.L_overlay_start_2:
0x55b: {  	(tag) =	ssettag $0x2  }
0x55c: {  	s0 =	rddreg [dreg:$0x0];
	s2 =	stileid.u32  }
0x55d: {  	s1 =	rddreg [dreg:$0x1];
	p0 =	sne.s32 s2, $0x0  }
0x55e: {  	s3 =	rddreg [dreg:$0x2];
	[bflag:$0x3] =	sbarrier.arrive $0xFFFF;
	s2 =	simm.s32 @!p0 $0x1C07  }
0x55f: {  	[timem:s3], [sflag:s2] =	dma.local @!p0 [hbm:s0], s1  }
0x560: {  	s0 =	simm.s32 @!p0 $0x7  }
0x561: {  	_ =	swait.ge @!p0 [sflag:s0], s1  }
0x562: {  	s1 =	ssub.s32 @!p0 $0x0, s1;
	[sflag:s0] =	ssyncset.done @!p0 $0x0  }
0x563: {  	[sflag:s0] =	ssyncadd.s32 @!p0 s1  }
0x564: {  	[bflag:$0x3] =	sbarrier.arrive $0xFFFF  }
0x565: {  	_ =	shalt  }

</sc_bundles>
